<compile_context>
chip_gen: v7x
topology: tpu7x:2x2x1
jax: 0.10.2.dev20260603
libtpu: 0.0.44.dev20260713+nightly
codegen_flags: <defaults>
</compile_context>

<pallas_src>
import functools

import jax
import jax.numpy as jnp
from jax import lax
from jax.experimental import pallas as pl
from jax.experimental.pallas import tpu as pltpu
from jax.experimental.pallas import tpu_sc as plsc

N = 10000
E = 320000
D = 128
NP = 10240
RPT = NP // 16
CH = 128
G = 16
NG = 10
NCH = NG * G
EPAD = 16 * NCH * CH
DUMMY = N

_MESH = plsc.VectorSubcoreMesh(core_axis_name="c", subcore_axis_name="s")


@functools.partial(
    pl.kernel,
    out_type=jax.ShapeDtypeStruct((32, RPT, 16), jnp.float32),
    mesh=_MESH,
    scratch_types=[
        pltpu.VMEM((NCH, CH), jnp.int32),
        pltpu.VMEM((CH, 16), jnp.float32),
        pltpu.VMEM_SHARED((NP, 16), jnp.float32),
    ],
)
def _deg_kernel(dstf_hbm, dstr_hbm, out_hbm, dst_vm, ones_vm, acc_sh):
    c = lax.axis_index("c")
    s = lax.axis_index("s")

    @pl.when(c == 0)
    def _():
        pltpu.sync_copy(dstf_hbm.at[pl.ds(s * NCH, NCH)], dst_vm)

    @pl.when(c == 1)
    def _():
        pltpu.sync_copy(dstr_hbm.at[pl.ds(s * NCH, NCH)], dst_vm)

    zero = jnp.zeros((16,), jnp.float32)

    @pl.loop(0, CH)
    def _(i):
        ones_vm[i, :] = zero

    @pl.loop(0, RPT // CH)
    def _(k):
        pltpu.sync_copy(ones_vm, acc_sh.at[pl.ds(s * RPT + k * CH, CH)])

    one = jnp.full((16,), 1.0, jnp.float32)

    @pl.loop(0, CH)
    def _(i):
        ones_vm[i, :] = one

    plsc.subcore_barrier()

    @pl.loop(0, NCH)
    def _(j):
        pltpu.sync_copy(ones_vm, acc_sh.at[dst_vm.at[j]], add=True)

    plsc.subcore_barrier()
    pltpu.sync_copy(acc_sh.at[pl.ds(s * RPT, RPT)], out_hbm.at[c * 16 + s])


@functools.partial(
    pl.kernel,
    out_type=jax.ShapeDtypeStruct((32, RPT, D), jnp.float32),
    mesh=_MESH,
    scratch_types=[
        pltpu.VMEM((G, CH), jnp.int32),
        pltpu.VMEM((G, CH), jnp.int32),
        pltpu.VMEM((G, CH), jnp.int32),
        pltpu.VMEM((G, CH), jnp.int32),
        pltpu.VMEM((CH, D), jnp.float32),
        pltpu.VMEM((CH, D), jnp.float32),
        pltpu.VMEM_SHARED((NP, D), jnp.float32),
        pltpu.SemaphoreType.DMA,
        pltpu.SemaphoreType.DMA,
        pltpu.SemaphoreType.DMA,
        pltpu.SemaphoreType.DMA,
    ],
)
def _spmm_kernel(tf_hbm, tr_hbm, srcf_hbm, dstf_hbm, srcr_hbm, dstr_hbm,
                 out_hbm, src_vm, dst_vm, src2_vm, dst2_vm, rows_a, rows_b,
                 acc_sh, sem_a, sem_b, isem_a, isem_b):
    c = lax.axis_index("c")
    s = lax.axis_index("s")

    zero = jnp.zeros((16,), jnp.float32)

    @pl.loop(0, CH)
    def _(i):
        for k in range(D // 16):
            rows_a[i, pl.ds(k * 16, 16)] = zero

    @pl.loop(0, RPT // CH)
    def _(k):
        pltpu.sync_copy(rows_a, acc_sh.at[pl.ds(s * RPT + k * CH, CH)])

    plsc.subcore_barrier()

    def run_dir(tbl, src_hbm, dst_hbm):
        dummy = tbl.at[pl.ds(0, CH)]

        def wait_a():
            pltpu.make_async_copy(dummy, rows_a, sem_a).wait()

        def wait_b():
            pltpu.make_async_copy(dummy, rows_b, sem_b).wait()

        def run_group(sv, dv):
            pltpu.async_copy(tbl.at[sv.at[0]], rows_a, sem_a)

            @pl.loop(0, G // 2 - 1)
            def _(k):
                pltpu.async_copy(tbl.at[sv.at[2 * k + 1]], rows_b, sem_b)
                wait_a()
                pltpu.sync_copy(rows_a, acc_sh.at[dv.at[2 * k]], add=True)
                pltpu.async_copy(tbl.at[sv.at[2 * k + 2]], rows_a, sem_a)
                wait_b()
                pltpu.sync_copy(rows_b, acc_sh.at[dv.at[2 * k + 1]],
                                add=True)

            pltpu.async_copy(tbl.at[sv.at[G - 1]], rows_b, sem_b)
            wait_a()
            pltpu.sync_copy(rows_a, acc_sh.at[dv.at[G - 2]], add=True)
            wait_b()
            pltpu.sync_copy(rows_b, acc_sh.at[dv.at[G - 1]], add=True)

        def load_idx(g, sv, dv, isem):
            base = s * NCH + g * G
            pltpu.async_copy(src_hbm.at[pl.ds(base, G)], sv, isem)
            pltpu.async_copy(dst_hbm.at[pl.ds(base, G)], dv, isem)

        def drain_idx(sv, dv, isem):
            pltpu.make_async_copy(src_hbm.at[pl.ds(0, G)], sv, isem).wait()
            pltpu.make_async_copy(dst_hbm.at[pl.ds(0, G)], dv, isem).wait()

        load_idx(0, src_vm, dst_vm, isem_a)
        load_idx(1, src2_vm, dst2_vm, isem_b)

        @pl.loop(0, NG // 2)
        def _(t):
            drain_idx(src_vm, dst_vm, isem_a)
            run_group(src_vm, dst_vm)

            @pl.when(t < NG // 2 - 1)
            def _():
                load_idx(2 * t + 2, src_vm, dst_vm, isem_a)

            drain_idx(src2_vm, dst2_vm, isem_b)
            run_group(src2_vm, dst2_vm)

            @pl.when(t < NG // 2 - 1)
            def _():
                load_idx(2 * t + 3, src2_vm, dst2_vm, isem_b)

    @pl.when(c == 0)
    def _():
        run_dir(tf_hbm, srcf_hbm, dstf_hbm)

    @pl.when(c == 1)
    def _():
        run_dir(tr_hbm, srcr_hbm, dstr_hbm)

    plsc.subcore_barrier()
    pltpu.sync_copy(acc_sh.at[pl.ds(s * RPT, RPT)], out_hbm.at[c * 16 + s])


def _mm_t(a, w):
    return lax.dot_general(a, w, (((1,), (1,)), ((), ())),
                           preferred_element_type=jnp.float32)


def _dinv(deg_ref):
    return lax.rsqrt(deg_ref[:, 0:1] + 1.0)


def _tc_pre_body(x_ref, w1_ref, degf_ref, degr_ref, hf_ref, hr_ref):
    h = jnp.dot(x_ref[...], w1_ref[...], preferred_element_type=jnp.float32)
    hf_ref[...] = h * _dinv(degf_ref)
    hr_ref[...] = h * _dinv(degr_ref)


def _tc_mid_body(accf_ref, accr_ref, hf_ref, hr_ref, degf_ref, degr_ref,
                 w2_ref, w11_ref, w12_ref, b1_ref, bc1_ref, of_ref, or_ref):
    dinvf = _dinv(degf_ref)
    dinvr = _dinv(degr_ref)
    c11 = jax.nn.relu((accf_ref[0] + hf_ref[...]) * dinvf + bc1_ref[...])
    c12 = jax.nn.relu((accr_ref[0] + hr_ref[...]) * dinvr + bc1_ref[...])
    g = jax.nn.sigmoid(_mm_t(c11, w11_ref[...]) + _mm_t(c12, w12_ref[...])
                       + b1_ref[...])
    hmid = g * c11 + (1.0 - g) * c12
    h2 = jnp.dot(hmid, w2_ref[...], preferred_element_type=jnp.float32)
    of_ref[...] = h2 * dinvf
    or_ref[...] = h2 * dinvr


def _tc_fin_body(accf_ref, accr_ref, hf_ref, hr_ref, degf_ref, degr_ref,
                 w21_ref, w22_ref, b2_ref, bc2_ref, out_ref):
    dinvf = _dinv(degf_ref)
    dinvr = _dinv(degr_ref)
    c21 = jax.nn.relu((accf_ref[0] + hf_ref[...]) * dinvf + bc2_ref[...])
    c22 = jax.nn.relu((accr_ref[0] + hr_ref[...]) * dinvr + bc2_ref[...])
    g2 = jax.nn.sigmoid(_mm_t(c21, w21_ref[...]) + _mm_t(c22, w22_ref[...])
                        + b2_ref[...])
    out_ref[...] = g2 * c21 + (1.0 - g2) * c22


def _row_spec(rb, d):
    return pl.BlockSpec((rb, d), lambda i: (i, 0))


def _full_spec(shape):
    nd = len(shape)
    return pl.BlockSpec(shape, lambda i: (0,) * nd)


def _acc_spec(rb, half):
    return pl.BlockSpec((1, rb, D), lambda i, h=half: (h, i, 0))


def kernel(x, edge_index, edge_index_reverse, W1, bc1, W2, bc2,
           w11, w12, b1, w21, w22, b2):
    xp = jnp.pad(x, ((0, NP - N), (0, 0)))

    pad_src = (jnp.arange(EPAD - E, dtype=edge_index.dtype) * 7) % N
    pad_dst = N + (jnp.arange(EPAD - E, dtype=edge_index.dtype) % (NP - N))

    def pack(ei):
        src = jnp.concatenate([ei[0], pad_src])
        dst = jnp.concatenate([ei[1], pad_dst])
        return src.reshape(16 * NCH, CH), dst.reshape(16 * NCH, CH)

    srcf, dstf = pack(edge_index)
    srcr, dstr = pack(edge_index_reverse)
    b1r = b1.reshape(1, D)
    b2r = b2.reshape(1, D)
    bc1r = bc1.reshape(1, D)
    bc2r = bc2.reshape(1, D)

    deg = _deg_kernel(dstf, dstr).reshape(2, NP, 16)
    degf, degr = deg[0], deg[1]

    RB = 512
    h1f, h1r = pl.pallas_call(
        _tc_pre_body,
        grid=(NP // RB,),
        in_specs=[_row_spec(RB, D), _full_spec((D, D)),
                  _row_spec(RB, 16), _row_spec(RB, 16)],
        out_specs=[_row_spec(RB, D)] * 2,
        out_shape=[jax.ShapeDtypeStruct((NP, D), jnp.float32)] * 2,
    )(xp, W1, degf, degr)

    acc1 = _spmm_kernel(h1f, h1r, srcf, dstf, srcr, dstr).reshape(2, NP, D)

    h2f, h2r = pl.pallas_call(
        _tc_mid_body,
        grid=(NP // RB,),
        in_specs=[_acc_spec(RB, 0), _acc_spec(RB, 1),
                  _row_spec(RB, D), _row_spec(RB, D),
                  _row_spec(RB, 16), _row_spec(RB, 16),
                  _full_spec((D, D)), _full_spec((D, D)), _full_spec((D, D)),
                  _full_spec((1, D)), _full_spec((1, D))],
        out_specs=[_row_spec(RB, D)] * 2,
        out_shape=[jax.ShapeDtypeStruct((NP, D), jnp.float32)] * 2,
    )(acc1, acc1, h1f, h1r, degf, degr, W2, w11, w12, b1r, bc1r)

    acc2 = _spmm_kernel(h2f, h2r, srcf, dstf, srcr, dstr).reshape(2, NP, D)

    RF = 400
    out = pl.pallas_call(
        _tc_fin_body,
        grid=(N // RF,),
        in_specs=[_acc_spec(RF, 0), _acc_spec(RF, 1),
                  _row_spec(RF, D), _row_spec(RF, D),
                  _row_spec(RF, 16), _row_spec(RF, 16),
                  _full_spec((D, D)), _full_spec((D, D)),
                  _full_spec((1, D)), _full_spec((1, D))],
        out_specs=_row_spec(RF, D),
        out_shape=jax.ShapeDtypeStruct((N, D), jnp.float32),
    )(acc2, acc2, h2f, h2r, degf, degr, w21, w22, b2r, bc2r)
    return out

# --- scband reference (transcript-rebuilt; emitter-appended) ---
"""Pipeline reference for scband-dggcn-60722247631313 (READ-ONLY COPY).

The authoritative reference and input builder live on the scoring server;
editing this copy changes nothing except your own understanding.
"""

import jax, jax.numpy as jnp
import numpy as np

N = 10000
E = 320000
D = 128


def gcn_conv(x, edge_index, W, b):
    # PyG GCNConv with add_self_loops=True, symmetric normalization,
    # flow='source_to_target': messages go from edge_index[0] (src) to edge_index[1] (dst).
    src = edge_index[0]
    dst = edge_index[1]
    loop = jnp.arange(N, dtype=edge_index.dtype)
    src = jnp.concatenate([src, loop])
    dst = jnp.concatenate([dst, loop])
    deg = jnp.zeros((N,), x.dtype).at[dst].add(1.0)
    dinv = jax.lax.rsqrt(jnp.maximum(deg, 1e-12))
    norm = dinv[src] * dinv[dst]
    h = x @ W  # linear transform (no bias inside matmul; PyG adds bias after aggregation)
    msg = jnp.take(h, src, axis=0) * norm[:, None]
    out = jnp.zeros((N, W.shape[1]), x.dtype).at[dst].add(msg)
    return out + b


def setup_inputs(seed: int = 0) -> dict:
    key = jax.random.key(seed)
    ks = jax.random.split(key, 16)
    s = 1.0 / np.sqrt(D)
    inp = {
        'x': jax.random.normal(ks[0], (N, D), jnp.float32),
        'edge_index': jax.random.randint(ks[1], (2, E), 0, N, jnp.int32),
        'edge_index_reverse': jax.random.randint(ks[2], (2, E), 0, N, jnp.int32),
        # conv1 / conv2 GCN weights
        'W1': jax.random.normal(ks[3], (D, D), jnp.float32) * s,
        'bc1': jax.random.uniform(ks[4], (D,), jnp.float32, -s, s),
        'W2': jax.random.normal(ks[5], (D, D), jnp.float32) * s,
        'bc2': jax.random.uniform(ks[6], (D,), jnp.float32, -s, s),
        # gating parameters
        'w11': jax.random.normal(ks[7], (D, D), jnp.float32) * s,
        'w12': jax.random.normal(ks[8], (D, D), jnp.float32) * s,
        'b1': jax.random.uniform(ks[9], (D,), jnp.float32, -s, s),
        'w21': jax.random.normal(ks[10], (D, D), jnp.float32) * s,
        'w22': jax.random.normal(ks[11], (D, D), jnp.float32) * s,
        'b2': jax.random.uniform(ks[12], (D,), jnp.float32, -s, s),
    }
    return inp


def reference(x, edge_index, edge_index_reverse, W1, bc1, W2, bc2, w11, w12, b1, w21, w22, b2):
    # encoder = identity (last_dim = D); dropout inactive in eval mode.
    c11 = jax.nn.relu(gcn_conv(x, edge_index, W1, bc1))
    c12 = jax.nn.relu(gcn_conv(x, edge_index_reverse, W1, bc1))
    G = jax.nn.sigmoid(c11 @ w11.T + c12 @ w12.T + b1)
    h = G * c11 + (1.0 - G) * c12
    c21 = jax.nn.relu(gcn_conv(h, edge_index, W2, bc2))
    c22 = jax.nn.relu(gcn_conv(h, edge_index_reverse, W2, bc2))
    G2 = jax.nn.sigmoid(c21 @ w21.T + c22 @ w22.T + b2)
    out = G2 * c21 + (1.0 - G2) * c22
    return out

if __name__ == "__main__":
    import jax
    _d = setup_inputs()
    print(jax.jit(kernel)(*tuple(_d.values())))

</pallas_src>

<mosaic_0001>
#map = affine_map<(d0, d1) -> (0, 0)>
#map1 = affine_map<(d0, d1) -> (0, 0, 0)>
module attributes {stable_mosaic.version = 14 : i64} {
  func.func @_spmm_kernel(%arg0: i32, %arg1: i32, %arg2: memref<10240x128xf32, #tpu.memory_space<hbm>>, %arg3: memref<10240x128xf32, #tpu.memory_space<hbm>>, %arg4: memref<2560x128xi32, #tpu.memory_space<hbm>>, %arg5: memref<2560x128xi32, #tpu.memory_space<hbm>>, %arg6: memref<2560x128xi32, #tpu.memory_space<hbm>>, %arg7: memref<2560x128xi32, #tpu.memory_space<hbm>>, %arg8: memref<32x640x128xf32, #tpu.memory_space<hbm>>, %arg9: memref<16x128xi32, #tpu.memory_space<vmem>>, %arg10: memref<16x128xi32, #tpu.memory_space<vmem>>, %arg11: memref<16x128xi32, #tpu.memory_space<vmem>>, %arg12: memref<16x128xi32, #tpu.memory_space<vmem>>, %arg13: memref<128x128xf32, #tpu.memory_space<vmem>>, %arg14: memref<128x128xf32, #tpu.memory_space<vmem>>, %arg15: memref<10240x128xf32, #tpu.memory_space<vmem_shared>>, %arg16: memref<!tpu.dma_semaphore, #tpu.memory_space<semaphore_mem>>, %arg17: memref<!tpu.dma_semaphore, #tpu.memory_space<semaphore_mem>>, %arg18: memref<!tpu.dma_semaphore, #tpu.memory_space<semaphore_mem>>, %arg19: memref<!tpu.dma_semaphore, #tpu.memory_space<semaphore_mem>>) attributes {dimension_semantics = [#tpu.dimension_semantics<core_parallel>, #tpu.dimension_semantics<subcore_parallel>], iteration_bounds = array<i64: 2, 16>, scalar_prefetch = 0 : i64, scratch_operands = 11 : i64, tpu.core_type = #tpu.core_type<sc_vector_subcore>, window_params = [{transform_indices = #map}, {transform_indices = #map}, {transform_indices = #map}, {transform_indices = #map}, {transform_indices = #map}, {transform_indices = #map}, {transform_indices = #map1}]} {
    %broadcast_in_dim3A = arith.constant 0.000000e+00 : f32
    %broadcast_in_dim3A_0 = vector.broadcast %broadcast_in_dim3A : f32 to vector<16xf32>
    %scan3A = arith.constant 0 : i32
    %scan3A_1 = arith.constant 128 : i32
    %scan3A_2 = arith.addi %scan3A, %scan3A_1 : i32
    %scan3A_3 = arith.constant 1 : i32
    scf.for %scan3A_21 = %scan3A to %scan3A_2 step %scan3A_3  : i32 {
      %mul3A_22 = arith.constant 1 : i32
      %mul3A_23 = arith.muli %scan3A_21, %mul3A_22 : i32
      %add3A_24 = arith.constant 0 : i32
      %add3A_25 = arith.addi %add3A_24, %mul3A_23 : i32
      %swap3A = arith.index_cast %add3A_25 : i32 to index
      %swap3A_26 = arith.constant 0 : index
      %swap3A_27 = tpu.vector_load %arg13[%swap3A, %swap3A_26] {strides = array<i32>} : memref<128x128xf32, #tpu.memory_space<vmem>>, vector<1x16xf32>,
      %swap3A_28 = vector.shape_cast %swap3A_27 : vector<1x16xf32> to vector<16xf32>
      %swap3A_29 = vector.shape_cast %broadcast_in_dim3A_0 : vector<16xf32> to vector<1x16xf32>
      tpu.vector_store %arg13[%swap3A, %swap3A_26], %swap3A_29 {strides = array<i32>} : memref<128x128xf32, #tpu.memory_space<vmem>>, vector<1x16xf32>,
      %swap3A_30 = arith.index_cast %add3A_25 : i32 to index
      %swap3A_31 = arith.constant 16 : index
      %swap3A_32 = tpu.vector_load %arg13[%swap3A_30, %swap3A_31] {strides = array<i32>} : memref<128x128xf32, #tpu.memory_space<vmem>>, vector<1x16xf32>,
      %swap3A_33 = vector.shape_cast %swap3A_32 : vector<1x16xf32> to vector<16xf32>
      %swap3A_34 = vector.shape_cast %broadcast_in_dim3A_0 : vector<16xf32> to vector<1x16xf32>
      tpu.vector_store %arg13[%swap3A_30, %swap3A_31], %swap3A_34 {strides = array<i32>} : memref<128x128xf32, #tpu.memory_space<vmem>>, vector<1x16xf32>,
      %swap3A_35 = arith.index_cast %add3A_25 : i32 to index
      %swap3A_36 = arith.constant 32 : index
      %swap3A_37 = tpu.vector_load %arg13[%swap3A_35, %swap3A_36] {strides = array<i32>} : memref<128x128xf32, #tpu.memory_space<vmem>>, vector<1x16xf32>,
      %swap3A_38 = vector.shape_cast %swap3A_37 : vector<1x16xf32> to vector<16xf32>
      %swap3A_39 = vector.shape_cast %broadcast_in_dim3A_0 : vector<16xf32> to vector<1x16xf32>
      tpu.vector_store %arg13[%swap3A_35, %swap3A_36], %swap3A_39 {strides = array<i32>} : memref<128x128xf32, #tpu.memory_space<vmem>>, vector<1x16xf32>,
      %swap3A_40 = arith.index_cast %add3A_25 : i32 to index
      %swap3A_41 = arith.constant 48 : index
      %swap3A_42 = tpu.vector_load %arg13[%swap3A_40, %swap3A_41] {strides = array<i32>} : memref<128x128xf32, #tpu.memory_space<vmem>>, vector<1x16xf32>,
      %swap3A_43 = vector.shape_cast %swap3A_42 : vector<1x16xf32> to vector<16xf32>
      %swap3A_44 = vector.shape_cast %broadcast_in_dim3A_0 : vector<16xf32> to vector<1x16xf32>
      tpu.vector_store %arg13[%swap3A_40, %swap3A_41], %swap3A_44 {strides = array<i32>} : memref<128x128xf32, #tpu.memory_space<vmem>>, vector<1x16xf32>,
      %swap3A_45 = arith.index_cast %add3A_25 : i32 to index
      %swap3A_46 = arith.constant 64 : index
      %swap3A_47 = tpu.vector_load %arg13[%swap3A_45, %swap3A_46] {strides = array<i32>} : memref<128x128xf32, #tpu.memory_space<vmem>>, vector<1x16xf32>,
      %swap3A_48 = vector.shape_cast %swap3A_47 : vector<1x16xf32> to vector<16xf32>
      %swap3A_49 = vector.shape_cast %broadcast_in_dim3A_0 : vector<16xf32> to vector<1x16xf32>
      tpu.vector_store %arg13[%swap3A_45, %swap3A_46], %swap3A_49 {strides = array<i32>} : memref<128x128xf32, #tpu.memory_space<vmem>>, vector<1x16xf32>,
      %swap3A_50 = arith.index_cast %add3A_25 : i32 to index
      %swap3A_51 = arith.constant 80 : index
      %swap3A_52 = tpu.vector_load %arg13[%swap3A_50, %swap3A_51] {strides = array<i32>} : memref<128x128xf32, #tpu.memory_space<vmem>>, vector<1x16xf32>,
      %swap3A_53 = vector.shape_cast %swap3A_52 : vector<1x16xf32> to vector<16xf32>
      %swap3A_54 = vector.shape_cast %broadcast_in_dim3A_0 : vector<16xf32> to vector<1x16xf32>
      tpu.vector_store %arg13[%swap3A_50, %swap3A_51], %swap3A_54 {strides = array<i32>} : memref<128x128xf32, #tpu.memory_space<vmem>>, vector<1x16xf32>,
      %swap3A_55 = arith.index_cast %add3A_25 : i32 to index
      %swap3A_56 = arith.constant 96 : index
      %swap3A_57 = tpu.vector_load %arg13[%swap3A_55, %swap3A_56] {strides = array<i32>} : memref<128x128xf32, #tpu.memory_space<vmem>>, vector<1x16xf32>,
      %swap3A_58 = vector.shape_cast %swap3A_57 : vector<1x16xf32> to vector<16xf32>
      %swap3A_59 = vector.shape_cast %broadcast_in_dim3A_0 : vector<16xf32> to vector<1x16xf32>
      tpu.vector_store %arg13[%swap3A_55, %swap3A_56], %swap3A_59 {strides = array<i32>} : memref<128x128xf32, #tpu.memory_space<vmem>>, vector<1x16xf32>,
      %swap3A_60 = arith.index_cast %add3A_25 : i32 to index
      %swap3A_61 = arith.constant 112 : index
      %swap3A_62 = tpu.vector_load %arg13[%swap3A_60, %swap3A_61] {strides = array<i32>} : memref<128x128xf32, #tpu.memory_space<vmem>>, vector<1x16xf32>,
      %swap3A_63 = vector.shape_cast %swap3A_62 : vector<1x16xf32> to vector<16xf32>
      %swap3A_64 = vector.shape_cast %broadcast_in_dim3A_0 : vector<16xf32> to vector<1x16xf32>
      tpu.vector_store %arg13[%swap3A_60, %swap3A_61], %swap3A_64 {strides = array<i32>} : memref<128x128xf32, #tpu.memory_space<vmem>>, vector<1x16xf32>,
    }
    %scan3A_4 = arith.constant 128 : i32
    %scan3A_5 = arith.constant 0 : i32
    %scan3A_6 = arith.constant 5 : i32
    %scan3A_7 = arith.addi %scan3A_5, %scan3A_6 : i32
    %scan3A_8 = arith.constant 1 : i32
    scf.for %scan3A_21 = %scan3A_5 to %scan3A_7 step %scan3A_8  : i32 {
      %mul3A_22 = arith.constant 1 : i32
      %mul3A_23 = arith.muli %scan3A_21, %mul3A_22 : i32
      %add3A_24 = arith.constant 0 : i32
      %add3A_25 = arith.addi %add3A_24, %mul3A_23 : i32
      %mul3A_26 = arith.constant 640 : i32
      %mul3A_27 = arith.muli %arg1, %mul3A_26 : i32
      %mul3A_28 = arith.constant 128 : i32
      %mul3A_29 = arith.muli %add3A_25, %mul3A_28 : i32
      %add3A_30 = arith.addi %mul3A_27, %mul3A_29 : i32
      "tpu.region"() ({
        %run_scoped3A = tpu.sem_alloc : memref<!tpu.dma_semaphore, #tpu.memory_space<semaphore_mem>>
        %dma_start3A = arith.constant 0 : i32
        %dma_start3A_31 = tpu.memref_slice %arg15[%add3A_30, %dma_start3A] : memref<10240x128xf32, #tpu.memory_space<vmem_shared>> -> memref<128x128xf32, #tpu.memory_space<vmem_shared>>
        %dma_start3A_32 = arith.constant 0 : i32
        %dma_start3A_33 = tpu.memref_slice %arg15[%add3A_30, %dma_start3A_32] : memref<10240x128xf32, #tpu.memory_space<vmem_shared>> -> memref<128x128xf32, #tpu.memory_space<vmem_shared>>
        tpu.enqueue_dma source(%arg13 : memref<128x128xf32, #tpu.memory_space<vmem>>) target(%dma_start3A_33 : memref<128x128xf32, #tpu.memory_space<vmem_shared>>) target_semaphore(%run_scoped3A : memref<!tpu.dma_semaphore, #tpu.memory_space<semaphore_mem>>)
        %dma_wait3A = arith.constant 0 : i32
        %dma_wait3A_34 = tpu.memref_slice %arg15[%add3A_30, %dma_wait3A] : memref<10240x128xf32, #tpu.memory_space<vmem_shared>> -> memref<128x128xf32, #tpu.memory_space<vmem_shared>>
        %dma_wait3A_35 = arith.constant 0 : i32
        %dma_wait3A_36 = tpu.memref_slice %arg15[%add3A_30, %dma_wait3A_35] : memref<10240x128xf32, #tpu.memory_space<vmem_shared>> -> memref<128x128xf32, #tpu.memory_space<vmem_shared>>
        tpu.wait_dma2 semaphore(%run_scoped3A : memref<!tpu.dma_semaphore, #tpu.memory_space<semaphore_mem>>) src(%arg13 : memref<128x128xf32, #tpu.memory_space<vmem>>) dst(%dma_wait3A_36 : memref<128x128xf32, #tpu.memory_space<vmem_shared>>)
        tpu.yield
      }) : () -> ()
    }
    %scan3A_9 = arith.constant 5 : i32
    %barrier3A = arith.constant 0 : index
    tpu.barrier barrier_id(%barrier3A)
    %eq3A = arith.constant 0 : i32
    %eq3A_10 = arith.cmpi eq, %arg0, %eq3A : i32
    %convert_element_type3A = arith.extui %eq3A_10 : i1 to i32
    %cond3A = arith.constant 0 : i32
    %cond3A_11 = arith.cmpi ne, %convert_element_type3A, %cond3A : i32
    scf.if %cond3A_11 {
      %mul3A_21 = arith.constant 160 : i32
      %mul3A_22 = arith.muli %arg1, %mul3A_21 : i32
      %add3A_23 = arith.constant 0 : i32
      %add3A_24 = arith.addi %mul3A_22, %add3A_23 : i32
      %dma_start3A = arith.constant 0 : i32
      %dma_start3A_25 = tpu.memref_slice %arg4[%add3A_24, %dma_start3A] : memref<2560x128xi32, #tpu.memory_space<hbm>> -> memref<16x128xi32, #tpu.memory_space<hbm>>
      %dma_start3A_26 = arith.constant 0 : i32
      %dma_start3A_27 = tpu.memref_slice %arg4[%add3A_24, %dma_start3A_26] : memref<2560x128xi32, #tpu.memory_space<hbm>> -> memref<16x128xi32, #tpu.memory_space<hbm>>
      tpu.enqueue_dma source(%dma_start3A_27 : memref<16x128xi32, #tpu.memory_space<hbm>>) target(%arg9 : memref<16x128xi32, #tpu.memory_space<vmem>>) target_semaphore(%arg18 : memref<!tpu.dma_semaphore, #tpu.memory_space<semaphore_mem>>)
      %dma_start3A_28 = arith.constant 0 : i32
      %dma_start3A_29 = tpu.memref_slice %arg5[%add3A_24, %dma_start3A_28] : memref<2560x128xi32, #tpu.memory_space<hbm>> -> memref<16x128xi32, #tpu.memory_space<hbm>>
      %dma_start3A_30 = arith.constant 0 : i32
      %dma_start3A_31 = tpu.memref_slice %arg5[%add3A_24, %dma_start3A_30] : memref<2560x128xi32, #tpu.memory_space<hbm>> -> memref<16x128xi32, #tpu.memory_space<hbm>>
      tpu.enqueue_dma source(%dma_start3A_31 : memref<16x128xi32, #tpu.memory_space<hbm>>) target(%arg10 : memref<16x128xi32, #tpu.memory_space<vmem>>) target_semaphore(%arg18 : memref<!tpu.dma_semaphore, #tpu.memory_space<semaphore_mem>>)
      %mul3A_32 = arith.constant 160 : i32
      %mul3A_33 = arith.muli %arg1, %mul3A_32 : i32
      %add3A_34 = arith.constant 16 : i32
      %add3A_35 = arith.addi %mul3A_33, %add3A_34 : i32
      %dma_start3A_36 = arith.constant 0 : i32
      %dma_start3A_37 = tpu.memref_slice %arg4[%add3A_35, %dma_start3A_36] : memref<2560x128xi32, #tpu.memory_space<hbm>> -> memref<16x128xi32, #tpu.memory_space<hbm>>
      %dma_start3A_38 = arith.constant 0 : i32
      %dma_start3A_39 = tpu.memref_slice %arg4[%add3A_35, %dma_start3A_38] : memref<2560x128xi32, #tpu.memory_space<hbm>> -> memref<16x128xi32, #tpu.memory_space<hbm>>
      tpu.enqueue_dma source(%dma_start3A_39 : memref<16x128xi32, #tpu.memory_space<hbm>>) target(%arg11 : memref<16x128xi32, #tpu.memory_space<vmem>>) target_semaphore(%arg19 : memref<!tpu.dma_semaphore, #tpu.memory_space<semaphore_mem>>)
      %dma_start3A_40 = arith.constant 0 : i32
      %dma_start3A_41 = tpu.memref_slice %arg5[%add3A_35, %dma_start3A_40] : memref<2560x128xi32, #tpu.memory_space<hbm>> -> memref<16x128xi32, #tpu.memory_space<hbm>>
      %dma_start3A_42 = arith.constant 0 : i32
      %dma_start3A_43 = tpu.memref_slice %arg5[%add3A_35, %dma_start3A_42] : memref<2560x128xi32, #tpu.memory_space<hbm>> -> memref<16x128xi32, #tpu.memory_space<hbm>>
      tpu.enqueue_dma source(%dma_start3A_43 : memref<16x128xi32, #tpu.memory_space<hbm>>) target(%arg12 : memref<16x128xi32, #tpu.memory_space<vmem>>) target_semaphore(%arg19 : memref<!tpu.dma_semaphore, #tpu.memory_space<semaphore_mem>>)
      %scan3A_44 = arith.constant 0 : i32
      %scan3A_45 = arith.constant 5 : i32
      %scan3A_46 = arith.addi %scan3A_44, %scan3A_45 : i32
      %scan3A_47 = arith.constant 1 : i32
      scf.for %scan3A_49 = %scan3A_44 to %scan3A_46 step %scan3A_47  : i32 {
        %mul3A_50 = arith.constant 1 : i32
        %mul3A_51 = arith.muli %scan3A_49, %mul3A_50 : i32
        %add3A_52 = arith.constant 0 : i32
        %add3A_53 = arith.addi %add3A_52, %mul3A_51 : i32
        %dma_wait3A = arith.constant 0 : i32
        %dma_wait3A_54 = arith.constant 0 : i32
        %dma_wait3A_55 = tpu.memref_slice %arg4[%dma_wait3A, %dma_wait3A_54] : memref<2560x128xi32, #tpu.memory_space<hbm>> -> memref<16x128xi32, #tpu.memory_space<hbm>>
        %dma_wait3A_56 = arith.constant 0 : i32
        %dma_wait3A_57 = arith.constant 0 : i32
        %dma_wait3A_58 = tpu.memref_slice %arg4[%dma_wait3A_56, %dma_wait3A_57] : memref<2560x128xi32, #tpu.memory_space<hbm>> -> memref<16x128xi32, #tpu.memory_space<hbm>>
        tpu.wait_dma2 semaphore(%arg18 : memref<!tpu.dma_semaphore, #tpu.memory_space<semaphore_mem>>) src(%dma_wait3A_58 : memref<16x128xi32, #tpu.memory_space<hbm>>) dst(%arg9 : memref<16x128xi32, #tpu.memory_space<vmem>>)
        %dma_wait3A_59 = arith.constant 0 : i32
        %dma_wait3A_60 = arith.constant 0 : i32
        %dma_wait3A_61 = tpu.memref_slice %arg5[%dma_wait3A_59, %dma_wait3A_60] : memref<2560x128xi32, #tpu.memory_space<hbm>> -> memref<16x128xi32, #tpu.memory_space<hbm>>
        %dma_wait3A_62 = arith.constant 0 : i32
        %dma_wait3A_63 = arith.constant 0 : i32
        %dma_wait3A_64 = tpu.memref_slice %arg5[%dma_wait3A_62, %dma_wait3A_63] : memref<2560x128xi32, #tpu.memory_space<hbm>> -> memref<16x128xi32, #tpu.memory_space<hbm>>
        tpu.wait_dma2 semaphore(%arg18 : memref<!tpu.dma_semaphore, #tpu.memory_space<semaphore_mem>>) src(%dma_wait3A_64 : memref<16x128xi32, #tpu.memory_space<hbm>>) dst(%arg10 : memref<16x128xi32, #tpu.memory_space<vmem>>)
        %dma_start3A_65 = arith.constant 0 : i32
        %dma_start3A_66 = arith.constant 0 : i32
        %dma_start3A_67 = tpu.memref_slice %arg9[%dma_start3A_65, %dma_start3A_66] : memref<16x128xi32, #tpu.memory_space<vmem>> -> memref<1x128xi32, #tpu.memory_space<vmem>>
        %dma_start3A_68 = tpu.memref_squeeze %dma_start3A_67 : memref<1x128xi32, #tpu.memory_space<vmem>> -> memref<128xi32, #tpu.memory_space<vmem>>
        %dma_start3A_69 = arith.constant 0 : i32
        %dma_start3A_70 = arith.constant 0 : i32
        %dma_start3A_71 = tpu.memref_slice %arg2[%dma_start3A_69, %dma_start3A_70] : memref<10240x128xf32, #tpu.memory_space<hbm>> -> memref<10240x128xf32, #tpu.memory_space<hbm>>
        tpu.enqueue_indirect_dma source(%dma_start3A_71 : memref<10240x128xf32, #tpu.memory_space<hbm>>) target(%arg13 : memref<128x128xf32, #tpu.memory_space<vmem>>) offsets(%dma_start3A_68 : memref<128xi32, #tpu.memory_space<vmem>>) semaphore(%arg16 : memref<!tpu.dma_semaphore, #tpu.memory_space<semaphore_mem>>)
        %scan3A_72 = arith.constant 0 : i32
        %scan3A_73 = arith.constant 7 : i32
        %scan3A_74 = arith.addi %scan3A_72, %scan3A_73 : i32
        %scan3A_75 = arith.constant 1 : i32
        scf.for %scan3A_151 = %scan3A_72 to %scan3A_74 step %scan3A_75  : i32 {
          %mul3A_152 = arith.constant 1 : i32
          %mul3A_153 = arith.muli %scan3A_151, %mul3A_152 : i32
          %add3A_154 = arith.constant 0 : i32
          %add3A_155 = arith.addi %add3A_154, %mul3A_153 : i32
          %mul3A_156 = arith.constant 2 : i32
          %mul3A_157 = arith.muli %mul3A_156, %add3A_155 : i32
          %add3A_158 = arith.constant 1 : i32
          %add3A_159 = arith.addi %mul3A_157, %add3A_158 : i32
          %dma_start3A_160 = arith.constant 0 : i32
          %dma_start3A_161 = tpu.memref_slice %arg9[%add3A_159, %dma_start3A_160] : memref<16x128xi32, #tpu.memory_space<vmem>> -> memref<1x128xi32, #tpu.memory_space<vmem>>
          %dma_start3A_162 = tpu.memref_squeeze %dma_start3A_161 : memref<1x128xi32, #tpu.memory_space<vmem>> -> memref<128xi32, #tpu.memory_space<vmem>>
          %dma_start3A_163 = arith.constant 0 : i32
          %dma_start3A_164 = arith.constant 0 : i32
          %dma_start3A_165 = tpu.memref_slice %arg2[%dma_start3A_163, %dma_start3A_164] : memref<10240x128xf32, #tpu.memory_space<hbm>> -> memref<10240x128xf32, #tpu.memory_space<hbm>>
          tpu.enqueue_indirect_dma source(%dma_start3A_165 : memref<10240x128xf32, #tpu.memory_space<hbm>>) target(%arg14 : memref<128x128xf32, #tpu.memory_space<vmem>>) offsets(%dma_start3A_162 : memref<128xi32, #tpu.memory_space<vmem>>) semaphore(%arg17 : memref<!tpu.dma_semaphore, #tpu.memory_space<semaphore_mem>>)
          %dma_wait3A_166 = arith.constant 0 : i32
          %dma_wait3A_167 = arith.constant 0 : i32
          %dma_wait3A_168 = tpu.memref_slice %arg2[%dma_wait3A_166, %dma_wait3A_167] : memref<10240x128xf32, #tpu.memory_space<hbm>> -> memref<128x128xf32, #tpu.memory_space<hbm>>
          %dma_wait3A_169 = arith.constant 0 : i32
          %dma_wait3A_170 = arith.constant 0 : i32
          %dma_wait3A_171 = tpu.memref_slice %arg2[%dma_wait3A_169, %dma_wait3A_170] : memref<10240x128xf32, #tpu.memory_space<hbm>> -> memref<128x128xf32, #tpu.memory_space<hbm>>
          tpu.wait_dma2 semaphore(%arg16 : memref<!tpu.dma_semaphore, #tpu.memory_space<semaphore_mem>>) src(%dma_wait3A_171 : memref<128x128xf32, #tpu.memory_space<hbm>>) dst(%arg13 : memref<128x128xf32, #tpu.memory_space<vmem>>)
          %mul3A_172 = arith.constant 2 : i32
          %mul3A_173 = arith.muli %mul3A_172, %add3A_155 : i32
          "tpu.region"() ({
            %run_scoped3A_194 = tpu.sem_alloc : memref<!tpu.dma_semaphore, #tpu.memory_space<semaphore_mem>>
            %dma_start3A_195 = arith.constant 0 : i32
            %dma_start3A_196 = tpu.memref_slice %arg10[%mul3A_173, %dma_start3A_195] : memref<16x128xi32, #tpu.memory_space<vmem>> -> memref<1x128xi32, #tpu.memory_space<vmem>>
            %dma_start3A_197 = tpu.memref_squeeze %dma_start3A_196 : memref<1x128xi32, #tpu.memory_space<vmem>> -> memref<128xi32, #tpu.memory_space<vmem>>
            %dma_start3A_198 = arith.constant 0 : i32
            %dma_start3A_199 = arith.constant 0 : i32
            %dma_start3A_200 = tpu.memref_slice %arg15[%dma_start3A_198, %dma_start3A_199] : memref<10240x128xf32, #tpu.memory_space<vmem_shared>> -> memref<10240x128xf32, #tpu.memory_space<vmem_shared>>
            tpu.enqueue_indirect_dma source(%arg13 : memref<128x128xf32, #tpu.memory_space<vmem>>) target(%dma_start3A_200 : memref<10240x128xf32, #tpu.memory_space<vmem_shared>>) offsets(%dma_start3A_197 : memref<128xi32, #tpu.memory_space<vmem>>) semaphore(%run_scoped3A_194 : memref<!tpu.dma_semaphore, #tpu.memory_space<semaphore_mem>>) {add = true}
            %dma_wait3A_201 = arith.constant 0 : i32
            %dma_wait3A_202 = tpu.memref_slice %arg10[%mul3A_173, %dma_wait3A_201] : memref<16x128xi32, #tpu.memory_space<vmem>> -> memref<1x128xi32, #tpu.memory_space<vmem>>
            %dma_wait3A_203 = tpu.memref_squeeze %dma_wait3A_202 : memref<1x128xi32, #tpu.memory_space<vmem>> -> memref<128xi32, #tpu.memory_space<vmem>>
            %dma_wait3A_204 = arith.constant 0 : i32
            %dma_wait3A_205 = arith.constant 0 : i32
            %dma_wait3A_206 = tpu.memref_slice %arg15[%dma_wait3A_204, %dma_wait3A_205] : memref<10240x128xf32, #tpu.memory_space<vmem_shared>> -> memref<10240x128xf32, #tpu.memory_space<vmem_shared>>
            tpu.wait_indirect_dma semaphore(%run_scoped3A_194 : memref<!tpu.dma_semaphore, #tpu.memory_space<semaphore_mem>>) src(%arg13 : memref<128x128xf32, #tpu.memory_space<vmem>>) dst(%dma_wait3A_206 : memref<10240x128xf32, #tpu.memory_space<vmem_shared>>)
            tpu.yield
          }) : () -> ()
          %mul3A_174 = arith.constant 2 : i32
          %mul3A_175 = arith.muli %mul3A_174, %add3A_155 : i32
          %add3A_176 = arith.constant 2 : i32
          %add3A_177 = arith.addi %mul3A_175, %add3A_176 : i32
          %dma_start3A_178 = arith.constant 0 : i32
          %dma_start3A_179 = tpu.memref_slice %arg9[%add3A_177, %dma_start3A_178] : memref<16x128xi32, #tpu.memory_space<vmem>> -> memref<1x128xi32, #tpu.memory_space<vmem>>
          %dma_start3A_180 = tpu.memref_squeeze %dma_start3A_179 : memref<1x128xi32, #tpu.memory_space<vmem>> -> memref<128xi32, #tpu.memory_space<vmem>>
          %dma_start3A_181 = arith.constant 0 : i32
          %dma_start3A_182 = arith.constant 0 : i32
          %dma_start3A_183 = tpu.memref_slice %arg2[%dma_start3A_181, %dma_start3A_182] : memref<10240x128xf32, #tpu.memory_space<hbm>> -> memref<10240x128xf32, #tpu.memory_space<hbm>>
          tpu.enqueue_indirect_dma source(%dma_start3A_183 : memref<10240x128xf32, #tpu.memory_space<hbm>>) target(%arg13 : memref<128x128xf32, #tpu.memory_space<vmem>>) offsets(%dma_start3A_180 : memref<128xi32, #tpu.memory_space<vmem>>) semaphore(%arg16 : memref<!tpu.dma_semaphore, #tpu.memory_space<semaphore_mem>>)
          %dma_wait3A_184 = arith.constant 0 : i32
          %dma_wait3A_185 = arith.constant 0 : i32
          %dma_wait3A_186 = tpu.memref_slice %arg2[%dma_wait3A_184, %dma_wait3A_185] : memref<10240x128xf32, #tpu.memory_space<hbm>> -> memref<128x128xf32, #tpu.memory_space<hbm>>
          %dma_wait3A_187 = arith.constant 0 : i32
          %dma_wait3A_188 = arith.constant 0 : i32
          %dma_wait3A_189 = tpu.memref_slice %arg2[%dma_wait3A_187, %dma_wait3A_188] : memref<10240x128xf32, #tpu.memory_space<hbm>> -> memref<128x128xf32, #tpu.memory_space<hbm>>
          tpu.wait_dma2 semaphore(%arg17 : memref<!tpu.dma_semaphore, #tpu.memory_space<semaphore_mem>>) src(%dma_wait3A_189 : memref<128x128xf32, #tpu.memory_space<hbm>>) dst(%arg14 : memref<128x128xf32, #tpu.memory_space<vmem>>)
          %mul3A_190 = arith.constant 2 : i32
          %mul3A_191 = arith.muli %mul3A_190, %add3A_155 : i32
          %add3A_192 = arith.constant 1 : i32
          %add3A_193 = arith.addi %mul3A_191, %add3A_192 : i32
          "tpu.region"() ({
            %run_scoped3A_194 = tpu.sem_alloc : memref<!tpu.dma_semaphore, #tpu.memory_space<semaphore_mem>>
            %dma_start3A_195 = arith.constant 0 : i32
            %dma_start3A_196 = tpu.memref_slice %arg10[%add3A_193, %dma_start3A_195] : memref<16x128xi32, #tpu.memory_space<vmem>> -> memref<1x128xi32, #tpu.memory_space<vmem>>
            %dma_start3A_197 = tpu.memref_squeeze %dma_start3A_196 : memref<1x128xi32, #tpu.memory_space<vmem>> -> memref<128xi32, #tpu.memory_space<vmem>>
            %dma_start3A_198 = arith.constant 0 : i32
            %dma_start3A_199 = arith.constant 0 : i32
            %dma_start3A_200 = tpu.memref_slice %arg15[%dma_start3A_198, %dma_start3A_199] : memref<10240x128xf32, #tpu.memory_space<vmem_shared>> -> memref<10240x128xf32, #tpu.memory_space<vmem_shared>>
            tpu.enqueue_indirect_dma source(%arg14 : memref<128x128xf32, #tpu.memory_space<vmem>>) target(%dma_start3A_200 : memref<10240x128xf32, #tpu.memory_space<vmem_shared>>) offsets(%dma_start3A_197 : memref<128xi32, #tpu.memory_space<vmem>>) semaphore(%run_scoped3A_194 : memref<!tpu.dma_semaphore, #tpu.memory_space<semaphore_mem>>) {add = true}
            %dma_wait3A_201 = arith.constant 0 : i32
            %dma_wait3A_202 = tpu.memref_slice %arg10[%add3A_193, %dma_wait3A_201] : memref<16x128xi32, #tpu.memory_space<vmem>> -> memref<1x128xi32, #tpu.memory_space<vmem>>
            %dma_wait3A_203 = tpu.memref_squeeze %dma_wait3A_202 : memref<1x128xi32, #tpu.memory_space<vmem>> -> memref<128xi32, #tpu.memory_space<vmem>>
            %dma_wait3A_204 = arith.constant 0 : i32
            %dma_wait3A_205 = arith.constant 0 : i32
            %dma_wait3A_206 = tpu.memref_slice %arg15[%dma_wait3A_204, %dma_wait3A_205] : memref<10240x128xf32, #tpu.memory_space<vmem_shared>> -> memref<10240x128xf32, #tpu.memory_space<vmem_shared>>
            tpu.wait_indirect_dma semaphore(%run_scoped3A_194 : memref<!tpu.dma_semaphore, #tpu.memory_space<semaphore_mem>>) src(%arg14 : memref<128x128xf32, #tpu.memory_space<vmem>>) dst(%dma_wait3A_206 : memref<10240x128xf32, #tpu.memory_space<vmem_shared>>)
            tpu.yield
          }) : () -> ()
        }
        %scan3A_76 = arith.constant 7 : i32
        %dma_start3A_77 = arith.constant 15 : i32
        %dma_start3A_78 = arith.constant 0 : i32
        %dma_start3A_79 = tpu.memref_slice %arg9[%dma_start3A_77, %dma_start3A_78] : memref<16x128xi32, #tpu.memory_space<vmem>> -> memref<1x128xi32, #tpu.memory_space<vmem>>
        %dma_start3A_80 = tpu.memref_squeeze %dma_start3A_79 : memref<1x128xi32, #tpu.memory_space<vmem>> -> memref<128xi32, #tpu.memory_space<vmem>>
        %dma_start3A_81 = arith.constant 0 : i32
        %dma_start3A_82 = arith.constant 0 : i32
        %dma_start3A_83 = tpu.memref_slice %arg2[%dma_start3A_81, %dma_start3A_82] : memref<10240x128xf32, #tpu.memory_space<hbm>> -> memref<10240x128xf32, #tpu.memory_space<hbm>>
        tpu.enqueue_indirect_dma source(%dma_start3A_83 : memref<10240x128xf32, #tpu.memory_space<hbm>>) target(%arg14 : memref<128x128xf32, #tpu.memory_space<vmem>>) offsets(%dma_start3A_80 : memref<128xi32, #tpu.memory_space<vmem>>) semaphore(%arg17 : memref<!tpu.dma_semaphore, #tpu.memory_space<semaphore_mem>>)
        %dma_wait3A_84 = arith.constant 0 : i32
        %dma_wait3A_85 = arith.constant 0 : i32
        %dma_wait3A_86 = tpu.memref_slice %arg2[%dma_wait3A_84, %dma_wait3A_85] : memref<10240x128xf32, #tpu.memory_space<hbm>> -> memref<128x128xf32, #tpu.memory_space<hbm>>
        %dma_wait3A_87 = arith.constant 0 : i32
        %dma_wait3A_88 = arith.constant 0 : i32
        %dma_wait3A_89 = tpu.memref_slice %arg2[%dma_wait3A_87, %dma_wait3A_88] : memref<10240x128xf32, #tpu.memory_space<hbm>> -> memref<128x128xf32, #tpu.memory_space<hbm>>
        tpu.wait_dma2 semaphore(%arg16 : memref<!tpu.dma_semaphore, #tpu.memory_space<semaphore_mem>>) src(%dma_wait3A_89 : memref<128x128xf32, #tpu.memory_space<hbm>>) dst(%arg13 : memref<128x128xf32, #tpu.memory_space<vmem>>)
        %run_scoped3A = arith.constant 14 : i32
        "tpu.region"() ({
          %run_scoped3A_151 = tpu.sem_alloc : memref<!tpu.dma_semaphore, #tpu.memory_space<semaphore_mem>>
          %dma_start3A_152 = arith.constant 0 : i32
          %dma_start3A_153 = tpu.memref_slice %arg10[%run_scoped3A, %dma_start3A_152] : memref<16x128xi32, #tpu.memory_space<vmem>> -> memref<1x128xi32, #tpu.memory_space<vmem>>
          %dma_start3A_154 = tpu.memref_squeeze %dma_start3A_153 : memref<1x128xi32, #tpu.memory_space<vmem>> -> memref<128xi32, #tpu.memory_space<vmem>>
          %dma_start3A_155 = arith.constant 0 : i32
          %dma_start3A_156 = arith.constant 0 : i32
          %dma_start3A_157 = tpu.memref_slice %arg15[%dma_start3A_155, %dma_start3A_156] : memref<10240x128xf32, #tpu.memory_space<vmem_shared>> -> memref<10240x128xf32, #tpu.memory_space<vmem_shared>>
          tpu.enqueue_indirect_dma source(%arg13 : memref<128x128xf32, #tpu.memory_space<vmem>>) target(%dma_start3A_157 : memref<10240x128xf32, #tpu.memory_space<vmem_shared>>) offsets(%dma_start3A_154 : memref<128xi32, #tpu.memory_space<vmem>>) semaphore(%run_scoped3A_151 : memref<!tpu.dma_semaphore, #tpu.memory_space<semaphore_mem>>) {add = true}
          %dma_wait3A_158 = arith.constant 0 : i32
          %dma_wait3A_159 = tpu.memref_slice %arg10[%run_scoped3A, %dma_wait3A_158] : memref<16x128xi32, #tpu.memory_space<vmem>> -> memref<1x128xi32, #tpu.memory_space<vmem>>
          %dma_wait3A_160 = tpu.memref_squeeze %dma_wait3A_159 : memref<1x128xi32, #tpu.memory_space<vmem>> -> memref<128xi32, #tpu.memory_space<vmem>>
          %dma_wait3A_161 = arith.constant 0 : i32
          %dma_wait3A_162 = arith.constant 0 : i32
          %dma_wait3A_163 = tpu.memref_slice %arg15[%dma_wait3A_161, %dma_wait3A_162] : memref<10240x128xf32, #tpu.memory_space<vmem_shared>> -> memref<10240x128xf32, #tpu.memory_space<vmem_shared>>
          tpu.wait_indirect_dma semaphore(%run_scoped3A_151 : memref<!tpu.dma_semaphore, #tpu.memory_space<semaphore_mem>>) src(%arg13 : memref<128x128xf32, #tpu.memory_space<vmem>>) dst(%dma_wait3A_163 : memref<10240x128xf32, #tpu.memory_space<vmem_shared>>)
          tpu.yield
        }) : () -> ()
        %dma_wait3A_90 = arith.constant 0 : i32
        %dma_wait3A_91 = arith.constant 0 : i32
        %dma_wait3A_92 = tpu.memref_slice %arg2[%dma_wait3A_90, %dma_wait3A_91] : memref<10240x128xf32, #tpu.memory_space<hbm>> -> memref<128x128xf32, #tpu.memory_space<hbm>>
        %dma_wait3A_93 = arith.constant 0 : i32
        %dma_wait3A_94 = arith.constant 0 : i32
        %dma_wait3A_95 = tpu.memref_slice %arg2[%dma_wait3A_93, %dma_wait3A_94] : memref<10240x128xf32, #tpu.memory_space<hbm>> -> memref<128x128xf32, #tpu.memory_space<hbm>>
        tpu.wait_dma2 semaphore(%arg17 : memref<!tpu.dma_semaphore, #tpu.memory_space<semaphore_mem>>) src(%dma_wait3A_95 : memref<128x128xf32, #tpu.memory_space<hbm>>) dst(%arg14 : memref<128x128xf32, #tpu.memory_space<vmem>>)
        %run_scoped3A_96 = arith.constant 15 : i32
        "tpu.region"() ({
          %run_scoped3A_151 = tpu.sem_alloc : memref<!tpu.dma_semaphore, #tpu.memory_space<semaphore_mem>>
          %dma_start3A_152 = arith.constant 0 : i32
          %dma_start3A_153 = tpu.memref_slice %arg10[%run_scoped3A_96, %dma_start3A_152] : memref<16x128xi32, #tpu.memory_space<vmem>> -> memref<1x128xi32, #tpu.memory_space<vmem>>
          %dma_start3A_154 = tpu.memref_squeeze %dma_start3A_153 : memref<1x128xi32, #tpu.memory_space<vmem>> -> memref<128xi32, #tpu.memory_space<vmem>>
          %dma_start3A_155 = arith.constant 0 : i32
          %dma_start3A_156 = arith.constant 0 : i32
          %dma_start3A_157 = tpu.memref_slice %arg15[%dma_start3A_155, %dma_start3A_156] : memref<10240x128xf32, #tpu.memory_space<vmem_shared>> -> memref<10240x128xf32, #tpu.memory_space<vmem_shared>>
          tpu.enqueue_indirect_dma source(%arg14 : memref<128x128xf32, #tpu.memory_space<vmem>>) target(%dma_start3A_157 : memref<10240x128xf32, #tpu.memory_space<vmem_shared>>) offsets(%dma_start3A_154 : memref<128xi32, #tpu.memory_space<vmem>>) semaphore(%run_scoped3A_151 : memref<!tpu.dma_semaphore, #tpu.memory_space<semaphore_mem>>) {add = true}
          %dma_wait3A_158 = arith.constant 0 : i32
          %dma_wait3A_159 = tpu.memref_slice %arg10[%run_scoped3A_96, %dma_wait3A_158] : memref<16x128xi32, #tpu.memory_space<vmem>> -> memref<1x128xi32, #tpu.memory_space<vmem>>
          %dma_wait3A_160 = tpu.memref_squeeze %dma_wait3A_159 : memref<1x128xi32, #tpu.memory_space<vmem>> -> memref<128xi32, #tpu.memory_space<vmem>>
          %dma_wait3A_161 = arith.constant 0 : i32
          %dma_wait3A_162 = arith.constant 0 : i32
          %dma_wait3A_163 = tpu.memref_slice %arg15[%dma_wait3A_161, %dma_wait3A_162] : memref<10240x128xf32, #tpu.memory_space<vmem_shared>> -> memref<10240x128xf32, #tpu.memory_space<vmem_shared>>
          tpu.wait_indirect_dma semaphore(%run_scoped3A_151 : memref<!tpu.dma_semaphore, #tpu.memory_space<semaphore_mem>>) src(%arg14 : memref<128x128xf32, #tpu.memory_space<vmem>>) dst(%dma_wait3A_163 : memref<10240x128xf32, #tpu.memory_space<vmem_shared>>)
          tpu.yield
        }) : () -> ()
        %lt3A = arith.constant 4 : i32
        %lt3A_97 = arith.cmpi slt, %add3A_53, %lt3A : i32
        %convert_element_type3A_98 = arith.extui %lt3A_97 : i1 to i32
        %cond3A_99 = arith.constant 0 : i32
        %cond3A_100 = arith.cmpi ne, %convert_element_type3A_98, %cond3A_99 : i32
        scf.if %cond3A_100 {
          %mul3A_151 = arith.constant 2 : i32
          %mul3A_152 = arith.muli %mul3A_151, %add3A_53 : i32
          %add3A_153 = arith.constant 2 : i32
          %add3A_154 = arith.addi %mul3A_152, %add3A_153 : i32
          %mul3A_155 = arith.constant 160 : i32
          %mul3A_156 = arith.muli %arg1, %mul3A_155 : i32
          %mul3A_157 = arith.constant 16 : i32
          %mul3A_158 = arith.muli %add3A_154, %mul3A_157 : i32
          %add3A_159 = arith.addi %mul3A_156, %mul3A_158 : i32
          %dma_start3A_160 = arith.constant 0 : i32
          %dma_start3A_161 = tpu.memref_slice %arg4[%add3A_159, %dma_start3A_160] : memref<2560x128xi32, #tpu.memory_space<hbm>> -> memref<16x128xi32, #tpu.memory_space<hbm>>
          %dma_start3A_162 = arith.constant 0 : i32
          %dma_start3A_163 = tpu.memref_slice %arg4[%add3A_159, %dma_start3A_162] : memref<2560x128xi32, #tpu.memory_space<hbm>> -> memref<16x128xi32, #tpu.memory_space<hbm>>
          tpu.enqueue_dma source(%dma_start3A_163 : memref<16x128xi32, #tpu.memory_space<hbm>>) target(%arg9 : memref<16x128xi32, #tpu.memory_space<vmem>>) target_semaphore(%arg18 : memref<!tpu.dma_semaphore, #tpu.memory_space<semaphore_mem>>)
          %dma_start3A_164 = arith.constant 0 : i32
          %dma_start3A_165 = tpu.memref_slice %arg5[%add3A_159, %dma_start3A_164] : memref<2560x128xi32, #tpu.memory_space<hbm>> -> memref<16x128xi32, #tpu.memory_space<hbm>>
          %dma_start3A_166 = arith.constant 0 : i32
          %dma_start3A_167 = tpu.memref_slice %arg5[%add3A_159, %dma_start3A_166] : memref<2560x128xi32, #tpu.memory_space<hbm>> -> memref<16x128xi32, #tpu.memory_space<hbm>>
          tpu.enqueue_dma source(%dma_start3A_167 : memref<16x128xi32, #tpu.memory_space<hbm>>) target(%arg10 : memref<16x128xi32, #tpu.memory_space<vmem>>) target_semaphore(%arg18 : memref<!tpu.dma_semaphore, #tpu.memory_space<semaphore_mem>>)
        } else {
        }
        %dma_wait3A_101 = arith.constant 0 : i32
        %dma_wait3A_102 = arith.constant 0 : i32
        %dma_wait3A_103 = tpu.memref_slice %arg4[%dma_wait3A_101, %dma_wait3A_102] : memref<2560x128xi32, #tpu.memory_space<hbm>> -> memref<16x128xi32, #tpu.memory_space<hbm>>
        %dma_wait3A_104 = arith.constant 0 : i32
        %dma_wait3A_105 = arith.constant 0 : i32
        %dma_wait3A_106 = tpu.memref_slice %arg4[%dma_wait3A_104, %dma_wait3A_105] : memref<2560x128xi32, #tpu.memory_space<hbm>> -> memref<16x128xi32, #tpu.memory_space<hbm>>
        tpu.wait_dma2 semaphore(%arg19 : memref<!tpu.dma_semaphore, #tpu.memory_space<semaphore_mem>>) src(%dma_wait3A_106 : memref<16x128xi32, #tpu.memory_space<hbm>>) dst(%arg11 : memref<16x128xi32, #tpu.memory_space<vmem>>)
        %dma_wait3A_107 = arith.constant 0 : i32
        %dma_wait3A_108 = arith.constant 0 : i32
        %dma_wait3A_109 = tpu.memref_slice %arg5[%dma_wait3A_107, %dma_wait3A_108] : memref<2560x128xi32, #tpu.memory_space<hbm>> -> memref<16x128xi32, #tpu.memory_space<hbm>>
        %dma_wait3A_110 = arith.constant 0 : i32
        %dma_wait3A_111 = arith.constant 0 : i32
        %dma_wait3A_112 = tpu.memref_slice %arg5[%dma_wait3A_110, %dma_wait3A_111] : memref<2560x128xi32, #tpu.memory_space<hbm>> -> memref<16x128xi32, #tpu.memory_space<hbm>>
        tpu.wait_dma2 semaphore(%arg19 : memref<!tpu.dma_semaphore, #tpu.memory_space<semaphore_mem>>) src(%dma_wait3A_112 : memref<16x128xi32, #tpu.memory_space<hbm>>) dst(%arg12 : memref<16x128xi32, #tpu.memory_space<vmem>>)
        %dma_start3A_113 = arith.constant 0 : i32
        %dma_start3A_114 = arith.constant 0 : i32
        %dma_start3A_115 = tpu.memref_slice %arg11[%dma_start3A_113, %dma_start3A_114] : memref<16x128xi32, #tpu.memory_space<vmem>> -> memref<1x128xi32, #tpu.memory_space<vmem>>
        %dma_start3A_116 = tpu.memref_squeeze %dma_start3A_115 : memref<1x128xi32, #tpu.memory_space<vmem>> -> memref<128xi32, #tpu.memory_space<vmem>>
        %dma_start3A_117 = arith.constant 0 : i32
        %dma_start3A_118 = arith.constant 0 : i32
        %dma_start3A_119 = tpu.memref_slice %arg2[%dma_start3A_117, %dma_start3A_118] : memref<10240x128xf32, #tpu.memory_space<hbm>> -> memref<10240x128xf32, #tpu.memory_space<hbm>>
        tpu.enqueue_indirect_dma source(%dma_start3A_119 : memref<10240x128xf32, #tpu.memory_space<hbm>>) target(%arg13 : memref<128x128xf32, #tpu.memory_space<vmem>>) offsets(%dma_start3A_116 : memref<128xi32, #tpu.memory_space<vmem>>) semaphore(%arg16 : memref<!tpu.dma_semaphore, #tpu.memory_space<semaphore_mem>>)
        %scan3A_120 = arith.constant 0 : i32
        %scan3A_121 = arith.constant 7 : i32
        %scan3A_122 = arith.addi %scan3A_120, %scan3A_121 : i32
        %scan3A_123 = arith.constant 1 : i32
        scf.for %scan3A_151 = %scan3A_120 to %scan3A_122 step %scan3A_123  : i32 {
          %mul3A_152 = arith.constant 1 : i32
          %mul3A_153 = arith.muli %scan3A_151, %mul3A_152 : i32
          %add3A_154 = arith.constant 0 : i32
          %add3A_155 = arith.addi %add3A_154, %mul3A_153 : i32
          %mul3A_156 = arith.constant 2 : i32
          %mul3A_157 = arith.muli %mul3A_156, %add3A_155 : i32
          %add3A_158 = arith.constant 1 : i32
          %add3A_159 = arith.addi %mul3A_157, %add3A_158 : i32
          %dma_start3A_160 = arith.constant 0 : i32
          %dma_start3A_161 = tpu.memref_slice %arg11[%add3A_159, %dma_start3A_160] : memref<16x128xi32, #tpu.memory_space<vmem>> -> memref<1x128xi32, #tpu.memory_space<vmem>>
          %dma_start3A_162 = tpu.memref_squeeze %dma_start3A_161 : memref<1x128xi32, #tpu.memory_space<vmem>> -> memref<128xi32, #tpu.memory_space<vmem>>
          %dma_start3A_163 = arith.constant 0 : i32
          %dma_start3A_164 = arith.constant 0 : i32
          %dma_start3A_165 = tpu.memref_slice %arg2[%dma_start3A_163, %dma_start3A_164] : memref<10240x128xf32, #tpu.memory_space<hbm>> -> memref<10240x128xf32, #tpu.memory_space<hbm>>
          tpu.enqueue_indirect_dma source(%dma_start3A_165 : memref<10240x128xf32, #tpu.memory_space<hbm>>) target(%arg14 : memref<128x128xf32, #tpu.memory_space<vmem>>) offsets(%dma_start3A_162 : memref<128xi32, #tpu.memory_space<vmem>>) semaphore(%arg17 : memref<!tpu.dma_semaphore, #tpu.memory_space<semaphore_mem>>)
          %dma_wait3A_166 = arith.constant 0 : i32
          %dma_wait3A_167 = arith.constant 0 : i32
          %dma_wait3A_168 = tpu.memref_slice %arg2[%dma_wait3A_166, %dma_wait3A_167] : memref<10240x128xf32, #tpu.memory_space<hbm>> -> memref<128x128xf32, #tpu.memory_space<hbm>>
          %dma_wait3A_169 = arith.constant 0 : i32
          %dma_wait3A_170 = arith.constant 0 : i32
          %dma_wait3A_171 = tpu.memref_slice %arg2[%dma_wait3A_169, %dma_wait3A_170] : memref<10240x128xf32, #tpu.memory_space<hbm>> -> memref<128x128xf32, #tpu.memory_space<hbm>>
          tpu.wait_dma2 semaphore(%arg16 : memref<!tpu.dma_semaphore, #tpu.memory_space<semaphore_mem>>) src(%dma_wait3A_171 : memref<128x128xf32, #tpu.memory_space<hbm>>) dst(%arg13 : memref<128x128xf32, #tpu.memory_space<vmem>>)
          %mul3A_172 = arith.constant 2 : i32
          %mul3A_173 = arith.muli %mul3A_172, %add3A_155 : i32
          "tpu.region"() ({
            %run_scoped3A_194 = tpu.sem_alloc : memref<!tpu.dma_semaphore, #tpu.memory_space<semaphore_mem>>
            %dma_start3A_195 = arith.constant 0 : i32
            %dma_start3A_196 = tpu.memref_slice %arg12[%mul3A_173, %dma_start3A_195] : memref<16x128xi32, #tpu.memory_space<vmem>> -> memref<1x128xi32, #tpu.memory_space<vmem>>
            %dma_start3A_197 = tpu.memref_squeeze %dma_start3A_196 : memref<1x128xi32, #tpu.memory_space<vmem>> -> memref<128xi32, #tpu.memory_space<vmem>>
            %dma_start3A_198 = arith.constant 0 : i32
            %dma_start3A_199 = arith.constant 0 : i32
            %dma_start3A_200 = tpu.memref_slice %arg15[%dma_start3A_198, %dma_start3A_199] : memref<10240x128xf32, #tpu.memory_space<vmem_shared>> -> memref<10240x128xf32, #tpu.memory_space<vmem_shared>>
            tpu.enqueue_indirect_dma source(%arg13 : memref<128x128xf32, #tpu.memory_space<vmem>>) target(%dma_start3A_200 : memref<10240x128xf32, #tpu.memory_space<vmem_shared>>) offsets(%dma_start3A_197 : memref<128xi32, #tpu.memory_space<vmem>>) semaphore(%run_scoped3A_194 : memref<!tpu.dma_semaphore, #tpu.memory_space<semaphore_mem>>) {add = true}
            %dma_wait3A_201 = arith.constant 0 : i32
            %dma_wait3A_202 = tpu.memref_slice %arg12[%mul3A_173, %dma_wait3A_201] : memref<16x128xi32, #tpu.memory_space<vmem>> -> memref<1x128xi32, #tpu.memory_space<vmem>>
            %dma_wait3A_203 = tpu.memref_squeeze %dma_wait3A_202 : memref<1x128xi32, #tpu.memory_space<vmem>> -> memref<128xi32, #tpu.memory_space<vmem>>
            %dma_wait3A_204 = arith.constant 0 : i32
            %dma_wait3A_205 = arith.constant 0 : i32
            %dma_wait3A_206 = tpu.memref_slice %arg15[%dma_wait3A_204, %dma_wait3A_205] : memref<10240x128xf32, #tpu.memory_space<vmem_shared>> -> memref<10240x128xf32, #tpu.memory_space<vmem_shared>>
            tpu.wait_indirect_dma semaphore(%run_scoped3A_194 : memref<!tpu.dma_semaphore, #tpu.memory_space<semaphore_mem>>) src(%arg13 : memref<128x128xf32, #tpu.memory_space<vmem>>) dst(%dma_wait3A_206 : memref<10240x128xf32, #tpu.memory_space<vmem_shared>>)
            tpu.yield
          }) : () -> ()
          %mul3A_174 = arith.constant 2 : i32
          %mul3A_175 = arith.muli %mul3A_174, %add3A_155 : i32
          %add3A_176 = arith.constant 2 : i32
          %add3A_177 = arith.addi %mul3A_175, %add3A_176 : i32
          %dma_start3A_178 = arith.constant 0 : i32
          %dma_start3A_179 = tpu.memref_slice %arg11[%add3A_177, %dma_start3A_178] : memref<16x128xi32, #tpu.memory_space<vmem>> -> memref<1x128xi32, #tpu.memory_space<vmem>>
          %dma_start3A_180 = tpu.memref_squeeze %dma_start3A_179 : memref<1x128xi32, #tpu.memory_space<vmem>> -> memref<128xi32, #tpu.memory_space<vmem>>
          %dma_start3A_181 = arith.constant 0 : i32
          %dma_start3A_182 = arith.constant 0 : i32
          %dma_start3A_183 = tpu.memref_slice %arg2[%dma_start3A_181, %dma_start3A_182] : memref<10240x128xf32, #tpu.memory_space<hbm>> -> memref<10240x128xf32, #tpu.memory_space<hbm>>
          tpu.enqueue_indirect_dma source(%dma_start3A_183 : memref<10240x128xf32, #tpu.memory_space<hbm>>) target(%arg13 : memref<128x128xf32, #tpu.memory_space<vmem>>) offsets(%dma_start3A_180 : memref<128xi32, #tpu.memory_space<vmem>>) semaphore(%arg16 : memref<!tpu.dma_semaphore, #tpu.memory_space<semaphore_mem>>)
          %dma_wait3A_184 = arith.constant 0 : i32
          %dma_wait3A_185 = arith.constant 0 : i32
          %dma_wait3A_186 = tpu.memref_slice %arg2[%dma_wait3A_184, %dma_wait3A_185] : memref<10240x128xf32, #tpu.memory_space<hbm>> -> memref<128x128xf32, #tpu.memory_space<hbm>>
          %dma_wait3A_187 = arith.constant 0 : i32
          %dma_wait3A_188 = arith.constant 0 : i32
          %dma_wait3A_189 = tpu.memref_slice %arg2[%dma_wait3A_187, %dma_wait3A_188] : memref<10240x128xf32, #tpu.memory_space<hbm>> -> memref<128x128xf32, #tpu.memory_space<hbm>>
          tpu.wait_dma2 semaphore(%arg17 : memref<!tpu.dma_semaphore, #tpu.memory_space<semaphore_mem>>) src(%dma_wait3A_189 : memref<128x128xf32, #tpu.memory_space<hbm>>) dst(%arg14 : memref<128x128xf32, #tpu.memory_space<vmem>>)
          %mul3A_190 = arith.constant 2 : i32
          %mul3A_191 = arith.muli %mul3A_190, %add3A_155 : i32
          %add3A_192 = arith.constant 1 : i32
          %add3A_193 = arith.addi %mul3A_191, %add3A_192 : i32
          "tpu.region"() ({
            %run_scoped3A_194 = tpu.sem_alloc : memref<!tpu.dma_semaphore, #tpu.memory_space<semaphore_mem>>
            %dma_start3A_195 = arith.constant 0 : i32
            %dma_start3A_196 = tpu.memref_slice %arg12[%add3A_193, %dma_start3A_195] : memref<16x128xi32, #tpu.memory_space<vmem>> -> memref<1x128xi32, #tpu.memory_space<vmem>>
            %dma_start3A_197 = tpu.memref_squeeze %dma_start3A_196 : memref<1x128xi32, #tpu.memory_space<vmem>> -> memref<128xi32, #tpu.memory_space<vmem>>
            %dma_start3A_198 = arith.constant 0 : i32
            %dma_start3A_199 = arith.constant 0 : i32
            %dma_start3A_200 = tpu.memref_slice %arg15[%dma_start3A_198, %dma_start3A_199] : memref<10240x128xf32, #tpu.memory_space<vmem_shared>> -> memref<10240x128xf32, #tpu.memory_space<vmem_shared>>
            tpu.enqueue_indirect_dma source(%arg14 : memref<128x128xf32, #tpu.memory_space<vmem>>) target(%dma_start3A_200 : memref<10240x128xf32, #tpu.memory_space<vmem_shared>>) offsets(%dma_start3A_197 : memref<128xi32, #tpu.memory_space<vmem>>) semaphore(%run_scoped3A_194 : memref<!tpu.dma_semaphore, #tpu.memory_space<semaphore_mem>>) {add = true}
            %dma_wait3A_201 = arith.constant 0 : i32
            %dma_wait3A_202 = tpu.memref_slice %arg12[%add3A_193, %dma_wait3A_201] : memref<16x128xi32, #tpu.memory_space<vmem>> -> memref<1x128xi32, #tpu.memory_space<vmem>>
            %dma_wait3A_203 = tpu.memref_squeeze %dma_wait3A_202 : memref<1x128xi32, #tpu.memory_space<vmem>> -> memref<128xi32, #tpu.memory_space<vmem>>
            %dma_wait3A_204 = arith.constant 0 : i32
            %dma_wait3A_205 = arith.constant 0 : i32
            %dma_wait3A_206 = tpu.memref_slice %arg15[%dma_wait3A_204, %dma_wait3A_205] : memref<10240x128xf32, #tpu.memory_space<vmem_shared>> -> memref<10240x128xf32, #tpu.memory_space<vmem_shared>>
            tpu.wait_indirect_dma semaphore(%run_scoped3A_194 : memref<!tpu.dma_semaphore, #tpu.memory_space<semaphore_mem>>) src(%arg14 : memref<128x128xf32, #tpu.memory_space<vmem>>) dst(%dma_wait3A_206 : memref<10240x128xf32, #tpu.memory_space<vmem_shared>>)
            tpu.yield
          }) : () -> ()
        }
        %scan3A_124 = arith.constant 7 : i32
        %dma_start3A_125 = arith.constant 15 : i32
        %dma_start3A_126 = arith.constant 0 : i32
        %dma_start3A_127 = tpu.memref_slice %arg11[%dma_start3A_125, %dma_start3A_126] : memref<16x128xi32, #tpu.memory_space<vmem>> -> memref<1x128xi32, #tpu.memory_space<vmem>>
        %dma_start3A_128 = tpu.memref_squeeze %dma_start3A_127 : memref<1x128xi32, #tpu.memory_space<vmem>> -> memref<128xi32, #tpu.memory_space<vmem>>
        %dma_start3A_129 = arith.constant 0 : i32
        %dma_start3A_130 = arith.constant 0 : i32
        %dma_start3A_131 = tpu.memref_slice %arg2[%dma_start3A_129, %dma_start3A_130] : memref<10240x128xf32, #tpu.memory_space<hbm>> -> memref<10240x128xf32, #tpu.memory_space<hbm>>
        tpu.enqueue_indirect_dma source(%dma_start3A_131 : memref<10240x128xf32, #tpu.memory_space<hbm>>) target(%arg14 : memref<128x128xf32, #tpu.memory_space<vmem>>) offsets(%dma_start3A_128 : memref<128xi32, #tpu.memory_space<vmem>>) semaphore(%arg17 : memref<!tpu.dma_semaphore, #tpu.memory_space<semaphore_mem>>)
        %dma_wait3A_132 = arith.constant 0 : i32
        %dma_wait3A_133 = arith.constant 0 : i32
        %dma_wait3A_134 = tpu.memref_slice %arg2[%dma_wait3A_132, %dma_wait3A_133] : memref<10240x128xf32, #tpu.memory_space<hbm>> -> memref<128x128xf32, #tpu.memory_space<hbm>>
        %dma_wait3A_135 = arith.constant 0 : i32
        %dma_wait3A_136 = arith.constant 0 : i32
        %dma_wait3A_137 = tpu.memref_slice %arg2[%dma_wait3A_135, %dma_wait3A_136] : memref<10240x128xf32, #tpu.memory_space<hbm>> -> memref<128x128xf32, #tpu.memory_space<hbm>>
        tpu.wait_dma2 semaphore(%arg16 : memref<!tpu.dma_semaphore, #tpu.memory_space<semaphore_mem>>) src(%dma_wait3A_137 : memref<128x128xf32, #tpu.memory_space<hbm>>) dst(%arg13 : memref<128x128xf32, #tpu.memory_space<vmem>>)
        %run_scoped3A_138 = arith.constant 14 : i32
        "tpu.region"() ({
          %run_scoped3A_151 = tpu.sem_alloc : memref<!tpu.dma_semaphore, #tpu.memory_space<semaphore_mem>>
          %dma_start3A_152 = arith.constant 0 : i32
          %dma_start3A_153 = tpu.memref_slice %arg12[%run_scoped3A_138, %dma_start3A_152] : memref<16x128xi32, #tpu.memory_space<vmem>> -> memref<1x128xi32, #tpu.memory_space<vmem>>
          %dma_start3A_154 = tpu.memref_squeeze %dma_start3A_153 : memref<1x128xi32, #tpu.memory_space<vmem>> -> memref<128xi32, #tpu.memory_space<vmem>>
          %dma_start3A_155 = arith.constant 0 : i32
          %dma_start3A_156 = arith.constant 0 : i32
          %dma_start3A_157 = tpu.memref_slice %arg15[%dma_start3A_155, %dma_start3A_156] : memref<10240x128xf32, #tpu.memory_space<vmem_shared>> -> memref<10240x128xf32, #tpu.memory_space<vmem_shared>>
          tpu.enqueue_indirect_dma source(%arg13 : memref<128x128xf32, #tpu.memory_space<vmem>>) target(%dma_start3A_157 : memref<10240x128xf32, #tpu.memory_space<vmem_shared>>) offsets(%dma_start3A_154 : memref<128xi32, #tpu.memory_space<vmem>>) semaphore(%run_scoped3A_151 : memref<!tpu.dma_semaphore, #tpu.memory_space<semaphore_mem>>) {add = true}
          %dma_wait3A_158 = arith.constant 0 : i32
          %dma_wait3A_159 = tpu.memref_slice %arg12[%run_scoped3A_138, %dma_wait3A_158] : memref<16x128xi32, #tpu.memory_space<vmem>> -> memref<1x128xi32, #tpu.memory_space<vmem>>
          %dma_wait3A_160 = tpu.memref_squeeze %dma_wait3A_159 : memref<1x128xi32, #tpu.memory_space<vmem>> -> memref<128xi32, #tpu.memory_space<vmem>>
          %dma_wait3A_161 = arith.constant 0 : i32
          %dma_wait3A_162 = arith.constant 0 : i32
          %dma_wait3A_163 = tpu.memref_slice %arg15[%dma_wait3A_161, %dma_wait3A_162] : memref<10240x128xf32, #tpu.memory_space<vmem_shared>> -> memref<10240x128xf32, #tpu.memory_space<vmem_shared>>
          tpu.wait_indirect_dma semaphore(%run_scoped3A_151 : memref<!tpu.dma_semaphore, #tpu.memory_space<semaphore_mem>>) src(%arg13 : memref<128x128xf32, #tpu.memory_space<vmem>>) dst(%dma_wait3A_163 : memref<10240x128xf32, #tpu.memory_space<vmem_shared>>)
          tpu.yield
        }) : () -> ()
        %dma_wait3A_139 = arith.constant 0 : i32
        %dma_wait3A_140 = arith.constant 0 : i32
        %dma_wait3A_141 = tpu.memref_slice %arg2[%dma_wait3A_139, %dma_wait3A_140] : memref<10240x128xf32, #tpu.memory_space<hbm>> -> memref<128x128xf32, #tpu.memory_space<hbm>>
        %dma_wait3A_142 = arith.constant 0 : i32
        %dma_wait3A_143 = arith.constant 0 : i32
        %dma_wait3A_144 = tpu.memref_slice %arg2[%dma_wait3A_142, %dma_wait3A_143] : memref<10240x128xf32, #tpu.memory_space<hbm>> -> memref<128x128xf32, #tpu.memory_space<hbm>>
        tpu.wait_dma2 semaphore(%arg17 : memref<!tpu.dma_semaphore, #tpu.memory_space<semaphore_mem>>) src(%dma_wait3A_144 : memref<128x128xf32, #tpu.memory_space<hbm>>) dst(%arg14 : memref<128x128xf32, #tpu.memory_space<vmem>>)
        %run_scoped3A_145 = arith.constant 15 : i32
        "tpu.region"() ({
          %run_scoped3A_151 = tpu.sem_alloc : memref<!tpu.dma_semaphore, #tpu.memory_space<semaphore_mem>>
          %dma_start3A_152 = arith.constant 0 : i32
          %dma_start3A_153 = tpu.memref_slice %arg12[%run_scoped3A_145, %dma_start3A_152] : memref<16x128xi32, #tpu.memory_space<vmem>> -> memref<1x128xi32, #tpu.memory_space<vmem>>
          %dma_start3A_154 = tpu.memref_squeeze %dma_start3A_153 : memref<1x128xi32, #tpu.memory_space<vmem>> -> memref<128xi32, #tpu.memory_space<vmem>>
          %dma_start3A_155 = arith.constant 0 : i32
          %dma_start3A_156 = arith.constant 0 : i32
          %dma_start3A_157 = tpu.memref_slice %arg15[%dma_start3A_155, %dma_start3A_156] : memref<10240x128xf32, #tpu.memory_space<vmem_shared>> -> memref<10240x128xf32, #tpu.memory_space<vmem_shared>>
          tpu.enqueue_indirect_dma source(%arg14 : memref<128x128xf32, #tpu.memory_space<vmem>>) target(%dma_start3A_157 : memref<10240x128xf32, #tpu.memory_space<vmem_shared>>) offsets(%dma_start3A_154 : memref<128xi32, #tpu.memory_space<vmem>>) semaphore(%run_scoped3A_151 : memref<!tpu.dma_semaphore, #tpu.memory_space<semaphore_mem>>) {add = true}
          %dma_wait3A_158 = arith.constant 0 : i32
          %dma_wait3A_159 = tpu.memref_slice %arg12[%run_scoped3A_145, %dma_wait3A_158] : memref<16x128xi32, #tpu.memory_space<vmem>> -> memref<1x128xi32, #tpu.memory_space<vmem>>
          %dma_wait3A_160 = tpu.memref_squeeze %dma_wait3A_159 : memref<1x128xi32, #tpu.memory_space<vmem>> -> memref<128xi32, #tpu.memory_space<vmem>>
          %dma_wait3A_161 = arith.constant 0 : i32
          %dma_wait3A_162 = arith.constant 0 : i32
          %dma_wait3A_163 = tpu.memref_slice %arg15[%dma_wait3A_161, %dma_wait3A_162] : memref<10240x128xf32, #tpu.memory_space<vmem_shared>> -> memref<10240x128xf32, #tpu.memory_space<vmem_shared>>
          tpu.wait_indirect_dma semaphore(%run_scoped3A_151 : memref<!tpu.dma_semaphore, #tpu.memory_space<semaphore_mem>>) src(%arg14 : memref<128x128xf32, #tpu.memory_space<vmem>>) dst(%dma_wait3A_163 : memref<10240x128xf32, #tpu.memory_space<vmem_shared>>)
          tpu.yield
        }) : () -> ()
        %lt3A_146 = arith.constant 4 : i32
        %lt3A_147 = arith.cmpi slt, %add3A_53, %lt3A_146 : i32
        %convert_element_type3A_148 = arith.extui %lt3A_147 : i1 to i32
        %cond3A_149 = arith.constant 0 : i32
        %cond3A_150 = arith.cmpi ne, %convert_element_type3A_148, %cond3A_149 : i32
        scf.if %cond3A_150 {
          %mul3A_151 = arith.constant 2 : i32
          %mul3A_152 = arith.muli %mul3A_151, %add3A_53 : i32
          %add3A_153 = arith.constant 3 : i32
          %add3A_154 = arith.addi %mul3A_152, %add3A_153 : i32
          %mul3A_155 = arith.constant 160 : i32
          %mul3A_156 = arith.muli %arg1, %mul3A_155 : i32
          %mul3A_157 = arith.constant 16 : i32
          %mul3A_158 = arith.muli %add3A_154, %mul3A_157 : i32
          %add3A_159 = arith.addi %mul3A_156, %mul3A_158 : i32
          %dma_start3A_160 = arith.constant 0 : i32
          %dma_start3A_161 = tpu.memref_slice %arg4[%add3A_159, %dma_start3A_160] : memref<2560x128xi32, #tpu.memory_space<hbm>> -> memref<16x128xi32, #tpu.memory_space<hbm>>
          %dma_start3A_162 = arith.constant 0 : i32
          %dma_start3A_163 = tpu.memref_slice %arg4[%add3A_159, %dma_start3A_162] : memref<2560x128xi32, #tpu.memory_space<hbm>> -> memref<16x128xi32, #tpu.memory_space<hbm>>
          tpu.enqueue_dma source(%dma_start3A_163 : memref<16x128xi32, #tpu.memory_space<hbm>>) target(%arg11 : memref<16x128xi32, #tpu.memory_space<vmem>>) target_semaphore(%arg19 : memref<!tpu.dma_semaphore, #tpu.memory_space<semaphore_mem>>)
          %dma_start3A_164 = arith.constant 0 : i32
          %dma_start3A_165 = tpu.memref_slice %arg5[%add3A_159, %dma_start3A_164] : memref<2560x128xi32, #tpu.memory_space<hbm>> -> memref<16x128xi32, #tpu.memory_space<hbm>>
          %dma_start3A_166 = arith.constant 0 : i32
          %dma_start3A_167 = tpu.memref_slice %arg5[%add3A_159, %dma_start3A_166] : memref<2560x128xi32, #tpu.memory_space<hbm>> -> memref<16x128xi32, #tpu.memory_space<hbm>>
          tpu.enqueue_dma source(%dma_start3A_167 : memref<16x128xi32, #tpu.memory_space<hbm>>) target(%arg12 : memref<16x128xi32, #tpu.memory_space<vmem>>) target_semaphore(%arg19 : memref<!tpu.dma_semaphore, #tpu.memory_space<semaphore_mem>>)
        } else {
        }
      }
      %scan3A_48 = arith.constant 5 : i32
    } else {
    }
    %eq3A_12 = arith.constant 1 : i32
    %eq3A_13 = arith.cmpi eq, %arg0, %eq3A_12 : i32
    %convert_element_type3A_14 = arith.extui %eq3A_13 : i1 to i32
    %cond3A_15 = arith.constant 0 : i32
    %cond3A_16 = arith.cmpi ne, %convert_element_type3A_14, %cond3A_15 : i32
    scf.if %cond3A_16 {
      %mul3A_21 = arith.constant 160 : i32
      %mul3A_22 = arith.muli %arg1, %mul3A_21 : i32
      %add3A_23 = arith.constant 0 : i32
      %add3A_24 = arith.addi %mul3A_22, %add3A_23 : i32
      %dma_start3A = arith.constant 0 : i32
      %dma_start3A_25 = tpu.memref_slice %arg6[%add3A_24, %dma_start3A] : memref<2560x128xi32, #tpu.memory_space<hbm>> -> memref<16x128xi32, #tpu.memory_space<hbm>>
      %dma_start3A_26 = arith.constant 0 : i32
      %dma_start3A_27 = tpu.memref_slice %arg6[%add3A_24, %dma_start3A_26] : memref<2560x128xi32, #tpu.memory_space<hbm>> -> memref<16x128xi32, #tpu.memory_space<hbm>>
      tpu.enqueue_dma source(%dma_start3A_27 : memref<16x128xi32, #tpu.memory_space<hbm>>) target(%arg9 : memref<16x128xi32, #tpu.memory_space<vmem>>) target_semaphore(%arg18 : memref<!tpu.dma_semaphore, #tpu.memory_space<semaphore_mem>>)
      %dma_start3A_28 = arith.constant 0 : i32
      %dma_start3A_29 = tpu.memref_slice %arg7[%add3A_24, %dma_start3A_28] : memref<2560x128xi32, #tpu.memory_space<hbm>> -> memref<16x128xi32, #tpu.memory_space<hbm>>
      %dma_start3A_30 = arith.constant 0 : i32
      %dma_start3A_31 = tpu.memref_slice %arg7[%add3A_24, %dma_start3A_30] : memref<2560x128xi32, #tpu.memory_space<hbm>> -> memref<16x128xi32, #tpu.memory_space<hbm>>
      tpu.enqueue_dma source(%dma_start3A_31 : memref<16x128xi32, #tpu.memory_space<hbm>>) target(%arg10 : memref<16x128xi32, #tpu.memory_space<vmem>>) target_semaphore(%arg18 : memref<!tpu.dma_semaphore, #tpu.memory_space<semaphore_mem>>)
      %mul3A_32 = arith.constant 160 : i32
      %mul3A_33 = arith.muli %arg1, %mul3A_32 : i32
      %add3A_34 = arith.constant 16 : i32
      %add3A_35 = arith.addi %mul3A_33, %add3A_34 : i32
      %dma_start3A_36 = arith.constant 0 : i32
      %dma_start3A_37 = tpu.memref_slice %arg6[%add3A_35, %dma_start3A_36] : memref<2560x128xi32, #tpu.memory_space<hbm>> -> memref<16x128xi32, #tpu.memory_space<hbm>>
      %dma_start3A_38 = arith.constant 0 : i32
      %dma_start3A_39 = tpu.memref_slice %arg6[%add3A_35, %dma_start3A_38] : memref<2560x128xi32, #tpu.memory_space<hbm>> -> memref<16x128xi32, #tpu.memory_space<hbm>>
      tpu.enqueue_dma source(%dma_start3A_39 : memref<16x128xi32, #tpu.memory_space<hbm>>) target(%arg11 : memref<16x128xi32, #tpu.memory_space<vmem>>) target_semaphore(%arg19 : memref<!tpu.dma_semaphore, #tpu.memory_space<semaphore_mem>>)
      %dma_start3A_40 = arith.constant 0 : i32
      %dma_start3A_41 = tpu.memref_slice %arg7[%add3A_35, %dma_start3A_40] : memref<2560x128xi32, #tpu.memory_space<hbm>> -> memref<16x128xi32, #tpu.memory_space<hbm>>
      %dma_start3A_42 = arith.constant 0 : i32
      %dma_start3A_43 = tpu.memref_slice %arg7[%add3A_35, %dma_start3A_42] : memref<2560x128xi32, #tpu.memory_space<hbm>> -> memref<16x128xi32, #tpu.memory_space<hbm>>
      tpu.enqueue_dma source(%dma_start3A_43 : memref<16x128xi32, #tpu.memory_space<hbm>>) target(%arg12 : memref<16x128xi32, #tpu.memory_space<vmem>>) target_semaphore(%arg19 : memref<!tpu.dma_semaphore, #tpu.memory_space<semaphore_mem>>)
      %scan3A_44 = arith.constant 0 : i32
      %scan3A_45 = arith.constant 5 : i32
      %scan3A_46 = arith.addi %scan3A_44, %scan3A_45 : i32
      %scan3A_47 = arith.constant 1 : i32
      scf.for %scan3A_49 = %scan3A_44 to %scan3A_46 step %scan3A_47  : i32 {
        %mul3A_50 = arith.constant 1 : i32
        %mul3A_51 = arith.muli %scan3A_49, %mul3A_50 : i32
        %add3A_52 = arith.constant 0 : i32
        %add3A_53 = arith.addi %add3A_52, %mul3A_51 : i32
        %dma_wait3A = arith.constant 0 : i32
        %dma_wait3A_54 = arith.constant 0 : i32
        %dma_wait3A_55 = tpu.memref_slice %arg6[%dma_wait3A, %dma_wait3A_54] : memref<2560x128xi32, #tpu.memory_space<hbm>> -> memref<16x128xi32, #tpu.memory_space<hbm>>
        %dma_wait3A_56 = arith.constant 0 : i32
        %dma_wait3A_57 = arith.constant 0 : i32
        %dma_wait3A_58 = tpu.memref_slice %arg6[%dma_wait3A_56, %dma_wait3A_57] : memref<2560x128xi32, #tpu.memory_space<hbm>> -> memref<16x128xi32, #tpu.memory_space<hbm>>
        tpu.wait_dma2 semaphore(%arg18 : memref<!tpu.dma_semaphore, #tpu.memory_space<semaphore_mem>>) src(%dma_wait3A_58 : memref<16x128xi32, #tpu.memory_space<hbm>>) dst(%arg9 : memref<16x128xi32, #tpu.memory_space<vmem>>)
        %dma_wait3A_59 = arith.constant 0 : i32
        %dma_wait3A_60 = arith.constant 0 : i32
        %dma_wait3A_61 = tpu.memref_slice %arg7[%dma_wait3A_59, %dma_wait3A_60] : memref<2560x128xi32, #tpu.memory_space<hbm>> -> memref<16x128xi32, #tpu.memory_space<hbm>>
        %dma_wait3A_62 = arith.constant 0 : i32
        %dma_wait3A_63 = arith.constant 0 : i32
        %dma_wait3A_64 = tpu.memref_slice %arg7[%dma_wait3A_62, %dma_wait3A_63] : memref<2560x128xi32, #tpu.memory_space<hbm>> -> memref<16x128xi32, #tpu.memory_space<hbm>>
        tpu.wait_dma2 semaphore(%arg18 : memref<!tpu.dma_semaphore, #tpu.memory_space<semaphore_mem>>) src(%dma_wait3A_64 : memref<16x128xi32, #tpu.memory_space<hbm>>) dst(%arg10 : memref<16x128xi32, #tpu.memory_space<vmem>>)
        %dma_start3A_65 = arith.constant 0 : i32
        %dma_start3A_66 = arith.constant 0 : i32
        %dma_start3A_67 = tpu.memref_slice %arg9[%dma_start3A_65, %dma_start3A_66] : memref<16x128xi32, #tpu.memory_space<vmem>> -> memref<1x128xi32, #tpu.memory_space<vmem>>
        %dma_start3A_68 = tpu.memref_squeeze %dma_start3A_67 : memref<1x128xi32, #tpu.memory_space<vmem>> -> memref<128xi32, #tpu.memory_space<vmem>>
        %dma_start3A_69 = arith.constant 0 : i32
        %dma_start3A_70 = arith.constant 0 : i32
        %dma_start3A_71 = tpu.memref_slice %arg3[%dma_start3A_69, %dma_start3A_70] : memref<10240x128xf32, #tpu.memory_space<hbm>> -> memref<10240x128xf32, #tpu.memory_space<hbm>>
        tpu.enqueue_indirect_dma source(%dma_start3A_71 : memref<10240x128xf32, #tpu.memory_space<hbm>>) target(%arg13 : memref<128x128xf32, #tpu.memory_space<vmem>>) offsets(%dma_start3A_68 : memref<128xi32, #tpu.memory_space<vmem>>) semaphore(%arg16 : memref<!tpu.dma_semaphore, #tpu.memory_space<semaphore_mem>>)
        %scan3A_72 = arith.constant 0 : i32
        %scan3A_73 = arith.constant 7 : i32
        %scan3A_74 = arith.addi %scan3A_72, %scan3A_73 : i32
        %scan3A_75 = arith.constant 1 : i32
        scf.for %scan3A_151 = %scan3A_72 to %scan3A_74 step %scan3A_75  : i32 {
          %mul3A_152 = arith.constant 1 : i32
          %mul3A_153 = arith.muli %scan3A_151, %mul3A_152 : i32
          %add3A_154 = arith.constant 0 : i32
          %add3A_155 = arith.addi %add3A_154, %mul3A_153 : i32
          %mul3A_156 = arith.constant 2 : i32
          %mul3A_157 = arith.muli %mul3A_156, %add3A_155 : i32
          %add3A_158 = arith.constant 1 : i32
          %add3A_159 = arith.addi %mul3A_157, %add3A_158 : i32
          %dma_start3A_160 = arith.constant 0 : i32
          %dma_start3A_161 = tpu.memref_slice %arg9[%add3A_159, %dma_start3A_160] : memref<16x128xi32, #tpu.memory_space<vmem>> -> memref<1x128xi32, #tpu.memory_space<vmem>>
          %dma_start3A_162 = tpu.memref_squeeze %dma_start3A_161 : memref<1x128xi32, #tpu.memory_space<vmem>> -> memref<128xi32, #tpu.memory_space<vmem>>
          %dma_start3A_163 = arith.constant 0 : i32
          %dma_start3A_164 = arith.constant 0 : i32
          %dma_start3A_165 = tpu.memref_slice %arg3[%dma_start3A_163, %dma_start3A_164] : memref<10240x128xf32, #tpu.memory_space<hbm>> -> memref<10240x128xf32, #tpu.memory_space<hbm>>
          tpu.enqueue_indirect_dma source(%dma_start3A_165 : memref<10240x128xf32, #tpu.memory_space<hbm>>) target(%arg14 : memref<128x128xf32, #tpu.memory_space<vmem>>) offsets(%dma_start3A_162 : memref<128xi32, #tpu.memory_space<vmem>>) semaphore(%arg17 : memref<!tpu.dma_semaphore, #tpu.memory_space<semaphore_mem>>)
          %dma_wait3A_166 = arith.constant 0 : i32
          %dma_wait3A_167 = arith.constant 0 : i32
          %dma_wait3A_168 = tpu.memref_slice %arg3[%dma_wait3A_166, %dma_wait3A_167] : memref<10240x128xf32, #tpu.memory_space<hbm>> -> memref<128x128xf32, #tpu.memory_space<hbm>>
          %dma_wait3A_169 = arith.constant 0 : i32
          %dma_wait3A_170 = arith.constant 0 : i32
          %dma_wait3A_171 = tpu.memref_slice %arg3[%dma_wait3A_169, %dma_wait3A_170] : memref<10240x128xf32, #tpu.memory_space<hbm>> -> memref<128x128xf32, #tpu.memory_space<hbm>>
          tpu.wait_dma2 semaphore(%arg16 : memref<!tpu.dma_semaphore, #tpu.memory_space<semaphore_mem>>) src(%dma_wait3A_171 : memref<128x128xf32, #tpu.memory_space<hbm>>) dst(%arg13 : memref<128x128xf32, #tpu.memory_space<vmem>>)
          %mul3A_172 = arith.constant 2 : i32
          %mul3A_173 = arith.muli %mul3A_172, %add3A_155 : i32
          "tpu.region"() ({
            %run_scoped3A_194 = tpu.sem_alloc : memref<!tpu.dma_semaphore, #tpu.memory_space<semaphore_mem>>
            %dma_start3A_195 = arith.constant 0 : i32
            %dma_start3A_196 = tpu.memref_slice %arg10[%mul3A_173, %dma_start3A_195] : memref<16x128xi32, #tpu.memory_space<vmem>> -> memref<1x128xi32, #tpu.memory_space<vmem>>
            %dma_start3A_197 = tpu.memref_squeeze %dma_start3A_196 : memref<1x128xi32, #tpu.memory_space<vmem>> -> memref<128xi32, #tpu.memory_space<vmem>>
            %dma_start3A_198 = arith.constant 0 : i32
            %dma_start3A_199 = arith.constant 0 : i32
            %dma_start3A_200 = tpu.memref_slice %arg15[%dma_start3A_198, %dma_start3A_199] : memref<10240x128xf32, #tpu.memory_space<vmem_shared>> -> memref<10240x128xf32, #tpu.memory_space<vmem_shared>>
            tpu.enqueue_indirect_dma source(%arg13 : memref<128x128xf32, #tpu.memory_space<vmem>>) target(%dma_start3A_200 : memref<10240x128xf32, #tpu.memory_space<vmem_shared>>) offsets(%dma_start3A_197 : memref<128xi32, #tpu.memory_space<vmem>>) semaphore(%run_scoped3A_194 : memref<!tpu.dma_semaphore, #tpu.memory_space<semaphore_mem>>) {add = true}
            %dma_wait3A_201 = arith.constant 0 : i32
            %dma_wait3A_202 = tpu.memref_slice %arg10[%mul3A_173, %dma_wait3A_201] : memref<16x128xi32, #tpu.memory_space<vmem>> -> memref<1x128xi32, #tpu.memory_space<vmem>>
            %dma_wait3A_203 = tpu.memref_squeeze %dma_wait3A_202 : memref<1x128xi32, #tpu.memory_space<vmem>> -> memref<128xi32, #tpu.memory_space<vmem>>
            %dma_wait3A_204 = arith.constant 0 : i32
            %dma_wait3A_205 = arith.constant 0 : i32
            %dma_wait3A_206 = tpu.memref_slice %arg15[%dma_wait3A_204, %dma_wait3A_205] : memref<10240x128xf32, #tpu.memory_space<vmem_shared>> -> memref<10240x128xf32, #tpu.memory_space<vmem_shared>>
            tpu.wait_indirect_dma semaphore(%run_scoped3A_194 : memref<!tpu.dma_semaphore, #tpu.memory_space<semaphore_mem>>) src(%arg13 : memref<128x128xf32, #tpu.memory_space<vmem>>) dst(%dma_wait3A_206 : memref<10240x128xf32, #tpu.memory_space<vmem_shared>>)
            tpu.yield
          }) : () -> ()
          %mul3A_174 = arith.constant 2 : i32
          %mul3A_175 = arith.muli %mul3A_174, %add3A_155 : i32
          %add3A_176 = arith.constant 2 : i32
          %add3A_177 = arith.addi %mul3A_175, %add3A_176 : i32
          %dma_start3A_178 = arith.constant 0 : i32
          %dma_start3A_179 = tpu.memref_slice %arg9[%add3A_177, %dma_start3A_178] : memref<16x128xi32, #tpu.memory_space<vmem>> -> memref<1x128xi32, #tpu.memory_space<vmem>>
          %dma_start3A_180 = tpu.memref_squeeze %dma_start3A_179 : memref<1x128xi32, #tpu.memory_space<vmem>> -> memref<128xi32, #tpu.memory_space<vmem>>
          %dma_start3A_181 = arith.constant 0 : i32
          %dma_start3A_182 = arith.constant 0 : i32
          %dma_start3A_183 = tpu.memref_slice %arg3[%dma_start3A_181, %dma_start3A_182] : memref<10240x128xf32, #tpu.memory_space<hbm>> -> memref<10240x128xf32, #tpu.memory_space<hbm>>
          tpu.enqueue_indirect_dma source(%dma_start3A_183 : memref<10240x128xf32, #tpu.memory_space<hbm>>) target(%arg13 : memref<128x128xf32, #tpu.memory_space<vmem>>) offsets(%dma_start3A_180 : memref<128xi32, #tpu.memory_space<vmem>>) semaphore(%arg16 : memref<!tpu.dma_semaphore, #tpu.memory_space<semaphore_mem>>)
          %dma_wait3A_184 = arith.constant 0 : i32
          %dma_wait3A_185 = arith.constant 0 : i32
          %dma_wait3A_186 = tpu.memref_slice %arg3[%dma_wait3A_184, %dma_wait3A_185] : memref<10240x128xf32, #tpu.memory_space<hbm>> -> memref<128x128xf32, #tpu.memory_space<hbm>>
          %dma_wait3A_187 = arith.constant 0 : i32
          %dma_wait3A_188 = arith.constant 0 : i32
          %dma_wait3A_189 = tpu.memref_slice %arg3[%dma_wait3A_187, %dma_wait3A_188] : memref<10240x128xf32, #tpu.memory_space<hbm>> -> memref<128x128xf32, #tpu.memory_space<hbm>>
          tpu.wait_dma2 semaphore(%arg17 : memref<!tpu.dma_semaphore, #tpu.memory_space<semaphore_mem>>) src(%dma_wait3A_189 : memref<128x128xf32, #tpu.memory_space<hbm>>) dst(%arg14 : memref<128x128xf32, #tpu.memory_space<vmem>>)
          %mul3A_190 = arith.constant 2 : i32
          %mul3A_191 = arith.muli %mul3A_190, %add3A_155 : i32
          %add3A_192 = arith.constant 1 : i32
          %add3A_193 = arith.addi %mul3A_191, %add3A_192 : i32
          "tpu.region"() ({
            %run_scoped3A_194 = tpu.sem_alloc : memref<!tpu.dma_semaphore, #tpu.memory_space<semaphore_mem>>
            %dma_start3A_195 = arith.constant 0 : i32
            %dma_start3A_196 = tpu.memref_slice %arg10[%add3A_193, %dma_start3A_195] : memref<16x128xi32, #tpu.memory_space<vmem>> -> memref<1x128xi32, #tpu.memory_space<vmem>>
            %dma_start3A_197 = tpu.memref_squeeze %dma_start3A_196 : memref<1x128xi32, #tpu.memory_space<vmem>> -> memref<128xi32, #tpu.memory_space<vmem>>
            %dma_start3A_198 = arith.constant 0 : i32
            %dma_start3A_199 = arith.constant 0 : i32
            %dma_start3A_200 = tpu.memref_slice %arg15[%dma_start3A_198, %dma_start3A_199] : memref<10240x128xf32, #tpu.memory_space<vmem_shared>> -> memref<10240x128xf32, #tpu.memory_space<vmem_shared>>
            tpu.enqueue_indirect_dma source(%arg14 : memref<128x128xf32, #tpu.memory_space<vmem>>) target(%dma_start3A_200 : memref<10240x128xf32, #tpu.memory_space<vmem_shared>>) offsets(%dma_start3A_197 : memref<128xi32, #tpu.memory_space<vmem>>) semaphore(%run_scoped3A_194 : memref<!tpu.dma_semaphore, #tpu.memory_space<semaphore_mem>>) {add = true}
            %dma_wait3A_201 = arith.constant 0 : i32
            %dma_wait3A_202 = tpu.memref_slice %arg10[%add3A_193, %dma_wait3A_201] : memref<16x128xi32, #tpu.memory_space<vmem>> -> memref<1x128xi32, #tpu.memory_space<vmem>>
            %dma_wait3A_203 = tpu.memref_squeeze %dma_wait3A_202 : memref<1x128xi32, #tpu.memory_space<vmem>> -> memref<128xi32, #tpu.memory_space<vmem>>
            %dma_wait3A_204 = arith.constant 0 : i32
            %dma_wait3A_205 = arith.constant 0 : i32
            %dma_wait3A_206 = tpu.memref_slice %arg15[%dma_wait3A_204, %dma_wait3A_205] : memref<10240x128xf32, #tpu.memory_space<vmem_shared>> -> memref<10240x128xf32, #tpu.memory_space<vmem_shared>>
            tpu.wait_indirect_dma semaphore(%run_scoped3A_194 : memref<!tpu.dma_semaphore, #tpu.memory_space<semaphore_mem>>) src(%arg14 : memref<128x128xf32, #tpu.memory_space<vmem>>) dst(%dma_wait3A_206 : memref<10240x128xf32, #tpu.memory_space<vmem_shared>>)
            tpu.yield
          }) : () -> ()
        }
        %scan3A_76 = arith.constant 7 : i32
        %dma_start3A_77 = arith.constant 15 : i32
        %dma_start3A_78 = arith.constant 0 : i32
        %dma_start3A_79 = tpu.memref_slice %arg9[%dma_start3A_77, %dma_start3A_78] : memref<16x128xi32, #tpu.memory_space<vmem>> -> memref<1x128xi32, #tpu.memory_space<vmem>>
        %dma_start3A_80 = tpu.memref_squeeze %dma_start3A_79 : memref<1x128xi32, #tpu.memory_space<vmem>> -> memref<128xi32, #tpu.memory_space<vmem>>
        %dma_start3A_81 = arith.constant 0 : i32
        %dma_start3A_82 = arith.constant 0 : i32
        %dma_start3A_83 = tpu.memref_slice %arg3[%dma_start3A_81, %dma_start3A_82] : memref<10240x128xf32, #tpu.memory_space<hbm>> -> memref<10240x128xf32, #tpu.memory_space<hbm>>
        tpu.enqueue_indirect_dma source(%dma_start3A_83 : memref<10240x128xf32, #tpu.memory_space<hbm>>) target(%arg14 : memref<128x128xf32, #tpu.memory_space<vmem>>) offsets(%dma_start3A_80 : memref<128xi32, #tpu.memory_space<vmem>>) semaphore(%arg17 : memref<!tpu.dma_semaphore, #tpu.memory_space<semaphore_mem>>)
        %dma_wait3A_84 = arith.constant 0 : i32
        %dma_wait3A_85 = arith.constant 0 : i32
        %dma_wait3A_86 = tpu.memref_slice %arg3[%dma_wait3A_84, %dma_wait3A_85] : memref<10240x128xf32, #tpu.memory_space<hbm>> -> memref<128x128xf32, #tpu.memory_space<hbm>>
        %dma_wait3A_87 = arith.constant 0 : i32
        %dma_wait3A_88 = arith.constant 0 : i32
        %dma_wait3A_89 = tpu.memref_slice %arg3[%dma_wait3A_87, %dma_wait3A_88] : memref<10240x128xf32, #tpu.memory_space<hbm>> -> memref<128x128xf32, #tpu.memory_space<hbm>>
        tpu.wait_dma2 semaphore(%arg16 : memref<!tpu.dma_semaphore, #tpu.memory_space<semaphore_mem>>) src(%dma_wait3A_89 : memref<128x128xf32, #tpu.memory_space<hbm>>) dst(%arg13 : memref<128x128xf32, #tpu.memory_space<vmem>>)
        %run_scoped3A = arith.constant 14 : i32
        "tpu.region"() ({
          %run_scoped3A_151 = tpu.sem_alloc : memref<!tpu.dma_semaphore, #tpu.memory_space<semaphore_mem>>
          %dma_start3A_152 = arith.constant 0 : i32
          %dma_start3A_153 = tpu.memref_slice %arg10[%run_scoped3A, %dma_start3A_152] : memref<16x128xi32, #tpu.memory_space<vmem>> -> memref<1x128xi32, #tpu.memory_space<vmem>>
          %dma_start3A_154 = tpu.memref_squeeze %dma_start3A_153 : memref<1x128xi32, #tpu.memory_space<vmem>> -> memref<128xi32, #tpu.memory_space<vmem>>
          %dma_start3A_155 = arith.constant 0 : i32
          %dma_start3A_156 = arith.constant 0 : i32
          %dma_start3A_157 = tpu.memref_slice %arg15[%dma_start3A_155, %dma_start3A_156] : memref<10240x128xf32, #tpu.memory_space<vmem_shared>> -> memref<10240x128xf32, #tpu.memory_space<vmem_shared>>
          tpu.enqueue_indirect_dma source(%arg13 : memref<128x128xf32, #tpu.memory_space<vmem>>) target(%dma_start3A_157 : memref<10240x128xf32, #tpu.memory_space<vmem_shared>>) offsets(%dma_start3A_154 : memref<128xi32, #tpu.memory_space<vmem>>) semaphore(%run_scoped3A_151 : memref<!tpu.dma_semaphore, #tpu.memory_space<semaphore_mem>>) {add = true}
          %dma_wait3A_158 = arith.constant 0 : i32
          %dma_wait3A_159 = tpu.memref_slice %arg10[%run_scoped3A, %dma_wait3A_158] : memref<16x128xi32, #tpu.memory_space<vmem>> -> memref<1x128xi32, #tpu.memory_space<vmem>>
          %dma_wait3A_160 = tpu.memref_squeeze %dma_wait3A_159 : memref<1x128xi32, #tpu.memory_space<vmem>> -> memref<128xi32, #tpu.memory_space<vmem>>
          %dma_wait3A_161 = arith.constant 0 : i32
          %dma_wait3A_162 = arith.constant 0 : i32
          %dma_wait3A_163 = tpu.memref_slice %arg15[%dma_wait3A_161, %dma_wait3A_162] : memref<10240x128xf32, #tpu.memory_space<vmem_shared>> -> memref<10240x128xf32, #tpu.memory_space<vmem_shared>>
          tpu.wait_indirect_dma semaphore(%run_scoped3A_151 : memref<!tpu.dma_semaphore, #tpu.memory_space<semaphore_mem>>) src(%arg13 : memref<128x128xf32, #tpu.memory_space<vmem>>) dst(%dma_wait3A_163 : memref<10240x128xf32, #tpu.memory_space<vmem_shared>>)
          tpu.yield
        }) : () -> ()
        %dma_wait3A_90 = arith.constant 0 : i32
        %dma_wait3A_91 = arith.constant 0 : i32
        %dma_wait3A_92 = tpu.memref_slice %arg3[%dma_wait3A_90, %dma_wait3A_91] : memref<10240x128xf32, #tpu.memory_space<hbm>> -> memref<128x128xf32, #tpu.memory_space<hbm>>
        %dma_wait3A_93 = arith.constant 0 : i32
        %dma_wait3A_94 = arith.constant 0 : i32
        %dma_wait3A_95 = tpu.memref_slice %arg3[%dma_wait3A_93, %dma_wait3A_94] : memref<10240x128xf32, #tpu.memory_space<hbm>> -> memref<128x128xf32, #tpu.memory_space<hbm>>
        tpu.wait_dma2 semaphore(%arg17 : memref<!tpu.dma_semaphore, #tpu.memory_space<semaphore_mem>>) src(%dma_wait3A_95 : memref<128x128xf32, #tpu.memory_space<hbm>>) dst(%arg14 : memref<128x128xf32, #tpu.memory_space<vmem>>)
        %run_scoped3A_96 = arith.constant 15 : i32
        "tpu.region"() ({
          %run_scoped3A_151 = tpu.sem_alloc : memref<!tpu.dma_semaphore, #tpu.memory_space<semaphore_mem>>
          %dma_start3A_152 = arith.constant 0 : i32
          %dma_start3A_153 = tpu.memref_slice %arg10[%run_scoped3A_96, %dma_start3A_152] : memref<16x128xi32, #tpu.memory_space<vmem>> -> memref<1x128xi32, #tpu.memory_space<vmem>>
          %dma_start3A_154 = tpu.memref_squeeze %dma_start3A_153 : memref<1x128xi32, #tpu.memory_space<vmem>> -> memref<128xi32, #tpu.memory_space<vmem>>
          %dma_start3A_155 = arith.constant 0 : i32
          %dma_start3A_156 = arith.constant 0 : i32
          %dma_start3A_157 = tpu.memref_slice %arg15[%dma_start3A_155, %dma_start3A_156] : memref<10240x128xf32, #tpu.memory_space<vmem_shared>> -> memref<10240x128xf32, #tpu.memory_space<vmem_shared>>
          tpu.enqueue_indirect_dma source(%arg14 : memref<128x128xf32, #tpu.memory_space<vmem>>) target(%dma_start3A_157 : memref<10240x128xf32, #tpu.memory_space<vmem_shared>>) offsets(%dma_start3A_154 : memref<128xi32, #tpu.memory_space<vmem>>) semaphore(%run_scoped3A_151 : memref<!tpu.dma_semaphore, #tpu.memory_space<semaphore_mem>>) {add = true}
          %dma_wait3A_158 = arith.constant 0 : i32
          %dma_wait3A_159 = tpu.memref_slice %arg10[%run_scoped3A_96, %dma_wait3A_158] : memref<16x128xi32, #tpu.memory_space<vmem>> -> memref<1x128xi32, #tpu.memory_space<vmem>>
          %dma_wait3A_160 = tpu.memref_squeeze %dma_wait3A_159 : memref<1x128xi32, #tpu.memory_space<vmem>> -> memref<128xi32, #tpu.memory_space<vmem>>
          %dma_wait3A_161 = arith.constant 0 : i32
          %dma_wait3A_162 = arith.constant 0 : i32
          %dma_wait3A_163 = tpu.memref_slice %arg15[%dma_wait3A_161, %dma_wait3A_162] : memref<10240x128xf32, #tpu.memory_space<vmem_shared>> -> memref<10240x128xf32, #tpu.memory_space<vmem_shared>>
          tpu.wait_indirect_dma semaphore(%run_scoped3A_151 : memref<!tpu.dma_semaphore, #tpu.memory_space<semaphore_mem>>) src(%arg14 : memref<128x128xf32, #tpu.memory_space<vmem>>) dst(%dma_wait3A_163 : memref<10240x128xf32, #tpu.memory_space<vmem_shared>>)
          tpu.yield
        }) : () -> ()
        %lt3A = arith.constant 4 : i32
        %lt3A_97 = arith.cmpi slt, %add3A_53, %lt3A : i32
        %convert_element_type3A_98 = arith.extui %lt3A_97 : i1 to i32
        %cond3A_99 = arith.constant 0 : i32
        %cond3A_100 = arith.cmpi ne, %convert_element_type3A_98, %cond3A_99 : i32
        scf.if %cond3A_100 {
          %mul3A_151 = arith.constant 2 : i32
          %mul3A_152 = arith.muli %mul3A_151, %add3A_53 : i32
          %add3A_153 = arith.constant 2 : i32
          %add3A_154 = arith.addi %mul3A_152, %add3A_153 : i32
          %mul3A_155 = arith.constant 160 : i32
          %mul3A_156 = arith.muli %arg1, %mul3A_155 : i32
          %mul3A_157 = arith.constant 16 : i32
          %mul3A_158 = arith.muli %add3A_154, %mul3A_157 : i32
          %add3A_159 = arith.addi %mul3A_156, %mul3A_158 : i32
          %dma_start3A_160 = arith.constant 0 : i32
          %dma_start3A_161 = tpu.memref_slice %arg6[%add3A_159, %dma_start3A_160] : memref<2560x128xi32, #tpu.memory_space<hbm>> -> memref<16x128xi32, #tpu.memory_space<hbm>>
          %dma_start3A_162 = arith.constant 0 : i32
          %dma_start3A_163 = tpu.memref_slice %arg6[%add3A_159, %dma_start3A_162] : memref<2560x128xi32, #tpu.memory_space<hbm>> -> memref<16x128xi32, #tpu.memory_space<hbm>>
          tpu.enqueue_dma source(%dma_start3A_163 : memref<16x128xi32, #tpu.memory_space<hbm>>) target(%arg9 : memref<16x128xi32, #tpu.memory_space<vmem>>) target_semaphore(%arg18 : memref<!tpu.dma_semaphore, #tpu.memory_space<semaphore_mem>>)
          %dma_start3A_164 = arith.constant 0 : i32
          %dma_start3A_165 = tpu.memref_slice %arg7[%add3A_159, %dma_start3A_164] : memref<2560x128xi32, #tpu.memory_space<hbm>> -> memref<16x128xi32, #tpu.memory_space<hbm>>
          %dma_start3A_166 = arith.constant 0 : i32
          %dma_start3A_167 = tpu.memref_slice %arg7[%add3A_159, %dma_start3A_166] : memref<2560x128xi32, #tpu.memory_space<hbm>> -> memref<16x128xi32, #tpu.memory_space<hbm>>
          tpu.enqueue_dma source(%dma_start3A_167 : memref<16x128xi32, #tpu.memory_space<hbm>>) target(%arg10 : memref<16x128xi32, #tpu.memory_space<vmem>>) target_semaphore(%arg18 : memref<!tpu.dma_semaphore, #tpu.memory_space<semaphore_mem>>)
        } else {
        }
        %dma_wait3A_101 = arith.constant 0 : i32
        %dma_wait3A_102 = arith.constant 0 : i32
        %dma_wait3A_103 = tpu.memref_slice %arg6[%dma_wait3A_101, %dma_wait3A_102] : memref<2560x128xi32, #tpu.memory_space<hbm>> -> memref<16x128xi32, #tpu.memory_space<hbm>>
        %dma_wait3A_104 = arith.constant 0 : i32
        %dma_wait3A_105 = arith.constant 0 : i32
        %dma_wait3A_106 = tpu.memref_slice %arg6[%dma_wait3A_104, %dma_wait3A_105] : memref<2560x128xi32, #tpu.memory_space<hbm>> -> memref<16x128xi32, #tpu.memory_space<hbm>>
        tpu.wait_dma2 semaphore(%arg19 : memref<!tpu.dma_semaphore, #tpu.memory_space<semaphore_mem>>) src(%dma_wait3A_106 : memref<16x128xi32, #tpu.memory_space<hbm>>) dst(%arg11 : memref<16x128xi32, #tpu.memory_space<vmem>>)
        %dma_wait3A_107 = arith.constant 0 : i32
        %dma_wait3A_108 = arith.constant 0 : i32
        %dma_wait3A_109 = tpu.memref_slice %arg7[%dma_wait3A_107, %dma_wait3A_108] : memref<2560x128xi32, #tpu.memory_space<hbm>> -> memref<16x128xi32, #tpu.memory_space<hbm>>
        %dma_wait3A_110 = arith.constant 0 : i32
        %dma_wait3A_111 = arith.constant 0 : i32
        %dma_wait3A_112 = tpu.memref_slice %arg7[%dma_wait3A_110, %dma_wait3A_111] : memref<2560x128xi32, #tpu.memory_space<hbm>> -> memref<16x128xi32, #tpu.memory_space<hbm>>
        tpu.wait_dma2 semaphore(%arg19 : memref<!tpu.dma_semaphore, #tpu.memory_space<semaphore_mem>>) src(%dma_wait3A_112 : memref<16x128xi32, #tpu.memory_space<hbm>>) dst(%arg12 : memref<16x128xi32, #tpu.memory_space<vmem>>)
        %dma_start3A_113 = arith.constant 0 : i32
        %dma_start3A_114 = arith.constant 0 : i32
        %dma_start3A_115 = tpu.memref_slice %arg11[%dma_start3A_113, %dma_start3A_114] : memref<16x128xi32, #tpu.memory_space<vmem>> -> memref<1x128xi32, #tpu.memory_space<vmem>>
        %dma_start3A_116 = tpu.memref_squeeze %dma_start3A_115 : memref<1x128xi32, #tpu.memory_space<vmem>> -> memref<128xi32, #tpu.memory_space<vmem>>
        %dma_start3A_117 = arith.constant 0 : i32
        %dma_start3A_118 = arith.constant 0 : i32
        %dma_start3A_119 = tpu.memref_slice %arg3[%dma_start3A_117, %dma_start3A_118] : memref<10240x128xf32, #tpu.memory_space<hbm>> -> memref<10240x128xf32, #tpu.memory_space<hbm>>
        tpu.enqueue_indirect_dma source(%dma_start3A_119 : memref<10240x128xf32, #tpu.memory_space<hbm>>) target(%arg13 : memref<128x128xf32, #tpu.memory_space<vmem>>) offsets(%dma_start3A_116 : memref<128xi32, #tpu.memory_space<vmem>>) semaphore(%arg16 : memref<!tpu.dma_semaphore, #tpu.memory_space<semaphore_mem>>)
        %scan3A_120 = arith.constant 0 : i32
        %scan3A_121 = arith.constant 7 : i32
        %scan3A_122 = arith.addi %scan3A_120, %scan3A_121 : i32
        %scan3A_123 = arith.constant 1 : i32
        scf.for %scan3A_151 = %scan3A_120 to %scan3A_122 step %scan3A_123  : i32 {
          %mul3A_152 = arith.constant 1 : i32
          %mul3A_153 = arith.muli %scan3A_151, %mul3A_152 : i32
          %add3A_154 = arith.constant 0 : i32
          %add3A_155 = arith.addi %add3A_154, %mul3A_153 : i32
          %mul3A_156 = arith.constant 2 : i32
          %mul3A_157 = arith.muli %mul3A_156, %add3A_155 : i32
          %add3A_158 = arith.constant 1 : i32
          %add3A_159 = arith.addi %mul3A_157, %add3A_158 : i32
          %dma_start3A_160 = arith.constant 0 : i32
          %dma_start3A_161 = tpu.memref_slice %arg11[%add3A_159, %dma_start3A_160] : memref<16x128xi32, #tpu.memory_space<vmem>> -> memref<1x128xi32, #tpu.memory_space<vmem>>
          %dma_start3A_162 = tpu.memref_squeeze %dma_start3A_161 : memref<1x128xi32, #tpu.memory_space<vmem>> -> memref<128xi32, #tpu.memory_space<vmem>>
          %dma_start3A_163 = arith.constant 0 : i32
          %dma_start3A_164 = arith.constant 0 : i32
          %dma_start3A_165 = tpu.memref_slice %arg3[%dma_start3A_163, %dma_start3A_164] : memref<10240x128xf32, #tpu.memory_space<hbm>> -> memref<10240x128xf32, #tpu.memory_space<hbm>>
          tpu.enqueue_indirect_dma source(%dma_start3A_165 : memref<10240x128xf32, #tpu.memory_space<hbm>>) target(%arg14 : memref<128x128xf32, #tpu.memory_space<vmem>>) offsets(%dma_start3A_162 : memref<128xi32, #tpu.memory_space<vmem>>) semaphore(%arg17 : memref<!tpu.dma_semaphore, #tpu.memory_space<semaphore_mem>>)
          %dma_wait3A_166 = arith.constant 0 : i32
          %dma_wait3A_167 = arith.constant 0 : i32
          %dma_wait3A_168 = tpu.memref_slice %arg3[%dma_wait3A_166, %dma_wait3A_167] : memref<10240x128xf32, #tpu.memory_space<hbm>> -> memref<128x128xf32, #tpu.memory_space<hbm>>
          %dma_wait3A_169 = arith.constant 0 : i32
          %dma_wait3A_170 = arith.constant 0 : i32
          %dma_wait3A_171 = tpu.memref_slice %arg3[%dma_wait3A_169, %dma_wait3A_170] : memref<10240x128xf32, #tpu.memory_space<hbm>> -> memref<128x128xf32, #tpu.memory_space<hbm>>
          tpu.wait_dma2 semaphore(%arg16 : memref<!tpu.dma_semaphore, #tpu.memory_space<semaphore_mem>>) src(%dma_wait3A_171 : memref<128x128xf32, #tpu.memory_space<hbm>>) dst(%arg13 : memref<128x128xf32, #tpu.memory_space<vmem>>)
          %mul3A_172 = arith.constant 2 : i32
          %mul3A_173 = arith.muli %mul3A_172, %add3A_155 : i32
          "tpu.region"() ({
            %run_scoped3A_194 = tpu.sem_alloc : memref<!tpu.dma_semaphore, #tpu.memory_space<semaphore_mem>>
            %dma_start3A_195 = arith.constant 0 : i32
            %dma_start3A_196 = tpu.memref_slice %arg12[%mul3A_173, %dma_start3A_195] : memref<16x128xi32, #tpu.memory_space<vmem>> -> memref<1x128xi32, #tpu.memory_space<vmem>>
            %dma_start3A_197 = tpu.memref_squeeze %dma_start3A_196 : memref<1x128xi32, #tpu.memory_space<vmem>> -> memref<128xi32, #tpu.memory_space<vmem>>
            %dma_start3A_198 = arith.constant 0 : i32
            %dma_start3A_199 = arith.constant 0 : i32
            %dma_start3A_200 = tpu.memref_slice %arg15[%dma_start3A_198, %dma_start3A_199] : memref<10240x128xf32, #tpu.memory_space<vmem_shared>> -> memref<10240x128xf32, #tpu.memory_space<vmem_shared>>
            tpu.enqueue_indirect_dma source(%arg13 : memref<128x128xf32, #tpu.memory_space<vmem>>) target(%dma_start3A_200 : memref<10240x128xf32, #tpu.memory_space<vmem_shared>>) offsets(%dma_start3A_197 : memref<128xi32, #tpu.memory_space<vmem>>) semaphore(%run_scoped3A_194 : memref<!tpu.dma_semaphore, #tpu.memory_space<semaphore_mem>>) {add = true}
            %dma_wait3A_201 = arith.constant 0 : i32
            %dma_wait3A_202 = tpu.memref_slice %arg12[%mul3A_173, %dma_wait3A_201] : memref<16x128xi32, #tpu.memory_space<vmem>> -> memref<1x128xi32, #tpu.memory_space<vmem>>
            %dma_wait3A_203 = tpu.memref_squeeze %dma_wait3A_202 : memref<1x128xi32, #tpu.memory_space<vmem>> -> memref<128xi32, #tpu.memory_space<vmem>>
            %dma_wait3A_204 = arith.constant 0 : i32
            %dma_wait3A_205 = arith.constant 0 : i32
            %dma_wait3A_206 = tpu.memref_slice %arg15[%dma_wait3A_204, %dma_wait3A_205] : memref<10240x128xf32, #tpu.memory_space<vmem_shared>> -> memref<10240x128xf32, #tpu.memory_space<vmem_shared>>
            tpu.wait_indirect_dma semaphore(%run_scoped3A_194 : memref<!tpu.dma_semaphore, #tpu.memory_space<semaphore_mem>>) src(%arg13 : memref<128x128xf32, #tpu.memory_space<vmem>>) dst(%dma_wait3A_206 : memref<10240x128xf32, #tpu.memory_space<vmem_shared>>)
            tpu.yield
          }) : () -> ()
          %mul3A_174 = arith.constant 2 : i32
          %mul3A_175 = arith.muli %mul3A_174, %add3A_155 : i32
          %add3A_176 = arith.constant 2 : i32
          %add3A_177 = arith.addi %mul3A_175, %add3A_176 : i32
          %dma_start3A_178 = arith.constant 0 : i32
          %dma_start3A_179 = tpu.memref_slice %arg11[%add3A_177, %dma_start3A_178] : memref<16x128xi32, #tpu.memory_space<vmem>> -> memref<1x128xi32, #tpu.memory_space<vmem>>
          %dma_start3A_180 = tpu.memref_squeeze %dma_start3A_179 : memref<1x128xi32, #tpu.memory_space<vmem>> -> memref<128xi32, #tpu.memory_space<vmem>>
          %dma_start3A_181 = arith.constant 0 : i32
          %dma_start3A_182 = arith.constant 0 : i32
          %dma_start3A_183 = tpu.memref_slice %arg3[%dma_start3A_181, %dma_start3A_182] : memref<10240x128xf32, #tpu.memory_space<hbm>> -> memref<10240x128xf32, #tpu.memory_space<hbm>>
          tpu.enqueue_indirect_dma source(%dma_start3A_183 : memref<10240x128xf32, #tpu.memory_space<hbm>>) target(%arg13 : memref<128x128xf32, #tpu.memory_space<vmem>>) offsets(%dma_start3A_180 : memref<128xi32, #tpu.memory_space<vmem>>) semaphore(%arg16 : memref<!tpu.dma_semaphore, #tpu.memory_space<semaphore_mem>>)
          %dma_wait3A_184 = arith.constant 0 : i32
          %dma_wait3A_185 = arith.constant 0 : i32
          %dma_wait3A_186 = tpu.memref_slice %arg3[%dma_wait3A_184, %dma_wait3A_185] : memref<10240x128xf32, #tpu.memory_space<hbm>> -> memref<128x128xf32, #tpu.memory_space<hbm>>
          %dma_wait3A_187 = arith.constant 0 : i32
          %dma_wait3A_188 = arith.constant 0 : i32
          %dma_wait3A_189 = tpu.memref_slice %arg3[%dma_wait3A_187, %dma_wait3A_188] : memref<10240x128xf32, #tpu.memory_space<hbm>> -> memref<128x128xf32, #tpu.memory_space<hbm>>
          tpu.wait_dma2 semaphore(%arg17 : memref<!tpu.dma_semaphore, #tpu.memory_space<semaphore_mem>>) src(%dma_wait3A_189 : memref<128x128xf32, #tpu.memory_space<hbm>>) dst(%arg14 : memref<128x128xf32, #tpu.memory_space<vmem>>)
          %mul3A_190 = arith.constant 2 : i32
          %mul3A_191 = arith.muli %mul3A_190, %add3A_155 : i32
          %add3A_192 = arith.constant 1 : i32
          %add3A_193 = arith.addi %mul3A_191, %add3A_192 : i32
          "tpu.region"() ({
            %run_scoped3A_194 = tpu.sem_alloc : memref<!tpu.dma_semaphore, #tpu.memory_space<semaphore_mem>>
            %dma_start3A_195 = arith.constant 0 : i32
            %dma_start3A_196 = tpu.memref_slice %arg12[%add3A_193, %dma_start3A_195] : memref<16x128xi32, #tpu.memory_space<vmem>> -> memref<1x128xi32, #tpu.memory_space<vmem>>
            %dma_start3A_197 = tpu.memref_squeeze %dma_start3A_196 : memref<1x128xi32, #tpu.memory_space<vmem>> -> memref<128xi32, #tpu.memory_space<vmem>>
            %dma_start3A_198 = arith.constant 0 : i32
            %dma_start3A_199 = arith.constant 0 : i32
            %dma_start3A_200 = tpu.memref_slice %arg15[%dma_start3A_198, %dma_start3A_199] : memref<10240x128xf32, #tpu.memory_space<vmem_shared>> -> memref<10240x128xf32, #tpu.memory_space<vmem_shared>>
            tpu.enqueue_indirect_dma source(%arg14 : memref<128x128xf32, #tpu.memory_space<vmem>>) target(%dma_start3A_200 : memref<10240x128xf32, #tpu.memory_space<vmem_shared>>) offsets(%dma_start3A_197 : memref<128xi32, #tpu.memory_space<vmem>>) semaphore(%run_scoped3A_194 : memref<!tpu.dma_semaphore, #tpu.memory_space<semaphore_mem>>) {add = true}
            %dma_wait3A_201 = arith.constant 0 : i32
            %dma_wait3A_202 = tpu.memref_slice %arg12[%add3A_193, %dma_wait3A_201] : memref<16x128xi32, #tpu.memory_space<vmem>> -> memref<1x128xi32, #tpu.memory_space<vmem>>
            %dma_wait3A_203 = tpu.memref_squeeze %dma_wait3A_202 : memref<1x128xi32, #tpu.memory_space<vmem>> -> memref<128xi32, #tpu.memory_space<vmem>>
            %dma_wait3A_204 = arith.constant 0 : i32
            %dma_wait3A_205 = arith.constant 0 : i32
            %dma_wait3A_206 = tpu.memref_slice %arg15[%dma_wait3A_204, %dma_wait3A_205] : memref<10240x128xf32, #tpu.memory_space<vmem_shared>> -> memref<10240x128xf32, #tpu.memory_space<vmem_shared>>
            tpu.wait_indirect_dma semaphore(%run_scoped3A_194 : memref<!tpu.dma_semaphore, #tpu.memory_space<semaphore_mem>>) src(%arg14 : memref<128x128xf32, #tpu.memory_space<vmem>>) dst(%dma_wait3A_206 : memref<10240x128xf32, #tpu.memory_space<vmem_shared>>)
            tpu.yield
          }) : () -> ()
        }
        %scan3A_124 = arith.constant 7 : i32
        %dma_start3A_125 = arith.constant 15 : i32
        %dma_start3A_126 = arith.constant 0 : i32
        %dma_start3A_127 = tpu.memref_slice %arg11[%dma_start3A_125, %dma_start3A_126] : memref<16x128xi32, #tpu.memory_space<vmem>> -> memref<1x128xi32, #tpu.memory_space<vmem>>
        %dma_start3A_128 = tpu.memref_squeeze %dma_start3A_127 : memref<1x128xi32, #tpu.memory_space<vmem>> -> memref<128xi32, #tpu.memory_space<vmem>>
        %dma_start3A_129 = arith.constant 0 : i32
        %dma_start3A_130 = arith.constant 0 : i32
        %dma_start3A_131 = tpu.memref_slice %arg3[%dma_start3A_129, %dma_start3A_130] : memref<10240x128xf32, #tpu.memory_space<hbm>> -> memref<10240x128xf32, #tpu.memory_space<hbm>>
        tpu.enqueue_indirect_dma source(%dma_start3A_131 : memref<10240x128xf32, #tpu.memory_space<hbm>>) target(%arg14 : memref<128x128xf32, #tpu.memory_space<vmem>>) offsets(%dma_start3A_128 : memref<128xi32, #tpu.memory_space<vmem>>) semaphore(%arg17 : memref<!tpu.dma_semaphore, #tpu.memory_space<semaphore_mem>>)
        %dma_wait3A_132 = arith.constant 0 : i32
        %dma_wait3A_133 = arith.constant 0 : i32
        %dma_wait3A_134 = tpu.memref_slice %arg3[%dma_wait3A_132, %dma_wait3A_133] : memref<10240x128xf32, #tpu.memory_space<hbm>> -> memref<128x128xf32, #tpu.memory_space<hbm>>
        %dma_wait3A_135 = arith.constant 0 : i32
        %dma_wait3A_136 = arith.constant 0 : i32
        %dma_wait3A_137 = tpu.memref_slice %arg3[%dma_wait3A_135, %dma_wait3A_136] : memref<10240x128xf32, #tpu.memory_space<hbm>> -> memref<128x128xf32, #tpu.memory_space<hbm>>
        tpu.wait_dma2 semaphore(%arg16 : memref<!tpu.dma_semaphore, #tpu.memory_space<semaphore_mem>>) src(%dma_wait3A_137 : memref<128x128xf32, #tpu.memory_space<hbm>>) dst(%arg13 : memref<128x128xf32, #tpu.memory_space<vmem>>)
        %run_scoped3A_138 = arith.constant 14 : i32
        "tpu.region"() ({
          %run_scoped3A_151 = tpu.sem_alloc : memref<!tpu.dma_semaphore, #tpu.memory_space<semaphore_mem>>
          %dma_start3A_152 = arith.constant 0 : i32
          %dma_start3A_153 = tpu.memref_slice %arg12[%run_scoped3A_138, %dma_start3A_152] : memref<16x128xi32, #tpu.memory_space<vmem>> -> memref<1x128xi32, #tpu.memory_space<vmem>>
          %dma_start3A_154 = tpu.memref_squeeze %dma_start3A_153 : memref<1x128xi32, #tpu.memory_space<vmem>> -> memref<128xi32, #tpu.memory_space<vmem>>
          %dma_start3A_155 = arith.constant 0 : i32
          %dma_start3A_156 = arith.constant 0 : i32
          %dma_start3A_157 = tpu.memref_slice %arg15[%dma_start3A_155, %dma_start3A_156] : memref<10240x128xf32, #tpu.memory_space<vmem_shared>> -> memref<10240x128xf32, #tpu.memory_space<vmem_shared>>
          tpu.enqueue_indirect_dma source(%arg13 : memref<128x128xf32, #tpu.memory_space<vmem>>) target(%dma_start3A_157 : memref<10240x128xf32, #tpu.memory_space<vmem_shared>>) offsets(%dma_start3A_154 : memref<128xi32, #tpu.memory_space<vmem>>) semaphore(%run_scoped3A_151 : memref<!tpu.dma_semaphore, #tpu.memory_space<semaphore_mem>>) {add = true}
          %dma_wait3A_158 = arith.constant 0 : i32
          %dma_wait3A_159 = tpu.memref_slice %arg12[%run_scoped3A_138, %dma_wait3A_158] : memref<16x128xi32, #tpu.memory_space<vmem>> -> memref<1x128xi32, #tpu.memory_space<vmem>>
          %dma_wait3A_160 = tpu.memref_squeeze %dma_wait3A_159 : memref<1x128xi32, #tpu.memory_space<vmem>> -> memref<128xi32, #tpu.memory_space<vmem>>
          %dma_wait3A_161 = arith.constant 0 : i32
          %dma_wait3A_162 = arith.constant 0 : i32
          %dma_wait3A_163 = tpu.memref_slice %arg15[%dma_wait3A_161, %dma_wait3A_162] : memref<10240x128xf32, #tpu.memory_space<vmem_shared>> -> memref<10240x128xf32, #tpu.memory_space<vmem_shared>>
          tpu.wait_indirect_dma semaphore(%run_scoped3A_151 : memref<!tpu.dma_semaphore, #tpu.memory_space<semaphore_mem>>) src(%arg13 : memref<128x128xf32, #tpu.memory_space<vmem>>) dst(%dma_wait3A_163 : memref<10240x128xf32, #tpu.memory_space<vmem_shared>>)
          tpu.yield
        }) : () -> ()
        %dma_wait3A_139 = arith.constant 0 : i32
        %dma_wait3A_140 = arith.constant 0 : i32
        %dma_wait3A_141 = tpu.memref_slice %arg3[%dma_wait3A_139, %dma_wait3A_140] : memref<10240x128xf32, #tpu.memory_space<hbm>> -> memref<128x128xf32, #tpu.memory_space<hbm>>
        %dma_wait3A_142 = arith.constant 0 : i32
        %dma_wait3A_143 = arith.constant 0 : i32
        %dma_wait3A_144 = tpu.memref_slice %arg3[%dma_wait3A_142, %dma_wait3A_143] : memref<10240x128xf32, #tpu.memory_space<hbm>> -> memref<128x128xf32, #tpu.memory_space<hbm>>
        tpu.wait_dma2 semaphore(%arg17 : memref<!tpu.dma_semaphore, #tpu.memory_space<semaphore_mem>>) src(%dma_wait3A_144 : memref<128x128xf32, #tpu.memory_space<hbm>>) dst(%arg14 : memref<128x128xf32, #tpu.memory_space<vmem>>)
        %run_scoped3A_145 = arith.constant 15 : i32
        "tpu.region"() ({
          %run_scoped3A_151 = tpu.sem_alloc : memref<!tpu.dma_semaphore, #tpu.memory_space<semaphore_mem>>
          %dma_start3A_152 = arith.constant 0 : i32
          %dma_start3A_153 = tpu.memref_slice %arg12[%run_scoped3A_145, %dma_start3A_152] : memref<16x128xi32, #tpu.memory_space<vmem>> -> memref<1x128xi32, #tpu.memory_space<vmem>>
          %dma_start3A_154 = tpu.memref_squeeze %dma_start3A_153 : memref<1x128xi32, #tpu.memory_space<vmem>> -> memref<128xi32, #tpu.memory_space<vmem>>
          %dma_start3A_155 = arith.constant 0 : i32
          %dma_start3A_156 = arith.constant 0 : i32
          %dma_start3A_157 = tpu.memref_slice %arg15[%dma_start3A_155, %dma_start3A_156] : memref<10240x128xf32, #tpu.memory_space<vmem_shared>> -> memref<10240x128xf32, #tpu.memory_space<vmem_shared>>
          tpu.enqueue_indirect_dma source(%arg14 : memref<128x128xf32, #tpu.memory_space<vmem>>) target(%dma_start3A_157 : memref<10240x128xf32, #tpu.memory_space<vmem_shared>>) offsets(%dma_start3A_154 : memref<128xi32, #tpu.memory_space<vmem>>) semaphore(%run_scoped3A_151 : memref<!tpu.dma_semaphore, #tpu.memory_space<semaphore_mem>>) {add = true}
          %dma_wait3A_158 = arith.constant 0 : i32
          %dma_wait3A_159 = tpu.memref_slice %arg12[%run_scoped3A_145, %dma_wait3A_158] : memref<16x128xi32, #tpu.memory_space<vmem>> -> memref<1x128xi32, #tpu.memory_space<vmem>>
          %dma_wait3A_160 = tpu.memref_squeeze %dma_wait3A_159 : memref<1x128xi32, #tpu.memory_space<vmem>> -> memref<128xi32, #tpu.memory_space<vmem>>
          %dma_wait3A_161 = arith.constant 0 : i32
          %dma_wait3A_162 = arith.constant 0 : i32
          %dma_wait3A_163 = tpu.memref_slice %arg15[%dma_wait3A_161, %dma_wait3A_162] : memref<10240x128xf32, #tpu.memory_space<vmem_shared>> -> memref<10240x128xf32, #tpu.memory_space<vmem_shared>>
          tpu.wait_indirect_dma semaphore(%run_scoped3A_151 : memref<!tpu.dma_semaphore, #tpu.memory_space<semaphore_mem>>) src(%arg14 : memref<128x128xf32, #tpu.memory_space<vmem>>) dst(%dma_wait3A_163 : memref<10240x128xf32, #tpu.memory_space<vmem_shared>>)
          tpu.yield
        }) : () -> ()
        %lt3A_146 = arith.constant 4 : i32
        %lt3A_147 = arith.cmpi slt, %add3A_53, %lt3A_146 : i32
        %convert_element_type3A_148 = arith.extui %lt3A_147 : i1 to i32
        %cond3A_149 = arith.constant 0 : i32
        %cond3A_150 = arith.cmpi ne, %convert_element_type3A_148, %cond3A_149 : i32
        scf.if %cond3A_150 {
          %mul3A_151 = arith.constant 2 : i32
          %mul3A_152 = arith.muli %mul3A_151, %add3A_53 : i32
          %add3A_153 = arith.constant 3 : i32
          %add3A_154 = arith.addi %mul3A_152, %add3A_153 : i32
          %mul3A_155 = arith.constant 160 : i32
          %mul3A_156 = arith.muli %arg1, %mul3A_155 : i32
          %mul3A_157 = arith.constant 16 : i32
          %mul3A_158 = arith.muli %add3A_154, %mul3A_157 : i32
          %add3A_159 = arith.addi %mul3A_156, %mul3A_158 : i32
          %dma_start3A_160 = arith.constant 0 : i32
          %dma_start3A_161 = tpu.memref_slice %arg6[%add3A_159, %dma_start3A_160] : memref<2560x128xi32, #tpu.memory_space<hbm>> -> memref<16x128xi32, #tpu.memory_space<hbm>>
          %dma_start3A_162 = arith.constant 0 : i32
          %dma_start3A_163 = tpu.memref_slice %arg6[%add3A_159, %dma_start3A_162] : memref<2560x128xi32, #tpu.memory_space<hbm>> -> memref<16x128xi32, #tpu.memory_space<hbm>>
          tpu.enqueue_dma source(%dma_start3A_163 : memref<16x128xi32, #tpu.memory_space<hbm>>) target(%arg11 : memref<16x128xi32, #tpu.memory_space<vmem>>) target_semaphore(%arg19 : memref<!tpu.dma_semaphore, #tpu.memory_space<semaphore_mem>>)
          %dma_start3A_164 = arith.constant 0 : i32
          %dma_start3A_165 = tpu.memref_slice %arg7[%add3A_159, %dma_start3A_164] : memref<2560x128xi32, #tpu.memory_space<hbm>> -> memref<16x128xi32, #tpu.memory_space<hbm>>
          %dma_start3A_166 = arith.constant 0 : i32
          %dma_start3A_167 = tpu.memref_slice %arg7[%add3A_159, %dma_start3A_166] : memref<2560x128xi32, #tpu.memory_space<hbm>> -> memref<16x128xi32, #tpu.memory_space<hbm>>
          tpu.enqueue_dma source(%dma_start3A_167 : memref<16x128xi32, #tpu.memory_space<hbm>>) target(%arg12 : memref<16x128xi32, #tpu.memory_space<vmem>>) target_semaphore(%arg19 : memref<!tpu.dma_semaphore, #tpu.memory_space<semaphore_mem>>)
        } else {
        }
      }
      %scan3A_48 = arith.constant 5 : i32
    } else {
    }
    %barrier3A_17 = arith.constant 0 : index
    tpu.barrier barrier_id(%barrier3A_17)
    %mul3A = arith.constant 640 : i32
    %mul3A_18 = arith.muli %arg1, %mul3A : i32
    %mul3A_19 = arith.constant 16 : i32
    %mul3A_20 = arith.muli %arg0, %mul3A_19 : i32
    %add3A = arith.addi %mul3A_20, %arg1 : i32
    "tpu.region"() ({
      %run_scoped3A = tpu.sem_alloc : memref<!tpu.dma_semaphore, #tpu.memory_space<semaphore_mem>>
      %dma_start3A = arith.constant 0 : i32
      %dma_start3A_21 = arith.constant 0 : i32
      %dma_start3A_22 = tpu.memref_slice %arg8[%add3A, %dma_start3A, %dma_start3A_21] : memref<32x640x128xf32, #tpu.memory_space<hbm>> -> memref<1x640x128xf32, #tpu.memory_space<hbm>>
      %dma_start3A_23 = tpu.memref_squeeze %dma_start3A_22 : memref<1x640x128xf32, #tpu.memory_space<hbm>> -> memref<640x128xf32, #tpu.memory_space<hbm>>
      %dma_start3A_24 = arith.constant 0 : i32
      %dma_start3A_25 = tpu.memref_slice %arg15[%mul3A_18, %dma_start3A_24] : memref<10240x128xf32, #tpu.memory_space<vmem_shared>> -> memref<640x128xf32, #tpu.memory_space<vmem_shared>>
      tpu.enqueue_dma source(%dma_start3A_25 : memref<640x128xf32, #tpu.memory_space<vmem_shared>>) target(%dma_start3A_23 : memref<640x128xf32, #tpu.memory_space<hbm>>) target_semaphore(%run_scoped3A : memref<!tpu.dma_semaphore, #tpu.memory_space<semaphore_mem>>)
      %dma_wait3A = arith.constant 0 : i32
      %dma_wait3A_26 = arith.constant 0 : i32
      %dma_wait3A_27 = tpu.memref_slice %arg8[%add3A, %dma_wait3A, %dma_wait3A_26] : memref<32x640x128xf32, #tpu.memory_space<hbm>> -> memref<1x640x128xf32, #tpu.memory_space<hbm>>
      %dma_wait3A_28 = tpu.memref_squeeze %dma_wait3A_27 : memref<1x640x128xf32, #tpu.memory_space<hbm>> -> memref<640x128xf32, #tpu.memory_space<hbm>>
      %dma_wait3A_29 = arith.constant 0 : i32
      %dma_wait3A_30 = tpu.memref_slice %arg15[%mul3A_18, %dma_wait3A_29] : memref<10240x128xf32, #tpu.memory_space<vmem_shared>> -> memref<640x128xf32, #tpu.memory_space<vmem_shared>>
      tpu.wait_dma2 semaphore(%run_scoped3A : memref<!tpu.dma_semaphore, #tpu.memory_space<semaphore_mem>>) src(%dma_wait3A_30 : memref<640x128xf32, #tpu.memory_space<vmem_shared>>) dst(%dma_wait3A_28 : memref<640x128xf32, #tpu.memory_space<hbm>>)
      tpu.yield
    }) : () -> ()
    return
  }
}

#map = affine_map<(d0, d1) -> (0, 0)>
#map1 = affine_map<(d0, d1) -> (0, 0, 0)>
module attributes {stable_mosaic.version = 14 : i64} {
  func.func @_deg_kernel(%arg0: i32, %arg1: i32, %arg2: memref<2560x128xi32, #tpu.memory_space<hbm>>, %arg3: memref<2560x128xi32, #tpu.memory_space<hbm>>, %arg4: memref<32x640x16xf32, #tpu.memory_space<hbm>>, %arg5: memref<160x128xi32, #tpu.memory_space<vmem>>, %arg6: memref<128x16xf32, #tpu.memory_space<vmem>>, %arg7: memref<10240x16xf32, #tpu.memory_space<vmem_shared>>) attributes {dimension_semantics = [#tpu.dimension_semantics<core_parallel>, #tpu.dimension_semantics<subcore_parallel>], iteration_bounds = array<i64: 2, 16>, scalar_prefetch = 0 : i64, scratch_operands = 3 : i64, tpu.core_type = #tpu.core_type<sc_vector_subcore>, window_params = [{transform_indices = #map}, {transform_indices = #map}, {transform_indices = #map1}]} {
    %eq3A = arith.constant 0 : i32
    %eq3A_0 = arith.cmpi eq, %arg0, %eq3A : i32
    %convert_element_type3A = arith.extui %eq3A_0 : i1 to i32
    %cond3A = arith.constant 0 : i32
    %cond3A_1 = arith.cmpi ne, %convert_element_type3A, %cond3A : i32
    scf.if %cond3A_1 {
      %mul3A_33 = arith.constant 160 : i32
      %mul3A_34 = arith.muli %arg1, %mul3A_33 : i32
      "tpu.region"() ({
        %run_scoped3A = tpu.sem_alloc : memref<!tpu.dma_semaphore, #tpu.memory_space<semaphore_mem>>
        %dma_start3A = arith.constant 0 : i32
        %dma_start3A_35 = tpu.memref_slice %arg2[%mul3A_34, %dma_start3A] : memref<2560x128xi32, #tpu.memory_space<hbm>> -> memref<160x128xi32, #tpu.memory_space<hbm>>
        %dma_start3A_36 = arith.constant 0 : i32
        %dma_start3A_37 = tpu.memref_slice %arg2[%mul3A_34, %dma_start3A_36] : memref<2560x128xi32, #tpu.memory_space<hbm>> -> memref<160x128xi32, #tpu.memory_space<hbm>>
        tpu.enqueue_dma source(%dma_start3A_37 : memref<160x128xi32, #tpu.memory_space<hbm>>) target(%arg5 : memref<160x128xi32, #tpu.memory_space<vmem>>) target_semaphore(%run_scoped3A : memref<!tpu.dma_semaphore, #tpu.memory_space<semaphore_mem>>)
        %dma_wait3A = arith.constant 0 : i32
        %dma_wait3A_38 = tpu.memref_slice %arg2[%mul3A_34, %dma_wait3A] : memref<2560x128xi32, #tpu.memory_space<hbm>> -> memref<160x128xi32, #tpu.memory_space<hbm>>
        %dma_wait3A_39 = arith.constant 0 : i32
        %dma_wait3A_40 = tpu.memref_slice %arg2[%mul3A_34, %dma_wait3A_39] : memref<2560x128xi32, #tpu.memory_space<hbm>> -> memref<160x128xi32, #tpu.memory_space<hbm>>
        tpu.wait_dma2 semaphore(%run_scoped3A : memref<!tpu.dma_semaphore, #tpu.memory_space<semaphore_mem>>) src(%dma_wait3A_40 : memref<160x128xi32, #tpu.memory_space<hbm>>) dst(%arg5 : memref<160x128xi32, #tpu.memory_space<vmem>>)
        tpu.yield
      }) : () -> ()
    } else {
    }
    %eq3A_2 = arith.constant 1 : i32
    %eq3A_3 = arith.cmpi eq, %arg0, %eq3A_2 : i32
    %convert_element_type3A_4 = arith.extui %eq3A_3 : i1 to i32
    %cond3A_5 = arith.constant 0 : i32
    %cond3A_6 = arith.cmpi ne, %convert_element_type3A_4, %cond3A_5 : i32
    scf.if %cond3A_6 {
      %mul3A_33 = arith.constant 160 : i32
      %mul3A_34 = arith.muli %arg1, %mul3A_33 : i32
      "tpu.region"() ({
        %run_scoped3A = tpu.sem_alloc : memref<!tpu.dma_semaphore, #tpu.memory_space<semaphore_mem>>
        %dma_start3A = arith.constant 0 : i32
        %dma_start3A_35 = tpu.memref_slice %arg3[%mul3A_34, %dma_start3A] : memref<2560x128xi32, #tpu.memory_space<hbm>> -> memref<160x128xi32, #tpu.memory_space<hbm>>
        %dma_start3A_36 = arith.constant 0 : i32
        %dma_start3A_37 = tpu.memref_slice %arg3[%mul3A_34, %dma_start3A_36] : memref<2560x128xi32, #tpu.memory_space<hbm>> -> memref<160x128xi32, #tpu.memory_space<hbm>>
        tpu.enqueue_dma source(%dma_start3A_37 : memref<160x128xi32, #tpu.memory_space<hbm>>) target(%arg5 : memref<160x128xi32, #tpu.memory_space<vmem>>) target_semaphore(%run_scoped3A : memref<!tpu.dma_semaphore, #tpu.memory_space<semaphore_mem>>)
        %dma_wait3A = arith.constant 0 : i32
        %dma_wait3A_38 = tpu.memref_slice %arg3[%mul3A_34, %dma_wait3A] : memref<2560x128xi32, #tpu.memory_space<hbm>> -> memref<160x128xi32, #tpu.memory_space<hbm>>
        %dma_wait3A_39 = arith.constant 0 : i32
        %dma_wait3A_40 = tpu.memref_slice %arg3[%mul3A_34, %dma_wait3A_39] : memref<2560x128xi32, #tpu.memory_space<hbm>> -> memref<160x128xi32, #tpu.memory_space<hbm>>
        tpu.wait_dma2 semaphore(%run_scoped3A : memref<!tpu.dma_semaphore, #tpu.memory_space<semaphore_mem>>) src(%dma_wait3A_40 : memref<160x128xi32, #tpu.memory_space<hbm>>) dst(%arg5 : memref<160x128xi32, #tpu.memory_space<vmem>>)
        tpu.yield
      }) : () -> ()
    } else {
    }
    %broadcast_in_dim3A = arith.constant 0.000000e+00 : f32
    %broadcast_in_dim3A_7 = vector.broadcast %broadcast_in_dim3A : f32 to vector<16xf32>
    %scan3A = arith.constant 0 : i32
    %scan3A_8 = arith.constant 128 : i32
    %scan3A_9 = arith.addi %scan3A, %scan3A_8 : i32
    %scan3A_10 = arith.constant 1 : i32
    scf.for %scan3A_33 = %scan3A to %scan3A_9 step %scan3A_10  : i32 {
      %mul3A_34 = arith.constant 1 : i32
      %mul3A_35 = arith.muli %scan3A_33, %mul3A_34 : i32
      %add3A_36 = arith.constant 0 : i32
      %add3A_37 = arith.addi %add3A_36, %mul3A_35 : i32
      %swap3A = arith.index_cast %add3A_37 : i32 to index
      %swap3A_38 = arith.constant 0 : index
      %swap3A_39 = tpu.vector_load %arg6[%swap3A, %swap3A_38] {strides = array<i32>} : memref<128x16xf32, #tpu.memory_space<vmem>>, vector<1x16xf32>,
      %swap3A_40 = vector.shape_cast %swap3A_39 : vector<1x16xf32> to vector<16xf32>
      %swap3A_41 = vector.shape_cast %broadcast_in_dim3A_7 : vector<16xf32> to vector<1x16xf32>
      tpu.vector_store %arg6[%swap3A, %swap3A_38], %swap3A_41 {strides = array<i32>} : memref<128x16xf32, #tpu.memory_space<vmem>>, vector<1x16xf32>,
    }
    %scan3A_11 = arith.constant 128 : i32
    %scan3A_12 = arith.constant 0 : i32
    %scan3A_13 = arith.constant 5 : i32
    %scan3A_14 = arith.addi %scan3A_12, %scan3A_13 : i32
    %scan3A_15 = arith.constant 1 : i32
    scf.for %scan3A_33 = %scan3A_12 to %scan3A_14 step %scan3A_15  : i32 {
      %mul3A_34 = arith.constant 1 : i32
      %mul3A_35 = arith.muli %scan3A_33, %mul3A_34 : i32
      %add3A_36 = arith.constant 0 : i32
      %add3A_37 = arith.addi %add3A_36, %mul3A_35 : i32
      %mul3A_38 = arith.constant 640 : i32
      %mul3A_39 = arith.muli %arg1, %mul3A_38 : i32
      %mul3A_40 = arith.constant 128 : i32
      %mul3A_41 = arith.muli %add3A_37, %mul3A_40 : i32
      %add3A_42 = arith.addi %mul3A_39, %mul3A_41 : i32
      "tpu.region"() ({
        %run_scoped3A = tpu.sem_alloc : memref<!tpu.dma_semaphore, #tpu.memory_space<semaphore_mem>>
        %dma_start3A = arith.constant 0 : i32
        %dma_start3A_43 = tpu.memref_slice %arg7[%add3A_42, %dma_start3A] : memref<10240x16xf32, #tpu.memory_space<vmem_shared>> -> memref<128x16xf32, #tpu.memory_space<vmem_shared>>
        %dma_start3A_44 = arith.constant 0 : i32
        %dma_start3A_45 = tpu.memref_slice %arg7[%add3A_42, %dma_start3A_44] : memref<10240x16xf32, #tpu.memory_space<vmem_shared>> -> memref<128x16xf32, #tpu.memory_space<vmem_shared>>
        tpu.enqueue_dma source(%arg6 : memref<128x16xf32, #tpu.memory_space<vmem>>) target(%dma_start3A_45 : memref<128x16xf32, #tpu.memory_space<vmem_shared>>) target_semaphore(%run_scoped3A : memref<!tpu.dma_semaphore, #tpu.memory_space<semaphore_mem>>)
        %dma_wait3A = arith.constant 0 : i32
        %dma_wait3A_46 = tpu.memref_slice %arg7[%add3A_42, %dma_wait3A] : memref<10240x16xf32, #tpu.memory_space<vmem_shared>> -> memref<128x16xf32, #tpu.memory_space<vmem_shared>>
        %dma_wait3A_47 = arith.constant 0 : i32
        %dma_wait3A_48 = tpu.memref_slice %arg7[%add3A_42, %dma_wait3A_47] : memref<10240x16xf32, #tpu.memory_space<vmem_shared>> -> memref<128x16xf32, #tpu.memory_space<vmem_shared>>
        tpu.wait_dma2 semaphore(%run_scoped3A : memref<!tpu.dma_semaphore, #tpu.memory_space<semaphore_mem>>) src(%arg6 : memref<128x16xf32, #tpu.memory_space<vmem>>) dst(%dma_wait3A_48 : memref<128x16xf32, #tpu.memory_space<vmem_shared>>)
        tpu.yield
      }) : () -> ()
    }
    %scan3A_16 = arith.constant 5 : i32
    %broadcast_in_dim3A_17 = arith.constant 1.000000e+00 : f32
    %broadcast_in_dim3A_18 = vector.broadcast %broadcast_in_dim3A_17 : f32 to vector<16xf32>
    %scan3A_19 = arith.constant 0 : i32
    %scan3A_20 = arith.constant 128 : i32
    %scan3A_21 = arith.addi %scan3A_19, %scan3A_20 : i32
    %scan3A_22 = arith.constant 1 : i32
    scf.for %scan3A_33 = %scan3A_19 to %scan3A_21 step %scan3A_22  : i32 {
      %mul3A_34 = arith.constant 1 : i32
      %mul3A_35 = arith.muli %scan3A_33, %mul3A_34 : i32
      %add3A_36 = arith.constant 0 : i32
      %add3A_37 = arith.addi %add3A_36, %mul3A_35 : i32
      %swap3A = arith.index_cast %add3A_37 : i32 to index
      %swap3A_38 = arith.constant 0 : index
      %swap3A_39 = tpu.vector_load %arg6[%swap3A, %swap3A_38] {strides = array<i32>} : memref<128x16xf32, #tpu.memory_space<vmem>>, vector<1x16xf32>,
      %swap3A_40 = vector.shape_cast %swap3A_39 : vector<1x16xf32> to vector<16xf32>
      %swap3A_41 = vector.shape_cast %broadcast_in_dim3A_18 : vector<16xf32> to vector<1x16xf32>
      tpu.vector_store %arg6[%swap3A, %swap3A_38], %swap3A_41 {strides = array<i32>} : memref<128x16xf32, #tpu.memory_space<vmem>>, vector<1x16xf32>,
    }
    %scan3A_23 = arith.constant 128 : i32
    %barrier3A = arith.constant 0 : index
    tpu.barrier barrier_id(%barrier3A)
    %scan3A_24 = arith.constant 0 : i32
    %scan3A_25 = arith.constant 160 : i32
    %scan3A_26 = arith.addi %scan3A_24, %scan3A_25 : i32
    %scan3A_27 = arith.constant 1 : i32
    scf.for %scan3A_33 = %scan3A_24 to %scan3A_26 step %scan3A_27  : i32 {
      %mul3A_34 = arith.constant 1 : i32
      %mul3A_35 = arith.muli %scan3A_33, %mul3A_34 : i32
      %add3A_36 = arith.constant 0 : i32
      %add3A_37 = arith.addi %add3A_36, %mul3A_35 : i32
      "tpu.region"() ({
        %run_scoped3A = tpu.sem_alloc : memref<!tpu.dma_semaphore, #tpu.memory_space<semaphore_mem>>
        %dma_start3A = arith.constant 0 : i32
        %dma_start3A_38 = tpu.memref_slice %arg5[%add3A_37, %dma_start3A] : memref<160x128xi32, #tpu.memory_space<vmem>> -> memref<1x128xi32, #tpu.memory_space<vmem>>
        %dma_start3A_39 = tpu.memref_squeeze %dma_start3A_38 : memref<1x128xi32, #tpu.memory_space<vmem>> -> memref<128xi32, #tpu.memory_space<vmem>>
        %dma_start3A_40 = arith.constant 0 : i32
        %dma_start3A_41 = arith.constant 0 : i32
        %dma_start3A_42 = tpu.memref_slice %arg7[%dma_start3A_40, %dma_start3A_41] : memref<10240x16xf32, #tpu.memory_space<vmem_shared>> -> memref<10240x16xf32, #tpu.memory_space<vmem_shared>>
        tpu.enqueue_indirect_dma source(%arg6 : memref<128x16xf32, #tpu.memory_space<vmem>>) target(%dma_start3A_42 : memref<10240x16xf32, #tpu.memory_space<vmem_shared>>) offsets(%dma_start3A_39 : memref<128xi32, #tpu.memory_space<vmem>>) semaphore(%run_scoped3A : memref<!tpu.dma_semaphore, #tpu.memory_space<semaphore_mem>>) {add = true}
        %dma_wait3A = arith.constant 0 : i32
        %dma_wait3A_43 = tpu.memref_slice %arg5[%add3A_37, %dma_wait3A] : memref<160x128xi32, #tpu.memory_space<vmem>> -> memref<1x128xi32, #tpu.memory_space<vmem>>
        %dma_wait3A_44 = tpu.memref_squeeze %dma_wait3A_43 : memref<1x128xi32, #tpu.memory_space<vmem>> -> memref<128xi32, #tpu.memory_space<vmem>>
        %dma_wait3A_45 = arith.constant 0 : i32
        %dma_wait3A_46 = arith.constant 0 : i32
        %dma_wait3A_47 = tpu.memref_slice %arg7[%dma_wait3A_45, %dma_wait3A_46] : memref<10240x16xf32, #tpu.memory_space<vmem_shared>> -> memref<10240x16xf32, #tpu.memory_space<vmem_shared>>
        tpu.wait_indirect_dma semaphore(%run_scoped3A : memref<!tpu.dma_semaphore, #tpu.memory_space<semaphore_mem>>) src(%arg6 : memref<128x16xf32, #tpu.memory_space<vmem>>) dst(%dma_wait3A_47 : memref<10240x16xf32, #tpu.memory_space<vmem_shared>>)
        tpu.yield
      }) : () -> ()
    }
    %scan3A_28 = arith.constant 160 : i32
    %barrier3A_29 = arith.constant 0 : index
    tpu.barrier barrier_id(%barrier3A_29)
    %mul3A = arith.constant 640 : i32
    %mul3A_30 = arith.muli %arg1, %mul3A : i32
    %mul3A_31 = arith.constant 16 : i32
    %mul3A_32 = arith.muli %arg0, %mul3A_31 : i32
    %add3A = arith.addi %mul3A_32, %arg1 : i32
    "tpu.region"() ({
      %run_scoped3A = tpu.sem_alloc : memref<!tpu.dma_semaphore, #tpu.memory_space<semaphore_mem>>
      %dma_start3A = arith.constant 0 : i32
      %dma_start3A_33 = arith.constant 0 : i32
      %dma_start3A_34 = tpu.memref_slice %arg4[%add3A, %dma_start3A, %dma_start3A_33] : memref<32x640x16xf32, #tpu.memory_space<hbm>> -> memref<1x640x16xf32, #tpu.memory_space<hbm>>
      %dma_start3A_35 = tpu.memref_squeeze %dma_start3A_34 : memref<1x640x16xf32, #tpu.memory_space<hbm>> -> memref<640x16xf32, #tpu.memory_space<hbm>>
      %dma_start3A_36 = arith.constant 0 : i32
      %dma_start3A_37 = tpu.memref_slice %arg7[%mul3A_30, %dma_start3A_36] : memref<10240x16xf32, #tpu.memory_space<vmem_shared>> -> memref<640x16xf32, #tpu.memory_space<vmem_shared>>
      tpu.enqueue_dma source(%dma_start3A_37 : memref<640x16xf32, #tpu.memory_space<vmem_shared>>) target(%dma_start3A_35 : memref<640x16xf32, #tpu.memory_space<hbm>>) target_semaphore(%run_scoped3A : memref<!tpu.dma_semaphore, #tpu.memory_space<semaphore_mem>>)
      %dma_wait3A = arith.constant 0 : i32
      %dma_wait3A_38 = arith.constant 0 : i32
      %dma_wait3A_39 = tpu.memref_slice %arg4[%add3A, %dma_wait3A, %dma_wait3A_38] : memref<32x640x16xf32, #tpu.memory_space<hbm>> -> memref<1x640x16xf32, #tpu.memory_space<hbm>>
      %dma_wait3A_40 = tpu.memref_squeeze %dma_wait3A_39 : memref<1x640x16xf32, #tpu.memory_space<hbm>> -> memref<640x16xf32, #tpu.memory_space<hbm>>
      %dma_wait3A_41 = arith.constant 0 : i32
      %dma_wait3A_42 = tpu.memref_slice %arg7[%mul3A_30, %dma_wait3A_41] : memref<10240x16xf32, #tpu.memory_space<vmem_shared>> -> memref<640x16xf32, #tpu.memory_space<vmem_shared>>
      tpu.wait_dma2 semaphore(%run_scoped3A : memref<!tpu.dma_semaphore, #tpu.memory_space<semaphore_mem>>) src(%dma_wait3A_42 : memref<640x16xf32, #tpu.memory_space<vmem_shared>>) dst(%dma_wait3A_40 : memref<640x16xf32, #tpu.memory_space<hbm>>)
      tpu.yield
    }) : () -> ()
    return
  }
}

#map = affine_map<(d0, d1) -> (0, 0)>
#map1 = affine_map<(d0, d1) -> (0, 0, 0)>
module attributes {stable_mosaic.version = 14 : i64} {
  func.func @_spmm_kernel(%arg0: i32, %arg1: i32, %arg2: memref<10240x128xf32, #tpu.memory_space<hbm>>, %arg3: memref<10240x128xf32, #tpu.memory_space<hbm>>, %arg4: memref<2560x128xi32, #tpu.memory_space<hbm>>, %arg5: memref<2560x128xi32, #tpu.memory_space<hbm>>, %arg6: memref<2560x128xi32, #tpu.memory_space<hbm>>, %arg7: memref<2560x128xi32, #tpu.memory_space<hbm>>, %arg8: memref<32x640x128xf32, #tpu.memory_space<hbm>>, %arg9: memref<16x128xi32, #tpu.memory_space<vmem>>, %arg10: memref<16x128xi32, #tpu.memory_space<vmem>>, %arg11: memref<16x128xi32, #tpu.memory_space<vmem>>, %arg12: memref<16x128xi32, #tpu.memory_space<vmem>>, %arg13: memref<128x128xf32, #tpu.memory_space<vmem>>, %arg14: memref<128x128xf32, #tpu.memory_space<vmem>>, %arg15: memref<10240x128xf32, #tpu.memory_space<vmem_shared>>, %arg16: memref<!tpu.dma_semaphore, #tpu.memory_space<semaphore_mem>>, %arg17: memref<!tpu.dma_semaphore, #tpu.memory_space<semaphore_mem>>, %arg18: memref<!tpu.dma_semaphore, #tpu.memory_space<semaphore_mem>>, %arg19: memref<!tpu.dma_semaphore, #tpu.memory_space<semaphore_mem>>) attributes {dimension_semantics = [#tpu.dimension_semantics<core_parallel>, #tpu.dimension_semantics<subcore_parallel>], iteration_bounds = array<i64: 2, 16>, scalar_prefetch = 0 : i64, scratch_operands = 11 : i64, tpu.core_type = #tpu.core_type<sc_vector_subcore>, window_params = [{transform_indices = #map}, {transform_indices = #map}, {transform_indices = #map}, {transform_indices = #map}, {transform_indices = #map}, {transform_indices = #map}, {transform_indices = #map1}]} {
    %broadcast_in_dim3A = arith.constant 0.000000e+00 : f32
    %broadcast_in_dim3A_0 = vector.broadcast %broadcast_in_dim3A : f32 to vector<16xf32>
    %scan3A = arith.constant 0 : i32
    %scan3A_1 = arith.constant 128 : i32
    %scan3A_2 = arith.addi %scan3A, %scan3A_1 : i32
    %scan3A_3 = arith.constant 1 : i32
    scf.for %scan3A_21 = %scan3A to %scan3A_2 step %scan3A_3  : i32 {
      %mul3A_22 = arith.constant 1 : i32
      %mul3A_23 = arith.muli %scan3A_21, %mul3A_22 : i32
      %add3A_24 = arith.constant 0 : i32
      %add3A_25 = arith.addi %add3A_24, %mul3A_23 : i32
      %swap3A = arith.index_cast %add3A_25 : i32 to index
      %swap3A_26 = arith.constant 0 : index
      %swap3A_27 = tpu.vector_load %arg13[%swap3A, %swap3A_26] {strides = array<i32>} : memref<128x128xf32, #tpu.memory_space<vmem>>, vector<1x16xf32>,
      %swap3A_28 = vector.shape_cast %swap3A_27 : vector<1x16xf32> to vector<16xf32>
      %swap3A_29 = vector.shape_cast %broadcast_in_dim3A_0 : vector<16xf32> to vector<1x16xf32>
      tpu.vector_store %arg13[%swap3A, %swap3A_26], %swap3A_29 {strides = array<i32>} : memref<128x128xf32, #tpu.memory_space<vmem>>, vector<1x16xf32>,
      %swap3A_30 = arith.index_cast %add3A_25 : i32 to index
      %swap3A_31 = arith.constant 16 : index
      %swap3A_32 = tpu.vector_load %arg13[%swap3A_30, %swap3A_31] {strides = array<i32>} : memref<128x128xf32, #tpu.memory_space<vmem>>, vector<1x16xf32>,
      %swap3A_33 = vector.shape_cast %swap3A_32 : vector<1x16xf32> to vector<16xf32>
      %swap3A_34 = vector.shape_cast %broadcast_in_dim3A_0 : vector<16xf32> to vector<1x16xf32>
      tpu.vector_store %arg13[%swap3A_30, %swap3A_31], %swap3A_34 {strides = array<i32>} : memref<128x128xf32, #tpu.memory_space<vmem>>, vector<1x16xf32>,
      %swap3A_35 = arith.index_cast %add3A_25 : i32 to index
      %swap3A_36 = arith.constant 32 : index
      %swap3A_37 = tpu.vector_load %arg13[%swap3A_35, %swap3A_36] {strides = array<i32>} : memref<128x128xf32, #tpu.memory_space<vmem>>, vector<1x16xf32>,
      %swap3A_38 = vector.shape_cast %swap3A_37 : vector<1x16xf32> to vector<16xf32>
      %swap3A_39 = vector.shape_cast %broadcast_in_dim3A_0 : vector<16xf32> to vector<1x16xf32>
      tpu.vector_store %arg13[%swap3A_35, %swap3A_36], %swap3A_39 {strides = array<i32>} : memref<128x128xf32, #tpu.memory_space<vmem>>, vector<1x16xf32>,
      %swap3A_40 = arith.index_cast %add3A_25 : i32 to index
      %swap3A_41 = arith.constant 48 : index
      %swap3A_42 = tpu.vector_load %arg13[%swap3A_40, %swap3A_41] {strides = array<i32>} : memref<128x128xf32, #tpu.memory_space<vmem>>, vector<1x16xf32>,
      %swap3A_43 = vector.shape_cast %swap3A_42 : vector<1x16xf32> to vector<16xf32>
      %swap3A_44 = vector.shape_cast %broadcast_in_dim3A_0 : vector<16xf32> to vector<1x16xf32>
      tpu.vector_store %arg13[%swap3A_40, %swap3A_41], %swap3A_44 {strides = array<i32>} : memref<128x128xf32, #tpu.memory_space<vmem>>, vector<1x16xf32>,
      %swap3A_45 = arith.index_cast %add3A_25 : i32 to index
      %swap3A_46 = arith.constant 64 : index
      %swap3A_47 = tpu.vector_load %arg13[%swap3A_45, %swap3A_46] {strides = array<i32>} : memref<128x128xf32, #tpu.memory_space<vmem>>, vector<1x16xf32>,
      %swap3A_48 = vector.shape_cast %swap3A_47 : vector<1x16xf32> to vector<16xf32>
      %swap3A_49 = vector.shape_cast %broadcast_in_dim3A_0 : vector<16xf32> to vector<1x16xf32>
      tpu.vector_store %arg13[%swap3A_45, %swap3A_46], %swap3A_49 {strides = array<i32>} : memref<128x128xf32, #tpu.memory_space<vmem>>, vector<1x16xf32>,
      %swap3A_50 = arith.index_cast %add3A_25 : i32 to index
      %swap3A_51 = arith.constant 80 : index
      %swap3A_52 = tpu.vector_load %arg13[%swap3A_50, %swap3A_51] {strides = array<i32>} : memref<128x128xf32, #tpu.memory_space<vmem>>, vector<1x16xf32>,
      %swap3A_53 = vector.shape_cast %swap3A_52 : vector<1x16xf32> to vector<16xf32>
      %swap3A_54 = vector.shape_cast %broadcast_in_dim3A_0 : vector<16xf32> to vector<1x16xf32>
      tpu.vector_store %arg13[%swap3A_50, %swap3A_51], %swap3A_54 {strides = array<i32>} : memref<128x128xf32, #tpu.memory_space<vmem>>, vector<1x16xf32>,
      %swap3A_55 = arith.index_cast %add3A_25 : i32 to index
      %swap3A_56 = arith.constant 96 : index
      %swap3A_57 = tpu.vector_load %arg13[%swap3A_55, %swap3A_56] {strides = array<i32>} : memref<128x128xf32, #tpu.memory_space<vmem>>, vector<1x16xf32>,
      %swap3A_58 = vector.shape_cast %swap3A_57 : vector<1x16xf32> to vector<16xf32>
      %swap3A_59 = vector.shape_cast %broadcast_in_dim3A_0 : vector<16xf32> to vector<1x16xf32>
      tpu.vector_store %arg13[%swap3A_55, %swap3A_56], %swap3A_59 {strides = array<i32>} : memref<128x128xf32, #tpu.memory_space<vmem>>, vector<1x16xf32>,
      %swap3A_60 = arith.index_cast %add3A_25 : i32 to index
      %swap3A_61 = arith.constant 112 : index
      %swap3A_62 = tpu.vector_load %arg13[%swap3A_60, %swap3A_61] {strides = array<i32>} : memref<128x128xf32, #tpu.memory_space<vmem>>, vector<1x16xf32>,
      %swap3A_63 = vector.shape_cast %swap3A_62 : vector<1x16xf32> to vector<16xf32>
      %swap3A_64 = vector.shape_cast %broadcast_in_dim3A_0 : vector<16xf32> to vector<1x16xf32>
      tpu.vector_store %arg13[%swap3A_60, %swap3A_61], %swap3A_64 {strides = array<i32>} : memref<128x128xf32, #tpu.memory_space<vmem>>, vector<1x16xf32>,
    }
    %scan3A_4 = arith.constant 128 : i32
    %scan3A_5 = arith.constant 0 : i32
    %scan3A_6 = arith.constant 5 : i32
    %scan3A_7 = arith.addi %scan3A_5, %scan3A_6 : i32
    %scan3A_8 = arith.constant 1 : i32
    scf.for %scan3A_21 = %scan3A_5 to %scan3A_7 step %scan3A_8  : i32 {
      %mul3A_22 = arith.constant 1 : i32
      %mul3A_23 = arith.muli %scan3A_21, %mul3A_22 : i32
      %add3A_24 = arith.constant 0 : i32
      %add3A_25 = arith.addi %add3A_24, %mul3A_23 : i32
      %mul3A_26 = arith.constant 640 : i32
      %mul3A_27 = arith.muli %arg1, %mul3A_26 : i32
      %mul3A_28 = arith.constant 128 : i32
      %mul3A_29 = arith.muli %add3A_25, %mul3A_28 : i32
      %add3A_30 = arith.addi %mul3A_27, %mul3A_29 : i32
      "tpu.region"() ({
        %run_scoped3A = tpu.sem_alloc : memref<!tpu.dma_semaphore, #tpu.memory_space<semaphore_mem>>
        %dma_start3A = arith.constant 0 : i32
        %dma_start3A_31 = tpu.memref_slice %arg15[%add3A_30, %dma_start3A] : memref<10240x128xf32, #tpu.memory_space<vmem_shared>> -> memref<128x128xf32, #tpu.memory_space<vmem_shared>>
        %dma_start3A_32 = arith.constant 0 : i32
        %dma_start3A_33 = tpu.memref_slice %arg15[%add3A_30, %dma_start3A_32] : memref<10240x128xf32, #tpu.memory_space<vmem_shared>> -> memref<128x128xf32, #tpu.memory_space<vmem_shared>>
        tpu.enqueue_dma source(%arg13 : memref<128x128xf32, #tpu.memory_space<vmem>>) target(%dma_start3A_33 : memref<128x128xf32, #tpu.memory_space<vmem_shared>>) target_semaphore(%run_scoped3A : memref<!tpu.dma_semaphore, #tpu.memory_space<semaphore_mem>>)
        %dma_wait3A = arith.constant 0 : i32
        %dma_wait3A_34 = tpu.memref_slice %arg15[%add3A_30, %dma_wait3A] : memref<10240x128xf32, #tpu.memory_space<vmem_shared>> -> memref<128x128xf32, #tpu.memory_space<vmem_shared>>
        %dma_wait3A_35 = arith.constant 0 : i32
        %dma_wait3A_36 = tpu.memref_slice %arg15[%add3A_30, %dma_wait3A_35] : memref<10240x128xf32, #tpu.memory_space<vmem_shared>> -> memref<128x128xf32, #tpu.memory_space<vmem_shared>>
        tpu.wait_dma2 semaphore(%run_scoped3A : memref<!tpu.dma_semaphore, #tpu.memory_space<semaphore_mem>>) src(%arg13 : memref<128x128xf32, #tpu.memory_space<vmem>>) dst(%dma_wait3A_36 : memref<128x128xf32, #tpu.memory_space<vmem_shared>>)
        tpu.yield
      }) : () -> ()
    }
    %scan3A_9 = arith.constant 5 : i32
    %barrier3A = arith.constant 0 : index
    tpu.barrier barrier_id(%barrier3A)
    %eq3A = arith.constant 0 : i32
    %eq3A_10 = arith.cmpi eq, %arg0, %eq3A : i32
    %convert_element_type3A = arith.extui %eq3A_10 : i1 to i32
    %cond3A = arith.constant 0 : i32
    %cond3A_11 = arith.cmpi ne, %convert_element_type3A, %cond3A : i32
    scf.if %cond3A_11 {
      %mul3A_21 = arith.constant 160 : i32
      %mul3A_22 = arith.muli %arg1, %mul3A_21 : i32
      %add3A_23 = arith.constant 0 : i32
      %add3A_24 = arith.addi %mul3A_22, %add3A_23 : i32
      %dma_start3A = arith.constant 0 : i32
      %dma_start3A_25 = tpu.memref_slice %arg4[%add3A_24, %dma_start3A] : memref<2560x128xi32, #tpu.memory_space<hbm>> -> memref<16x128xi32, #tpu.memory_space<hbm>>
      %dma_start3A_26 = arith.constant 0 : i32
      %dma_start3A_27 = tpu.memref_slice %arg4[%add3A_24, %dma_start3A_26] : memref<2560x128xi32, #tpu.memory_space<hbm>> -> memref<16x128xi32, #tpu.memory_space<hbm>>
      tpu.enqueue_dma source(%dma_start3A_27 : memref<16x128xi32, #tpu.memory_space<hbm>>) target(%arg9 : memref<16x128xi32, #tpu.memory_space<vmem>>) target_semaphore(%arg18 : memref<!tpu.dma_semaphore, #tpu.memory_space<semaphore_mem>>)
      %dma_start3A_28 = arith.constant 0 : i32
      %dma_start3A_29 = tpu.memref_slice %arg5[%add3A_24, %dma_start3A_28] : memref<2560x128xi32, #tpu.memory_space<hbm>> -> memref<16x128xi32, #tpu.memory_space<hbm>>
      %dma_start3A_30 = arith.constant 0 : i32
      %dma_start3A_31 = tpu.memref_slice %arg5[%add3A_24, %dma_start3A_30] : memref<2560x128xi32, #tpu.memory_space<hbm>> -> memref<16x128xi32, #tpu.memory_space<hbm>>
      tpu.enqueue_dma source(%dma_start3A_31 : memref<16x128xi32, #tpu.memory_space<hbm>>) target(%arg10 : memref<16x128xi32, #tpu.memory_space<vmem>>) target_semaphore(%arg18 : memref<!tpu.dma_semaphore, #tpu.memory_space<semaphore_mem>>)
      %mul3A_32 = arith.constant 160 : i32
      %mul3A_33 = arith.muli %arg1, %mul3A_32 : i32
      %add3A_34 = arith.constant 16 : i32
      %add3A_35 = arith.addi %mul3A_33, %add3A_34 : i32
      %dma_start3A_36 = arith.constant 0 : i32
      %dma_start3A_37 = tpu.memref_slice %arg4[%add3A_35, %dma_start3A_36] : memref<2560x128xi32, #tpu.memory_space<hbm>> -> memref<16x128xi32, #tpu.memory_space<hbm>>
      %dma_start3A_38 = arith.constant 0 : i32
      %dma_start3A_39 = tpu.memref_slice %arg4[%add3A_35, %dma_start3A_38] : memref<2560x128xi32, #tpu.memory_space<hbm>> -> memref<16x128xi32, #tpu.memory_space<hbm>>
      tpu.enqueue_dma source(%dma_start3A_39 : memref<16x128xi32, #tpu.memory_space<hbm>>) target(%arg11 : memref<16x128xi32, #tpu.memory_space<vmem>>) target_semaphore(%arg19 : memref<!tpu.dma_semaphore, #tpu.memory_space<semaphore_mem>>)
      %dma_start3A_40 = arith.constant 0 : i32
      %dma_start3A_41 = tpu.memref_slice %arg5[%add3A_35, %dma_start3A_40] : memref<2560x128xi32, #tpu.memory_space<hbm>> -> memref<16x128xi32, #tpu.memory_space<hbm>>
      %dma_start3A_42 = arith.constant 0 : i32
      %dma_start3A_43 = tpu.memref_slice %arg5[%add3A_35, %dma_start3A_42] : memref<2560x128xi32, #tpu.memory_space<hbm>> -> memref<16x128xi32, #tpu.memory_space<hbm>>
      tpu.enqueue_dma source(%dma_start3A_43 : memref<16x128xi32, #tpu.memory_space<hbm>>) target(%arg12 : memref<16x128xi32, #tpu.memory_space<vmem>>) target_semaphore(%arg19 : memref<!tpu.dma_semaphore, #tpu.memory_space<semaphore_mem>>)
      %scan3A_44 = arith.constant 0 : i32
      %scan3A_45 = arith.constant 5 : i32
      %scan3A_46 = arith.addi %scan3A_44, %scan3A_45 : i32
      %scan3A_47 = arith.constant 1 : i32
      scf.for %scan3A_49 = %scan3A_44 to %scan3A_46 step %scan3A_47  : i32 {
        %mul3A_50 = arith.constant 1 : i32
        %mul3A_51 = arith.muli %scan3A_49, %mul3A_50 : i32
        %add3A_52 = arith.constant 0 : i32
        %add3A_53 = arith.addi %add3A_52, %mul3A_51 : i32
        %dma_wait3A = arith.constant 0 : i32
        %dma_wait3A_54 = arith.constant 0 : i32
        %dma_wait3A_55 = tpu.memref_slice %arg4[%dma_wait3A, %dma_wait3A_54] : memref<2560x128xi32, #tpu.memory_space<hbm>> -> memref<16x128xi32, #tpu.memory_space<hbm>>
        %dma_wait3A_56 = arith.constant 0 : i32
        %dma_wait3A_57 = arith.constant 0 : i32
        %dma_wait3A_58 = tpu.memref_slice %arg4[%dma_wait3A_56, %dma_wait3A_57] : memref<2560x128xi32, #tpu.memory_space<hbm>> -> memref<16x128xi32, #tpu.memory_space<hbm>>
        tpu.wait_dma2 semaphore(%arg18 : memref<!tpu.dma_semaphore, #tpu.memory_space<semaphore_mem>>) src(%dma_wait3A_58 : memref<16x128xi32, #tpu.memory_space<hbm>>) dst(%arg9 : memref<16x128xi32, #tpu.memory_space<vmem>>)
        %dma_wait3A_59 = arith.constant 0 : i32
        %dma_wait3A_60 = arith.constant 0 : i32
        %dma_wait3A_61 = tpu.memref_slice %arg5[%dma_wait3A_59, %dma_wait3A_60] : memref<2560x128xi32, #tpu.memory_space<hbm>> -> memref<16x128xi32, #tpu.memory_space<hbm>>
        %dma_wait3A_62 = arith.constant 0 : i32
        %dma_wait3A_63 = arith.constant 0 : i32
        %dma_wait3A_64 = tpu.memref_slice %arg5[%dma_wait3A_62, %dma_wait3A_63] : memref<2560x128xi32, #tpu.memory_space<hbm>> -> memref<16x128xi32, #tpu.memory_space<hbm>>
        tpu.wait_dma2 semaphore(%arg18 : memref<!tpu.dma_semaphore, #tpu.memory_space<semaphore_mem>>) src(%dma_wait3A_64 : memref<16x128xi32, #tpu.memory_space<hbm>>) dst(%arg10 : memref<16x128xi32, #tpu.memory_space<vmem>>)
        %dma_start3A_65 = arith.constant 0 : i32
        %dma_start3A_66 = arith.constant 0 : i32
        %dma_start3A_67 = tpu.memref_slice %arg9[%dma_start3A_65, %dma_start3A_66] : memref<16x128xi32, #tpu.memory_space<vmem>> -> memref<1x128xi32, #tpu.memory_space<vmem>>
        %dma_start3A_68 = tpu.memref_squeeze %dma_start3A_67 : memref<1x128xi32, #tpu.memory_space<vmem>> -> memref<128xi32, #tpu.memory_space<vmem>>
        %dma_start3A_69 = arith.constant 0 : i32
        %dma_start3A_70 = arith.constant 0 : i32
        %dma_start3A_71 = tpu.memref_slice %arg2[%dma_start3A_69, %dma_start3A_70] : memref<10240x128xf32, #tpu.memory_space<hbm>> -> memref<10240x128xf32, #tpu.memory_space<hbm>>
        tpu.enqueue_indirect_dma source(%dma_start3A_71 : memref<10240x128xf32, #tpu.memory_space<hbm>>) target(%arg13 : memref<128x128xf32, #tpu.memory_space<vmem>>) offsets(%dma_start3A_68 : memref<128xi32, #tpu.memory_space<vmem>>) semaphore(%arg16 : memref<!tpu.dma_semaphore, #tpu.memory_space<semaphore_mem>>)
        %scan3A_72 = arith.constant 0 : i32
        %scan3A_73 = arith.constant 7 : i32
        %scan3A_74 = arith.addi %scan3A_72, %scan3A_73 : i32
        %scan3A_75 = arith.constant 1 : i32
        scf.for %scan3A_151 = %scan3A_72 to %scan3A_74 step %scan3A_75  : i32 {
          %mul3A_152 = arith.constant 1 : i32
          %mul3A_153 = arith.muli %scan3A_151, %mul3A_152 : i32
          %add3A_154 = arith.constant 0 : i32
          %add3A_155 = arith.addi %add3A_154, %mul3A_153 : i32
          %mul3A_156 = arith.constant 2 : i32
          %mul3A_157 = arith.muli %mul3A_156, %add3A_155 : i32
          %add3A_158 = arith.constant 1 : i32
          %add3A_159 = arith.addi %mul3A_157, %add3A_158 : i32
          %dma_start3A_160 = arith.constant 0 : i32
          %dma_start3A_161 = tpu.memref_slice %arg9[%add3A_159, %dma_start3A_160] : memref<16x128xi32, #tpu.memory_space<vmem>> -> memref<1x128xi32, #tpu.memory_space<vmem>>
          %dma_start3A_162 = tpu.memref_squeeze %dma_start3A_161 : memref<1x128xi32, #tpu.memory_space<vmem>> -> memref<128xi32, #tpu.memory_space<vmem>>
          %dma_start3A_163 = arith.constant 0 : i32
          %dma_start3A_164 = arith.constant 0 : i32
          %dma_start3A_165 = tpu.memref_slice %arg2[%dma_start3A_163, %dma_start3A_164] : memref<10240x128xf32, #tpu.memory_space<hbm>> -> memref<10240x128xf32, #tpu.memory_space<hbm>>
          tpu.enqueue_indirect_dma source(%dma_start3A_165 : memref<10240x128xf32, #tpu.memory_space<hbm>>) target(%arg14 : memref<128x128xf32, #tpu.memory_space<vmem>>) offsets(%dma_start3A_162 : memref<128xi32, #tpu.memory_space<vmem>>) semaphore(%arg17 : memref<!tpu.dma_semaphore, #tpu.memory_space<semaphore_mem>>)
          %dma_wait3A_166 = arith.constant 0 : i32
          %dma_wait3A_167 = arith.constant 0 : i32
          %dma_wait3A_168 = tpu.memref_slice %arg2[%dma_wait3A_166, %dma_wait3A_167] : memref<10240x128xf32, #tpu.memory_space<hbm>> -> memref<128x128xf32, #tpu.memory_space<hbm>>
          %dma_wait3A_169 = arith.constant 0 : i32
          %dma_wait3A_170 = arith.constant 0 : i32
          %dma_wait3A_171 = tpu.memref_slice %arg2[%dma_wait3A_169, %dma_wait3A_170] : memref<10240x128xf32, #tpu.memory_space<hbm>> -> memref<128x128xf32, #tpu.memory_space<hbm>>
          tpu.wait_dma2 semaphore(%arg16 : memref<!tpu.dma_semaphore, #tpu.memory_space<semaphore_mem>>) src(%dma_wait3A_171 : memref<128x128xf32, #tpu.memory_space<hbm>>) dst(%arg13 : memref<128x128xf32, #tpu.memory_space<vmem>>)
          %mul3A_172 = arith.constant 2 : i32
          %mul3A_173 = arith.muli %mul3A_172, %add3A_155 : i32
          "tpu.region"() ({
            %run_scoped3A_194 = tpu.sem_alloc : memref<!tpu.dma_semaphore, #tpu.memory_space<semaphore_mem>>
            %dma_start3A_195 = arith.constant 0 : i32
            %dma_start3A_196 = tpu.memref_slice %arg10[%mul3A_173, %dma_start3A_195] : memref<16x128xi32, #tpu.memory_space<vmem>> -> memref<1x128xi32, #tpu.memory_space<vmem>>
            %dma_start3A_197 = tpu.memref_squeeze %dma_start3A_196 : memref<1x128xi32, #tpu.memory_space<vmem>> -> memref<128xi32, #tpu.memory_space<vmem>>
            %dma_start3A_198 = arith.constant 0 : i32
            %dma_start3A_199 = arith.constant 0 : i32
            %dma_start3A_200 = tpu.memref_slice %arg15[%dma_start3A_198, %dma_start3A_199] : memref<10240x128xf32, #tpu.memory_space<vmem_shared>> -> memref<10240x128xf32, #tpu.memory_space<vmem_shared>>
            tpu.enqueue_indirect_dma source(%arg13 : memref<128x128xf32, #tpu.memory_space<vmem>>) target(%dma_start3A_200 : memref<10240x128xf32, #tpu.memory_space<vmem_shared>>) offsets(%dma_start3A_197 : memref<128xi32, #tpu.memory_space<vmem>>) semaphore(%run_scoped3A_194 : memref<!tpu.dma_semaphore, #tpu.memory_space<semaphore_mem>>) {add = true}
            %dma_wait3A_201 = arith.constant 0 : i32
            %dma_wait3A_202 = tpu.memref_slice %arg10[%mul3A_173, %dma_wait3A_201] : memref<16x128xi32, #tpu.memory_space<vmem>> -> memref<1x128xi32, #tpu.memory_space<vmem>>
            %dma_wait3A_203 = tpu.memref_squeeze %dma_wait3A_202 : memref<1x128xi32, #tpu.memory_space<vmem>> -> memref<128xi32, #tpu.memory_space<vmem>>
            %dma_wait3A_204 = arith.constant 0 : i32
            %dma_wait3A_205 = arith.constant 0 : i32
            %dma_wait3A_206 = tpu.memref_slice %arg15[%dma_wait3A_204, %dma_wait3A_205] : memref<10240x128xf32, #tpu.memory_space<vmem_shared>> -> memref<10240x128xf32, #tpu.memory_space<vmem_shared>>
            tpu.wait_indirect_dma semaphore(%run_scoped3A_194 : memref<!tpu.dma_semaphore, #tpu.memory_space<semaphore_mem>>) src(%arg13 : memref<128x128xf32, #tpu.memory_space<vmem>>) dst(%dma_wait3A_206 : memref<10240x128xf32, #tpu.memory_space<vmem_shared>>)
            tpu.yield
          }) : () -> ()
          %mul3A_174 = arith.constant 2 : i32
          %mul3A_175 = arith.muli %mul3A_174, %add3A_155 : i32
          %add3A_176 = arith.constant 2 : i32
          %add3A_177 = arith.addi %mul3A_175, %add3A_176 : i32
          %dma_start3A_178 = arith.constant 0 : i32
          %dma_start3A_179 = tpu.memref_slice %arg9[%add3A_177, %dma_start3A_178] : memref<16x128xi32, #tpu.memory_space<vmem>> -> memref<1x128xi32, #tpu.memory_space<vmem>>
          %dma_start3A_180 = tpu.memref_squeeze %dma_start3A_179 : memref<1x128xi32, #tpu.memory_space<vmem>> -> memref<128xi32, #tpu.memory_space<vmem>>
          %dma_start3A_181 = arith.constant 0 : i32
          %dma_start3A_182 = arith.constant 0 : i32
          %dma_start3A_183 = tpu.memref_slice %arg2[%dma_start3A_181, %dma_start3A_182] : memref<10240x128xf32, #tpu.memory_space<hbm>> -> memref<10240x128xf32, #tpu.memory_space<hbm>>
          tpu.enqueue_indirect_dma source(%dma_start3A_183 : memref<10240x128xf32, #tpu.memory_space<hbm>>) target(%arg13 : memref<128x128xf32, #tpu.memory_space<vmem>>) offsets(%dma_start3A_180 : memref<128xi32, #tpu.memory_space<vmem>>) semaphore(%arg16 : memref<!tpu.dma_semaphore, #tpu.memory_space<semaphore_mem>>)
          %dma_wait3A_184 = arith.constant 0 : i32
          %dma_wait3A_185 = arith.constant 0 : i32
          %dma_wait3A_186 = tpu.memref_slice %arg2[%dma_wait3A_184, %dma_wait3A_185] : memref<10240x128xf32, #tpu.memory_space<hbm>> -> memref<128x128xf32, #tpu.memory_space<hbm>>
          %dma_wait3A_187 = arith.constant 0 : i32
          %dma_wait3A_188 = arith.constant 0 : i32
          %dma_wait3A_189 = tpu.memref_slice %arg2[%dma_wait3A_187, %dma_wait3A_188] : memref<10240x128xf32, #tpu.memory_space<hbm>> -> memref<128x128xf32, #tpu.memory_space<hbm>>
          tpu.wait_dma2 semaphore(%arg17 : memref<!tpu.dma_semaphore, #tpu.memory_space<semaphore_mem>>) src(%dma_wait3A_189 : memref<128x128xf32, #tpu.memory_space<hbm>>) dst(%arg14 : memref<128x128xf32, #tpu.memory_space<vmem>>)
          %mul3A_190 = arith.constant 2 : i32
          %mul3A_191 = arith.muli %mul3A_190, %add3A_155 : i32
          %add3A_192 = arith.constant 1 : i32
          %add3A_193 = arith.addi %mul3A_191, %add3A_192 : i32
          "tpu.region"() ({
            %run_scoped3A_194 = tpu.sem_alloc : memref<!tpu.dma_semaphore, #tpu.memory_space<semaphore_mem>>
            %dma_start3A_195 = arith.constant 0 : i32
            %dma_start3A_196 = tpu.memref_slice %arg10[%add3A_193, %dma_start3A_195] : memref<16x128xi32, #tpu.memory_space<vmem>> -> memref<1x128xi32, #tpu.memory_space<vmem>>
            %dma_start3A_197 = tpu.memref_squeeze %dma_start3A_196 : memref<1x128xi32, #tpu.memory_space<vmem>> -> memref<128xi32, #tpu.memory_space<vmem>>
            %dma_start3A_198 = arith.constant 0 : i32
            %dma_start3A_199 = arith.constant 0 : i32
            %dma_start3A_200 = tpu.memref_slice %arg15[%dma_start3A_198, %dma_start3A_199] : memref<10240x128xf32, #tpu.memory_space<vmem_shared>> -> memref<10240x128xf32, #tpu.memory_space<vmem_shared>>
            tpu.enqueue_indirect_dma source(%arg14 : memref<128x128xf32, #tpu.memory_space<vmem>>) target(%dma_start3A_200 : memref<10240x128xf32, #tpu.memory_space<vmem_shared>>) offsets(%dma_start3A_197 : memref<128xi32, #tpu.memory_space<vmem>>) semaphore(%run_scoped3A_194 : memref<!tpu.dma_semaphore, #tpu.memory_space<semaphore_mem>>) {add = true}
            %dma_wait3A_201 = arith.constant 0 : i32
            %dma_wait3A_202 = tpu.memref_slice %arg10[%add3A_193, %dma_wait3A_201] : memref<16x128xi32, #tpu.memory_space<vmem>> -> memref<1x128xi32, #tpu.memory_space<vmem>>
            %dma_wait3A_203 = tpu.memref_squeeze %dma_wait3A_202 : memref<1x128xi32, #tpu.memory_space<vmem>> -> memref<128xi32, #tpu.memory_space<vmem>>
            %dma_wait3A_204 = arith.constant 0 : i32
            %dma_wait3A_205 = arith.constant 0 : i32
            %dma_wait3A_206 = tpu.memref_slice %arg15[%dma_wait3A_204, %dma_wait3A_205] : memref<10240x128xf32, #tpu.memory_space<vmem_shared>> -> memref<10240x128xf32, #tpu.memory_space<vmem_shared>>
            tpu.wait_indirect_dma semaphore(%run_scoped3A_194 : memref<!tpu.dma_semaphore, #tpu.memory_space<semaphore_mem>>) src(%arg14 : memref<128x128xf32, #tpu.memory_space<vmem>>) dst(%dma_wait3A_206 : memref<10240x128xf32, #tpu.memory_space<vmem_shared>>)
            tpu.yield
          }) : () -> ()
        }
        %scan3A_76 = arith.constant 7 : i32
        %dma_start3A_77 = arith.constant 15 : i32
        %dma_start3A_78 = arith.constant 0 : i32
        %dma_start3A_79 = tpu.memref_slice %arg9[%dma_start3A_77, %dma_start3A_78] : memref<16x128xi32, #tpu.memory_space<vmem>> -> memref<1x128xi32, #tpu.memory_space<vmem>>
        %dma_start3A_80 = tpu.memref_squeeze %dma_start3A_79 : memref<1x128xi32, #tpu.memory_space<vmem>> -> memref<128xi32, #tpu.memory_space<vmem>>
        %dma_start3A_81 = arith.constant 0 : i32
        %dma_start3A_82 = arith.constant 0 : i32
        %dma_start3A_83 = tpu.memref_slice %arg2[%dma_start3A_81, %dma_start3A_82] : memref<10240x128xf32, #tpu.memory_space<hbm>> -> memref<10240x128xf32, #tpu.memory_space<hbm>>
        tpu.enqueue_indirect_dma source(%dma_start3A_83 : memref<10240x128xf32, #tpu.memory_space<hbm>>) target(%arg14 : memref<128x128xf32, #tpu.memory_space<vmem>>) offsets(%dma_start3A_80 : memref<128xi32, #tpu.memory_space<vmem>>) semaphore(%arg17 : memref<!tpu.dma_semaphore, #tpu.memory_space<semaphore_mem>>)
        %dma_wait3A_84 = arith.constant 0 : i32
        %dma_wait3A_85 = arith.constant 0 : i32
        %dma_wait3A_86 = tpu.memref_slice %arg2[%dma_wait3A_84, %dma_wait3A_85] : memref<10240x128xf32, #tpu.memory_space<hbm>> -> memref<128x128xf32, #tpu.memory_space<hbm>>
        %dma_wait3A_87 = arith.constant 0 : i32
        %dma_wait3A_88 = arith.constant 0 : i32
        %dma_wait3A_89 = tpu.memref_slice %arg2[%dma_wait3A_87, %dma_wait3A_88] : memref<10240x128xf32, #tpu.memory_space<hbm>> -> memref<128x128xf32, #tpu.memory_space<hbm>>
        tpu.wait_dma2 semaphore(%arg16 : memref<!tpu.dma_semaphore, #tpu.memory_space<semaphore_mem>>) src(%dma_wait3A_89 : memref<128x128xf32, #tpu.memory_space<hbm>>) dst(%arg13 : memref<128x128xf32, #tpu.memory_space<vmem>>)
        %run_scoped3A = arith.constant 14 : i32
        "tpu.region"() ({
          %run_scoped3A_151 = tpu.sem_alloc : memref<!tpu.dma_semaphore, #tpu.memory_space<semaphore_mem>>
          %dma_start3A_152 = arith.constant 0 : i32
          %dma_start3A_153 = tpu.memref_slice %arg10[%run_scoped3A, %dma_start3A_152] : memref<16x128xi32, #tpu.memory_space<vmem>> -> memref<1x128xi32, #tpu.memory_space<vmem>>
          %dma_start3A_154 = tpu.memref_squeeze %dma_start3A_153 : memref<1x128xi32, #tpu.memory_space<vmem>> -> memref<128xi32, #tpu.memory_space<vmem>>
          %dma_start3A_155 = arith.constant 0 : i32
          %dma_start3A_156 = arith.constant 0 : i32
          %dma_start3A_157 = tpu.memref_slice %arg15[%dma_start3A_155, %dma_start3A_156] : memref<10240x128xf32, #tpu.memory_space<vmem_shared>> -> memref<10240x128xf32, #tpu.memory_space<vmem_shared>>
          tpu.enqueue_indirect_dma source(%arg13 : memref<128x128xf32, #tpu.memory_space<vmem>>) target(%dma_start3A_157 : memref<10240x128xf32, #tpu.memory_space<vmem_shared>>) offsets(%dma_start3A_154 : memref<128xi32, #tpu.memory_space<vmem>>) semaphore(%run_scoped3A_151 : memref<!tpu.dma_semaphore, #tpu.memory_space<semaphore_mem>>) {add = true}
          %dma_wait3A_158 = arith.constant 0 : i32
          %dma_wait3A_159 = tpu.memref_slice %arg10[%run_scoped3A, %dma_wait3A_158] : memref<16x128xi32, #tpu.memory_space<vmem>> -> memref<1x128xi32, #tpu.memory_space<vmem>>
          %dma_wait3A_160 = tpu.memref_squeeze %dma_wait3A_159 : memref<1x128xi32, #tpu.memory_space<vmem>> -> memref<128xi32, #tpu.memory_space<vmem>>
          %dma_wait3A_161 = arith.constant 0 : i32
          %dma_wait3A_162 = arith.constant 0 : i32
          %dma_wait3A_163 = tpu.memref_slice %arg15[%dma_wait3A_161, %dma_wait3A_162] : memref<10240x128xf32, #tpu.memory_space<vmem_shared>> -> memref<10240x128xf32, #tpu.memory_space<vmem_shared>>
          tpu.wait_indirect_dma semaphore(%run_scoped3A_151 : memref<!tpu.dma_semaphore, #tpu.memory_space<semaphore_mem>>) src(%arg13 : memref<128x128xf32, #tpu.memory_space<vmem>>) dst(%dma_wait3A_163 : memref<10240x128xf32, #tpu.memory_space<vmem_shared>>)
          tpu.yield
        }) : () -> ()
        %dma_wait3A_90 = arith.constant 0 : i32
        %dma_wait3A_91 = arith.constant 0 : i32
        %dma_wait3A_92 = tpu.memref_slice %arg2[%dma_wait3A_90, %dma_wait3A_91] : memref<10240x128xf32, #tpu.memory_space<hbm>> -> memref<128x128xf32, #tpu.memory_space<hbm>>
        %dma_wait3A_93 = arith.constant 0 : i32
        %dma_wait3A_94 = arith.constant 0 : i32
        %dma_wait3A_95 = tpu.memref_slice %arg2[%dma_wait3A_93, %dma_wait3A_94] : memref<10240x128xf32, #tpu.memory_space<hbm>> -> memref<128x128xf32, #tpu.memory_space<hbm>>
        tpu.wait_dma2 semaphore(%arg17 : memref<!tpu.dma_semaphore, #tpu.memory_space<semaphore_mem>>) src(%dma_wait3A_95 : memref<128x128xf32, #tpu.memory_space<hbm>>) dst(%arg14 : memref<128x128xf32, #tpu.memory_space<vmem>>)
        %run_scoped3A_96 = arith.constant 15 : i32
        "tpu.region"() ({
          %run_scoped3A_151 = tpu.sem_alloc : memref<!tpu.dma_semaphore, #tpu.memory_space<semaphore_mem>>
          %dma_start3A_152 = arith.constant 0 : i32
          %dma_start3A_153 = tpu.memref_slice %arg10[%run_scoped3A_96, %dma_start3A_152] : memref<16x128xi32, #tpu.memory_space<vmem>> -> memref<1x128xi32, #tpu.memory_space<vmem>>
          %dma_start3A_154 = tpu.memref_squeeze %dma_start3A_153 : memref<1x128xi32, #tpu.memory_space<vmem>> -> memref<128xi32, #tpu.memory_space<vmem>>
          %dma_start3A_155 = arith.constant 0 : i32
          %dma_start3A_156 = arith.constant 0 : i32
          %dma_start3A_157 = tpu.memref_slice %arg15[%dma_start3A_155, %dma_start3A_156] : memref<10240x128xf32, #tpu.memory_space<vmem_shared>> -> memref<10240x128xf32, #tpu.memory_space<vmem_shared>>
          tpu.enqueue_indirect_dma source(%arg14 : memref<128x128xf32, #tpu.memory_space<vmem>>) target(%dma_start3A_157 : memref<10240x128xf32, #tpu.memory_space<vmem_shared>>) offsets(%dma_start3A_154 : memref<128xi32, #tpu.memory_space<vmem>>) semaphore(%run_scoped3A_151 : memref<!tpu.dma_semaphore, #tpu.memory_space<semaphore_mem>>) {add = true}
          %dma_wait3A_158 = arith.constant 0 : i32
          %dma_wait3A_159 = tpu.memref_slice %arg10[%run_scoped3A_96, %dma_wait3A_158] : memref<16x128xi32, #tpu.memory_space<vmem>> -> memref<1x128xi32, #tpu.memory_space<vmem>>
          %dma_wait3A_160 = tpu.memref_squeeze %dma_wait3A_159 : memref<1x128xi32, #tpu.memory_space<vmem>> -> memref<128xi32, #tpu.memory_space<vmem>>
          %dma_wait3A_161 = arith.constant 0 : i32
          %dma_wait3A_162 = arith.constant 0 : i32
          %dma_wait3A_163 = tpu.memref_slice %arg15[%dma_wait3A_161, %dma_wait3A_162] : memref<10240x128xf32, #tpu.memory_space<vmem_shared>> -> memref<10240x128xf32, #tpu.memory_space<vmem_shared>>
          tpu.wait_indirect_dma semaphore(%run_scoped3A_151 : memref<!tpu.dma_semaphore, #tpu.memory_space<semaphore_mem>>) src(%arg14 : memref<128x128xf32, #tpu.memory_space<vmem>>) dst(%dma_wait3A_163 : memref<10240x128xf32, #tpu.memory_space<vmem_shared>>)
          tpu.yield
        }) : () -> ()
        %lt3A = arith.constant 4 : i32
        %lt3A_97 = arith.cmpi slt, %add3A_53, %lt3A : i32
        %convert_element_type3A_98 = arith.extui %lt3A_97 : i1 to i32
        %cond3A_99 = arith.constant 0 : i32
        %cond3A_100 = arith.cmpi ne, %convert_element_type3A_98, %cond3A_99 : i32
        scf.if %cond3A_100 {
          %mul3A_151 = arith.constant 2 : i32
          %mul3A_152 = arith.muli %mul3A_151, %add3A_53 : i32
          %add3A_153 = arith.constant 2 : i32
          %add3A_154 = arith.addi %mul3A_152, %add3A_153 : i32
          %mul3A_155 = arith.constant 160 : i32
          %mul3A_156 = arith.muli %arg1, %mul3A_155 : i32
          %mul3A_157 = arith.constant 16 : i32
          %mul3A_158 = arith.muli %add3A_154, %mul3A_157 : i32
          %add3A_159 = arith.addi %mul3A_156, %mul3A_158 : i32
          %dma_start3A_160 = arith.constant 0 : i32
          %dma_start3A_161 = tpu.memref_slice %arg4[%add3A_159, %dma_start3A_160] : memref<2560x128xi32, #tpu.memory_space<hbm>> -> memref<16x128xi32, #tpu.memory_space<hbm>>
          %dma_start3A_162 = arith.constant 0 : i32
          %dma_start3A_163 = tpu.memref_slice %arg4[%add3A_159, %dma_start3A_162] : memref<2560x128xi32, #tpu.memory_space<hbm>> -> memref<16x128xi32, #tpu.memory_space<hbm>>
          tpu.enqueue_dma source(%dma_start3A_163 : memref<16x128xi32, #tpu.memory_space<hbm>>) target(%arg9 : memref<16x128xi32, #tpu.memory_space<vmem>>) target_semaphore(%arg18 : memref<!tpu.dma_semaphore, #tpu.memory_space<semaphore_mem>>)
          %dma_start3A_164 = arith.constant 0 : i32
          %dma_start3A_165 = tpu.memref_slice %arg5[%add3A_159, %dma_start3A_164] : memref<2560x128xi32, #tpu.memory_space<hbm>> -> memref<16x128xi32, #tpu.memory_space<hbm>>
          %dma_start3A_166 = arith.constant 0 : i32
          %dma_start3A_167 = tpu.memref_slice %arg5[%add3A_159, %dma_start3A_166] : memref<2560x128xi32, #tpu.memory_space<hbm>> -> memref<16x128xi32, #tpu.memory_space<hbm>>
          tpu.enqueue_dma source(%dma_start3A_167 : memref<16x128xi32, #tpu.memory_space<hbm>>) target(%arg10 : memref<16x128xi32, #tpu.memory_space<vmem>>) target_semaphore(%arg18 : memref<!tpu.dma_semaphore, #tpu.memory_space<semaphore_mem>>)
        } else {
        }
        %dma_wait3A_101 = arith.constant 0 : i32
        %dma_wait3A_102 = arith.constant 0 : i32
        %dma_wait3A_103 = tpu.memref_slice %arg4[%dma_wait3A_101, %dma_wait3A_102] : memref<2560x128xi32, #tpu.memory_space<hbm>> -> memref<16x128xi32, #tpu.memory_space<hbm>>
        %dma_wait3A_104 = arith.constant 0 : i32
        %dma_wait3A_105 = arith.constant 0 : i32
        %dma_wait3A_106 = tpu.memref_slice %arg4[%dma_wait3A_104, %dma_wait3A_105] : memref<2560x128xi32, #tpu.memory_space<hbm>> -> memref<16x128xi32, #tpu.memory_space<hbm>>
        tpu.wait_dma2 semaphore(%arg19 : memref<!tpu.dma_semaphore, #tpu.memory_space<semaphore_mem>>) src(%dma_wait3A_106 : memref<16x128xi32, #tpu.memory_space<hbm>>) dst(%arg11 : memref<16x128xi32, #tpu.memory_space<vmem>>)
        %dma_wait3A_107 = arith.constant 0 : i32
        %dma_wait3A_108 = arith.constant 0 : i32
        %dma_wait3A_109 = tpu.memref_slice %arg5[%dma_wait3A_107, %dma_wait3A_108] : memref<2560x128xi32, #tpu.memory_space<hbm>> -> memref<16x128xi32, #tpu.memory_space<hbm>>
        %dma_wait3A_110 = arith.constant 0 : i32
        %dma_wait3A_111 = arith.constant 0 : i32
        %dma_wait3A_112 = tpu.memref_slice %arg5[%dma_wait3A_110, %dma_wait3A_111] : memref<2560x128xi32, #tpu.memory_space<hbm>> -> memref<16x128xi32, #tpu.memory_space<hbm>>
        tpu.wait_dma2 semaphore(%arg19 : memref<!tpu.dma_semaphore, #tpu.memory_space<semaphore_mem>>) src(%dma_wait3A_112 : memref<16x128xi32, #tpu.memory_space<hbm>>) dst(%arg12 : memref<16x128xi32, #tpu.memory_space<vmem>>)
        %dma_start3A_113 = arith.constant 0 : i32
        %dma_start3A_114 = arith.constant 0 : i32
        %dma_start3A_115 = tpu.memref_slice %arg11[%dma_start3A_113, %dma_start3A_114] : memref<16x128xi32, #tpu.memory_space<vmem>> -> memref<1x128xi32, #tpu.memory_space<vmem>>
        %dma_start3A_116 = tpu.memref_squeeze %dma_start3A_115 : memref<1x128xi32, #tpu.memory_space<vmem>> -> memref<128xi32, #tpu.memory_space<vmem>>
        %dma_start3A_117 = arith.constant 0 : i32
        %dma_start3A_118 = arith.constant 0 : i32
        %dma_start3A_119 = tpu.memref_slice %arg2[%dma_start3A_117, %dma_start3A_118] : memref<10240x128xf32, #tpu.memory_space<hbm>> -> memref<10240x128xf32, #tpu.memory_space<hbm>>
        tpu.enqueue_indirect_dma source(%dma_start3A_119 : memref<10240x128xf32, #tpu.memory_space<hbm>>) target(%arg13 : memref<128x128xf32, #tpu.memory_space<vmem>>) offsets(%dma_start3A_116 : memref<128xi32, #tpu.memory_space<vmem>>) semaphore(%arg16 : memref<!tpu.dma_semaphore, #tpu.memory_space<semaphore_mem>>)
        %scan3A_120 = arith.constant 0 : i32
        %scan3A_121 = arith.constant 7 : i32
        %scan3A_122 = arith.addi %scan3A_120, %scan3A_121 : i32
        %scan3A_123 = arith.constant 1 : i32
        scf.for %scan3A_151 = %scan3A_120 to %scan3A_122 step %scan3A_123  : i32 {
          %mul3A_152 = arith.constant 1 : i32
          %mul3A_153 = arith.muli %scan3A_151, %mul3A_152 : i32
          %add3A_154 = arith.constant 0 : i32
          %add3A_155 = arith.addi %add3A_154, %mul3A_153 : i32
          %mul3A_156 = arith.constant 2 : i32
          %mul3A_157 = arith.muli %mul3A_156, %add3A_155 : i32
          %add3A_158 = arith.constant 1 : i32
          %add3A_159 = arith.addi %mul3A_157, %add3A_158 : i32
          %dma_start3A_160 = arith.constant 0 : i32
          %dma_start3A_161 = tpu.memref_slice %arg11[%add3A_159, %dma_start3A_160] : memref<16x128xi32, #tpu.memory_space<vmem>> -> memref<1x128xi32, #tpu.memory_space<vmem>>
          %dma_start3A_162 = tpu.memref_squeeze %dma_start3A_161 : memref<1x128xi32, #tpu.memory_space<vmem>> -> memref<128xi32, #tpu.memory_space<vmem>>
          %dma_start3A_163 = arith.constant 0 : i32
          %dma_start3A_164 = arith.constant 0 : i32
          %dma_start3A_165 = tpu.memref_slice %arg2[%dma_start3A_163, %dma_start3A_164] : memref<10240x128xf32, #tpu.memory_space<hbm>> -> memref<10240x128xf32, #tpu.memory_space<hbm>>
          tpu.enqueue_indirect_dma source(%dma_start3A_165 : memref<10240x128xf32, #tpu.memory_space<hbm>>) target(%arg14 : memref<128x128xf32, #tpu.memory_space<vmem>>) offsets(%dma_start3A_162 : memref<128xi32, #tpu.memory_space<vmem>>) semaphore(%arg17 : memref<!tpu.dma_semaphore, #tpu.memory_space<semaphore_mem>>)
          %dma_wait3A_166 = arith.constant 0 : i32
          %dma_wait3A_167 = arith.constant 0 : i32
          %dma_wait3A_168 = tpu.memref_slice %arg2[%dma_wait3A_166, %dma_wait3A_167] : memref<10240x128xf32, #tpu.memory_space<hbm>> -> memref<128x128xf32, #tpu.memory_space<hbm>>
          %dma_wait3A_169 = arith.constant 0 : i32
          %dma_wait3A_170 = arith.constant 0 : i32
          %dma_wait3A_171 = tpu.memref_slice %arg2[%dma_wait3A_169, %dma_wait3A_170] : memref<10240x128xf32, #tpu.memory_space<hbm>> -> memref<128x128xf32, #tpu.memory_space<hbm>>
          tpu.wait_dma2 semaphore(%arg16 : memref<!tpu.dma_semaphore, #tpu.memory_space<semaphore_mem>>) src(%dma_wait3A_171 : memref<128x128xf32, #tpu.memory_space<hbm>>) dst(%arg13 : memref<128x128xf32, #tpu.memory_space<vmem>>)
          %mul3A_172 = arith.constant 2 : i32
          %mul3A_173 = arith.muli %mul3A_172, %add3A_155 : i32
          "tpu.region"() ({
            %run_scoped3A_194 = tpu.sem_alloc : memref<!tpu.dma_semaphore, #tpu.memory_space<semaphore_mem>>
            %dma_start3A_195 = arith.constant 0 : i32
            %dma_start3A_196 = tpu.memref_slice %arg12[%mul3A_173, %dma_start3A_195] : memref<16x128xi32, #tpu.memory_space<vmem>> -> memref<1x128xi32, #tpu.memory_space<vmem>>
            %dma_start3A_197 = tpu.memref_squeeze %dma_start3A_196 : memref<1x128xi32, #tpu.memory_space<vmem>> -> memref<128xi32, #tpu.memory_space<vmem>>
            %dma_start3A_198 = arith.constant 0 : i32
            %dma_start3A_199 = arith.constant 0 : i32
            %dma_start3A_200 = tpu.memref_slice %arg15[%dma_start3A_198, %dma_start3A_199] : memref<10240x128xf32, #tpu.memory_space<vmem_shared>> -> memref<10240x128xf32, #tpu.memory_space<vmem_shared>>
            tpu.enqueue_indirect_dma source(%arg13 : memref<128x128xf32, #tpu.memory_space<vmem>>) target(%dma_start3A_200 : memref<10240x128xf32, #tpu.memory_space<vmem_shared>>) offsets(%dma_start3A_197 : memref<128xi32, #tpu.memory_space<vmem>>) semaphore(%run_scoped3A_194 : memref<!tpu.dma_semaphore, #tpu.memory_space<semaphore_mem>>) {add = true}
            %dma_wait3A_201 = arith.constant 0 : i32
            %dma_wait3A_202 = tpu.memref_slice %arg12[%mul3A_173, %dma_wait3A_201] : memref<16x128xi32, #tpu.memory_space<vmem>> -> memref<1x128xi32, #tpu.memory_space<vmem>>
            %dma_wait3A_203 = tpu.memref_squeeze %dma_wait3A_202 : memref<1x128xi32, #tpu.memory_space<vmem>> -> memref<128xi32, #tpu.memory_space<vmem>>
            %dma_wait3A_204 = arith.constant 0 : i32
            %dma_wait3A_205 = arith.constant 0 : i32
            %dma_wait3A_206 = tpu.memref_slice %arg15[%dma_wait3A_204, %dma_wait3A_205] : memref<10240x128xf32, #tpu.memory_space<vmem_shared>> -> memref<10240x128xf32, #tpu.memory_space<vmem_shared>>
            tpu.wait_indirect_dma semaphore(%run_scoped3A_194 : memref<!tpu.dma_semaphore, #tpu.memory_space<semaphore_mem>>) src(%arg13 : memref<128x128xf32, #tpu.memory_space<vmem>>) dst(%dma_wait3A_206 : memref<10240x128xf32, #tpu.memory_space<vmem_shared>>)
            tpu.yield
          }) : () -> ()
          %mul3A_174 = arith.constant 2 : i32
          %mul3A_175 = arith.muli %mul3A_174, %add3A_155 : i32
          %add3A_176 = arith.constant 2 : i32
          %add3A_177 = arith.addi %mul3A_175, %add3A_176 : i32
          %dma_start3A_178 = arith.constant 0 : i32
          %dma_start3A_179 = tpu.memref_slice %arg11[%add3A_177, %dma_start3A_178] : memref<16x128xi32, #tpu.memory_space<vmem>> -> memref<1x128xi32, #tpu.memory_space<vmem>>
          %dma_start3A_180 = tpu.memref_squeeze %dma_start3A_179 : memref<1x128xi32, #tpu.memory_space<vmem>> -> memref<128xi32, #tpu.memory_space<vmem>>
          %dma_start3A_181 = arith.constant 0 : i32
          %dma_start3A_182 = arith.constant 0 : i32
          %dma_start3A_183 = tpu.memref_slice %arg2[%dma_start3A_181, %dma_start3A_182] : memref<10240x128xf32, #tpu.memory_space<hbm>> -> memref<10240x128xf32, #tpu.memory_space<hbm>>
          tpu.enqueue_indirect_dma source(%dma_start3A_183 : memref<10240x128xf32, #tpu.memory_space<hbm>>) target(%arg13 : memref<128x128xf32, #tpu.memory_space<vmem>>) offsets(%dma_start3A_180 : memref<128xi32, #tpu.memory_space<vmem>>) semaphore(%arg16 : memref<!tpu.dma_semaphore, #tpu.memory_space<semaphore_mem>>)
          %dma_wait3A_184 = arith.constant 0 : i32
          %dma_wait3A_185 = arith.constant 0 : i32
          %dma_wait3A_186 = tpu.memref_slice %arg2[%dma_wait3A_184, %dma_wait3A_185] : memref<10240x128xf32, #tpu.memory_space<hbm>> -> memref<128x128xf32, #tpu.memory_space<hbm>>
          %dma_wait3A_187 = arith.constant 0 : i32
          %dma_wait3A_188 = arith.constant 0 : i32
          %dma_wait3A_189 = tpu.memref_slice %arg2[%dma_wait3A_187, %dma_wait3A_188] : memref<10240x128xf32, #tpu.memory_space<hbm>> -> memref<128x128xf32, #tpu.memory_space<hbm>>
          tpu.wait_dma2 semaphore(%arg17 : memref<!tpu.dma_semaphore, #tpu.memory_space<semaphore_mem>>) src(%dma_wait3A_189 : memref<128x128xf32, #tpu.memory_space<hbm>>) dst(%arg14 : memref<128x128xf32, #tpu.memory_space<vmem>>)
          %mul3A_190 = arith.constant 2 : i32
          %mul3A_191 = arith.muli %mul3A_190, %add3A_155 : i32
          %add3A_192 = arith.constant 1 : i32
          %add3A_193 = arith.addi %mul3A_191, %add3A_192 : i32
          "tpu.region"() ({
            %run_scoped3A_194 = tpu.sem_alloc : memref<!tpu.dma_semaphore, #tpu.memory_space<semaphore_mem>>
            %dma_start3A_195 = arith.constant 0 : i32
            %dma_start3A_196 = tpu.memref_slice %arg12[%add3A_193, %dma_start3A_195] : memref<16x128xi32, #tpu.memory_space<vmem>> -> memref<1x128xi32, #tpu.memory_space<vmem>>
            %dma_start3A_197 = tpu.memref_squeeze %dma_start3A_196 : memref<1x128xi32, #tpu.memory_space<vmem>> -> memref<128xi32, #tpu.memory_space<vmem>>
            %dma_start3A_198 = arith.constant 0 : i32
            %dma_start3A_199 = arith.constant 0 : i32
            %dma_start3A_200 = tpu.memref_slice %arg15[%dma_start3A_198, %dma_start3A_199] : memref<10240x128xf32, #tpu.memory_space<vmem_shared>> -> memref<10240x128xf32, #tpu.memory_space<vmem_shared>>
            tpu.enqueue_indirect_dma source(%arg14 : memref<128x128xf32, #tpu.memory_space<vmem>>) target(%dma_start3A_200 : memref<10240x128xf32, #tpu.memory_space<vmem_shared>>) offsets(%dma_start3A_197 : memref<128xi32, #tpu.memory_space<vmem>>) semaphore(%run_scoped3A_194 : memref<!tpu.dma_semaphore, #tpu.memory_space<semaphore_mem>>) {add = true}
            %dma_wait3A_201 = arith.constant 0 : i32
            %dma_wait3A_202 = tpu.memref_slice %arg12[%add3A_193, %dma_wait3A_201] : memref<16x128xi32, #tpu.memory_space<vmem>> -> memref<1x128xi32, #tpu.memory_space<vmem>>
            %dma_wait3A_203 = tpu.memref_squeeze %dma_wait3A_202 : memref<1x128xi32, #tpu.memory_space<vmem>> -> memref<128xi32, #tpu.memory_space<vmem>>
            %dma_wait3A_204 = arith.constant 0 : i32
            %dma_wait3A_205 = arith.constant 0 : i32
            %dma_wait3A_206 = tpu.memref_slice %arg15[%dma_wait3A_204, %dma_wait3A_205] : memref<10240x128xf32, #tpu.memory_space<vmem_shared>> -> memref<10240x128xf32, #tpu.memory_space<vmem_shared>>
            tpu.wait_indirect_dma semaphore(%run_scoped3A_194 : memref<!tpu.dma_semaphore, #tpu.memory_space<semaphore_mem>>) src(%arg14 : memref<128x128xf32, #tpu.memory_space<vmem>>) dst(%dma_wait3A_206 : memref<10240x128xf32, #tpu.memory_space<vmem_shared>>)
            tpu.yield
          }) : () -> ()
        }
        %scan3A_124 = arith.constant 7 : i32
        %dma_start3A_125 = arith.constant 15 : i32
        %dma_start3A_126 = arith.constant 0 : i32
        %dma_start3A_127 = tpu.memref_slice %arg11[%dma_start3A_125, %dma_start3A_126] : memref<16x128xi32, #tpu.memory_space<vmem>> -> memref<1x128xi32, #tpu.memory_space<vmem>>
        %dma_start3A_128 = tpu.memref_squeeze %dma_start3A_127 : memref<1x128xi32, #tpu.memory_space<vmem>> -> memref<128xi32, #tpu.memory_space<vmem>>
        %dma_start3A_129 = arith.constant 0 : i32
        %dma_start3A_130 = arith.constant 0 : i32
        %dma_start3A_131 = tpu.memref_slice %arg2[%dma_start3A_129, %dma_start3A_130] : memref<10240x128xf32, #tpu.memory_space<hbm>> -> memref<10240x128xf32, #tpu.memory_space<hbm>>
        tpu.enqueue_indirect_dma source(%dma_start3A_131 : memref<10240x128xf32, #tpu.memory_space<hbm>>) target(%arg14 : memref<128x128xf32, #tpu.memory_space<vmem>>) offsets(%dma_start3A_128 : memref<128xi32, #tpu.memory_space<vmem>>) semaphore(%arg17 : memref<!tpu.dma_semaphore, #tpu.memory_space<semaphore_mem>>)
        %dma_wait3A_132 = arith.constant 0 : i32
        %dma_wait3A_133 = arith.constant 0 : i32
        %dma_wait3A_134 = tpu.memref_slice %arg2[%dma_wait3A_132, %dma_wait3A_133] : memref<10240x128xf32, #tpu.memory_space<hbm>> -> memref<128x128xf32, #tpu.memory_space<hbm>>
        %dma_wait3A_135 = arith.constant 0 : i32
        %dma_wait3A_136 = arith.constant 0 : i32
        %dma_wait3A_137 = tpu.memref_slice %arg2[%dma_wait3A_135, %dma_wait3A_136] : memref<10240x128xf32, #tpu.memory_space<hbm>> -> memref<128x128xf32, #tpu.memory_space<hbm>>
        tpu.wait_dma2 semaphore(%arg16 : memref<!tpu.dma_semaphore, #tpu.memory_space<semaphore_mem>>) src(%dma_wait3A_137 : memref<128x128xf32, #tpu.memory_space<hbm>>) dst(%arg13 : memref<128x128xf32, #tpu.memory_space<vmem>>)
        %run_scoped3A_138 = arith.constant 14 : i32
        "tpu.region"() ({
          %run_scoped3A_151 = tpu.sem_alloc : memref<!tpu.dma_semaphore, #tpu.memory_space<semaphore_mem>>
          %dma_start3A_152 = arith.constant 0 : i32
          %dma_start3A_153 = tpu.memref_slice %arg12[%run_scoped3A_138, %dma_start3A_152] : memref<16x128xi32, #tpu.memory_space<vmem>> -> memref<1x128xi32, #tpu.memory_space<vmem>>
          %dma_start3A_154 = tpu.memref_squeeze %dma_start3A_153 : memref<1x128xi32, #tpu.memory_space<vmem>> -> memref<128xi32, #tpu.memory_space<vmem>>
          %dma_start3A_155 = arith.constant 0 : i32
          %dma_start3A_156 = arith.constant 0 : i32
          %dma_start3A_157 = tpu.memref_slice %arg15[%dma_start3A_155, %dma_start3A_156] : memref<10240x128xf32, #tpu.memory_space<vmem_shared>> -> memref<10240x128xf32, #tpu.memory_space<vmem_shared>>
          tpu.enqueue_indirect_dma source(%arg13 : memref<128x128xf32, #tpu.memory_space<vmem>>) target(%dma_start3A_157 : memref<10240x128xf32, #tpu.memory_space<vmem_shared>>) offsets(%dma_start3A_154 : memref<128xi32, #tpu.memory_space<vmem>>) semaphore(%run_scoped3A_151 : memref<!tpu.dma_semaphore, #tpu.memory_space<semaphore_mem>>) {add = true}
          %dma_wait3A_158 = arith.constant 0 : i32
          %dma_wait3A_159 = tpu.memref_slice %arg12[%run_scoped3A_138, %dma_wait3A_158] : memref<16x128xi32, #tpu.memory_space<vmem>> -> memref<1x128xi32, #tpu.memory_space<vmem>>
          %dma_wait3A_160 = tpu.memref_squeeze %dma_wait3A_159 : memref<1x128xi32, #tpu.memory_space<vmem>> -> memref<128xi32, #tpu.memory_space<vmem>>
          %dma_wait3A_161 = arith.constant 0 : i32
          %dma_wait3A_162 = arith.constant 0 : i32
          %dma_wait3A_163 = tpu.memref_slice %arg15[%dma_wait3A_161, %dma_wait3A_162] : memref<10240x128xf32, #tpu.memory_space<vmem_shared>> -> memref<10240x128xf32, #tpu.memory_space<vmem_shared>>
          tpu.wait_indirect_dma semaphore(%run_scoped3A_151 : memref<!tpu.dma_semaphore, #tpu.memory_space<semaphore_mem>>) src(%arg13 : memref<128x128xf32, #tpu.memory_space<vmem>>) dst(%dma_wait3A_163 : memref<10240x128xf32, #tpu.memory_space<vmem_shared>>)
          tpu.yield
        }) : () -> ()
        %dma_wait3A_139 = arith.constant 0 : i32
        %dma_wait3A_140 = arith.constant 0 : i32
        %dma_wait3A_141 = tpu.memref_slice %arg2[%dma_wait3A_139, %dma_wait3A_140] : memref<10240x128xf32, #tpu.memory_space<hbm>> -> memref<128x128xf32, #tpu.memory_space<hbm>>
        %dma_wait3A_142 = arith.constant 0 : i32
        %dma_wait3A_143 = arith.constant 0 : i32
        %dma_wait3A_144 = tpu.memref_slice %arg2[%dma_wait3A_142, %dma_wait3A_143] : memref<10240x128xf32, #tpu.memory_space<hbm>> -> memref<128x128xf32, #tpu.memory_space<hbm>>
        tpu.wait_dma2 semaphore(%arg17 : memref<!tpu.dma_semaphore, #tpu.memory_space<semaphore_mem>>) src(%dma_wait3A_144 : memref<128x128xf32, #tpu.memory_space<hbm>>) dst(%arg14 : memref<128x128xf32, #tpu.memory_space<vmem>>)
        %run_scoped3A_145 = arith.constant 15 : i32
        "tpu.region"() ({
          %run_scoped3A_151 = tpu.sem_alloc : memref<!tpu.dma_semaphore, #tpu.memory_space<semaphore_mem>>
          %dma_start3A_152 = arith.constant 0 : i32
          %dma_start3A_153 = tpu.memref_slice %arg12[%run_scoped3A_145, %dma_start3A_152] : memref<16x128xi32, #tpu.memory_space<vmem>> -> memref<1x128xi32, #tpu.memory_space<vmem>>
          %dma_start3A_154 = tpu.memref_squeeze %dma_start3A_153 : memref<1x128xi32, #tpu.memory_space<vmem>> -> memref<128xi32, #tpu.memory_space<vmem>>
          %dma_start3A_155 = arith.constant 0 : i32
          %dma_start3A_156 = arith.constant 0 : i32
          %dma_start3A_157 = tpu.memref_slice %arg15[%dma_start3A_155, %dma_start3A_156] : memref<10240x128xf32, #tpu.memory_space<vmem_shared>> -> memref<10240x128xf32, #tpu.memory_space<vmem_shared>>
          tpu.enqueue_indirect_dma source(%arg14 : memref<128x128xf32, #tpu.memory_space<vmem>>) target(%dma_start3A_157 : memref<10240x128xf32, #tpu.memory_space<vmem_shared>>) offsets(%dma_start3A_154 : memref<128xi32, #tpu.memory_space<vmem>>) semaphore(%run_scoped3A_151 : memref<!tpu.dma_semaphore, #tpu.memory_space<semaphore_mem>>) {add = true}
          %dma_wait3A_158 = arith.constant 0 : i32
          %dma_wait3A_159 = tpu.memref_slice %arg12[%run_scoped3A_145, %dma_wait3A_158] : memref<16x128xi32, #tpu.memory_space<vmem>> -> memref<1x128xi32, #tpu.memory_space<vmem>>
          %dma_wait3A_160 = tpu.memref_squeeze %dma_wait3A_159 : memref<1x128xi32, #tpu.memory_space<vmem>> -> memref<128xi32, #tpu.memory_space<vmem>>
          %dma_wait3A_161 = arith.constant 0 : i32
          %dma_wait3A_162 = arith.constant 0 : i32
          %dma_wait3A_163 = tpu.memref_slice %arg15[%dma_wait3A_161, %dma_wait3A_162] : memref<10240x128xf32, #tpu.memory_space<vmem_shared>> -> memref<10240x128xf32, #tpu.memory_space<vmem_shared>>
          tpu.wait_indirect_dma semaphore(%run_scoped3A_151 : memref<!tpu.dma_semaphore, #tpu.memory_space<semaphore_mem>>) src(%arg14 : memref<128x128xf32, #tpu.memory_space<vmem>>) dst(%dma_wait3A_163 : memref<10240x128xf32, #tpu.memory_space<vmem_shared>>)
          tpu.yield
        }) : () -> ()
        %lt3A_146 = arith.constant 4 : i32
        %lt3A_147 = arith.cmpi slt, %add3A_53, %lt3A_146 : i32
        %convert_element_type3A_148 = arith.extui %lt3A_147 : i1 to i32
        %cond3A_149 = arith.constant 0 : i32
        %cond3A_150 = arith.cmpi ne, %convert_element_type3A_148, %cond3A_149 : i32
        scf.if %cond3A_150 {
          %mul3A_151 = arith.constant 2 : i32
          %mul3A_152 = arith.muli %mul3A_151, %add3A_53 : i32
          %add3A_153 = arith.constant 3 : i32
          %add3A_154 = arith.addi %mul3A_152, %add3A_153 : i32
          %mul3A_155 = arith.constant 160 : i32
          %mul3A_156 = arith.muli %arg1, %mul3A_155 : i32
          %mul3A_157 = arith.constant 16 : i32
          %mul3A_158 = arith.muli %add3A_154, %mul3A_157 : i32
          %add3A_159 = arith.addi %mul3A_156, %mul3A_158 : i32
          %dma_start3A_160 = arith.constant 0 : i32
          %dma_start3A_161 = tpu.memref_slice %arg4[%add3A_159, %dma_start3A_160] : memref<2560x128xi32, #tpu.memory_space<hbm>> -> memref<16x128xi32, #tpu.memory_space<hbm>>
          %dma_start3A_162 = arith.constant 0 : i32
          %dma_start3A_163 = tpu.memref_slice %arg4[%add3A_159, %dma_start3A_162] : memref<2560x128xi32, #tpu.memory_space<hbm>> -> memref<16x128xi32, #tpu.memory_space<hbm>>
          tpu.enqueue_dma source(%dma_start3A_163 : memref<16x128xi32, #tpu.memory_space<hbm>>) target(%arg11 : memref<16x128xi32, #tpu.memory_space<vmem>>) target_semaphore(%arg19 : memref<!tpu.dma_semaphore, #tpu.memory_space<semaphore_mem>>)
          %dma_start3A_164 = arith.constant 0 : i32
          %dma_start3A_165 = tpu.memref_slice %arg5[%add3A_159, %dma_start3A_164] : memref<2560x128xi32, #tpu.memory_space<hbm>> -> memref<16x128xi32, #tpu.memory_space<hbm>>
          %dma_start3A_166 = arith.constant 0 : i32
          %dma_start3A_167 = tpu.memref_slice %arg5[%add3A_159, %dma_start3A_166] : memref<2560x128xi32, #tpu.memory_space<hbm>> -> memref<16x128xi32, #tpu.memory_space<hbm>>
          tpu.enqueue_dma source(%dma_start3A_167 : memref<16x128xi32, #tpu.memory_space<hbm>>) target(%arg12 : memref<16x128xi32, #tpu.memory_space<vmem>>) target_semaphore(%arg19 : memref<!tpu.dma_semaphore, #tpu.memory_space<semaphore_mem>>)
        } else {
        }
      }
      %scan3A_48 = arith.constant 5 : i32
    } else {
    }
    %eq3A_12 = arith.constant 1 : i32
    %eq3A_13 = arith.cmpi eq, %arg0, %eq3A_12 : i32
    %convert_element_type3A_14 = arith.extui %eq3A_13 : i1 to i32
    %cond3A_15 = arith.constant 0 : i32
    %cond3A_16 = arith.cmpi ne, %convert_element_type3A_14, %cond3A_15 : i32
    scf.if %cond3A_16 {
      %mul3A_21 = arith.constant 160 : i32
      %mul3A_22 = arith.muli %arg1, %mul3A_21 : i32
      %add3A_23 = arith.constant 0 : i32
      %add3A_24 = arith.addi %mul3A_22, %add3A_23 : i32
      %dma_start3A = arith.constant 0 : i32
      %dma_start3A_25 = tpu.memref_slice %arg6[%add3A_24, %dma_start3A] : memref<2560x128xi32, #tpu.memory_space<hbm>> -> memref<16x128xi32, #tpu.memory_space<hbm>>
      %dma_start3A_26 = arith.constant 0 : i32
      %dma_start3A_27 = tpu.memref_slice %arg6[%add3A_24, %dma_start3A_26] : memref<2560x128xi32, #tpu.memory_space<hbm>> -> memref<16x128xi32, #tpu.memory_space<hbm>>
      tpu.enqueue_dma source(%dma_start3A_27 : memref<16x128xi32, #tpu.memory_space<hbm>>) target(%arg9 : memref<16x128xi32, #tpu.memory_space<vmem>>) target_semaphore(%arg18 : memref<!tpu.dma_semaphore, #tpu.memory_space<semaphore_mem>>)
      %dma_start3A_28 = arith.constant 0 : i32
      %dma_start3A_29 = tpu.memref_slice %arg7[%add3A_24, %dma_start3A_28] : memref<2560x128xi32, #tpu.memory_space<hbm>> -> memref<16x128xi32, #tpu.memory_space<hbm>>
      %dma_start3A_30 = arith.constant 0 : i32
      %dma_start3A_31 = tpu.memref_slice %arg7[%add3A_24, %dma_start3A_30] : memref<2560x128xi32, #tpu.memory_space<hbm>> -> memref<16x128xi32, #tpu.memory_space<hbm>>
      tpu.enqueue_dma source(%dma_start3A_31 : memref<16x128xi32, #tpu.memory_space<hbm>>) target(%arg10 : memref<16x128xi32, #tpu.memory_space<vmem>>) target_semaphore(%arg18 : memref<!tpu.dma_semaphore, #tpu.memory_space<semaphore_mem>>)
      %mul3A_32 = arith.constant 160 : i32
      %mul3A_33 = arith.muli %arg1, %mul3A_32 : i32
      %add3A_34 = arith.constant 16 : i32
      %add3A_35 = arith.addi %mul3A_33, %add3A_34 : i32
      %dma_start3A_36 = arith.constant 0 : i32
      %dma_start3A_37 = tpu.memref_slice %arg6[%add3A_35, %dma_start3A_36] : memref<2560x128xi32, #tpu.memory_space<hbm>> -> memref<16x128xi32, #tpu.memory_space<hbm>>
      %dma_start3A_38 = arith.constant 0 : i32
      %dma_start3A_39 = tpu.memref_slice %arg6[%add3A_35, %dma_start3A_38] : memref<2560x128xi32, #tpu.memory_space<hbm>> -> memref<16x128xi32, #tpu.memory_space<hbm>>
      tpu.enqueue_dma source(%dma_start3A_39 : memref<16x128xi32, #tpu.memory_space<hbm>>) target(%arg11 : memref<16x128xi32, #tpu.memory_space<vmem>>) target_semaphore(%arg19 : memref<!tpu.dma_semaphore, #tpu.memory_space<semaphore_mem>>)
      %dma_start3A_40 = arith.constant 0 : i32
      %dma_start3A_41 = tpu.memref_slice %arg7[%add3A_35, %dma_start3A_40] : memref<2560x128xi32, #tpu.memory_space<hbm>> -> memref<16x128xi32, #tpu.memory_space<hbm>>
      %dma_start3A_42 = arith.constant 0 : i32
      %dma_start3A_43 = tpu.memref_slice %arg7[%add3A_35, %dma_start3A_42] : memref<2560x128xi32, #tpu.memory_space<hbm>> -> memref<16x128xi32, #tpu.memory_space<hbm>>
      tpu.enqueue_dma source(%dma_start3A_43 : memref<16x128xi32, #tpu.memory_space<hbm>>) target(%arg12 : memref<16x128xi32, #tpu.memory_space<vmem>>) target_semaphore(%arg19 : memref<!tpu.dma_semaphore, #tpu.memory_space<semaphore_mem>>)
      %scan3A_44 = arith.constant 0 : i32
      %scan3A_45 = arith.constant 5 : i32
      %scan3A_46 = arith.addi %scan3A_44, %scan3A_45 : i32
      %scan3A_47 = arith.constant 1 : i32
      scf.for %scan3A_49 = %scan3A_44 to %scan3A_46 step %scan3A_47  : i32 {
        %mul3A_50 = arith.constant 1 : i32
        %mul3A_51 = arith.muli %scan3A_49, %mul3A_50 : i32
        %add3A_52 = arith.constant 0 : i32
        %add3A_53 = arith.addi %add3A_52, %mul3A_51 : i32
        %dma_wait3A = arith.constant 0 : i32
        %dma_wait3A_54 = arith.constant 0 : i32
        %dma_wait3A_55 = tpu.memref_slice %arg6[%dma_wait3A, %dma_wait3A_54] : memref<2560x128xi32, #tpu.memory_space<hbm>> -> memref<16x128xi32, #tpu.memory_space<hbm>>
        %dma_wait3A_56 = arith.constant 0 : i32
        %dma_wait3A_57 = arith.constant 0 : i32
        %dma_wait3A_58 = tpu.memref_slice %arg6[%dma_wait3A_56, %dma_wait3A_57] : memref<2560x128xi32, #tpu.memory_space<hbm>> -> memref<16x128xi32, #tpu.memory_space<hbm>>
        tpu.wait_dma2 semaphore(%arg18 : memref<!tpu.dma_semaphore, #tpu.memory_space<semaphore_mem>>) src(%dma_wait3A_58 : memref<16x128xi32, #tpu.memory_space<hbm>>) dst(%arg9 : memref<16x128xi32, #tpu.memory_space<vmem>>)
        %dma_wait3A_59 = arith.constant 0 : i32
        %dma_wait3A_60 = arith.constant 0 : i32
        %dma_wait3A_61 = tpu.memref_slice %arg7[%dma_wait3A_59, %dma_wait3A_60] : memref<2560x128xi32, #tpu.memory_space<hbm>> -> memref<16x128xi32, #tpu.memory_space<hbm>>
        %dma_wait3A_62 = arith.constant 0 : i32
        %dma_wait3A_63 = arith.constant 0 : i32
        %dma_wait3A_64 = tpu.memref_slice %arg7[%dma_wait3A_62, %dma_wait3A_63] : memref<2560x128xi32, #tpu.memory_space<hbm>> -> memref<16x128xi32, #tpu.memory_space<hbm>>
        tpu.wait_dma2 semaphore(%arg18 : memref<!tpu.dma_semaphore, #tpu.memory_space<semaphore_mem>>) src(%dma_wait3A_64 : memref<16x128xi32, #tpu.memory_space<hbm>>) dst(%arg10 : memref<16x128xi32, #tpu.memory_space<vmem>>)
        %dma_start3A_65 = arith.constant 0 : i32
        %dma_start3A_66 = arith.constant 0 : i32
        %dma_start3A_67 = tpu.memref_slice %arg9[%dma_start3A_65, %dma_start3A_66] : memref<16x128xi32, #tpu.memory_space<vmem>> -> memref<1x128xi32, #tpu.memory_space<vmem>>
        %dma_start3A_68 = tpu.memref_squeeze %dma_start3A_67 : memref<1x128xi32, #tpu.memory_space<vmem>> -> memref<128xi32, #tpu.memory_space<vmem>>
        %dma_start3A_69 = arith.constant 0 : i32
        %dma_start3A_70 = arith.constant 0 : i32
        %dma_start3A_71 = tpu.memref_slice %arg3[%dma_start3A_69, %dma_start3A_70] : memref<10240x128xf32, #tpu.memory_space<hbm>> -> memref<10240x128xf32, #tpu.memory_space<hbm>>
        tpu.enqueue_indirect_dma source(%dma_start3A_71 : memref<10240x128xf32, #tpu.memory_space<hbm>>) target(%arg13 : memref<128x128xf32, #tpu.memory_space<vmem>>) offsets(%dma_start3A_68 : memref<128xi32, #tpu.memory_space<vmem>>) semaphore(%arg16 : memref<!tpu.dma_semaphore, #tpu.memory_space<semaphore_mem>>)
        %scan3A_72 = arith.constant 0 : i32
        %scan3A_73 = arith.constant 7 : i32
        %scan3A_74 = arith.addi %scan3A_72, %scan3A_73 : i32
        %scan3A_75 = arith.constant 1 : i32
        scf.for %scan3A_151 = %scan3A_72 to %scan3A_74 step %scan3A_75  : i32 {
          %mul3A_152 = arith.constant 1 : i32
          %mul3A_153 = arith.muli %scan3A_151, %mul3A_152 : i32
          %add3A_154 = arith.constant 0 : i32
          %add3A_155 = arith.addi %add3A_154, %mul3A_153 : i32
          %mul3A_156 = arith.constant 2 : i32
          %mul3A_157 = arith.muli %mul3A_156, %add3A_155 : i32
          %add3A_158 = arith.constant 1 : i32
          %add3A_159 = arith.addi %mul3A_157, %add3A_158 : i32
          %dma_start3A_160 = arith.constant 0 : i32
          %dma_start3A_161 = tpu.memref_slice %arg9[%add3A_159, %dma_start3A_160] : memref<16x128xi32, #tpu.memory_space<vmem>> -> memref<1x128xi32, #tpu.memory_space<vmem>>
          %dma_start3A_162 = tpu.memref_squeeze %dma_start3A_161 : memref<1x128xi32, #tpu.memory_space<vmem>> -> memref<128xi32, #tpu.memory_space<vmem>>
          %dma_start3A_163 = arith.constant 0 : i32
          %dma_start3A_164 = arith.constant 0 : i32
          %dma_start3A_165 = tpu.memref_slice %arg3[%dma_start3A_163, %dma_start3A_164] : memref<10240x128xf32, #tpu.memory_space<hbm>> -> memref<10240x128xf32, #tpu.memory_space<hbm>>
          tpu.enqueue_indirect_dma source(%dma_start3A_165 : memref<10240x128xf32, #tpu.memory_space<hbm>>) target(%arg14 : memref<128x128xf32, #tpu.memory_space<vmem>>) offsets(%dma_start3A_162 : memref<128xi32, #tpu.memory_space<vmem>>) semaphore(%arg17 : memref<!tpu.dma_semaphore, #tpu.memory_space<semaphore_mem>>)
          %dma_wait3A_166 = arith.constant 0 : i32
          %dma_wait3A_167 = arith.constant 0 : i32
          %dma_wait3A_168 = tpu.memref_slice %arg3[%dma_wait3A_166, %dma_wait3A_167] : memref<10240x128xf32, #tpu.memory_space<hbm>> -> memref<128x128xf32, #tpu.memory_space<hbm>>
          %dma_wait3A_169 = arith.constant 0 : i32
          %dma_wait3A_170 = arith.constant 0 : i32
          %dma_wait3A_171 = tpu.memref_slice %arg3[%dma_wait3A_169, %dma_wait3A_170] : memref<10240x128xf32, #tpu.memory_space<hbm>> -> memref<128x128xf32, #tpu.memory_space<hbm>>
          tpu.wait_dma2 semaphore(%arg16 : memref<!tpu.dma_semaphore, #tpu.memory_space<semaphore_mem>>) src(%dma_wait3A_171 : memref<128x128xf32, #tpu.memory_space<hbm>>) dst(%arg13 : memref<128x128xf32, #tpu.memory_space<vmem>>)
          %mul3A_172 = arith.constant 2 : i32
          %mul3A_173 = arith.muli %mul3A_172, %add3A_155 : i32
          "tpu.region"() ({
            %run_scoped3A_194 = tpu.sem_alloc : memref<!tpu.dma_semaphore, #tpu.memory_space<semaphore_mem>>
            %dma_start3A_195 = arith.constant 0 : i32
            %dma_start3A_196 = tpu.memref_slice %arg10[%mul3A_173, %dma_start3A_195] : memref<16x128xi32, #tpu.memory_space<vmem>> -> memref<1x128xi32, #tpu.memory_space<vmem>>
            %dma_start3A_197 = tpu.memref_squeeze %dma_start3A_196 : memref<1x128xi32, #tpu.memory_space<vmem>> -> memref<128xi32, #tpu.memory_space<vmem>>
            %dma_start3A_198 = arith.constant 0 : i32
            %dma_start3A_199 = arith.constant 0 : i32
            %dma_start3A_200 = tpu.memref_slice %arg15[%dma_start3A_198, %dma_start3A_199] : memref<10240x128xf32, #tpu.memory_space<vmem_shared>> -> memref<10240x128xf32, #tpu.memory_space<vmem_shared>>
            tpu.enqueue_indirect_dma source(%arg13 : memref<128x128xf32, #tpu.memory_space<vmem>>) target(%dma_start3A_200 : memref<10240x128xf32, #tpu.memory_space<vmem_shared>>) offsets(%dma_start3A_197 : memref<128xi32, #tpu.memory_space<vmem>>) semaphore(%run_scoped3A_194 : memref<!tpu.dma_semaphore, #tpu.memory_space<semaphore_mem>>) {add = true}
            %dma_wait3A_201 = arith.constant 0 : i32
            %dma_wait3A_202 = tpu.memref_slice %arg10[%mul3A_173, %dma_wait3A_201] : memref<16x128xi32, #tpu.memory_space<vmem>> -> memref<1x128xi32, #tpu.memory_space<vmem>>
            %dma_wait3A_203 = tpu.memref_squeeze %dma_wait3A_202 : memref<1x128xi32, #tpu.memory_space<vmem>> -> memref<128xi32, #tpu.memory_space<vmem>>
            %dma_wait3A_204 = arith.constant 0 : i32
            %dma_wait3A_205 = arith.constant 0 : i32
            %dma_wait3A_206 = tpu.memref_slice %arg15[%dma_wait3A_204, %dma_wait3A_205] : memref<10240x128xf32, #tpu.memory_space<vmem_shared>> -> memref<10240x128xf32, #tpu.memory_space<vmem_shared>>
            tpu.wait_indirect_dma semaphore(%run_scoped3A_194 : memref<!tpu.dma_semaphore, #tpu.memory_space<semaphore_mem>>) src(%arg13 : memref<128x128xf32, #tpu.memory_space<vmem>>) dst(%dma_wait3A_206 : memref<10240x128xf32, #tpu.memory_space<vmem_shared>>)
            tpu.yield
          }) : () -> ()
          %mul3A_174 = arith.constant 2 : i32
          %mul3A_175 = arith.muli %mul3A_174, %add3A_155 : i32
          %add3A_176 = arith.constant 2 : i32
          %add3A_177 = arith.addi %mul3A_175, %add3A_176 : i32
          %dma_start3A_178 = arith.constant 0 : i32
          %dma_start3A_179 = tpu.memref_slice %arg9[%add3A_177, %dma_start3A_178] : memref<16x128xi32, #tpu.memory_space<vmem>> -> memref<1x128xi32, #tpu.memory_space<vmem>>
          %dma_start3A_180 = tpu.memref_squeeze %dma_start3A_179 : memref<1x128xi32, #tpu.memory_space<vmem>> -> memref<128xi32, #tpu.memory_space<vmem>>
          %dma_start3A_181 = arith.constant 0 : i32
          %dma_start3A_182 = arith.constant 0 : i32
          %dma_start3A_183 = tpu.memref_slice %arg3[%dma_start3A_181, %dma_start3A_182] : memref<10240x128xf32, #tpu.memory_space<hbm>> -> memref<10240x128xf32, #tpu.memory_space<hbm>>
          tpu.enqueue_indirect_dma source(%dma_start3A_183 : memref<10240x128xf32, #tpu.memory_space<hbm>>) target(%arg13 : memref<128x128xf32, #tpu.memory_space<vmem>>) offsets(%dma_start3A_180 : memref<128xi32, #tpu.memory_space<vmem>>) semaphore(%arg16 : memref<!tpu.dma_semaphore, #tpu.memory_space<semaphore_mem>>)
          %dma_wait3A_184 = arith.constant 0 : i32
          %dma_wait3A_185 = arith.constant 0 : i32
          %dma_wait3A_186 = tpu.memref_slice %arg3[%dma_wait3A_184, %dma_wait3A_185] : memref<10240x128xf32, #tpu.memory_space<hbm>> -> memref<128x128xf32, #tpu.memory_space<hbm>>
          %dma_wait3A_187 = arith.constant 0 : i32
          %dma_wait3A_188 = arith.constant 0 : i32
          %dma_wait3A_189 = tpu.memref_slice %arg3[%dma_wait3A_187, %dma_wait3A_188] : memref<10240x128xf32, #tpu.memory_space<hbm>> -> memref<128x128xf32, #tpu.memory_space<hbm>>
          tpu.wait_dma2 semaphore(%arg17 : memref<!tpu.dma_semaphore, #tpu.memory_space<semaphore_mem>>) src(%dma_wait3A_189 : memref<128x128xf32, #tpu.memory_space<hbm>>) dst(%arg14 : memref<128x128xf32, #tpu.memory_space<vmem>>)
          %mul3A_190 = arith.constant 2 : i32
          %mul3A_191 = arith.muli %mul3A_190, %add3A_155 : i32
          %add3A_192 = arith.constant 1 : i32
          %add3A_193 = arith.addi %mul3A_191, %add3A_192 : i32
          "tpu.region"() ({
            %run_scoped3A_194 = tpu.sem_alloc : memref<!tpu.dma_semaphore, #tpu.memory_space<semaphore_mem>>
            %dma_start3A_195 = arith.constant 0 : i32
            %dma_start3A_196 = tpu.memref_slice %arg10[%add3A_193, %dma_start3A_195] : memref<16x128xi32, #tpu.memory_space<vmem>> -> memref<1x128xi32, #tpu.memory_space<vmem>>
            %dma_start3A_197 = tpu.memref_squeeze %dma_start3A_196 : memref<1x128xi32, #tpu.memory_space<vmem>> -> memref<128xi32, #tpu.memory_space<vmem>>
            %dma_start3A_198 = arith.constant 0 : i32
            %dma_start3A_199 = arith.constant 0 : i32
            %dma_start3A_200 = tpu.memref_slice %arg15[%dma_start3A_198, %dma_start3A_199] : memref<10240x128xf32, #tpu.memory_space<vmem_shared>> -> memref<10240x128xf32, #tpu.memory_space<vmem_shared>>
            tpu.enqueue_indirect_dma source(%arg14 : memref<128x128xf32, #tpu.memory_space<vmem>>) target(%dma_start3A_200 : memref<10240x128xf32, #tpu.memory_space<vmem_shared>>) offsets(%dma_start3A_197 : memref<128xi32, #tpu.memory_space<vmem>>) semaphore(%run_scoped3A_194 : memref<!tpu.dma_semaphore, #tpu.memory_space<semaphore_mem>>) {add = true}
            %dma_wait3A_201 = arith.constant 0 : i32
            %dma_wait3A_202 = tpu.memref_slice %arg10[%add3A_193, %dma_wait3A_201] : memref<16x128xi32, #tpu.memory_space<vmem>> -> memref<1x128xi32, #tpu.memory_space<vmem>>
            %dma_wait3A_203 = tpu.memref_squeeze %dma_wait3A_202 : memref<1x128xi32, #tpu.memory_space<vmem>> -> memref<128xi32, #tpu.memory_space<vmem>>
            %dma_wait3A_204 = arith.constant 0 : i32
            %dma_wait3A_205 = arith.constant 0 : i32
            %dma_wait3A_206 = tpu.memref_slice %arg15[%dma_wait3A_204, %dma_wait3A_205] : memref<10240x128xf32, #tpu.memory_space<vmem_shared>> -> memref<10240x128xf32, #tpu.memory_space<vmem_shared>>
            tpu.wait_indirect_dma semaphore(%run_scoped3A_194 : memref<!tpu.dma_semaphore, #tpu.memory_space<semaphore_mem>>) src(%arg14 : memref<128x128xf32, #tpu.memory_space<vmem>>) dst(%dma_wait3A_206 : memref<10240x128xf32, #tpu.memory_space<vmem_shared>>)
            tpu.yield
          }) : () -> ()
        }
        %scan3A_76 = arith.constant 7 : i32
        %dma_start3A_77 = arith.constant 15 : i32
        %dma_start3A_78 = arith.constant 0 : i32
        %dma_start3A_79 = tpu.memref_slice %arg9[%dma_start3A_77, %dma_start3A_78] : memref<16x128xi32, #tpu.memory_space<vmem>> -> memref<1x128xi32, #tpu.memory_space<vmem>>
        %dma_start3A_80 = tpu.memref_squeeze %dma_start3A_79 : memref<1x128xi32, #tpu.memory_space<vmem>> -> memref<128xi32, #tpu.memory_space<vmem>>
        %dma_start3A_81 = arith.constant 0 : i32
        %dma_start3A_82 = arith.constant 0 : i32
        %dma_start3A_83 = tpu.memref_slice %arg3[%dma_start3A_81, %dma_start3A_82] : memref<10240x128xf32, #tpu.memory_space<hbm>> -> memref<10240x128xf32, #tpu.memory_space<hbm>>
        tpu.enqueue_indirect_dma source(%dma_start3A_83 : memref<10240x128xf32, #tpu.memory_space<hbm>>) target(%arg14 : memref<128x128xf32, #tpu.memory_space<vmem>>) offsets(%dma_start3A_80 : memref<128xi32, #tpu.memory_space<vmem>>) semaphore(%arg17 : memref<!tpu.dma_semaphore, #tpu.memory_space<semaphore_mem>>)
        %dma_wait3A_84 = arith.constant 0 : i32
        %dma_wait3A_85 = arith.constant 0 : i32
        %dma_wait3A_86 = tpu.memref_slice %arg3[%dma_wait3A_84, %dma_wait3A_85] : memref<10240x128xf32, #tpu.memory_space<hbm>> -> memref<128x128xf32, #tpu.memory_space<hbm>>
        %dma_wait3A_87 = arith.constant 0 : i32
        %dma_wait3A_88 = arith.constant 0 : i32
        %dma_wait3A_89 = tpu.memref_slice %arg3[%dma_wait3A_87, %dma_wait3A_88] : memref<10240x128xf32, #tpu.memory_space<hbm>> -> memref<128x128xf32, #tpu.memory_space<hbm>>
        tpu.wait_dma2 semaphore(%arg16 : memref<!tpu.dma_semaphore, #tpu.memory_space<semaphore_mem>>) src(%dma_wait3A_89 : memref<128x128xf32, #tpu.memory_space<hbm>>) dst(%arg13 : memref<128x128xf32, #tpu.memory_space<vmem>>)
        %run_scoped3A = arith.constant 14 : i32
        "tpu.region"() ({
          %run_scoped3A_151 = tpu.sem_alloc : memref<!tpu.dma_semaphore, #tpu.memory_space<semaphore_mem>>
          %dma_start3A_152 = arith.constant 0 : i32
          %dma_start3A_153 = tpu.memref_slice %arg10[%run_scoped3A, %dma_start3A_152] : memref<16x128xi32, #tpu.memory_space<vmem>> -> memref<1x128xi32, #tpu.memory_space<vmem>>
          %dma_start3A_154 = tpu.memref_squeeze %dma_start3A_153 : memref<1x128xi32, #tpu.memory_space<vmem>> -> memref<128xi32, #tpu.memory_space<vmem>>
          %dma_start3A_155 = arith.constant 0 : i32
          %dma_start3A_156 = arith.constant 0 : i32
          %dma_start3A_157 = tpu.memref_slice %arg15[%dma_start3A_155, %dma_start3A_156] : memref<10240x128xf32, #tpu.memory_space<vmem_shared>> -> memref<10240x128xf32, #tpu.memory_space<vmem_shared>>
          tpu.enqueue_indirect_dma source(%arg13 : memref<128x128xf32, #tpu.memory_space<vmem>>) target(%dma_start3A_157 : memref<10240x128xf32, #tpu.memory_space<vmem_shared>>) offsets(%dma_start3A_154 : memref<128xi32, #tpu.memory_space<vmem>>) semaphore(%run_scoped3A_151 : memref<!tpu.dma_semaphore, #tpu.memory_space<semaphore_mem>>) {add = true}
          %dma_wait3A_158 = arith.constant 0 : i32
          %dma_wait3A_159 = tpu.memref_slice %arg10[%run_scoped3A, %dma_wait3A_158] : memref<16x128xi32, #tpu.memory_space<vmem>> -> memref<1x128xi32, #tpu.memory_space<vmem>>
          %dma_wait3A_160 = tpu.memref_squeeze %dma_wait3A_159 : memref<1x128xi32, #tpu.memory_space<vmem>> -> memref<128xi32, #tpu.memory_space<vmem>>
          %dma_wait3A_161 = arith.constant 0 : i32
          %dma_wait3A_162 = arith.constant 0 : i32
          %dma_wait3A_163 = tpu.memref_slice %arg15[%dma_wait3A_161, %dma_wait3A_162] : memref<10240x128xf32, #tpu.memory_space<vmem_shared>> -> memref<10240x128xf32, #tpu.memory_space<vmem_shared>>
          tpu.wait_indirect_dma semaphore(%run_scoped3A_151 : memref<!tpu.dma_semaphore, #tpu.memory_space<semaphore_mem>>) src(%arg13 : memref<128x128xf32, #tpu.memory_space<vmem>>) dst(%dma_wait3A_163 : memref<10240x128xf32, #tpu.memory_space<vmem_shared>>)
          tpu.yield
        }) : () -> ()
        %dma_wait3A_90 = arith.constant 0 : i32
        %dma_wait3A_91 = arith.constant 0 : i32
        %dma_wait3A_92 = tpu.memref_slice %arg3[%dma_wait3A_90, %dma_wait3A_91] : memref<10240x128xf32, #tpu.memory_space<hbm>> -> memref<128x128xf32, #tpu.memory_space<hbm>>
        %dma_wait3A_93 = arith.constant 0 : i32
        %dma_wait3A_94 = arith.constant 0 : i32
        %dma_wait3A_95 = tpu.memref_slice %arg3[%dma_wait3A_93, %dma_wait3A_94] : memref<10240x128xf32, #tpu.memory_space<hbm>> -> memref<128x128xf32, #tpu.memory_space<hbm>>
        tpu.wait_dma2 semaphore(%arg17 : memref<!tpu.dma_semaphore, #tpu.memory_space<semaphore_mem>>) src(%dma_wait3A_95 : memref<128x128xf32, #tpu.memory_space<hbm>>) dst(%arg14 : memref<128x128xf32, #tpu.memory_space<vmem>>)
        %run_scoped3A_96 = arith.constant 15 : i32
        "tpu.region"() ({
          %run_scoped3A_151 = tpu.sem_alloc : memref<!tpu.dma_semaphore, #tpu.memory_space<semaphore_mem>>
          %dma_start3A_152 = arith.constant 0 : i32
          %dma_start3A_153 = tpu.memref_slice %arg10[%run_scoped3A_96, %dma_start3A_152] : memref<16x128xi32, #tpu.memory_space<vmem>> -> memref<1x128xi32, #tpu.memory_space<vmem>>
          %dma_start3A_154 = tpu.memref_squeeze %dma_start3A_153 : memref<1x128xi32, #tpu.memory_space<vmem>> -> memref<128xi32, #tpu.memory_space<vmem>>
          %dma_start3A_155 = arith.constant 0 : i32
          %dma_start3A_156 = arith.constant 0 : i32
          %dma_start3A_157 = tpu.memref_slice %arg15[%dma_start3A_155, %dma_start3A_156] : memref<10240x128xf32, #tpu.memory_space<vmem_shared>> -> memref<10240x128xf32, #tpu.memory_space<vmem_shared>>
          tpu.enqueue_indirect_dma source(%arg14 : memref<128x128xf32, #tpu.memory_space<vmem>>) target(%dma_start3A_157 : memref<10240x128xf32, #tpu.memory_space<vmem_shared>>) offsets(%dma_start3A_154 : memref<128xi32, #tpu.memory_space<vmem>>) semaphore(%run_scoped3A_151 : memref<!tpu.dma_semaphore, #tpu.memory_space<semaphore_mem>>) {add = true}
          %dma_wait3A_158 = arith.constant 0 : i32
          %dma_wait3A_159 = tpu.memref_slice %arg10[%run_scoped3A_96, %dma_wait3A_158] : memref<16x128xi32, #tpu.memory_space<vmem>> -> memref<1x128xi32, #tpu.memory_space<vmem>>
          %dma_wait3A_160 = tpu.memref_squeeze %dma_wait3A_159 : memref<1x128xi32, #tpu.memory_space<vmem>> -> memref<128xi32, #tpu.memory_space<vmem>>
          %dma_wait3A_161 = arith.constant 0 : i32
          %dma_wait3A_162 = arith.constant 0 : i32
          %dma_wait3A_163 = tpu.memref_slice %arg15[%dma_wait3A_161, %dma_wait3A_162] : memref<10240x128xf32, #tpu.memory_space<vmem_shared>> -> memref<10240x128xf32, #tpu.memory_space<vmem_shared>>
          tpu.wait_indirect_dma semaphore(%run_scoped3A_151 : memref<!tpu.dma_semaphore, #tpu.memory_space<semaphore_mem>>) src(%arg14 : memref<128x128xf32, #tpu.memory_space<vmem>>) dst(%dma_wait3A_163 : memref<10240x128xf32, #tpu.memory_space<vmem_shared>>)
          tpu.yield
        }) : () -> ()
        %lt3A = arith.constant 4 : i32
        %lt3A_97 = arith.cmpi slt, %add3A_53, %lt3A : i32
        %convert_element_type3A_98 = arith.extui %lt3A_97 : i1 to i32
        %cond3A_99 = arith.constant 0 : i32
        %cond3A_100 = arith.cmpi ne, %convert_element_type3A_98, %cond3A_99 : i32
        scf.if %cond3A_100 {
          %mul3A_151 = arith.constant 2 : i32
          %mul3A_152 = arith.muli %mul3A_151, %add3A_53 : i32
          %add3A_153 = arith.constant 2 : i32
          %add3A_154 = arith.addi %mul3A_152, %add3A_153 : i32
          %mul3A_155 = arith.constant 160 : i32
          %mul3A_156 = arith.muli %arg1, %mul3A_155 : i32
          %mul3A_157 = arith.constant 16 : i32
          %mul3A_158 = arith.muli %add3A_154, %mul3A_157 : i32
          %add3A_159 = arith.addi %mul3A_156, %mul3A_158 : i32
          %dma_start3A_160 = arith.constant 0 : i32
          %dma_start3A_161 = tpu.memref_slice %arg6[%add3A_159, %dma_start3A_160] : memref<2560x128xi32, #tpu.memory_space<hbm>> -> memref<16x128xi32, #tpu.memory_space<hbm>>
          %dma_start3A_162 = arith.constant 0 : i32
          %dma_start3A_163 = tpu.memref_slice %arg6[%add3A_159, %dma_start3A_162] : memref<2560x128xi32, #tpu.memory_space<hbm>> -> memref<16x128xi32, #tpu.memory_space<hbm>>
          tpu.enqueue_dma source(%dma_start3A_163 : memref<16x128xi32, #tpu.memory_space<hbm>>) target(%arg9 : memref<16x128xi32, #tpu.memory_space<vmem>>) target_semaphore(%arg18 : memref<!tpu.dma_semaphore, #tpu.memory_space<semaphore_mem>>)
          %dma_start3A_164 = arith.constant 0 : i32
          %dma_start3A_165 = tpu.memref_slice %arg7[%add3A_159, %dma_start3A_164] : memref<2560x128xi32, #tpu.memory_space<hbm>> -> memref<16x128xi32, #tpu.memory_space<hbm>>
          %dma_start3A_166 = arith.constant 0 : i32
          %dma_start3A_167 = tpu.memref_slice %arg7[%add3A_159, %dma_start3A_166] : memref<2560x128xi32, #tpu.memory_space<hbm>> -> memref<16x128xi32, #tpu.memory_space<hbm>>
          tpu.enqueue_dma source(%dma_start3A_167 : memref<16x128xi32, #tpu.memory_space<hbm>>) target(%arg10 : memref<16x128xi32, #tpu.memory_space<vmem>>) target_semaphore(%arg18 : memref<!tpu.dma_semaphore, #tpu.memory_space<semaphore_mem>>)
        } else {
        }
        %dma_wait3A_101 = arith.constant 0 : i32
        %dma_wait3A_102 = arith.constant 0 : i32
        %dma_wait3A_103 = tpu.memref_slice %arg6[%dma_wait3A_101, %dma_wait3A_102] : memref<2560x128xi32, #tpu.memory_space<hbm>> -> memref<16x128xi32, #tpu.memory_space<hbm>>
        %dma_wait3A_104 = arith.constant 0 : i32
        %dma_wait3A_105 = arith.constant 0 : i32
        %dma_wait3A_106 = tpu.memref_slice %arg6[%dma_wait3A_104, %dma_wait3A_105] : memref<2560x128xi32, #tpu.memory_space<hbm>> -> memref<16x128xi32, #tpu.memory_space<hbm>>
        tpu.wait_dma2 semaphore(%arg19 : memref<!tpu.dma_semaphore, #tpu.memory_space<semaphore_mem>>) src(%dma_wait3A_106 : memref<16x128xi32, #tpu.memory_space<hbm>>) dst(%arg11 : memref<16x128xi32, #tpu.memory_space<vmem>>)
        %dma_wait3A_107 = arith.constant 0 : i32
        %dma_wait3A_108 = arith.constant 0 : i32
        %dma_wait3A_109 = tpu.memref_slice %arg7[%dma_wait3A_107, %dma_wait3A_108] : memref<2560x128xi32, #tpu.memory_space<hbm>> -> memref<16x128xi32, #tpu.memory_space<hbm>>
        %dma_wait3A_110 = arith.constant 0 : i32
        %dma_wait3A_111 = arith.constant 0 : i32
        %dma_wait3A_112 = tpu.memref_slice %arg7[%dma_wait3A_110, %dma_wait3A_111] : memref<2560x128xi32, #tpu.memory_space<hbm>> -> memref<16x128xi32, #tpu.memory_space<hbm>>
        tpu.wait_dma2 semaphore(%arg19 : memref<!tpu.dma_semaphore, #tpu.memory_space<semaphore_mem>>) src(%dma_wait3A_112 : memref<16x128xi32, #tpu.memory_space<hbm>>) dst(%arg12 : memref<16x128xi32, #tpu.memory_space<vmem>>)
        %dma_start3A_113 = arith.constant 0 : i32
        %dma_start3A_114 = arith.constant 0 : i32
        %dma_start3A_115 = tpu.memref_slice %arg11[%dma_start3A_113, %dma_start3A_114] : memref<16x128xi32, #tpu.memory_space<vmem>> -> memref<1x128xi32, #tpu.memory_space<vmem>>
        %dma_start3A_116 = tpu.memref_squeeze %dma_start3A_115 : memref<1x128xi32, #tpu.memory_space<vmem>> -> memref<128xi32, #tpu.memory_space<vmem>>
        %dma_start3A_117 = arith.constant 0 : i32
        %dma_start3A_118 = arith.constant 0 : i32
        %dma_start3A_119 = tpu.memref_slice %arg3[%dma_start3A_117, %dma_start3A_118] : memref<10240x128xf32, #tpu.memory_space<hbm>> -> memref<10240x128xf32, #tpu.memory_space<hbm>>
        tpu.enqueue_indirect_dma source(%dma_start3A_119 : memref<10240x128xf32, #tpu.memory_space<hbm>>) target(%arg13 : memref<128x128xf32, #tpu.memory_space<vmem>>) offsets(%dma_start3A_116 : memref<128xi32, #tpu.memory_space<vmem>>) semaphore(%arg16 : memref<!tpu.dma_semaphore, #tpu.memory_space<semaphore_mem>>)
        %scan3A_120 = arith.constant 0 : i32
        %scan3A_121 = arith.constant 7 : i32
        %scan3A_122 = arith.addi %scan3A_120, %scan3A_121 : i32
        %scan3A_123 = arith.constant 1 : i32
        scf.for %scan3A_151 = %scan3A_120 to %scan3A_122 step %scan3A_123  : i32 {
          %mul3A_152 = arith.constant 1 : i32
          %mul3A_153 = arith.muli %scan3A_151, %mul3A_152 : i32
          %add3A_154 = arith.constant 0 : i32
          %add3A_155 = arith.addi %add3A_154, %mul3A_153 : i32
          %mul3A_156 = arith.constant 2 : i32
          %mul3A_157 = arith.muli %mul3A_156, %add3A_155 : i32
          %add3A_158 = arith.constant 1 : i32
          %add3A_159 = arith.addi %mul3A_157, %add3A_158 : i32
          %dma_start3A_160 = arith.constant 0 : i32
          %dma_start3A_161 = tpu.memref_slice %arg11[%add3A_159, %dma_start3A_160] : memref<16x128xi32, #tpu.memory_space<vmem>> -> memref<1x128xi32, #tpu.memory_space<vmem>>
          %dma_start3A_162 = tpu.memref_squeeze %dma_start3A_161 : memref<1x128xi32, #tpu.memory_space<vmem>> -> memref<128xi32, #tpu.memory_space<vmem>>
          %dma_start3A_163 = arith.constant 0 : i32
          %dma_start3A_164 = arith.constant 0 : i32
          %dma_start3A_165 = tpu.memref_slice %arg3[%dma_start3A_163, %dma_start3A_164] : memref<10240x128xf32, #tpu.memory_space<hbm>> -> memref<10240x128xf32, #tpu.memory_space<hbm>>
          tpu.enqueue_indirect_dma source(%dma_start3A_165 : memref<10240x128xf32, #tpu.memory_space<hbm>>) target(%arg14 : memref<128x128xf32, #tpu.memory_space<vmem>>) offsets(%dma_start3A_162 : memref<128xi32, #tpu.memory_space<vmem>>) semaphore(%arg17 : memref<!tpu.dma_semaphore, #tpu.memory_space<semaphore_mem>>)
          %dma_wait3A_166 = arith.constant 0 : i32
          %dma_wait3A_167 = arith.constant 0 : i32
          %dma_wait3A_168 = tpu.memref_slice %arg3[%dma_wait3A_166, %dma_wait3A_167] : memref<10240x128xf32, #tpu.memory_space<hbm>> -> memref<128x128xf32, #tpu.memory_space<hbm>>
          %dma_wait3A_169 = arith.constant 0 : i32
          %dma_wait3A_170 = arith.constant 0 : i32
          %dma_wait3A_171 = tpu.memref_slice %arg3[%dma_wait3A_169, %dma_wait3A_170] : memref<10240x128xf32, #tpu.memory_space<hbm>> -> memref<128x128xf32, #tpu.memory_space<hbm>>
          tpu.wait_dma2 semaphore(%arg16 : memref<!tpu.dma_semaphore, #tpu.memory_space<semaphore_mem>>) src(%dma_wait3A_171 : memref<128x128xf32, #tpu.memory_space<hbm>>) dst(%arg13 : memref<128x128xf32, #tpu.memory_space<vmem>>)
          %mul3A_172 = arith.constant 2 : i32
          %mul3A_173 = arith.muli %mul3A_172, %add3A_155 : i32
          "tpu.region"() ({
            %run_scoped3A_194 = tpu.sem_alloc : memref<!tpu.dma_semaphore, #tpu.memory_space<semaphore_mem>>
            %dma_start3A_195 = arith.constant 0 : i32
            %dma_start3A_196 = tpu.memref_slice %arg12[%mul3A_173, %dma_start3A_195] : memref<16x128xi32, #tpu.memory_space<vmem>> -> memref<1x128xi32, #tpu.memory_space<vmem>>
            %dma_start3A_197 = tpu.memref_squeeze %dma_start3A_196 : memref<1x128xi32, #tpu.memory_space<vmem>> -> memref<128xi32, #tpu.memory_space<vmem>>
            %dma_start3A_198 = arith.constant 0 : i32
            %dma_start3A_199 = arith.constant 0 : i32
            %dma_start3A_200 = tpu.memref_slice %arg15[%dma_start3A_198, %dma_start3A_199] : memref<10240x128xf32, #tpu.memory_space<vmem_shared>> -> memref<10240x128xf32, #tpu.memory_space<vmem_shared>>
            tpu.enqueue_indirect_dma source(%arg13 : memref<128x128xf32, #tpu.memory_space<vmem>>) target(%dma_start3A_200 : memref<10240x128xf32, #tpu.memory_space<vmem_shared>>) offsets(%dma_start3A_197 : memref<128xi32, #tpu.memory_space<vmem>>) semaphore(%run_scoped3A_194 : memref<!tpu.dma_semaphore, #tpu.memory_space<semaphore_mem>>) {add = true}
            %dma_wait3A_201 = arith.constant 0 : i32
            %dma_wait3A_202 = tpu.memref_slice %arg12[%mul3A_173, %dma_wait3A_201] : memref<16x128xi32, #tpu.memory_space<vmem>> -> memref<1x128xi32, #tpu.memory_space<vmem>>
            %dma_wait3A_203 = tpu.memref_squeeze %dma_wait3A_202 : memref<1x128xi32, #tpu.memory_space<vmem>> -> memref<128xi32, #tpu.memory_space<vmem>>
            %dma_wait3A_204 = arith.constant 0 : i32
            %dma_wait3A_205 = arith.constant 0 : i32
            %dma_wait3A_206 = tpu.memref_slice %arg15[%dma_wait3A_204, %dma_wait3A_205] : memref<10240x128xf32, #tpu.memory_space<vmem_shared>> -> memref<10240x128xf32, #tpu.memory_space<vmem_shared>>
            tpu.wait_indirect_dma semaphore(%run_scoped3A_194 : memref<!tpu.dma_semaphore, #tpu.memory_space<semaphore_mem>>) src(%arg13 : memref<128x128xf32, #tpu.memory_space<vmem>>) dst(%dma_wait3A_206 : memref<10240x128xf32, #tpu.memory_space<vmem_shared>>)
            tpu.yield
          }) : () -> ()
          %mul3A_174 = arith.constant 2 : i32
          %mul3A_175 = arith.muli %mul3A_174, %add3A_155 : i32
          %add3A_176 = arith.constant 2 : i32
          %add3A_177 = arith.addi %mul3A_175, %add3A_176 : i32
          %dma_start3A_178 = arith.constant 0 : i32
          %dma_start3A_179 = tpu.memref_slice %arg11[%add3A_177, %dma_start3A_178] : memref<16x128xi32, #tpu.memory_space<vmem>> -> memref<1x128xi32, #tpu.memory_space<vmem>>
          %dma_start3A_180 = tpu.memref_squeeze %dma_start3A_179 : memref<1x128xi32, #tpu.memory_space<vmem>> -> memref<128xi32, #tpu.memory_space<vmem>>
          %dma_start3A_181 = arith.constant 0 : i32
          %dma_start3A_182 = arith.constant 0 : i32
          %dma_start3A_183 = tpu.memref_slice %arg3[%dma_start3A_181, %dma_start3A_182] : memref<10240x128xf32, #tpu.memory_space<hbm>> -> memref<10240x128xf32, #tpu.memory_space<hbm>>
          tpu.enqueue_indirect_dma source(%dma_start3A_183 : memref<10240x128xf32, #tpu.memory_space<hbm>>) target(%arg13 : memref<128x128xf32, #tpu.memory_space<vmem>>) offsets(%dma_start3A_180 : memref<128xi32, #tpu.memory_space<vmem>>) semaphore(%arg16 : memref<!tpu.dma_semaphore, #tpu.memory_space<semaphore_mem>>)
          %dma_wait3A_184 = arith.constant 0 : i32
          %dma_wait3A_185 = arith.constant 0 : i32
          %dma_wait3A_186 = tpu.memref_slice %arg3[%dma_wait3A_184, %dma_wait3A_185] : memref<10240x128xf32, #tpu.memory_space<hbm>> -> memref<128x128xf32, #tpu.memory_space<hbm>>
          %dma_wait3A_187 = arith.constant 0 : i32
          %dma_wait3A_188 = arith.constant 0 : i32
          %dma_wait3A_189 = tpu.memref_slice %arg3[%dma_wait3A_187, %dma_wait3A_188] : memref<10240x128xf32, #tpu.memory_space<hbm>> -> memref<128x128xf32, #tpu.memory_space<hbm>>
          tpu.wait_dma2 semaphore(%arg17 : memref<!tpu.dma_semaphore, #tpu.memory_space<semaphore_mem>>) src(%dma_wait3A_189 : memref<128x128xf32, #tpu.memory_space<hbm>>) dst(%arg14 : memref<128x128xf32, #tpu.memory_space<vmem>>)
          %mul3A_190 = arith.constant 2 : i32
          %mul3A_191 = arith.muli %mul3A_190, %add3A_155 : i32
          %add3A_192 = arith.constant 1 : i32
          %add3A_193 = arith.addi %mul3A_191, %add3A_192 : i32
          "tpu.region"() ({
            %run_scoped3A_194 = tpu.sem_alloc : memref<!tpu.dma_semaphore, #tpu.memory_space<semaphore_mem>>
            %dma_start3A_195 = arith.constant 0 : i32
            %dma_start3A_196 = tpu.memref_slice %arg12[%add3A_193, %dma_start3A_195] : memref<16x128xi32, #tpu.memory_space<vmem>> -> memref<1x128xi32, #tpu.memory_space<vmem>>
            %dma_start3A_197 = tpu.memref_squeeze %dma_start3A_196 : memref<1x128xi32, #tpu.memory_space<vmem>> -> memref<128xi32, #tpu.memory_space<vmem>>
            %dma_start3A_198 = arith.constant 0 : i32
            %dma_start3A_199 = arith.constant 0 : i32
            %dma_start3A_200 = tpu.memref_slice %arg15[%dma_start3A_198, %dma_start3A_199] : memref<10240x128xf32, #tpu.memory_space<vmem_shared>> -> memref<10240x128xf32, #tpu.memory_space<vmem_shared>>
            tpu.enqueue_indirect_dma source(%arg14 : memref<128x128xf32, #tpu.memory_space<vmem>>) target(%dma_start3A_200 : memref<10240x128xf32, #tpu.memory_space<vmem_shared>>) offsets(%dma_start3A_197 : memref<128xi32, #tpu.memory_space<vmem>>) semaphore(%run_scoped3A_194 : memref<!tpu.dma_semaphore, #tpu.memory_space<semaphore_mem>>) {add = true}
            %dma_wait3A_201 = arith.constant 0 : i32
            %dma_wait3A_202 = tpu.memref_slice %arg12[%add3A_193, %dma_wait3A_201] : memref<16x128xi32, #tpu.memory_space<vmem>> -> memref<1x128xi32, #tpu.memory_space<vmem>>
            %dma_wait3A_203 = tpu.memref_squeeze %dma_wait3A_202 : memref<1x128xi32, #tpu.memory_space<vmem>> -> memref<128xi32, #tpu.memory_space<vmem>>
            %dma_wait3A_204 = arith.constant 0 : i32
            %dma_wait3A_205 = arith.constant 0 : i32
            %dma_wait3A_206 = tpu.memref_slice %arg15[%dma_wait3A_204, %dma_wait3A_205] : memref<10240x128xf32, #tpu.memory_space<vmem_shared>> -> memref<10240x128xf32, #tpu.memory_space<vmem_shared>>
            tpu.wait_indirect_dma semaphore(%run_scoped3A_194 : memref<!tpu.dma_semaphore, #tpu.memory_space<semaphore_mem>>) src(%arg14 : memref<128x128xf32, #tpu.memory_space<vmem>>) dst(%dma_wait3A_206 : memref<10240x128xf32, #tpu.memory_space<vmem_shared>>)
            tpu.yield
          }) : () -> ()
        }
        %scan3A_124 = arith.constant 7 : i32
        %dma_start3A_125 = arith.constant 15 : i32
        %dma_start3A_126 = arith.constant 0 : i32
        %dma_start3A_127 = tpu.memref_slice %arg11[%dma_start3A_125, %dma_start3A_126] : memref<16x128xi32, #tpu.memory_space<vmem>> -> memref<1x128xi32, #tpu.memory_space<vmem>>
        %dma_start3A_128 = tpu.memref_squeeze %dma_start3A_127 : memref<1x128xi32, #tpu.memory_space<vmem>> -> memref<128xi32, #tpu.memory_space<vmem>>
        %dma_start3A_129 = arith.constant 0 : i32
        %dma_start3A_130 = arith.constant 0 : i32
        %dma_start3A_131 = tpu.memref_slice %arg3[%dma_start3A_129, %dma_start3A_130] : memref<10240x128xf32, #tpu.memory_space<hbm>> -> memref<10240x128xf32, #tpu.memory_space<hbm>>
        tpu.enqueue_indirect_dma source(%dma_start3A_131 : memref<10240x128xf32, #tpu.memory_space<hbm>>) target(%arg14 : memref<128x128xf32, #tpu.memory_space<vmem>>) offsets(%dma_start3A_128 : memref<128xi32, #tpu.memory_space<vmem>>) semaphore(%arg17 : memref<!tpu.dma_semaphore, #tpu.memory_space<semaphore_mem>>)
        %dma_wait3A_132 = arith.constant 0 : i32
        %dma_wait3A_133 = arith.constant 0 : i32
        %dma_wait3A_134 = tpu.memref_slice %arg3[%dma_wait3A_132, %dma_wait3A_133] : memref<10240x128xf32, #tpu.memory_space<hbm>> -> memref<128x128xf32, #tpu.memory_space<hbm>>
        %dma_wait3A_135 = arith.constant 0 : i32
        %dma_wait3A_136 = arith.constant 0 : i32
        %dma_wait3A_137 = tpu.memref_slice %arg3[%dma_wait3A_135, %dma_wait3A_136] : memref<10240x128xf32, #tpu.memory_space<hbm>> -> memref<128x128xf32, #tpu.memory_space<hbm>>
        tpu.wait_dma2 semaphore(%arg16 : memref<!tpu.dma_semaphore, #tpu.memory_space<semaphore_mem>>) src(%dma_wait3A_137 : memref<128x128xf32, #tpu.memory_space<hbm>>) dst(%arg13 : memref<128x128xf32, #tpu.memory_space<vmem>>)
        %run_scoped3A_138 = arith.constant 14 : i32
        "tpu.region"() ({
          %run_scoped3A_151 = tpu.sem_alloc : memref<!tpu.dma_semaphore, #tpu.memory_space<semaphore_mem>>
          %dma_start3A_152 = arith.constant 0 : i32
          %dma_start3A_153 = tpu.memref_slice %arg12[%run_scoped3A_138, %dma_start3A_152] : memref<16x128xi32, #tpu.memory_space<vmem>> -> memref<1x128xi32, #tpu.memory_space<vmem>>
          %dma_start3A_154 = tpu.memref_squeeze %dma_start3A_153 : memref<1x128xi32, #tpu.memory_space<vmem>> -> memref<128xi32, #tpu.memory_space<vmem>>
          %dma_start3A_155 = arith.constant 0 : i32
          %dma_start3A_156 = arith.constant 0 : i32
          %dma_start3A_157 = tpu.memref_slice %arg15[%dma_start3A_155, %dma_start3A_156] : memref<10240x128xf32, #tpu.memory_space<vmem_shared>> -> memref<10240x128xf32, #tpu.memory_space<vmem_shared>>
          tpu.enqueue_indirect_dma source(%arg13 : memref<128x128xf32, #tpu.memory_space<vmem>>) target(%dma_start3A_157 : memref<10240x128xf32, #tpu.memory_space<vmem_shared>>) offsets(%dma_start3A_154 : memref<128xi32, #tpu.memory_space<vmem>>) semaphore(%run_scoped3A_151 : memref<!tpu.dma_semaphore, #tpu.memory_space<semaphore_mem>>) {add = true}
          %dma_wait3A_158 = arith.constant 0 : i32
          %dma_wait3A_159 = tpu.memref_slice %arg12[%run_scoped3A_138, %dma_wait3A_158] : memref<16x128xi32, #tpu.memory_space<vmem>> -> memref<1x128xi32, #tpu.memory_space<vmem>>
          %dma_wait3A_160 = tpu.memref_squeeze %dma_wait3A_159 : memref<1x128xi32, #tpu.memory_space<vmem>> -> memref<128xi32, #tpu.memory_space<vmem>>
          %dma_wait3A_161 = arith.constant 0 : i32
          %dma_wait3A_162 = arith.constant 0 : i32
          %dma_wait3A_163 = tpu.memref_slice %arg15[%dma_wait3A_161, %dma_wait3A_162] : memref<10240x128xf32, #tpu.memory_space<vmem_shared>> -> memref<10240x128xf32, #tpu.memory_space<vmem_shared>>
          tpu.wait_indirect_dma semaphore(%run_scoped3A_151 : memref<!tpu.dma_semaphore, #tpu.memory_space<semaphore_mem>>) src(%arg13 : memref<128x128xf32, #tpu.memory_space<vmem>>) dst(%dma_wait3A_163 : memref<10240x128xf32, #tpu.memory_space<vmem_shared>>)
          tpu.yield
        }) : () -> ()
        %dma_wait3A_139 = arith.constant 0 : i32
        %dma_wait3A_140 = arith.constant 0 : i32
        %dma_wait3A_141 = tpu.memref_slice %arg3[%dma_wait3A_139, %dma_wait3A_140] : memref<10240x128xf32, #tpu.memory_space<hbm>> -> memref<128x128xf32, #tpu.memory_space<hbm>>
        %dma_wait3A_142 = arith.constant 0 : i32
        %dma_wait3A_143 = arith.constant 0 : i32
        %dma_wait3A_144 = tpu.memref_slice %arg3[%dma_wait3A_142, %dma_wait3A_143] : memref<10240x128xf32, #tpu.memory_space<hbm>> -> memref<128x128xf32, #tpu.memory_space<hbm>>
        tpu.wait_dma2 semaphore(%arg17 : memref<!tpu.dma_semaphore, #tpu.memory_space<semaphore_mem>>) src(%dma_wait3A_144 : memref<128x128xf32, #tpu.memory_space<hbm>>) dst(%arg14 : memref<128x128xf32, #tpu.memory_space<vmem>>)
        %run_scoped3A_145 = arith.constant 15 : i32
        "tpu.region"() ({
          %run_scoped3A_151 = tpu.sem_alloc : memref<!tpu.dma_semaphore, #tpu.memory_space<semaphore_mem>>
          %dma_start3A_152 = arith.constant 0 : i32
          %dma_start3A_153 = tpu.memref_slice %arg12[%run_scoped3A_145, %dma_start3A_152] : memref<16x128xi32, #tpu.memory_space<vmem>> -> memref<1x128xi32, #tpu.memory_space<vmem>>
          %dma_start3A_154 = tpu.memref_squeeze %dma_start3A_153 : memref<1x128xi32, #tpu.memory_space<vmem>> -> memref<128xi32, #tpu.memory_space<vmem>>
          %dma_start3A_155 = arith.constant 0 : i32
          %dma_start3A_156 = arith.constant 0 : i32
          %dma_start3A_157 = tpu.memref_slice %arg15[%dma_start3A_155, %dma_start3A_156] : memref<10240x128xf32, #tpu.memory_space<vmem_shared>> -> memref<10240x128xf32, #tpu.memory_space<vmem_shared>>
          tpu.enqueue_indirect_dma source(%arg14 : memref<128x128xf32, #tpu.memory_space<vmem>>) target(%dma_start3A_157 : memref<10240x128xf32, #tpu.memory_space<vmem_shared>>) offsets(%dma_start3A_154 : memref<128xi32, #tpu.memory_space<vmem>>) semaphore(%run_scoped3A_151 : memref<!tpu.dma_semaphore, #tpu.memory_space<semaphore_mem>>) {add = true}
          %dma_wait3A_158 = arith.constant 0 : i32
          %dma_wait3A_159 = tpu.memref_slice %arg12[%run_scoped3A_145, %dma_wait3A_158] : memref<16x128xi32, #tpu.memory_space<vmem>> -> memref<1x128xi32, #tpu.memory_space<vmem>>
          %dma_wait3A_160 = tpu.memref_squeeze %dma_wait3A_159 : memref<1x128xi32, #tpu.memory_space<vmem>> -> memref<128xi32, #tpu.memory_space<vmem>>
          %dma_wait3A_161 = arith.constant 0 : i32
          %dma_wait3A_162 = arith.constant 0 : i32
          %dma_wait3A_163 = tpu.memref_slice %arg15[%dma_wait3A_161, %dma_wait3A_162] : memref<10240x128xf32, #tpu.memory_space<vmem_shared>> -> memref<10240x128xf32, #tpu.memory_space<vmem_shared>>
          tpu.wait_indirect_dma semaphore(%run_scoped3A_151 : memref<!tpu.dma_semaphore, #tpu.memory_space<semaphore_mem>>) src(%arg14 : memref<128x128xf32, #tpu.memory_space<vmem>>) dst(%dma_wait3A_163 : memref<10240x128xf32, #tpu.memory_space<vmem_shared>>)
          tpu.yield
        }) : () -> ()
        %lt3A_146 = arith.constant 4 : i32
        %lt3A_147 = arith.cmpi slt, %add3A_53, %lt3A_146 : i32
        %convert_element_type3A_148 = arith.extui %lt3A_147 : i1 to i32
        %cond3A_149 = arith.constant 0 : i32
        %cond3A_150 = arith.cmpi ne, %convert_element_type3A_148, %cond3A_149 : i32
        scf.if %cond3A_150 {
          %mul3A_151 = arith.constant 2 : i32
          %mul3A_152 = arith.muli %mul3A_151, %add3A_53 : i32
          %add3A_153 = arith.constant 3 : i32
          %add3A_154 = arith.addi %mul3A_152, %add3A_153 : i32
          %mul3A_155 = arith.constant 160 : i32
          %mul3A_156 = arith.muli %arg1, %mul3A_155 : i32
          %mul3A_157 = arith.constant 16 : i32
          %mul3A_158 = arith.muli %add3A_154, %mul3A_157 : i32
          %add3A_159 = arith.addi %mul3A_156, %mul3A_158 : i32
          %dma_start3A_160 = arith.constant 0 : i32
          %dma_start3A_161 = tpu.memref_slice %arg6[%add3A_159, %dma_start3A_160] : memref<2560x128xi32, #tpu.memory_space<hbm>> -> memref<16x128xi32, #tpu.memory_space<hbm>>
          %dma_start3A_162 = arith.constant 0 : i32
          %dma_start3A_163 = tpu.memref_slice %arg6[%add3A_159, %dma_start3A_162] : memref<2560x128xi32, #tpu.memory_space<hbm>> -> memref<16x128xi32, #tpu.memory_space<hbm>>
          tpu.enqueue_dma source(%dma_start3A_163 : memref<16x128xi32, #tpu.memory_space<hbm>>) target(%arg11 : memref<16x128xi32, #tpu.memory_space<vmem>>) target_semaphore(%arg19 : memref<!tpu.dma_semaphore, #tpu.memory_space<semaphore_mem>>)
          %dma_start3A_164 = arith.constant 0 : i32
          %dma_start3A_165 = tpu.memref_slice %arg7[%add3A_159, %dma_start3A_164] : memref<2560x128xi32, #tpu.memory_space<hbm>> -> memref<16x128xi32, #tpu.memory_space<hbm>>
          %dma_start3A_166 = arith.constant 0 : i32
          %dma_start3A_167 = tpu.memref_slice %arg7[%add3A_159, %dma_start3A_166] : memref<2560x128xi32, #tpu.memory_space<hbm>> -> memref<16x128xi32, #tpu.memory_space<hbm>>
          tpu.enqueue_dma source(%dma_start3A_167 : memref<16x128xi32, #tpu.memory_space<hbm>>) target(%arg12 : memref<16x128xi32, #tpu.memory_space<vmem>>) target_semaphore(%arg19 : memref<!tpu.dma_semaphore, #tpu.memory_space<semaphore_mem>>)
        } else {
        }
      }
      %scan3A_48 = arith.constant 5 : i32
    } else {
    }
    %barrier3A_17 = arith.constant 0 : index
    tpu.barrier barrier_id(%barrier3A_17)
    %mul3A = arith.constant 640 : i32
    %mul3A_18 = arith.muli %arg1, %mul3A : i32
    %mul3A_19 = arith.constant 16 : i32
    %mul3A_20 = arith.muli %arg0, %mul3A_19 : i32
    %add3A = arith.addi %mul3A_20, %arg1 : i32
    "tpu.region"() ({
      %run_scoped3A = tpu.sem_alloc : memref<!tpu.dma_semaphore, #tpu.memory_space<semaphore_mem>>
      %dma_start3A = arith.constant 0 : i32
      %dma_start3A_21 = arith.constant 0 : i32
      %dma_start3A_22 = tpu.memref_slice %arg8[%add3A, %dma_start3A, %dma_start3A_21] : memref<32x640x128xf32, #tpu.memory_space<hbm>> -> memref<1x640x128xf32, #tpu.memory_space<hbm>>
      %dma_start3A_23 = tpu.memref_squeeze %dma_start3A_22 : memref<1x640x128xf32, #tpu.memory_space<hbm>> -> memref<640x128xf32, #tpu.memory_space<hbm>>
      %dma_start3A_24 = arith.constant 0 : i32
      %dma_start3A_25 = tpu.memref_slice %arg15[%mul3A_18, %dma_start3A_24] : memref<10240x128xf32, #tpu.memory_space<vmem_shared>> -> memref<640x128xf32, #tpu.memory_space<vmem_shared>>
      tpu.enqueue_dma source(%dma_start3A_25 : memref<640x128xf32, #tpu.memory_space<vmem_shared>>) target(%dma_start3A_23 : memref<640x128xf32, #tpu.memory_space<hbm>>) target_semaphore(%run_scoped3A : memref<!tpu.dma_semaphore, #tpu.memory_space<semaphore_mem>>)
      %dma_wait3A = arith.constant 0 : i32
      %dma_wait3A_26 = arith.constant 0 : i32
      %dma_wait3A_27 = tpu.memref_slice %arg8[%add3A, %dma_wait3A, %dma_wait3A_26] : memref<32x640x128xf32, #tpu.memory_space<hbm>> -> memref<1x640x128xf32, #tpu.memory_space<hbm>>
      %dma_wait3A_28 = tpu.memref_squeeze %dma_wait3A_27 : memref<1x640x128xf32, #tpu.memory_space<hbm>> -> memref<640x128xf32, #tpu.memory_space<hbm>>
      %dma_wait3A_29 = arith.constant 0 : i32
      %dma_wait3A_30 = tpu.memref_slice %arg15[%mul3A_18, %dma_wait3A_29] : memref<10240x128xf32, #tpu.memory_space<vmem_shared>> -> memref<640x128xf32, #tpu.memory_space<vmem_shared>>
      tpu.wait_dma2 semaphore(%run_scoped3A : memref<!tpu.dma_semaphore, #tpu.memory_space<semaphore_mem>>) src(%dma_wait3A_30 : memref<640x128xf32, #tpu.memory_space<vmem_shared>>) dst(%dma_wait3A_28 : memref<640x128xf32, #tpu.memory_space<hbm>>)
      tpu.yield
    }) : () -> ()
    return
  }
}

module attributes {stable_mosaic.version = 14 : i64} {
  func.func @_tc_pre_body(%arg0: i32, %arg1: memref<512x128xf32, #tpu.memory_space<vmem>>, %arg2: memref<128x128xf32, #tpu.memory_space<vmem>>, %arg3: memref<512x16xf32, #tpu.memory_space<vmem>>, %arg4: memref<512x16xf32, #tpu.memory_space<vmem>>, %arg5: memref<512x128xf32, #tpu.memory_space<vmem>>, %arg6: memref<512x128xf32, #tpu.memory_space<vmem>>) attributes {dimension_semantics = [#tpu.dimension_semantics<arbitrary>], iteration_bounds = array<i64: 20>, scalar_prefetch = 0 : i64, scratch_operands = 0 : i64, tpu.core_type = #tpu.core_type<tc>, window_params = [{transform_indices = @transform_0, window_bounds = array<i64: 512, 128>}, {pipeline_mode = #tpu.pipeline_mode<synchronous>, transform_indices = @transform_1, window_bounds = array<i64: 128, 128>}, {transform_indices = @transform_2, window_bounds = array<i64: 512, 16>}, {transform_indices = @transform_3, window_bounds = array<i64: 512, 16>}, {transform_indices = @transform_4, window_bounds = array<i64: 512, 128>}, {transform_indices = @transform_5, window_bounds = array<i64: 512, 128>}]} {
    %get3A = arith.constant 0 : index
    %get3A_0 = arith.constant 0 : index
    %get3A_1 = vector.load %arg1[%get3A, %get3A_0] : memref<512x128xf32, #tpu.memory_space<vmem>>, vector<512x128xf32>
    %get3A_2 = arith.constant 0 : index
    %get3A_3 = arith.constant 0 : index
    %get3A_4 = vector.load %arg2[%get3A_2, %get3A_3] : memref<128x128xf32, #tpu.memory_space<vmem>>, vector<128x128xf32>
    %dot_general3A = arith.constant dense<0.000000e+00> : vector<512x128xf32>
    %dot_general3A_5 = tpu.matmul %get3A_1, %get3A_4, %dot_general3A {dimension_numbers = #tpu.dot_dimension_numbers<[1], [0], [0], [1], [0, 0, 1, 1], [], []>, transpose_lhs_hint = false} : vector<512x128xf32>, vector<128x128xf32>, vector<512x128xf32> -> vector<512x128xf32>
    %get3A_6 = arith.constant 0 : index
    %get3A_7 = arith.constant 0 : index
    %get3A_8 = vector.load %arg3[%get3A_6, %get3A_7] : memref<512x16xf32, #tpu.memory_space<vmem>>, vector<512x1xf32>
    %add3A = arith.constant 1.000000e+00 : f32
    %add3A_9 = vector.broadcast %add3A : f32 to vector<512x1xf32>
    %add3A_10 = arith.addf %get3A_8, %add3A_9 : vector<512x1xf32>
    %rsqrt3A = math.rsqrt %add3A_10 : vector<512x1xf32>
    %mul3A = vector.broadcast %rsqrt3A : vector<512x1xf32> to vector<512x128xf32>
    %mul3A_11 = arith.mulf %dot_general3A_5, %mul3A : vector<512x128xf32>
    %swap3A = arith.constant 0 : index
    %swap3A_12 = arith.constant 0 : index
    %swap3A_13 = vector.load %arg5[%swap3A, %swap3A_12] : memref<512x128xf32, #tpu.memory_space<vmem>>, vector<512x128xf32>
    tpu.vector_store %arg5[%swap3A, %swap3A_12], %mul3A_11 {strides = array<i32>} : memref<512x128xf32, #tpu.memory_space<vmem>>, vector<512x128xf32>,
    %get3A_14 = arith.constant 0 : index
    %get3A_15 = arith.constant 0 : index
    %get3A_16 = vector.load %arg4[%get3A_14, %get3A_15] : memref<512x16xf32, #tpu.memory_space<vmem>>, vector<512x1xf32>
    %add3A_17 = arith.constant 1.000000e+00 : f32
    %add3A_18 = vector.broadcast %add3A_17 : f32 to vector<512x1xf32>
    %add3A_19 = arith.addf %get3A_16, %add3A_18 : vector<512x1xf32>
    %rsqrt3A_20 = math.rsqrt %add3A_19 : vector<512x1xf32>
    %mul3A_21 = vector.broadcast %rsqrt3A_20 : vector<512x1xf32> to vector<512x128xf32>
    %mul3A_22 = arith.mulf %dot_general3A_5, %mul3A_21 : vector<512x128xf32>
    %swap3A_23 = arith.constant 0 : index
    %swap3A_24 = arith.constant 0 : index
    %swap3A_25 = vector.load %arg6[%swap3A_23, %swap3A_24] : memref<512x128xf32, #tpu.memory_space<vmem>>, vector<512x128xf32>
    tpu.vector_store %arg6[%swap3A_23, %swap3A_24], %mul3A_22 {strides = array<i32>} : memref<512x128xf32, #tpu.memory_space<vmem>>, vector<512x128xf32>,
    return
  }
  func.func @transform_0(%arg0: i32) -> (i32, i32) {
    %c0_i32 = arith.constant 0 : i32
    %c0_i32_0 = arith.constant 0 : i32
    return %arg0, %c0_i32 : i32, i32
  }
  func.func @transform_1(%arg0: i32) -> (i32, i32) {
    %c0_i32 = arith.constant 0 : i32
    %c0_i32_0 = arith.constant 0 : i32
    %c0_i32_1 = arith.constant 0 : i32
    return %c0_i32, %c0_i32_0 : i32, i32
  }
  func.func @transform_2(%arg0: i32) -> (i32, i32) {
    %c0_i32 = arith.constant 0 : i32
    %c0_i32_0 = arith.constant 0 : i32
    return %arg0, %c0_i32 : i32, i32
  }
  func.func @transform_3(%arg0: i32) -> (i32, i32) {
    %c0_i32 = arith.constant 0 : i32
    %c0_i32_0 = arith.constant 0 : i32
    return %arg0, %c0_i32 : i32, i32
  }
  func.func @transform_4(%arg0: i32) -> (i32, i32) {
    %c0_i32 = arith.constant 0 : i32
    %c0_i32_0 = arith.constant 0 : i32
    return %arg0, %c0_i32 : i32, i32
  }
  func.func @transform_5(%arg0: i32) -> (i32, i32) {
    %c0_i32 = arith.constant 0 : i32
    %c0_i32_0 = arith.constant 0 : i32
    return %arg0, %c0_i32 : i32, i32
  }
}

module attributes {stable_mosaic.version = 14 : i64} {
  func.func @_tc_mid_body(%arg0: i32, %arg1: memref<1x512x128xf32, #tpu.memory_space<vmem>>, %arg2: memref<1x512x128xf32, #tpu.memory_space<vmem>>, %arg3: memref<512x128xf32, #tpu.memory_space<vmem>>, %arg4: memref<512x128xf32, #tpu.memory_space<vmem>>, %arg5: memref<512x16xf32, #tpu.memory_space<vmem>>, %arg6: memref<512x16xf32, #tpu.memory_space<vmem>>, %arg7: memref<128x128xf32, #tpu.memory_space<vmem>>, %arg8: memref<128x128xf32, #tpu.memory_space<vmem>>, %arg9: memref<128x128xf32, #tpu.memory_space<vmem>>, %arg10: memref<1x128xf32, #tpu.memory_space<vmem>>, %arg11: memref<1x128xf32, #tpu.memory_space<vmem>>, %arg12: memref<512x128xf32, #tpu.memory_space<vmem>>, %arg13: memref<512x128xf32, #tpu.memory_space<vmem>>) attributes {dimension_semantics = [#tpu.dimension_semantics<arbitrary>], iteration_bounds = array<i64: 20>, scalar_prefetch = 0 : i64, scratch_operands = 0 : i64, tpu.core_type = #tpu.core_type<tc>, window_params = [{transform_indices = @transform_0, window_bounds = array<i64: 1, 512, 128>}, {transform_indices = @transform_1, window_bounds = array<i64: 1, 512, 128>}, {transform_indices = @transform_2, window_bounds = array<i64: 512, 128>}, {transform_indices = @transform_3, window_bounds = array<i64: 512, 128>}, {transform_indices = @transform_4, window_bounds = array<i64: 512, 16>}, {transform_indices = @transform_5, window_bounds = array<i64: 512, 16>}, {pipeline_mode = #tpu.pipeline_mode<synchronous>, transform_indices = @transform_6, window_bounds = array<i64: 128, 128>}, {pipeline_mode = #tpu.pipeline_mode<synchronous>, transform_indices = @transform_7, window_bounds = array<i64: 128, 128>}, {pipeline_mode = #tpu.pipeline_mode<synchronous>, transform_indices = @transform_8, window_bounds = array<i64: 128, 128>}, {pipeline_mode = #tpu.pipeline_mode<synchronous>, transform_indices = @transform_9, window_bounds = array<i64: 1, 128>}, {pipeline_mode = #tpu.pipeline_mode<synchronous>, transform_indices = @transform_10, window_bounds = array<i64: 1, 128>}, {transform_indices = @transform_11, window_bounds = array<i64: 512, 128>}, {transform_indices = @transform_12, window_bounds = array<i64: 512, 128>}]} {
    %get3A = arith.constant 0 : index
    %get3A_0 = arith.constant 0 : index
    %get3A_1 = vector.load %arg5[%get3A, %get3A_0] : memref<512x16xf32, #tpu.memory_space<vmem>>, vector<512x1xf32>
    %add3A = arith.constant 1.000000e+00 : f32
    %add3A_2 = vector.broadcast %add3A : f32 to vector<512x1xf32>
    %add3A_3 = arith.addf %get3A_1, %add3A_2 : vector<512x1xf32>
    %rsqrt3A = math.rsqrt %add3A_3 : vector<512x1xf32>
    %get3A_4 = arith.constant 0 : index
    %get3A_5 = arith.constant 0 : index
    %get3A_6 = vector.load %arg6[%get3A_4, %get3A_5] : memref<512x16xf32, #tpu.memory_space<vmem>>, vector<512x1xf32>
    %add3A_7 = arith.constant 1.000000e+00 : f32
    %add3A_8 = vector.broadcast %add3A_7 : f32 to vector<512x1xf32>
    %add3A_9 = arith.addf %get3A_6, %add3A_8 : vector<512x1xf32>
    %rsqrt3A_10 = math.rsqrt %add3A_9 : vector<512x1xf32>
    %get3A_11 = arith.constant 0 : index
    %get3A_12 = arith.constant 0 : index
    %get3A_13 = arith.constant 0 : index
    %get3A_14 = vector.load %arg1[%get3A_11, %get3A_12, %get3A_13] : memref<1x512x128xf32, #tpu.memory_space<vmem>>, vector<1x512x128xf32>
    %get3A_15 = vector.shape_cast %get3A_14 : vector<1x512x128xf32> to vector<512x128xf32>
    %get3A_16 = arith.constant 0 : index
    %get3A_17 = arith.constant 0 : index
    %get3A_18 = vector.load %arg3[%get3A_16, %get3A_17] : memref<512x128xf32, #tpu.memory_space<vmem>>, vector<512x128xf32>
    %add3A_19 = arith.addf %get3A_15, %get3A_18 : vector<512x128xf32>
    %mul3A = vector.broadcast %rsqrt3A : vector<512x1xf32> to vector<512x128xf32>
    %mul3A_20 = arith.mulf %add3A_19, %mul3A : vector<512x128xf32>
    %get3A_21 = arith.constant 0 : index
    %get3A_22 = arith.constant 0 : index
    %get3A_23 = vector.load %arg11[%get3A_21, %get3A_22] : memref<1x128xf32, #tpu.memory_space<vmem>>, vector<1x128xf32>
    %add3A_24 = vector.broadcast %get3A_23 : vector<1x128xf32> to vector<512x128xf32>
    %add3A_25 = arith.addf %mul3A_20, %add3A_24 : vector<512x128xf32>
    %max3A = arith.constant 0.000000e+00 : f32
    %max3A_26 = vector.broadcast %max3A : f32 to vector<512x128xf32>
    %max3A_27 = arith.maximumf %add3A_25, %max3A_26 : vector<512x128xf32>
    %get3A_28 = arith.constant 0 : index
    %get3A_29 = arith.constant 0 : index
    %get3A_30 = arith.constant 0 : index
    %get3A_31 = vector.load %arg2[%get3A_28, %get3A_29, %get3A_30] : memref<1x512x128xf32, #tpu.memory_space<vmem>>, vector<1x512x128xf32>
    %get3A_32 = vector.shape_cast %get3A_31 : vector<1x512x128xf32> to vector<512x128xf32>
    %get3A_33 = arith.constant 0 : index
    %get3A_34 = arith.constant 0 : index
    %get3A_35 = vector.load %arg4[%get3A_33, %get3A_34] : memref<512x128xf32, #tpu.memory_space<vmem>>, vector<512x128xf32>
    %add3A_36 = arith.addf %get3A_32, %get3A_35 : vector<512x128xf32>
    %mul3A_37 = vector.broadcast %rsqrt3A_10 : vector<512x1xf32> to vector<512x128xf32>
    %mul3A_38 = arith.mulf %add3A_36, %mul3A_37 : vector<512x128xf32>
    %get3A_39 = arith.constant 0 : index
    %get3A_40 = arith.constant 0 : index
    %get3A_41 = vector.load %arg11[%get3A_39, %get3A_40] : memref<1x128xf32, #tpu.memory_space<vmem>>, vector<1x128xf32>
    %add3A_42 = vector.broadcast %get3A_41 : vector<1x128xf32> to vector<512x128xf32>
    %add3A_43 = arith.addf %mul3A_38, %add3A_42 : vector<512x128xf32>
    %max3A_44 = arith.constant 0.000000e+00 : f32
    %max3A_45 = vector.broadcast %max3A_44 : f32 to vector<512x128xf32>
    %max3A_46 = arith.maximumf %add3A_43, %max3A_45 : vector<512x128xf32>
    %get3A_47 = arith.constant 0 : index
    %get3A_48 = arith.constant 0 : index
    %get3A_49 = vector.load %arg8[%get3A_47, %get3A_48] : memref<128x128xf32, #tpu.memory_space<vmem>>, vector<128x128xf32>
    %dot_general3A = arith.constant dense<0.000000e+00> : vector<512x128xf32>
    %dot_general3A_50 = tpu.matmul %max3A_27, %get3A_49, %dot_general3A {dimension_numbers = #tpu.dot_dimension_numbers<[1], [1], [0], [0], [0, 0, 1, 0], [], []>, transpose_lhs_hint = false} : vector<512x128xf32>, vector<128x128xf32>, vector<512x128xf32> -> vector<512x128xf32>
    %get3A_51 = arith.constant 0 : index
    %get3A_52 = arith.constant 0 : index
    %get3A_53 = vector.load %arg9[%get3A_51, %get3A_52] : memref<128x128xf32, #tpu.memory_space<vmem>>, vector<128x128xf32>
    %dot_general3A_54 = arith.constant dense<0.000000e+00> : vector<512x128xf32>
    %dot_general3A_55 = tpu.matmul %max3A_46, %get3A_53, %dot_general3A_54 {dimension_numbers = #tpu.dot_dimension_numbers<[1], [1], [0], [0], [0, 0, 1, 0], [], []>, transpose_lhs_hint = false} : vector<512x128xf32>, vector<128x128xf32>, vector<512x128xf32> -> vector<512x128xf32>
    %add3A_56 = arith.addf %dot_general3A_50, %dot_general3A_55 : vector<512x128xf32>
    %get3A_57 = arith.constant 0 : index
    %get3A_58 = arith.constant 0 : index
    %get3A_59 = vector.load %arg10[%get3A_57, %get3A_58] : memref<1x128xf32, #tpu.memory_space<vmem>>, vector<1x128xf32>
    %add3A_60 = vector.broadcast %get3A_59 : vector<1x128xf32> to vector<512x128xf32>
    %add3A_61 = arith.addf %add3A_56, %add3A_60 : vector<512x128xf32>
    %logistic3A = arith.negf %add3A_61 : vector<512x128xf32>
    %logistic3A_62 = math.exp %logistic3A : vector<512x128xf32>
    %logistic3A_63 = arith.constant 1.000000e+00 : f32
    %logistic3A_64 = vector.broadcast %logistic3A_63 : f32 to vector<512x128xf32>
    %logistic3A_65 = arith.addf %logistic3A_64, %logistic3A_62 : vector<512x128xf32>
    %logistic3A_66 = arith.divf %logistic3A_64, %logistic3A_65 : vector<512x128xf32>
    %mul3A_67 = arith.mulf %logistic3A_66, %max3A_27 : vector<512x128xf32>
    %sub3A = arith.constant 1.000000e+00 : f32
    %sub3A_68 = vector.broadcast %sub3A : f32 to vector<512x128xf32>
    %sub3A_69 = arith.subf %sub3A_68, %logistic3A_66 : vector<512x128xf32>
    %mul3A_70 = arith.mulf %sub3A_69, %max3A_46 : vector<512x128xf32>
    %add3A_71 = arith.addf %mul3A_67, %mul3A_70 : vector<512x128xf32>
    %get3A_72 = arith.constant 0 : index
    %get3A_73 = arith.constant 0 : index
    %get3A_74 = vector.load %arg7[%get3A_72, %get3A_73] : memref<128x128xf32, #tpu.memory_space<vmem>>, vector<128x128xf32>
    %dot_general3A_75 = arith.constant dense<0.000000e+00> : vector<512x128xf32>
    %dot_general3A_76 = tpu.matmul %add3A_71, %get3A_74, %dot_general3A_75 {dimension_numbers = #tpu.dot_dimension_numbers<[1], [0], [0], [1], [0, 0, 1, 1], [], []>, transpose_lhs_hint = false} : vector<512x128xf32>, vector<128x128xf32>, vector<512x128xf32> -> vector<512x128xf32>
    %mul3A_77 = vector.broadcast %rsqrt3A : vector<512x1xf32> to vector<512x128xf32>
    %mul3A_78 = arith.mulf %dot_general3A_76, %mul3A_77 : vector<512x128xf32>
    %swap3A = arith.constant 0 : index
    %swap3A_79 = arith.constant 0 : index
    %swap3A_80 = vector.load %arg12[%swap3A, %swap3A_79] : memref<512x128xf32, #tpu.memory_space<vmem>>, vector<512x128xf32>
    tpu.vector_store %arg12[%swap3A, %swap3A_79], %mul3A_78 {strides = array<i32>} : memref<512x128xf32, #tpu.memory_space<vmem>>, vector<512x128xf32>,
    %mul3A_81 = vector.broadcast %rsqrt3A_10 : vector<512x1xf32> to vector<512x128xf32>
    %mul3A_82 = arith.mulf %dot_general3A_76, %mul3A_81 : vector<512x128xf32>
    %swap3A_83 = arith.constant 0 : index
    %swap3A_84 = arith.constant 0 : index
    %swap3A_85 = vector.load %arg13[%swap3A_83, %swap3A_84] : memref<512x128xf32, #tpu.memory_space<vmem>>, vector<512x128xf32>
    tpu.vector_store %arg13[%swap3A_83, %swap3A_84], %mul3A_82 {strides = array<i32>} : memref<512x128xf32, #tpu.memory_space<vmem>>, vector<512x128xf32>,
    return
  }
  func.func @transform_0(%arg0: i32) -> (i32, i32, i32) {
    %c0_i32 = arith.constant 0 : i32
    %c0_i32_0 = arith.constant 0 : i32
    %c0_i32_1 = arith.constant 0 : i32
    return %c0_i32, %arg0, %c0_i32_0 : i32, i32, i32
  }
  func.func @transform_1(%arg0: i32) -> (i32, i32, i32) {
    %c1_i32 = arith.constant 1 : i32
    %c0_i32 = arith.constant 0 : i32
    %c0_i32_0 = arith.constant 0 : i32
    return %c1_i32, %arg0, %c0_i32 : i32, i32, i32
  }
  func.func @transform_2(%arg0: i32) -> (i32, i32) {
    %c0_i32 = arith.constant 0 : i32
    %c0_i32_0 = arith.constant 0 : i32
    return %arg0, %c0_i32 : i32, i32
  }
  func.func @transform_3(%arg0: i32) -> (i32, i32) {
    %c0_i32 = arith.constant 0 : i32
    %c0_i32_0 = arith.constant 0 : i32
    return %arg0, %c0_i32 : i32, i32
  }
  func.func @transform_4(%arg0: i32) -> (i32, i32) {
    %c0_i32 = arith.constant 0 : i32
    %c0_i32_0 = arith.constant 0 : i32
    return %arg0, %c0_i32 : i32, i32
  }
  func.func @transform_5(%arg0: i32) -> (i32, i32) {
    %c0_i32 = arith.constant 0 : i32
    %c0_i32_0 = arith.constant 0 : i32
    return %arg0, %c0_i32 : i32, i32
  }
  func.func @transform_6(%arg0: i32) -> (i32, i32) {
    %c0_i32 = arith.constant 0 : i32
    %c0_i32_0 = arith.constant 0 : i32
    %c0_i32_1 = arith.constant 0 : i32
    return %c0_i32, %c0_i32_0 : i32, i32
  }
  func.func @transform_7(%arg0: i32) -> (i32, i32) {
    %c0_i32 = arith.constant 0 : i32
    %c0_i32_0 = arith.constant 0 : i32
    %c0_i32_1 = arith.constant 0 : i32
    return %c0_i32, %c0_i32_0 : i32, i32
  }
  func.func @transform_8(%arg0: i32) -> (i32, i32) {
    %c0_i32 = arith.constant 0 : i32
    %c0_i32_0 = arith.constant 0 : i32
    %c0_i32_1 = arith.constant 0 : i32
    return %c0_i32, %c0_i32_0 : i32, i32
  }
  func.func @transform_9(%arg0: i32) -> (i32, i32) {
    %c0_i32 = arith.constant 0 : i32
    %c0_i32_0 = arith.constant 0 : i32
    %c0_i32_1 = arith.constant 0 : i32
    return %c0_i32, %c0_i32_0 : i32, i32
  }
  func.func @transform_10(%arg0: i32) -> (i32, i32) {
    %c0_i32 = arith.constant 0 : i32
    %c0_i32_0 = arith.constant 0 : i32
    %c0_i32_1 = arith.constant 0 : i32
    return %c0_i32, %c0_i32_0 : i32, i32
  }
  func.func @transform_11(%arg0: i32) -> (i32, i32) {
    %c0_i32 = arith.constant 0 : i32
    %c0_i32_0 = arith.constant 0 : i32
    return %arg0, %c0_i32 : i32, i32
  }
  func.func @transform_12(%arg0: i32) -> (i32, i32) {
    %c0_i32 = arith.constant 0 : i32
    %c0_i32_0 = arith.constant 0 : i32
    return %arg0, %c0_i32 : i32, i32
  }
}

module attributes {stable_mosaic.version = 14 : i64} {
  func.func @_tc_fin_body(%arg0: i32, %arg1: memref<1x400x128xf32, #tpu.memory_space<vmem>>, %arg2: memref<1x400x128xf32, #tpu.memory_space<vmem>>, %arg3: memref<400x128xf32, #tpu.memory_space<vmem>>, %arg4: memref<400x128xf32, #tpu.memory_space<vmem>>, %arg5: memref<400x16xf32, #tpu.memory_space<vmem>>, %arg6: memref<400x16xf32, #tpu.memory_space<vmem>>, %arg7: memref<128x128xf32, #tpu.memory_space<vmem>>, %arg8: memref<128x128xf32, #tpu.memory_space<vmem>>, %arg9: memref<1x128xf32, #tpu.memory_space<vmem>>, %arg10: memref<1x128xf32, #tpu.memory_space<vmem>>, %arg11: memref<400x128xf32, #tpu.memory_space<vmem>>) attributes {dimension_semantics = [#tpu.dimension_semantics<arbitrary>], iteration_bounds = array<i64: 25>, scalar_prefetch = 0 : i64, scratch_operands = 0 : i64, tpu.core_type = #tpu.core_type<tc>, window_params = [{transform_indices = @transform_0, window_bounds = array<i64: 1, 400, 128>}, {transform_indices = @transform_1, window_bounds = array<i64: 1, 400, 128>}, {transform_indices = @transform_2, window_bounds = array<i64: 400, 128>}, {transform_indices = @transform_3, window_bounds = array<i64: 400, 128>}, {transform_indices = @transform_4, window_bounds = array<i64: 400, 16>}, {transform_indices = @transform_5, window_bounds = array<i64: 400, 16>}, {pipeline_mode = #tpu.pipeline_mode<synchronous>, transform_indices = @transform_6, window_bounds = array<i64: 128, 128>}, {pipeline_mode = #tpu.pipeline_mode<synchronous>, transform_indices = @transform_7, window_bounds = array<i64: 128, 128>}, {pipeline_mode = #tpu.pipeline_mode<synchronous>, transform_indices = @transform_8, window_bounds = array<i64: 1, 128>}, {pipeline_mode = #tpu.pipeline_mode<synchronous>, transform_indices = @transform_9, window_bounds = array<i64: 1, 128>}, {transform_indices = @transform_10, window_bounds = array<i64: 400, 128>}]} {
    %get3A = arith.constant 0 : index
    %get3A_0 = arith.constant 0 : index
    %get3A_1 = vector.load %arg5[%get3A, %get3A_0] : memref<400x16xf32, #tpu.memory_space<vmem>>, vector<400x1xf32>
    %add3A = arith.constant 1.000000e+00 : f32
    %add3A_2 = vector.broadcast %add3A : f32 to vector<400x1xf32>
    %add3A_3 = arith.addf %get3A_1, %add3A_2 : vector<400x1xf32>
    %rsqrt3A = math.rsqrt %add3A_3 : vector<400x1xf32>
    %get3A_4 = arith.constant 0 : index
    %get3A_5 = arith.constant 0 : index
    %get3A_6 = vector.load %arg6[%get3A_4, %get3A_5] : memref<400x16xf32, #tpu.memory_space<vmem>>, vector<400x1xf32>
    %add3A_7 = arith.constant 1.000000e+00 : f32
    %add3A_8 = vector.broadcast %add3A_7 : f32 to vector<400x1xf32>
    %add3A_9 = arith.addf %get3A_6, %add3A_8 : vector<400x1xf32>
    %rsqrt3A_10 = math.rsqrt %add3A_9 : vector<400x1xf32>
    %get3A_11 = arith.constant 0 : index
    %get3A_12 = arith.constant 0 : index
    %get3A_13 = arith.constant 0 : index
    %get3A_14 = vector.load %arg1[%get3A_11, %get3A_12, %get3A_13] : memref<1x400x128xf32, #tpu.memory_space<vmem>>, vector<1x400x128xf32>
    %get3A_15 = vector.shape_cast %get3A_14 : vector<1x400x128xf32> to vector<400x128xf32>
    %get3A_16 = arith.constant 0 : index
    %get3A_17 = arith.constant 0 : index
    %get3A_18 = vector.load %arg3[%get3A_16, %get3A_17] : memref<400x128xf32, #tpu.memory_space<vmem>>, vector<400x128xf32>
    %add3A_19 = arith.addf %get3A_15, %get3A_18 : vector<400x128xf32>
    %mul3A = vector.broadcast %rsqrt3A : vector<400x1xf32> to vector<400x128xf32>
    %mul3A_20 = arith.mulf %add3A_19, %mul3A : vector<400x128xf32>
    %get3A_21 = arith.constant 0 : index
    %get3A_22 = arith.constant 0 : index
    %get3A_23 = vector.load %arg10[%get3A_21, %get3A_22] : memref<1x128xf32, #tpu.memory_space<vmem>>, vector<1x128xf32>
    %add3A_24 = vector.broadcast %get3A_23 : vector<1x128xf32> to vector<400x128xf32>
    %add3A_25 = arith.addf %mul3A_20, %add3A_24 : vector<400x128xf32>
    %max3A = arith.constant 0.000000e+00 : f32
    %max3A_26 = vector.broadcast %max3A : f32 to vector<400x128xf32>
    %max3A_27 = arith.maximumf %add3A_25, %max3A_26 : vector<400x128xf32>
    %get3A_28 = arith.constant 0 : index
    %get3A_29 = arith.constant 0 : index
    %get3A_30 = arith.constant 0 : index
    %get3A_31 = vector.load %arg2[%get3A_28, %get3A_29, %get3A_30] : memref<1x400x128xf32, #tpu.memory_space<vmem>>, vector<1x400x128xf32>
    %get3A_32 = vector.shape_cast %get3A_31 : vector<1x400x128xf32> to vector<400x128xf32>
    %get3A_33 = arith.constant 0 : index
    %get3A_34 = arith.constant 0 : index
    %get3A_35 = vector.load %arg4[%get3A_33, %get3A_34] : memref<400x128xf32, #tpu.memory_space<vmem>>, vector<400x128xf32>
    %add3A_36 = arith.addf %get3A_32, %get3A_35 : vector<400x128xf32>
    %mul3A_37 = vector.broadcast %rsqrt3A_10 : vector<400x1xf32> to vector<400x128xf32>
    %mul3A_38 = arith.mulf %add3A_36, %mul3A_37 : vector<400x128xf32>
    %get3A_39 = arith.constant 0 : index
    %get3A_40 = arith.constant 0 : index
    %get3A_41 = vector.load %arg10[%get3A_39, %get3A_40] : memref<1x128xf32, #tpu.memory_space<vmem>>, vector<1x128xf32>
    %add3A_42 = vector.broadcast %get3A_41 : vector<1x128xf32> to vector<400x128xf32>
    %add3A_43 = arith.addf %mul3A_38, %add3A_42 : vector<400x128xf32>
    %max3A_44 = arith.constant 0.000000e+00 : f32
    %max3A_45 = vector.broadcast %max3A_44 : f32 to vector<400x128xf32>
    %max3A_46 = arith.maximumf %add3A_43, %max3A_45 : vector<400x128xf32>
    %get3A_47 = arith.constant 0 : index
    %get3A_48 = arith.constant 0 : index
    %get3A_49 = vector.load %arg7[%get3A_47, %get3A_48] : memref<128x128xf32, #tpu.memory_space<vmem>>, vector<128x128xf32>
    %dot_general3A = arith.constant dense<0.000000e+00> : vector<400x128xf32>
    %dot_general3A_50 = tpu.matmul %max3A_27, %get3A_49, %dot_general3A {dimension_numbers = #tpu.dot_dimension_numbers<[1], [1], [0], [0], [0, 0, 1, 0], [], []>, transpose_lhs_hint = false} : vector<400x128xf32>, vector<128x128xf32>, vector<400x128xf32> -> vector<400x128xf32>
    %get3A_51 = arith.constant 0 : index
    %get3A_52 = arith.constant 0 : index
    %get3A_53 = vector.load %arg8[%get3A_51, %get3A_52] : memref<128x128xf32, #tpu.memory_space<vmem>>, vector<128x128xf32>
    %dot_general3A_54 = arith.constant dense<0.000000e+00> : vector<400x128xf32>
    %dot_general3A_55 = tpu.matmul %max3A_46, %get3A_53, %dot_general3A_54 {dimension_numbers = #tpu.dot_dimension_numbers<[1], [1], [0], [0], [0, 0, 1, 0], [], []>, transpose_lhs_hint = false} : vector<400x128xf32>, vector<128x128xf32>, vector<400x128xf32> -> vector<400x128xf32>
    %add3A_56 = arith.addf %dot_general3A_50, %dot_general3A_55 : vector<400x128xf32>
    %get3A_57 = arith.constant 0 : index
    %get3A_58 = arith.constant 0 : index
    %get3A_59 = vector.load %arg9[%get3A_57, %get3A_58] : memref<1x128xf32, #tpu.memory_space<vmem>>, vector<1x128xf32>
    %add3A_60 = vector.broadcast %get3A_59 : vector<1x128xf32> to vector<400x128xf32>
    %add3A_61 = arith.addf %add3A_56, %add3A_60 : vector<400x128xf32>
    %logistic3A = arith.negf %add3A_61 : vector<400x128xf32>
    %logistic3A_62 = math.exp %logistic3A : vector<400x128xf32>
    %logistic3A_63 = arith.constant 1.000000e+00 : f32
    %logistic3A_64 = vector.broadcast %logistic3A_63 : f32 to vector<400x128xf32>
    %logistic3A_65 = arith.addf %logistic3A_64, %logistic3A_62 : vector<400x128xf32>
    %logistic3A_66 = arith.divf %logistic3A_64, %logistic3A_65 : vector<400x128xf32>
    %mul3A_67 = arith.mulf %logistic3A_66, %max3A_27 : vector<400x128xf32>
    %sub3A = arith.constant 1.000000e+00 : f32
    %sub3A_68 = vector.broadcast %sub3A : f32 to vector<400x128xf32>
    %sub3A_69 = arith.subf %sub3A_68, %logistic3A_66 : vector<400x128xf32>
    %mul3A_70 = arith.mulf %sub3A_69, %max3A_46 : vector<400x128xf32>
    %add3A_71 = arith.addf %mul3A_67, %mul3A_70 : vector<400x128xf32>
    %swap3A = arith.constant 0 : index
    %swap3A_72 = arith.constant 0 : index
    %swap3A_73 = vector.load %arg11[%swap3A, %swap3A_72] : memref<400x128xf32, #tpu.memory_space<vmem>>, vector<400x128xf32>
    tpu.vector_store %arg11[%swap3A, %swap3A_72], %add3A_71 {strides = array<i32>} : memref<400x128xf32, #tpu.memory_space<vmem>>, vector<400x128xf32>,
    return
  }
  func.func @transform_0(%arg0: i32) -> (i32, i32, i32) {
    %c0_i32 = arith.constant 0 : i32
    %c0_i32_0 = arith.constant 0 : i32
    %c0_i32_1 = arith.constant 0 : i32
    return %c0_i32, %arg0, %c0_i32_0 : i32, i32, i32
  }
  func.func @transform_1(%arg0: i32) -> (i32, i32, i32) {
    %c1_i32 = arith.constant 1 : i32
    %c0_i32 = arith.constant 0 : i32
    %c0_i32_0 = arith.constant 0 : i32
    return %c1_i32, %arg0, %c0_i32 : i32, i32, i32
  }
  func.func @transform_2(%arg0: i32) -> (i32, i32) {
    %c0_i32 = arith.constant 0 : i32
    %c0_i32_0 = arith.constant 0 : i32
    return %arg0, %c0_i32 : i32, i32
  }
  func.func @transform_3(%arg0: i32) -> (i32, i32) {
    %c0_i32 = arith.constant 0 : i32
    %c0_i32_0 = arith.constant 0 : i32
    return %arg0, %c0_i32 : i32, i32
  }
  func.func @transform_4(%arg0: i32) -> (i32, i32) {
    %c0_i32 = arith.constant 0 : i32
    %c0_i32_0 = arith.constant 0 : i32
    return %arg0, %c0_i32 : i32, i32
  }
  func.func @transform_5(%arg0: i32) -> (i32, i32) {
    %c0_i32 = arith.constant 0 : i32
    %c0_i32_0 = arith.constant 0 : i32
    return %arg0, %c0_i32 : i32, i32
  }
  func.func @transform_6(%arg0: i32) -> (i32, i32) {
    %c0_i32 = arith.constant 0 : i32
    %c0_i32_0 = arith.constant 0 : i32
    %c0_i32_1 = arith.constant 0 : i32
    return %c0_i32, %c0_i32_0 : i32, i32
  }
  func.func @transform_7(%arg0: i32) -> (i32, i32) {
    %c0_i32 = arith.constant 0 : i32
    %c0_i32_0 = arith.constant 0 : i32
    %c0_i32_1 = arith.constant 0 : i32
    return %c0_i32, %c0_i32_0 : i32, i32
  }
  func.func @transform_8(%arg0: i32) -> (i32, i32) {
    %c0_i32 = arith.constant 0 : i32
    %c0_i32_0 = arith.constant 0 : i32
    %c0_i32_1 = arith.constant 0 : i32
    return %c0_i32, %c0_i32_0 : i32, i32
  }
  func.func @transform_9(%arg0: i32) -> (i32, i32) {
    %c0_i32 = arith.constant 0 : i32
    %c0_i32_0 = arith.constant 0 : i32
    %c0_i32_1 = arith.constant 0 : i32
    return %c0_i32, %c0_i32_0 : i32, i32
  }
  func.func @transform_10(%arg0: i32) -> (i32, i32) {
    %c0_i32 = arith.constant 0 : i32
    %c0_i32_0 = arith.constant 0 : i32
    return %arg0, %c0_i32 : i32, i32
  }
}

</mosaic_0001>

<sc_bundles>
// kernel: kernel.11.cloned.1.call-start
scs
__scs_entry_jumppad:
0x0: {  	(pc) =	sbr.rel $0x88, $3  }
0x1: {  	(tag) =	ssettag $0x0;
	lr =	simm.s32 $0x1  }
0x2: {  	[smem:$0x3F94] =	sst lr;
	_ =	strace $0xD0000000  }
0x3: {  	_ = 	snop  }
0x4: {  	_ = 	snop  }
0x5: {  	_ = 	snop  }
0x6: {  	_ = 	snop  }
0x7: {  	_ = 	snop  }
__scs_overlays_trampoline_lowered:
0x8: {  	[smem:$0x3FA3] =	sst s0  }
0x9: {  	[smem:$0x3FA4] =	sst s1  }
0xa: {  	[smem:$0x3FA5] =	sst s2  }
0xb: {  	[smem:$0x3FA6] =	sst s3  }
0xc: {  	[smem:$0x3FA7] =	sst s4  }
0xd: {  	[smem:$0x3FA8] =	sst s5  }
0xe: {  	[smem:$0x3FA9] =	sst s6  }
0xf: {  	[smem:$0x3FAA] =	sst s7  }
0x10: {  	[smem:$0x3FAB] =	sst s8  }
0x11: {  	[smem:$0x3FAC] =	sst s9;
	s0 =	simm.s32 @!p0 $0x0  }
0x12: {  	s1 =	sld [smem:$0x3F92];
	s0 =	simm.s32 @p0 $0x1  }
0x13: {  	[smem:$0x3FAD] =	sst s0;
	s0 =	simm.s32 @!p1 $0x0  }
0x14: {  	s2 =	sld [smem:$0x3F91];
	s0 =	simm.s32 @p1 $0x1  }
0x15: {  	[smem:$0x3FAE] =	sst s0;
	s0 =	simm.s32 @!p2 $0x0  }
0x16: {  	s3 =	sld [smem:$0x3FDB];
	s0 =	simm.s32 @p2 $0x1  }
0x17: {  	s4 =	simm.s32 $0x1BF5;
	[smem:$0x3FB0] =	sst s0  }
0x18: {  	s0 =	sld [smem:$0x3F93];
	_ =	swait.ge [sflag:s4], $0x0  }
0x19: {  	s7 =	sld [smem:$0x3F94]  }
0x1a: {  	s8 =	sadd.s32 $0xFFFFE003, lr  }
0x1b: {  	s9 =	sadd.s32 $0xFFFFFEF7, lr;
	s5 =	simm.s32 $0xFFFFFFFF;
	p2 =	slt.u32 s8, $0xFFFFF086  }
0x1c: {  	p1 =	slt.u32 s9, $0xF7A;
	s5 =	simm.s32 @!p2 $0x0  }
0x1d: {  	s5 =	simm.s32 @p1 $0x1;
	p0 =	seq.s32 s7, s2  }
0x1e: {  	s7 =	smul.u32 @!p0 $0xF7A, s2;
	p2 =	seq.s32 @!p0 s5, $0x0  }
0x1f: {  	s9 =	smul.u32 $0xF7A, s1;
	s8 =	simm.s32 @!p0 $0x1BF5;
	p2 =	por !p2, p0  }
0x20: {  	[sflag:s8] =	ssyncset.s32 @!p0 $0xFFFFF086;
	s6 =	sadd.s32 @!p0 s3, s7;
	s7 =	simm.s32 @!p0 $0x108  }
0x21: {  	s3 =	sadd.s32 s3, s9;
	s6 =	sadd.s32 @!p0 $0x88, s6;
	s7 =	simm.s32 @p2 $0x1082  }
0x22: {  	[simem:s7], [sflag:s8] =	dma.local @!p0 [hbm:s6], $0xF7A  }
0x23: {  	s9 =	sor.u32 $0xD0000000, s2;
	s6 =	simm.s32 $0x108;
	_ =	swait.ge @!p0 [sflag:s8], $0x0  }
0x24: {  	s3 =	sadd.s32 $0x88, s3;
	s6 =	simm.s32 @!p1 $0x1082;
	[sflag:s4] =	ssyncset.s32 $0xFFFFF086  }
0x25: {  	[simem:s6], [sflag:s4] =	dma.local [hbm:s3], $0xF7A  }
0x26: {  	[smem:$0x3F94] =	sst s1;
	(tag) =	ssettag s2;
	_ =	strace s9  }
0x27: {  	s1 =	sld [smem:$0x3FA4]  }
0x28: {  	s2 =	sld [smem:$0x3FA5]  }
0x29: {  	s4 =	sld [smem:$0x3FA7]  }
0x2a: {  	p0 =	seq.s32 s5, $0x0;
	s5 =	sld [smem:$0x3FA8]  }
0x2b: {  	s6 =	sld [smem:$0x3FA9]  }
0x2c: {  	s7 =	sld [smem:$0x3FAA]  }
0x2d: {  	s3 =	simm.s32 $0x108;
	s8 =	sld [smem:$0x3FAB]  }
0x2e: {  	s3 =	simm.s32 @!p0 $0x1082;
	s9 =	sld [smem:$0x3FAC]  }
0x2f: {  	lr =	sadd.s32 s0, s3;
	s0 =	sld [smem:$0x3FA3]  }
0x30: {  	s3 =	sld [smem:$0x3FA6]  }
0x31: {  	[smem:$0x3FAF] =	sst s10  }
0x32: {  	s10 =	sld [smem:$0x3FAD];
	_ =	sdelay $0x3  }
0x33: {  	p0 =	seq.s32 s10, $0x1;
	s10 =	sld [smem:$0x3FAF];
	_ =	sdelay $0x3  }
0x34: {  	[smem:$0x3FAF] =	sst s10  }
0x35: {  	s10 =	sld [smem:$0x3FAE];
	_ =	sdelay $0x3  }
0x36: {  	p1 =	seq.s32 s10, $0x1;
	s10 =	sld [smem:$0x3FAF];
	_ =	sdelay $0x3  }
0x37: {  	[smem:$0x3FAF] =	sst s10  }
0x38: {  	s10 =	sld [smem:$0x3FB0]  }
0x39: {  	_ = 	snop;
	(pc) =	sbr.ind lr, $3  }
0x3a: {  	_ = 	snop  }
0x3b: {  	_ = 	snop  }
0x3c: {  	p2 =	seq.s32 s10, $0x1;
	s10 =	sld [smem:$0x3FAF]  }
0x3d: {  	_ =	shalt  }
0x3e: {  	_ =	shalt  }
0x3f: {  	_ =	shalt  }
0x40: {  	_ =	shalt  }
0x41: {  	_ =	shalt  }
0x42: {  	_ =	shalt  }
0x43: {  	_ =	shalt  }
0x44: {  	_ =	shalt  }
0x45: {  	_ =	shalt  }
0x46: {  	_ =	shalt  }
0x47: {  	_ =	shalt  }
0x48: {  	_ =	shalt  }
0x49: {  	_ =	shalt  }
0x4a: {  	_ =	shalt  }
0x4b: {  	_ =	shalt  }
0x4c: {  	_ =	shalt  }
0x4d: {  	_ =	shalt  }
0x4e: {  	_ =	shalt  }
0x4f: {  	_ =	shalt  }
0x50: {  	_ =	shalt  }
0x51: {  	_ =	shalt  }
0x52: {  	_ =	shalt  }
0x53: {  	_ =	shalt  }
0x54: {  	_ =	shalt  }
0x55: {  	_ =	shalt  }
0x56: {  	_ =	shalt  }
0x57: {  	_ =	shalt  }
0x58: {  	_ =	shalt  }
0x59: {  	_ =	shalt  }
0x5a: {  	_ =	shalt  }
0x5b: {  	_ =	shalt  }
0x5c: {  	_ =	shalt  }
0x5d: {  	_ =	shalt  }
0x5e: {  	_ =	shalt  }
0x5f: {  	_ =	shalt  }
0x60: {  	_ =	shalt  }
0x61: {  	_ =	shalt  }
0x62: {  	_ =	shalt  }
0x63: {  	_ =	shalt  }
0x64: {  	_ =	shalt  }
0x65: {  	_ =	shalt  }
0x66: {  	_ =	shalt  }
0x67: {  	_ =	shalt  }
0x68: {  	_ =	shalt  }
0x69: {  	_ =	shalt  }
0x6a: {  	_ =	shalt  }
0x6b: {  	_ =	shalt  }
0x6c: {  	_ =	shalt  }
0x6d: {  	_ =	shalt  }
0x6e: {  	_ =	shalt  }
0x6f: {  	_ =	shalt  }
0x70: {  	_ =	shalt  }
0x71: {  	_ =	shalt  }
0x72: {  	_ =	shalt  }
0x73: {  	_ =	shalt  }
0x74: {  	_ =	shalt  }
0x75: {  	_ =	shalt  }
0x76: {  	_ =	shalt  }
0x77: {  	_ =	shalt  }
0x78: {  	_ =	shalt  }
0x79: {  	_ =	shalt  }
0x7a: {  	_ =	shalt  }
0x7b: {  	_ =	shalt  }
0x7c: {  	_ =	shalt  }
0x7d: {  	_ =	shalt  }
0x7e: {  	_ =	shalt  }
0x7f: {  	_ =	shalt  }
0x80: {  	_ =	shalt  }
0x81: {  	_ =	shalt  }
0x82: {  	_ =	shalt  }
0x83: {  	_ =	shalt  }
0x84: {  	_ =	shalt  }
0x85: {  	_ =	shalt  }
0x86: {  	_ =	shalt  }
0x87: {  	_ =	shalt  }
.Lfunc_end0:
.L_simem_size_0:
called_computation.1_lowered:
.L_overlay_start_0:
0x88: {  	s2 =	sld [smem:$0x3FD9]  }
0x89: {  	s3 =	sld [smem:$0x3FFE];
	_ =	sdelay $0x1  }
0x8a: {  	s1 =	srdreg.scid  }
0x8b: {  	s0 =	sand.u32 $0x1, s1  }
0x8c: {  	s17 =	sshll.u32 s0, $0xA;
	s2 =	sadd.s32 s3, s2  }
0x8d: {  	s2 =	sadd.s32 s2, s17  }
0x8e: {  	[smem:$0x3FBB] =	sst s2  }
0x8f: {  	_ = 	snop  }
0x90: {  	s2 =	sld [smem:$0x3FD0];
	(tm) =	ssettm $0x1  }
0x91: {  	s18 =	sld [smem:$0x3FFB];
	_ =	sdelay $0x3  }
0x92: {  	_ =	strace s18  }
0x93: {  	s3 =	sld [smem:$0x3FFC];
	_ =	sdelay $0x3  }
0x94: {  	_ =	strace s3  }
0x95: {  	s3 =	sld [smem:$0x3FFD];
	_ =	sdelay $0x3  }
0x96: {  	_ =	strace s3  }
0x97: {  	_ =	strace $0x8FFFFFFF  }
0x98: {  	s19 =	sld [smem:$0x3FDB];
	_ =	sdelay $0x1  }
0x99: {  	s4 =	simm.s32 $_scs_section_size  }
0x9a: {  	s5 =	simm.s32 $_size__tile_overlayer_lowered;
	s6 =	simm.s32 $_tile_overlayer_lowered  }
0x9b: {  	s22 =	simm.s32 $0x1BFF;
	s21 =	sshll.u32 s6, $0x1;
	s3 =	sadd.s32 s4, s19  }
0x9c: {  	s7 =	simm.s32 $0x0;
	s20 =	sshll.u32 s5, $0x1;
	s5 =	sadd.s32 s21, s3  }
0x9d: {  	[timem:s7], [sflag:s22] =	dma.local [hbm:s5], s20  }
0x9e: {  	_ =	swait.ge [sflag:s22], s20  }
0x9f: {  	s4 =	ssub.s32 $0x0, s20;
	[sflag:s22] =	ssyncset.done $0x0  }
0xa0: {  	[sflag:s22] =	ssyncadd.s32 s4;
	_ =	sdelay $0x1  }
0xa1: {  	s23 =	simm.s32 $0x1B8B  }
0xa2: {  	_ =	swait.ge [sflag:s23], $0x1  }
0xa3: {  	[sflag:s23] =	ssyncset.done $0x0  }
0xa4: {  	s25 =	simm.s32 $0x1B8E;
	s24 =	sld [smem:$0x3FFE];
	[sflag:s23] =	ssyncadd.s32 $0xFFFFFFFF  }
0xa5: {  	s26 =	simm.s32 $execute0_lowered;
	[smem:$0x3FD2] =	sst s25  }
0xa6: {  	s5 =	sshll.u32 s26, $0x1;
	_ =	strace $0x80000049;
	[dreg:$0x1] =	wrdreg $0xFFFFFFFF  }
0xa7: {  	s28 =	simm.s32 $_size_execute0_lowered;
	s3 =	sadd.s32 s3, s5;
	[dreg:$0x0] =	wrdreg $0x0  }
0xa8: {  	s5 =	sshll.u32 s28, $0x1;
	[dreg:$0x2] =	wrdreg s3  }
0xa9: {  	[dreg:$0x3] =	wrdreg s5  }
0xaa: {  	[dreg:$0x4] =	wrdreg $0xC0  }
0xab: {  	_ =	task [dreg:s7], $0x5FFFF  }
0xac: {  	[dreg:$0x1] =	wrdreg $0xFFFFFFFF  }
0xad: {  	[dreg:$0x0] =	wrdreg $0x60  }
0xae: {  	[dreg:$0x2] =	wrdreg s24  }
0xaf: {  	[dreg:$0x3] =	wrdreg s2  }
0xb0: {  	[dreg:$0x4] =	wrdreg $0xA0000  }
0xb1: {  	[dreg:$0x5] =	wrdreg $0x9  }
0xb2: {  	_ =	task.clear_ibuf [dreg:s7], $0x6FFFF;
	_ =	strace $0x90000049  }
0xb3: {  	s29 =	simm.s32 $0x9;
	_ =	strace $0x8000004B  }
0xb4: {  	_ =	swait.ge [sflag:s29], $0x1  }
0xb5: {  	[sflag:s29] =	ssyncadd.s32 $0xFFFFFFFF  }
0xb6: {  	_ =	strace $0x9000004B  }
0xb7: {  	_ =	sfence  }
0xb8: {  	s30 =	sld [smem:$0x0];
	_ =	sdelay $0x2  }
0xb9: {  	s31 =	sshll.u32 s1, $0xD;
	s1 =	sshrl.u32 s1, $0x2  }
0xba: {  	s3 =	sand.u32 $0x4000, s31;
	s1 =	sadd.s32 s1, s30  }
0xbb: {  	s0 =	sor.u32 s3, s0;
	s1 =	sshll.u32 s1, $0x11  }
0xbc: {  	s0 =	sor.u32 s1, s0  }
0xbd: {  	s0 =	sadd.s32 $0x8F2B, s0  }
0xbe: {  	[sflag:s0] =	ssyncadd.remote.s32 $0x1  }
0xbf: {  	_ =	sfence.sel $0xFFFF  }
0xc0: {  	[dreg:$0x0] =	wrdreg $0xFFFFFFFF;
	(pc) =	sbr.abs _section_cstart, $3  }
0xc1: {  	[dreg:$0x1] =	wrdreg $0xFFFFFFFF  }
0xc2: {  	_ =	task.clear_ibuf [dreg:s7], $0x2FFFF;
	_ =	strace $0x9FFFFFFF  }
0xc3: {  	(tm) =	ssettm $0x7FFFFFFF  }
tec
execute0_lowered:
.L_overlay_start_1:
0x0: {  	(tag) =	ssettag $0x1  }
0x1: {  	s0 =	rddreg [dreg:$0x0]  }
0x2: {  	s3 =	rddreg [dreg:$0x1]  }
0x3: {  	s1 =	rddreg [dreg:$0x2];
	s2 =	simm.s32 $0x0  }
0x4: {  	s6 =	srdreg.scid;
	s14 =	stileid.u32;
	s28 =	simm.s32 $0x80  }
0x5: {  	s29 =	simm.s32 $0x6000;
	s30 =	simm.s32 $0x1;
	s31 =	simm.s32 $0x1680  }
0x6: {  	s17 =	simm.s32 $0x0;
	[smem:$0x7FF] =	sst s2;
	s4 =	sadd.s32 $0x4BA00, s0  }
0x7: {  	s5 =	sadd.s32 $0x9BA00, s0;
	s6 =	sand.u32 $0x1, s6;
	s9 =	sadd.s32 $0x5A00, s0  }
0x8: {  	s10 =	sadd.s32 $0xFA00, s0;
	s8 =	smul.u32 $0x50000, s14;
	s13 =	sadd.s32 $0x19A00, s0  }
0x9: {  	_ =	strace $0x8000004A;
	s7 =	sshll.u32 s6, $0x4;
	s11 =	ssub.s32 $0x2, s6  }
0xa: {  	p0 =	seq.s32 s6, $0x1;
	s6 =	simm.s32 $0x1D80;
	s7 =	sor.u32 s14, s7  }
0xb: {  	s12 =	sshrl.u32 s11, $0x1;
	s8 =	sshrl.u32 s8, $0x2;
	s14 =	smul.u32 $0xA00, s14  }
0xc: {  	s7 =	smul.u32 $0x2800, s7;
	s15 =	ssub.s32 s11, s12;
	s18 =	sadd.s32 s8, s1  }
0xd: {  	s19 =	sor.u32 $0x100, s14;
	s8 =	sadd.s32 s10, s14;
	s11 =	sadd.s32 s3, s14  }
0xe: {  	s12 =	sadd.s32 s13, s14;
	s22 =	smax.u32 s15, $0x1;
	s23 =	sadd.s32 $0x4000, s18  }
0xf: {  	s24 =	sadd.s32 $0x8000, s18;
	s25 =	sadd.s32 $0xC000, s18;
	[dreg:$0x4] =	wrdreg s18  }
0x10: {  	s26 =	sadd.s32 $0x10000, s18;
	s15 =	simm.s32 $0x1F80;
	[dreg:$0xa] =	wrdreg s22  }
0x11: {  	s0 =	sadd.s32 s7, s0;
	s7 =	sadd.s32 s9, s14;
	[dreg:$0xb] =	wrdreg s23  }
0x12: {  	s9 =	sadd.s32 s9, s19;
	s20 =	sadd.s32 s10, s19;
	[dreg:$0xc] =	wrdreg s24  }
0x13: {  	s3 =	sadd.s32 s3, s19;
	s21 =	sadd.s32 s13, s19;
	[dreg:$0xd] =	wrdreg s25  }
0x14: {  	[dreg:$0xe] =	wrdreg s26;
	s22 =	simm.s32 $0x5;
	s24 =	simm.s32 $0x1000  }
0x15: {  	s25 =	simm.s32 $0x1800;
	s26 =	simm.s32 $0x3;
	[dreg:$0x5] =	wrdreg s9  }
.Ltmp0:
0x16: {  	s10 =	simm.s32 $0x4;
	[dreg:$0x6] =	wrdreg s20;
	(pc) =	sbr.rel .LBB2_1-.Ltmp0, $4  }
0x17: {  	s23 =	simm.s32 $0x1700;
	s13 =	simm.s32 $0x1E80;
	[dreg:$0x7] =	wrdreg s3  }
0x18: {  	s14 =	simm.s32 $0x1780;
	[dreg:$0x8] =	wrdreg s21;
	s0 =	sadd.s32 $0xC3A00, s0  }
0x19: {  	s21 =	simm.s32 $0x2000;
	s20 =	simm.s32 $0x1600;
	s9 =	simm.s32 $0x1E00  }
0x1a: {  	v0 =	vimm.f32 $0.0e+00;
	s3 =	simm.s32 $0x1F00;
	[dreg:$0x9] =	wrdreg s0;
	s0 =	simm.s32 $0x2  }
.LBB2_10:
0x1b: {  	s16 =	stileid.u32;
	[bflag:$0x0] =	sbarrier.arrive $0xFFFF  }
0x1c: {  	s16 =	sshll.u32 s16, $0x6;
	s18 =	rddreg [dreg:$0x4]  }
0x1d: {  	s19 =	rddreg [dreg:$0x9];
	s16 =	sor.u32 $0x1C05, s16;
	s17 =	sshrl.u32 s18, $0x3  }
0x1e: {  	[hbm:s19], [sflag:s16] =	dma.local [spmem:s17], $0x2800  }
0x1f: {  	_ =	swait.ge [sflag:s22], $0x2800  }
0x20: {  	s16 =	rddreg [dreg:$0xf]  }
0x21: {  	s19 =	rddreg [dreg:$0xa];
	s17 =	sadd.s32 $0x1, s16  }
0x22: {  	p1 =	sne.s32 s17, s19  }
.Ltmp1:
0x23: {  	_ = 	snop;
	(pc) =	sbr.rel @!p1 .LBB2_11-.Ltmp1, $3  }
0x24: {  	_ =	sdelay $0x1  }
0x25: {  	[sflag:s22] =	ssyncset.done $0x0  }
0x26: {  	[sflag:s22] =	ssyncadd.s32 $0xFFFFD800  }
.LBB2_1:
0x27: {  	[dreg:$0xf] =	wrdreg s17;
	s16 =	simm.s32 $0x0;
	s17 =	simm.s32 $0x200  }
.LBB2_2:
0x28: {  	p1 =	sne.s32 s17, $0xFE00;
	[tilespmem:s16+$0x2070] =	vst v0  }
0x29: {  	[tilespmem:s16+$0x2000] =	vst v0  }
0x2a: {  	[tilespmem:s16+$0x2010] =	vst v0  }
.Ltmp2:
0x2b: {  	[tilespmem:s16+$0x2020] =	vst v0;
	(pc) =	sbr.rel @p1 .LBB2_2-.Ltmp2, $4  }
0x2c: {  	[tilespmem:s16+$0x2030] =	vst v0  }
0x2d: {  	[tilespmem:s16+$0x2040] =	vst v0  }
0x2e: {  	[tilespmem:s16+$0x2050] =	vst v0  }
0x2f: {  	[tilespmem:s16+$0x2060] =	vst v0;
	s16 =	sshra.s32 s17, $0x2;
	s17 =	sadd.s32 $0x200, s17  }
0x30: {  	[tilespmem:s16+$0x2070] =	vst v0  }
0x31: {  	[tilespmem:s16+$0x2000] =	vst v0  }
0x32: {  	[tilespmem:s16+$0x2010] =	vst v0  }
0x33: {  	[tilespmem:s16+$0x2020] =	vst v0  }
0x34: {  	[tilespmem:s16+$0x2030] =	vst v0  }
0x35: {  	[tilespmem:s16+$0x2040] =	vst v0  }
0x36: {  	[tilespmem:s16+$0x2050] =	vst v0  }
0x37: {  	[tilespmem:s16+$0x2060] =	vst v0  }
0x38: {  	[spmem:s18] =	stream.linear.scatter [tilespmem:s21], [sflag:$0x5], $0x4000, $0x38;
	[tilespmem:$0x1E000] =	vst v63  }
0x39: {  	_ =	swait.ge [sflag:s22], $0x4000  }
0x3a: {  	[sflag:s22] =	ssyncset.done $0x0  }
0x3b: {  	s19 =	rddreg [dreg:$0xb];
	[sflag:s22] =	ssyncadd.s32 $0xFFFFC000  }
0x3c: {  	[spmem:s19] =	stream.linear.scatter [tilespmem:s21], [sflag:$0x5], $0x4000, $0x38;
	[tilespmem:$0x1E000] =	vst v63  }
0x3d: {  	_ =	swait.ge [sflag:s22], $0x4000  }
0x3e: {  	[sflag:s22] =	ssyncset.done $0x0  }
0x3f: {  	s17 =	rddreg [dreg:$0xc];
	[sflag:s22] =	ssyncadd.s32 $0xFFFFC000  }
0x40: {  	[spmem:s17] =	stream.linear.scatter [tilespmem:s21], [sflag:$0x5], $0x4000, $0x38;
	[tilespmem:$0x1E000] =	vst v63  }
0x41: {  	_ =	swait.ge [sflag:s22], $0x4000  }
0x42: {  	[sflag:s22] =	ssyncset.done $0x0  }
0x43: {  	s18 =	rddreg [dreg:$0xd];
	[sflag:s22] =	ssyncadd.s32 $0xFFFFC000  }
0x44: {  	[spmem:s18] =	stream.linear.scatter [tilespmem:s21], [sflag:$0x5], $0x4000, $0x38;
	[tilespmem:$0x1E000] =	vst v63  }
0x45: {  	_ =	swait.ge [sflag:s22], $0x4000  }
0x46: {  	[sflag:s22] =	ssyncset.done $0x0  }
0x47: {  	s19 =	rddreg [dreg:$0xe];
	[sflag:s22] =	ssyncadd.s32 $0xFFFFC000  }
0x48: {  	[spmem:s19] =	stream.linear.scatter [tilespmem:s21], [sflag:$0x5], $0x4000, $0x38;
	[tilespmem:$0x1E000] =	vst v63  }
.Ltmp3:
0x49: {  	_ =	swait.ge [sflag:s22], $0x4000;
	(pc) =	sbr.rel @!p0 .LBB2_4-.Ltmp3, $3  }
0x4a: {  	[sflag:s22] =	ssyncset.done $0x0  }
0x4b: {  	[sflag:s22] =	ssyncadd.s32 $0xFFFFC000  }
0x4c: {  	[bflag:$0x0] =	sbarrier.arrive $0xFFFF;
	_ =	sdelay $0x1  }
0x4d: {  	[tilespmem:s2], [sflag:$0x3] =	stream.linear.gather [hbm4b:s11+s2], $0x800, $0x38;
	[tilespmem:$0x1E000] =	vst v63  }
0x4e: {  	s16 =	simm.s32 $0x800  }
0x4f: {  	[tilespmem:s16], [sflag:$0x3] =	stream.linear.gather [hbm4b:s12+s2], $0x800, $0x38;
	[tilespmem:$0x1E000] =	vst v63  }
0x50: {  	s18 =	rddreg [dreg:$0x7]  }
0x51: {  	[tilespmem:s24], [sflag:$0x4] =	stream.linear.gather [hbm4b:s18+s2], $0x800, $0x38;
	[tilespmem:$0x1E000] =	vst v63  }
0x52: {  	s19 =	rddreg [dreg:$0x8];
	s16 =	simm.s32 $0xFFFFF800  }
0x53: {  	[tilespmem:s25], [sflag:$0x4] =	stream.linear.gather [hbm4b:s19+s2], $0x800, $0x38;
	[tilespmem:$0x1E000] =	vst v63  }
.LBB2_8:
0x54: {  	_ =	swait.ge [sflag:s26], $0x800  }
0x55: {  	[sflag:s26] =	ssyncset.done $0x0  }
0x56: {  	[sflag:s26] =	ssyncadd.s32 $0xFFFFF800  }
0x57: {  	_ =	swait.ge [sflag:s26], $0x800  }
0x58: {  	[sflag:s26] =	ssyncset.done $0x0  }
0x59: {  	[sflag:s26] =	ssyncadd.s32 $0xFFFFF800  }
0x5a: {  	[tilespmem:s21], [sflag:$0x1] =	stream.indirect.gather [hbm4b:s5+s28], $0x80, s2, s28, $0xb8;
	[tilespmem:$0x1E000] =	vst v63  }
0x5b: {  	_ = 	snop  }
0x5c: {  	[tilespmem:s29], [sflag:$0x2] =	stream.indirect.gather [hbm4b:s5+s28], $0x80, s28, s28, $0xb8;
	[tilespmem:$0x1E000] =	vst v63  }
0x5d: {  	_ =	swait.ge [sflag:s30], $0x4000  }
0x5e: {  	[sflag:s30] =	ssyncset.done $0x0  }
0x5f: {  	s17 =	simm.s32 $0x800;
	[sflag:s30] =	ssyncadd.s32 $0xFFFFC000  }
0x60: {  	[spmem:s1] =	stream.indirect.scatter.add.f32 [tilespmem:s21], [sflag:$0x5], $0x80, s17, s28, $0xb8;
	[tilespmem:$0x1E000] =	vst v63  }
0x61: {  	_ =	swait.ge [sflag:s22], $0x4000  }
0x62: {  	[sflag:s22] =	ssyncset.done $0x0  }
0x63: {  	s18 =	simm.s32 $0x100;
	[sflag:s22] =	ssyncadd.s32 $0xFFFFC000  }
0x64: {  	[tilespmem:s21], [sflag:$0x1] =	stream.indirect.gather [hbm4b:s5+s28], $0x80, s18, s28, $0xb8;
	[tilespmem:$0x1E000] =	vst v63  }
0x65: {  	_ =	swait.ge [sflag:s0], $0x4000  }
0x66: {  	[sflag:s0] =	ssyncset.done $0x0  }
0x67: {  	s19 =	simm.s32 $0x880;
	[sflag:s0] =	ssyncadd.s32 $0xFFFFC000  }
0x68: {  	[spmem:s1] =	stream.indirect.scatter.add.f32 [tilespmem:s29], [sflag:$0x5], $0x80, s19, s28, $0xb8;
	[tilespmem:$0x1E000] =	vst v63  }
0x69: {  	_ =	swait.ge [sflag:s22], $0x4000  }
0x6a: {  	[sflag:s22] =	ssyncset.done $0x0  }
0x6b: {  	s18 =	simm.s32 $0x180;
	[sflag:s22] =	ssyncadd.s32 $0xFFFFC000  }
0x6c: {  	[tilespmem:s29], [sflag:$0x2] =	stream.indirect.gather [hbm4b:s5+s28], $0x80, s18, s28, $0xb8;
	[tilespmem:$0x1E000] =	vst v63  }
0x6d: {  	_ =	swait.ge [sflag:s30], $0x4000  }
0x6e: {  	[sflag:s30] =	ssyncset.done $0x0  }
0x6f: {  	s19 =	simm.s32 $0x900;
	[sflag:s30] =	ssyncadd.s32 $0xFFFFC000  }
0x70: {  	[spmem:s1] =	stream.indirect.scatter.add.f32 [tilespmem:s21], [sflag:$0x5], $0x80, s19, s28, $0xb8;
	[tilespmem:$0x1E000] =	vst v63  }
0x71: {  	_ =	swait.ge [sflag:s22], $0x4000  }
0x72: {  	[sflag:s22] =	ssyncset.done $0x0  }
0x73: {  	s18 =	simm.s32 $0x200;
	[sflag:s22] =	ssyncadd.s32 $0xFFFFC000  }
0x74: {  	[tilespmem:s21], [sflag:$0x1] =	stream.indirect.gather [hbm4b:s5+s28], $0x80, s18, s28, $0xb8;
	[tilespmem:$0x1E000] =	vst v63  }
0x75: {  	_ =	swait.ge [sflag:s0], $0x4000  }
0x76: {  	[sflag:s0] =	ssyncset.done $0x0  }
0x77: {  	s19 =	simm.s32 $0x980;
	[sflag:s0] =	ssyncadd.s32 $0xFFFFC000  }
0x78: {  	[spmem:s1] =	stream.indirect.scatter.add.f32 [tilespmem:s29], [sflag:$0x5], $0x80, s19, s28, $0xb8;
	[tilespmem:$0x1E000] =	vst v63  }
0x79: {  	_ =	swait.ge [sflag:s22], $0x4000  }
0x7a: {  	[sflag:s22] =	ssyncset.done $0x0  }
0x7b: {  	s18 =	simm.s32 $0x280;
	[sflag:s22] =	ssyncadd.s32 $0xFFFFC000  }
0x7c: {  	[tilespmem:s29], [sflag:$0x2] =	stream.indirect.gather [hbm4b:s5+s28], $0x80, s18, s28, $0xb8;
	[tilespmem:$0x1E000] =	vst v63  }
0x7d: {  	_ =	swait.ge [sflag:s30], $0x4000  }
0x7e: {  	[sflag:s30] =	ssyncset.done $0x0  }
0x7f: {  	s19 =	simm.s32 $0xA00;
	[sflag:s30] =	ssyncadd.s32 $0xFFFFC000  }
0x80: {  	[spmem:s1] =	stream.indirect.scatter.add.f32 [tilespmem:s21], [sflag:$0x5], $0x80, s19, s28, $0xb8;
	[tilespmem:$0x1E000] =	vst v63  }
0x81: {  	_ =	swait.ge [sflag:s22], $0x4000  }
0x82: {  	[sflag:s22] =	ssyncset.done $0x0  }
0x83: {  	s18 =	simm.s32 $0x300;
	[sflag:s22] =	ssyncadd.s32 $0xFFFFC000  }
0x84: {  	[tilespmem:s21], [sflag:$0x1] =	stream.indirect.gather [hbm4b:s5+s28], $0x80, s18, s28, $0xb8;
	[tilespmem:$0x1E000] =	vst v63  }
0x85: {  	_ =	swait.ge [sflag:s0], $0x4000  }
0x86: {  	[sflag:s0] =	ssyncset.done $0x0  }
0x87: {  	s19 =	simm.s32 $0xA80;
	[sflag:s0] =	ssyncadd.s32 $0xFFFFC000  }
0x88: {  	[spmem:s1] =	stream.indirect.scatter.add.f32 [tilespmem:s29], [sflag:$0x5], $0x80, s19, s28, $0xb8;
	[tilespmem:$0x1E000] =	vst v63  }
0x89: {  	_ =	swait.ge [sflag:s22], $0x4000  }
0x8a: {  	[sflag:s22] =	ssyncset.done $0x0  }
0x8b: {  	s18 =	simm.s32 $0x380;
	[sflag:s22] =	ssyncadd.s32 $0xFFFFC000  }
0x8c: {  	[tilespmem:s29], [sflag:$0x2] =	stream.indirect.gather [hbm4b:s5+s28], $0x80, s18, s28, $0xb8;
	[tilespmem:$0x1E000] =	vst v63  }
0x8d: {  	_ =	swait.ge [sflag:s30], $0x4000  }
0x8e: {  	[sflag:s30] =	ssyncset.done $0x0  }
0x8f: {  	s19 =	simm.s32 $0xB00;
	[sflag:s30] =	ssyncadd.s32 $0xFFFFC000  }
0x90: {  	[spmem:s1] =	stream.indirect.scatter.add.f32 [tilespmem:s21], [sflag:$0x5], $0x80, s19, s28, $0xb8;
	[tilespmem:$0x1E000] =	vst v63  }
0x91: {  	_ =	swait.ge [sflag:s22], $0x4000  }
0x92: {  	[sflag:s22] =	ssyncset.done $0x0  }
0x93: {  	s18 =	simm.s32 $0x400;
	[sflag:s22] =	ssyncadd.s32 $0xFFFFC000  }
0x94: {  	[tilespmem:s21], [sflag:$0x1] =	stream.indirect.gather [hbm4b:s5+s28], $0x80, s18, s28, $0xb8;
	[tilespmem:$0x1E000] =	vst v63  }
0x95: {  	_ =	swait.ge [sflag:s0], $0x4000  }
0x96: {  	[sflag:s0] =	ssyncset.done $0x0  }
0x97: {  	s19 =	simm.s32 $0xB80;
	[sflag:s0] =	ssyncadd.s32 $0xFFFFC000  }
0x98: {  	[spmem:s1] =	stream.indirect.scatter.add.f32 [tilespmem:s29], [sflag:$0x5], $0x80, s19, s28, $0xb8;
	[tilespmem:$0x1E000] =	vst v63  }
0x99: {  	_ =	swait.ge [sflag:s22], $0x4000  }
0x9a: {  	[sflag:s22] =	ssyncset.done $0x0  }
0x9b: {  	s18 =	simm.s32 $0x480;
	[sflag:s22] =	ssyncadd.s32 $0xFFFFC000  }
0x9c: {  	[tilespmem:s29], [sflag:$0x2] =	stream.indirect.gather [hbm4b:s5+s28], $0x80, s18, s28, $0xb8;
	[tilespmem:$0x1E000] =	vst v63  }
0x9d: {  	_ =	swait.ge [sflag:s30], $0x4000  }
0x9e: {  	[sflag:s30] =	ssyncset.done $0x0  }
0x9f: {  	s19 =	simm.s32 $0xC00;
	[sflag:s30] =	ssyncadd.s32 $0xFFFFC000  }
0xa0: {  	[spmem:s1] =	stream.indirect.scatter.add.f32 [tilespmem:s21], [sflag:$0x5], $0x80, s19, s28, $0xb8;
	[tilespmem:$0x1E000] =	vst v63  }
0xa1: {  	_ =	swait.ge [sflag:s22], $0x4000  }
0xa2: {  	[sflag:s22] =	ssyncset.done $0x0  }
0xa3: {  	s18 =	simm.s32 $0x500;
	[sflag:s22] =	ssyncadd.s32 $0xFFFFC000  }
0xa4: {  	[tilespmem:s21], [sflag:$0x1] =	stream.indirect.gather [hbm4b:s5+s28], $0x80, s18, s28, $0xb8;
	[tilespmem:$0x1E000] =	vst v63  }
0xa5: {  	_ =	swait.ge [sflag:s0], $0x4000  }
0xa6: {  	[sflag:s0] =	ssyncset.done $0x0  }
0xa7: {  	s19 =	simm.s32 $0xC80;
	[sflag:s0] =	ssyncadd.s32 $0xFFFFC000  }
0xa8: {  	[spmem:s1] =	stream.indirect.scatter.add.f32 [tilespmem:s29], [sflag:$0x5], $0x80, s19, s28, $0xb8;
	[tilespmem:$0x1E000] =	vst v63  }
0xa9: {  	_ =	swait.ge [sflag:s22], $0x4000  }
0xaa: {  	[sflag:s22] =	ssyncset.done $0x0  }
0xab: {  	s18 =	simm.s32 $0x580;
	[sflag:s22] =	ssyncadd.s32 $0xFFFFC000  }
0xac: {  	[tilespmem:s29], [sflag:$0x2] =	stream.indirect.gather [hbm4b:s5+s28], $0x80, s18, s28, $0xb8;
	[tilespmem:$0x1E000] =	vst v63  }
0xad: {  	_ =	swait.ge [sflag:s30], $0x4000  }
0xae: {  	[sflag:s30] =	ssyncset.done $0x0  }
0xaf: {  	s19 =	simm.s32 $0xD00;
	[sflag:s30] =	ssyncadd.s32 $0xFFFFC000  }
0xb0: {  	[spmem:s1] =	stream.indirect.scatter.add.f32 [tilespmem:s21], [sflag:$0x5], $0x80, s19, s28, $0xb8;
	[tilespmem:$0x1E000] =	vst v63  }
0xb1: {  	_ =	swait.ge [sflag:s22], $0x4000  }
0xb2: {  	[sflag:s22] =	ssyncset.done $0x0  }
0xb3: {  	s18 =	simm.s32 $0x600;
	[sflag:s22] =	ssyncadd.s32 $0xFFFFC000  }
0xb4: {  	[tilespmem:s21], [sflag:$0x1] =	stream.indirect.gather [hbm4b:s5+s28], $0x80, s18, s28, $0xb8;
	[tilespmem:$0x1E000] =	vst v63  }
0xb5: {  	_ =	swait.ge [sflag:s0], $0x4000  }
0xb6: {  	[sflag:s0] =	ssyncset.done $0x0  }
0xb7: {  	s19 =	simm.s32 $0xD80;
	[sflag:s0] =	ssyncadd.s32 $0xFFFFC000  }
0xb8: {  	[spmem:s1] =	stream.indirect.scatter.add.f32 [tilespmem:s29], [sflag:$0x5], $0x80, s19, s28, $0xb8;
	[tilespmem:$0x1E000] =	vst v63  }
0xb9: {  	_ =	swait.ge [sflag:s22], $0x4000  }
0xba: {  	[sflag:s22] =	ssyncset.done $0x0  }
0xbb: {  	s18 =	simm.s32 $0x680;
	[sflag:s22] =	ssyncadd.s32 $0xFFFFC000  }
0xbc: {  	[tilespmem:s29], [sflag:$0x2] =	stream.indirect.gather [hbm4b:s5+s28], $0x80, s18, s28, $0xb8;
	[tilespmem:$0x1E000] =	vst v63  }
0xbd: {  	_ =	swait.ge [sflag:s30], $0x4000  }
0xbe: {  	[sflag:s30] =	ssyncset.done $0x0  }
0xbf: {  	s19 =	simm.s32 $0xE00;
	[sflag:s30] =	ssyncadd.s32 $0xFFFFC000  }
0xc0: {  	[spmem:s1] =	stream.indirect.scatter.add.f32 [tilespmem:s21], [sflag:$0x5], $0x80, s19, s28, $0xb8;
	[tilespmem:$0x1E000] =	vst v63  }
0xc1: {  	_ =	swait.ge [sflag:s22], $0x4000  }
0xc2: {  	[sflag:s22] =	ssyncset.done $0x0  }
0xc3: {  	s18 =	simm.s32 $0x700;
	[sflag:s22] =	ssyncadd.s32 $0xFFFFC000  }
0xc4: {  	[tilespmem:s21], [sflag:$0x1] =	stream.indirect.gather [hbm4b:s5+s28], $0x80, s18, s28, $0xb8;
	[tilespmem:$0x1E000] =	vst v63  }
0xc5: {  	_ =	swait.ge [sflag:s0], $0x4000  }
0xc6: {  	[sflag:s0] =	ssyncset.done $0x0  }
0xc7: {  	s19 =	simm.s32 $0xE80;
	[sflag:s0] =	ssyncadd.s32 $0xFFFFC000  }
0xc8: {  	[spmem:s1] =	stream.indirect.scatter.add.f32 [tilespmem:s29], [sflag:$0x5], $0x80, s19, s28, $0xb8;
	[tilespmem:$0x1E000] =	vst v63  }
0xc9: {  	_ =	swait.ge [sflag:s22], $0x4000  }
0xca: {  	[sflag:s22] =	ssyncset.done $0x0  }
0xcb: {  	s18 =	simm.s32 $0x780;
	[sflag:s22] =	ssyncadd.s32 $0xFFFFC000  }
0xcc: {  	[tilespmem:s29], [sflag:$0x2] =	stream.indirect.gather [hbm4b:s5+s28], $0x80, s18, s28, $0xb8;
	[tilespmem:$0x1E000] =	vst v63  }
0xcd: {  	_ =	swait.ge [sflag:s30], $0x4000  }
0xce: {  	[sflag:s30] =	ssyncset.done $0x0  }
0xcf: {  	s19 =	simm.s32 $0xF00;
	[sflag:s30] =	ssyncadd.s32 $0xFFFFC000  }
0xd0: {  	[spmem:s1] =	stream.indirect.scatter.add.f32 [tilespmem:s21], [sflag:$0x5], $0x80, s19, s28, $0xb8;
	[tilespmem:$0x1E000] =	vst v63  }
0xd1: {  	_ =	swait.ge [sflag:s22], $0x4000  }
0xd2: {  	[sflag:s22] =	ssyncset.done $0x0  }
0xd3: {  	[sflag:s22] =	ssyncadd.s32 $0xFFFFC000  }
0xd4: {  	_ =	swait.ge [sflag:s0], $0x4000  }
0xd5: {  	[sflag:s0] =	ssyncset.done $0x0  }
0xd6: {  	s18 =	simm.s32 $0xF80;
	[sflag:s0] =	ssyncadd.s32 $0xFFFFC000  }
0xd7: {  	[spmem:s1] =	stream.indirect.scatter.add.f32 [tilespmem:s29], [sflag:$0x5], $0x80, s18, s28, $0xb8;
	[tilespmem:$0x1E000] =	vst v63  }
0xd8: {  	p1 =	seq.s32 s16, $0x0;
	_ =	swait.ge [sflag:s22], $0x4000  }
0xd9: {  	s17 =	sadd.s32 @!p1 s16, s11;
	[sflag:s22] =	ssyncset.done $0x0  }
0xda: {  	s17 =	sadd.s32 @!p1 $0xA00, s17;
	s18 =	simm.s32 @!p1 $0x0;
	[sflag:s22] =	ssyncadd.s32 $0xFFFFC000  }
0xdb: {  	[tilespmem:s18], [sflag:$0x3] =	stream.linear.gather @!p1 [hbm4b:s17+s18], $0x800, $0x38;
	[tilespmem:$0x1E000] =	vst v63  }
0xdc: {  	s17 =	sadd.s32 @!p1 s16, s12  }
0xdd: {  	s19 =	simm.s32 @!p1 $0x800;
	s17 =	sadd.s32 @!p1 $0xA00, s17  }
0xde: {  	[tilespmem:s19], [sflag:$0x3] =	stream.linear.gather @!p1 [hbm4b:s17+s18], $0x800, $0x38;
	[tilespmem:$0x1E000] =	vst v63  }
0xdf: {  	_ =	swait.ge [sflag:s10], $0x800  }
0xe0: {  	[sflag:s10] =	ssyncset.done $0x0  }
0xe1: {  	[sflag:s10] =	ssyncadd.s32 $0xFFFFF800  }
0xe2: {  	_ =	swait.ge [sflag:s10], $0x800  }
0xe3: {  	[sflag:s10] =	ssyncset.done $0x0  }
0xe4: {  	[sflag:s10] =	ssyncadd.s32 $0xFFFFF800  }
0xe5: {  	[tilespmem:s21], [sflag:$0x1] =	stream.indirect.gather [hbm4b:s5+s28], $0x80, s24, s28, $0xb8;
	[tilespmem:$0x1E000] =	vst v63  }
0xe6: {  	s19 =	simm.s32 $0x1080  }
0xe7: {  	[tilespmem:s29], [sflag:$0x2] =	stream.indirect.gather [hbm4b:s5+s28], $0x80, s19, s28, $0xb8;
	[tilespmem:$0x1E000] =	vst v63  }
0xe8: {  	_ =	swait.ge [sflag:s30], $0x4000  }
0xe9: {  	[sflag:s30] =	ssyncset.done $0x0  }
0xea: {  	[sflag:s30] =	ssyncadd.s32 $0xFFFFC000  }
0xeb: {  	[spmem:s1] =	stream.indirect.scatter.add.f32 [tilespmem:s21], [sflag:$0x5], $0x80, s25, s28, $0xb8;
	[tilespmem:$0x1E000] =	vst v63  }
0xec: {  	_ =	swait.ge [sflag:s22], $0x4000  }
0xed: {  	[sflag:s22] =	ssyncset.done $0x0  }
0xee: {  	s18 =	simm.s32 $0x1100;
	[sflag:s22] =	ssyncadd.s32 $0xFFFFC000  }
0xef: {  	[tilespmem:s21], [sflag:$0x1] =	stream.indirect.gather [hbm4b:s5+s28], $0x80, s18, s28, $0xb8;
	[tilespmem:$0x1E000] =	vst v63  }
0xf0: {  	_ =	swait.ge [sflag:s0], $0x4000  }
0xf1: {  	[sflag:s0] =	ssyncset.done $0x0  }
0xf2: {  	s19 =	simm.s32 $0x1880;
	[sflag:s0] =	ssyncadd.s32 $0xFFFFC000  }
0xf3: {  	[spmem:s1] =	stream.indirect.scatter.add.f32 [tilespmem:s29], [sflag:$0x5], $0x80, s19, s28, $0xb8;
	[tilespmem:$0x1E000] =	vst v63  }
0xf4: {  	_ =	swait.ge [sflag:s22], $0x4000  }
0xf5: {  	[sflag:s22] =	ssyncset.done $0x0  }
0xf6: {  	s18 =	simm.s32 $0x1180;
	[sflag:s22] =	ssyncadd.s32 $0xFFFFC000  }
0xf7: {  	[tilespmem:s29], [sflag:$0x2] =	stream.indirect.gather [hbm4b:s5+s28], $0x80, s18, s28, $0xb8;
	[tilespmem:$0x1E000] =	vst v63  }
0xf8: {  	_ =	swait.ge [sflag:s30], $0x4000  }
0xf9: {  	[sflag:s30] =	ssyncset.done $0x0  }
0xfa: {  	s19 =	simm.s32 $0x1900;
	[sflag:s30] =	ssyncadd.s32 $0xFFFFC000  }
0xfb: {  	[spmem:s1] =	stream.indirect.scatter.add.f32 [tilespmem:s21], [sflag:$0x5], $0x80, s19, s28, $0xb8;
	[tilespmem:$0x1E000] =	vst v63  }
0xfc: {  	_ =	swait.ge [sflag:s22], $0x4000  }
0xfd: {  	[sflag:s22] =	ssyncset.done $0x0  }
0xfe: {  	s18 =	simm.s32 $0x1200;
	[sflag:s22] =	ssyncadd.s32 $0xFFFFC000  }
0xff: {  	[tilespmem:s21], [sflag:$0x1] =	stream.indirect.gather [hbm4b:s5+s28], $0x80, s18, s28, $0xb8;
	[tilespmem:$0x1E000] =	vst v63  }
0x100: {  	_ =	swait.ge [sflag:s0], $0x4000  }
0x101: {  	[sflag:s0] =	ssyncset.done $0x0  }
0x102: {  	s19 =	simm.s32 $0x1980;
	[sflag:s0] =	ssyncadd.s32 $0xFFFFC000  }
0x103: {  	[spmem:s1] =	stream.indirect.scatter.add.f32 [tilespmem:s29], [sflag:$0x5], $0x80, s19, s28, $0xb8;
	[tilespmem:$0x1E000] =	vst v63  }
0x104: {  	_ =	swait.ge [sflag:s22], $0x4000  }
0x105: {  	[sflag:s22] =	ssyncset.done $0x0  }
0x106: {  	s18 =	simm.s32 $0x1280;
	[sflag:s22] =	ssyncadd.s32 $0xFFFFC000  }
0x107: {  	[tilespmem:s29], [sflag:$0x2] =	stream.indirect.gather [hbm4b:s5+s28], $0x80, s18, s28, $0xb8;
	[tilespmem:$0x1E000] =	vst v63  }
0x108: {  	_ =	swait.ge [sflag:s30], $0x4000  }
0x109: {  	[sflag:s30] =	ssyncset.done $0x0  }
0x10a: {  	s19 =	simm.s32 $0x1A00;
	[sflag:s30] =	ssyncadd.s32 $0xFFFFC000  }
0x10b: {  	[spmem:s1] =	stream.indirect.scatter.add.f32 [tilespmem:s21], [sflag:$0x5], $0x80, s19, s28, $0xb8;
	[tilespmem:$0x1E000] =	vst v63  }
0x10c: {  	_ =	swait.ge [sflag:s22], $0x4000  }
0x10d: {  	[sflag:s22] =	ssyncset.done $0x0  }
0x10e: {  	s18 =	simm.s32 $0x1300;
	[sflag:s22] =	ssyncadd.s32 $0xFFFFC000  }
0x10f: {  	[tilespmem:s21], [sflag:$0x1] =	stream.indirect.gather [hbm4b:s5+s28], $0x80, s18, s28, $0xb8;
	[tilespmem:$0x1E000] =	vst v63  }
0x110: {  	_ =	swait.ge [sflag:s0], $0x4000  }
0x111: {  	[sflag:s0] =	ssyncset.done $0x0  }
0x112: {  	s19 =	simm.s32 $0x1A80;
	[sflag:s0] =	ssyncadd.s32 $0xFFFFC000  }
0x113: {  	[spmem:s1] =	stream.indirect.scatter.add.f32 [tilespmem:s29], [sflag:$0x5], $0x80, s19, s28, $0xb8;
	[tilespmem:$0x1E000] =	vst v63  }
0x114: {  	_ =	swait.ge [sflag:s22], $0x4000  }
0x115: {  	[sflag:s22] =	ssyncset.done $0x0  }
0x116: {  	s18 =	simm.s32 $0x1380;
	[sflag:s22] =	ssyncadd.s32 $0xFFFFC000  }
0x117: {  	[tilespmem:s29], [sflag:$0x2] =	stream.indirect.gather [hbm4b:s5+s28], $0x80, s18, s28, $0xb8;
	[tilespmem:$0x1E000] =	vst v63  }
0x118: {  	_ =	swait.ge [sflag:s30], $0x4000  }
0x119: {  	[sflag:s30] =	ssyncset.done $0x0  }
0x11a: {  	s19 =	simm.s32 $0x1B00;
	[sflag:s30] =	ssyncadd.s32 $0xFFFFC000  }
0x11b: {  	[spmem:s1] =	stream.indirect.scatter.add.f32 [tilespmem:s21], [sflag:$0x5], $0x80, s19, s28, $0xb8;
	[tilespmem:$0x1E000] =	vst v63  }
0x11c: {  	_ =	swait.ge [sflag:s22], $0x4000  }
0x11d: {  	[sflag:s22] =	ssyncset.done $0x0  }
0x11e: {  	s18 =	simm.s32 $0x1400;
	[sflag:s22] =	ssyncadd.s32 $0xFFFFC000  }
0x11f: {  	[tilespmem:s21], [sflag:$0x1] =	stream.indirect.gather [hbm4b:s5+s28], $0x80, s18, s28, $0xb8;
	[tilespmem:$0x1E000] =	vst v63  }
0x120: {  	_ =	swait.ge [sflag:s0], $0x4000  }
0x121: {  	[sflag:s0] =	ssyncset.done $0x0  }
0x122: {  	s19 =	simm.s32 $0x1B80;
	[sflag:s0] =	ssyncadd.s32 $0xFFFFC000  }
0x123: {  	[spmem:s1] =	stream.indirect.scatter.add.f32 [tilespmem:s29], [sflag:$0x5], $0x80, s19, s28, $0xb8;
	[tilespmem:$0x1E000] =	vst v63  }
0x124: {  	_ =	swait.ge [sflag:s22], $0x4000  }
0x125: {  	[sflag:s22] =	ssyncset.done $0x0  }
0x126: {  	s18 =	simm.s32 $0x1480;
	[sflag:s22] =	ssyncadd.s32 $0xFFFFC000  }
0x127: {  	[tilespmem:s29], [sflag:$0x2] =	stream.indirect.gather [hbm4b:s5+s28], $0x80, s18, s28, $0xb8;
	[tilespmem:$0x1E000] =	vst v63  }
0x128: {  	_ =	swait.ge [sflag:s30], $0x4000  }
0x129: {  	[sflag:s30] =	ssyncset.done $0x0  }
0x12a: {  	s19 =	simm.s32 $0x1C00;
	[sflag:s30] =	ssyncadd.s32 $0xFFFFC000  }
0x12b: {  	[spmem:s1] =	stream.indirect.scatter.add.f32 [tilespmem:s21], [sflag:$0x5], $0x80, s19, s28, $0xb8;
	[tilespmem:$0x1E000] =	vst v63  }
0x12c: {  	_ =	swait.ge [sflag:s22], $0x4000  }
0x12d: {  	[sflag:s22] =	ssyncset.done $0x0  }
0x12e: {  	s18 =	simm.s32 $0x1500;
	[sflag:s22] =	ssyncadd.s32 $0xFFFFC000  }
0x12f: {  	[tilespmem:s21], [sflag:$0x1] =	stream.indirect.gather [hbm4b:s5+s28], $0x80, s18, s28, $0xb8;
	[tilespmem:$0x1E000] =	vst v63  }
0x130: {  	_ =	swait.ge [sflag:s0], $0x4000  }
0x131: {  	[sflag:s0] =	ssyncset.done $0x0  }
0x132: {  	s19 =	simm.s32 $0x1C80;
	[sflag:s0] =	ssyncadd.s32 $0xFFFFC000  }
0x133: {  	[spmem:s1] =	stream.indirect.scatter.add.f32 [tilespmem:s29], [sflag:$0x5], $0x80, s19, s28, $0xb8;
	[tilespmem:$0x1E000] =	vst v63  }
0x134: {  	_ =	swait.ge [sflag:s22], $0x4000  }
0x135: {  	[sflag:s22] =	ssyncset.done $0x0  }
0x136: {  	s18 =	simm.s32 $0x1580;
	[sflag:s22] =	ssyncadd.s32 $0xFFFFC000  }
0x137: {  	[tilespmem:s29], [sflag:$0x2] =	stream.indirect.gather [hbm4b:s5+s28], $0x80, s18, s28, $0xb8;
	[tilespmem:$0x1E000] =	vst v63  }
0x138: {  	_ =	swait.ge [sflag:s30], $0x4000  }
0x139: {  	[sflag:s30] =	ssyncset.done $0x0  }
0x13a: {  	s19 =	simm.s32 $0x1D00;
	[sflag:s30] =	ssyncadd.s32 $0xFFFFC000  }
0x13b: {  	[spmem:s1] =	stream.indirect.scatter.add.f32 [tilespmem:s21], [sflag:$0x5], $0x80, s19, s28, $0xb8;
	[tilespmem:$0x1E000] =	vst v63  }
0x13c: {  	_ =	swait.ge [sflag:s22], $0x4000  }
0x13d: {  	[sflag:s22] =	ssyncset.done $0x0  }
0x13e: {  	[sflag:s22] =	ssyncadd.s32 $0xFFFFC000  }
0x13f: {  	[tilespmem:s21], [sflag:$0x1] =	stream.indirect.gather [hbm4b:s5+s28], $0x80, s20, s28, $0xb8;
	[tilespmem:$0x1E000] =	vst v63  }
0x140: {  	_ =	swait.ge [sflag:s0], $0x4000  }
0x141: {  	[sflag:s0] =	ssyncset.done $0x0  }
0x142: {  	[sflag:s0] =	ssyncadd.s32 $0xFFFFC000  }
0x143: {  	[spmem:s1] =	stream.indirect.scatter.add.f32 [tilespmem:s29], [sflag:$0x5], $0x80, s6, s28, $0xb8;
	[tilespmem:$0x1E000] =	vst v63  }
0x144: {  	_ =	swait.ge [sflag:s22], $0x4000  }
0x145: {  	[sflag:s22] =	ssyncset.done $0x0  }
0x146: {  	[sflag:s22] =	ssyncadd.s32 $0xFFFFC000  }
0x147: {  	[tilespmem:s29], [sflag:$0x2] =	stream.indirect.gather [hbm4b:s5+s28], $0x80, s31, s28, $0xb8;
	[tilespmem:$0x1E000] =	vst v63  }
0x148: {  	_ =	swait.ge [sflag:s30], $0x4000  }
0x149: {  	[sflag:s30] =	ssyncset.done $0x0  }
0x14a: {  	[sflag:s30] =	ssyncadd.s32 $0xFFFFC000  }
0x14b: {  	[spmem:s1] =	stream.indirect.scatter.add.f32 [tilespmem:s21], [sflag:$0x5], $0x80, s9, s28, $0xb8;
	[tilespmem:$0x1E000] =	vst v63  }
0x14c: {  	_ =	swait.ge [sflag:s22], $0x4000  }
0x14d: {  	[sflag:s22] =	ssyncset.done $0x0  }
0x14e: {  	[sflag:s22] =	ssyncadd.s32 $0xFFFFC000  }
0x14f: {  	[tilespmem:s21], [sflag:$0x1] =	stream.indirect.gather [hbm4b:s5+s28], $0x80, s23, s28, $0xb8;
	[tilespmem:$0x1E000] =	vst v63  }
0x150: {  	_ =	swait.ge [sflag:s0], $0x4000  }
0x151: {  	[sflag:s0] =	ssyncset.done $0x0  }
0x152: {  	[sflag:s0] =	ssyncadd.s32 $0xFFFFC000  }
0x153: {  	[spmem:s1] =	stream.indirect.scatter.add.f32 [tilespmem:s29], [sflag:$0x5], $0x80, s13, s28, $0xb8;
	[tilespmem:$0x1E000] =	vst v63  }
0x154: {  	_ =	swait.ge [sflag:s22], $0x4000  }
0x155: {  	[sflag:s22] =	ssyncset.done $0x0  }
0x156: {  	[sflag:s22] =	ssyncadd.s32 $0xFFFFC000  }
0x157: {  	[tilespmem:s29], [sflag:$0x2] =	stream.indirect.gather [hbm4b:s5+s28], $0x80, s14, s28, $0xb8;
	[tilespmem:$0x1E000] =	vst v63  }
0x158: {  	_ =	swait.ge [sflag:s30], $0x4000  }
0x159: {  	[sflag:s30] =	ssyncset.done $0x0  }
0x15a: {  	[sflag:s30] =	ssyncadd.s32 $0xFFFFC000  }
0x15b: {  	[spmem:s1] =	stream.indirect.scatter.add.f32 [tilespmem:s21], [sflag:$0x5], $0x80, s3, s28, $0xb8;
	[tilespmem:$0x1E000] =	vst v63  }
0x15c: {  	_ =	swait.ge [sflag:s22], $0x4000  }
0x15d: {  	[sflag:s22] =	ssyncset.done $0x0  }
0x15e: {  	[sflag:s22] =	ssyncadd.s32 $0xFFFFC000  }
0x15f: {  	_ =	swait.ge [sflag:s0], $0x4000  }
0x160: {  	[sflag:s0] =	ssyncset.done $0x0  }
.Ltmp4:
0x161: {  	[sflag:s0] =	ssyncadd.s32 $0xFFFFC000;
	(pc) =	sbr.rel @p1 .LBB2_10-.Ltmp4, $4  }
0x162: {  	[spmem:s1] =	stream.indirect.scatter.add.f32 [tilespmem:s29], [sflag:$0x5], $0x80, s15, s28, $0xb8;
	[tilespmem:$0x1E000] =	vst v63  }
0x163: {  	_ =	swait.ge [sflag:s22], $0x4000  }
0x164: {  	[sflag:s22] =	ssyncset.done $0x0  }
0x165: {  	[sflag:s22] =	ssyncadd.s32 $0xFFFFC000  }
.Ltmp5:
0x166: {  	s17 =	sadd.s32 s16, s11;
	(pc) =	sbr.rel .LBB2_8-.Ltmp5, $4  }
0x167: {  	s19 =	sadd.s32 s16, s12;
	s17 =	sadd.s32 $0xB00, s17  }
0x168: {  	[tilespmem:s24], [sflag:$0x4] =	stream.linear.gather [hbm4b:s17+s2], $0x800, $0x38;
	[tilespmem:$0x1E000] =	vst v63  }
0x169: {  	s16 =	sadd.s32 $0x200, s16;
	s17 =	sadd.s32 $0xB00, s19  }
0x16a: {  	[tilespmem:s25], [sflag:$0x4] =	stream.linear.gather [hbm4b:s17+s2], $0x800, $0x38;
	[tilespmem:$0x1E000] =	vst v63  }
.LBB2_4:
0x16b: {  	[tilespmem:s2], [sflag:$0x3] =	stream.linear.gather [hbm4b:s7+s2], $0x800, $0x38;
	[tilespmem:$0x1E000] =	vst v63  }
0x16c: {  	s16 =	simm.s32 $0x800  }
0x16d: {  	[tilespmem:s16], [sflag:$0x3] =	stream.linear.gather [hbm4b:s8+s2], $0x800, $0x38;
	[tilespmem:$0x1E000] =	vst v63  }
0x16e: {  	s18 =	rddreg [dreg:$0x5]  }
0x16f: {  	[tilespmem:s24], [sflag:$0x4] =	stream.linear.gather [hbm4b:s18+s2], $0x800, $0x38;
	[tilespmem:$0x1E000] =	vst v63  }
0x170: {  	s19 =	rddreg [dreg:$0x6];
	s16 =	simm.s32 $0xFFFFF800  }
0x171: {  	[tilespmem:s25], [sflag:$0x4] =	stream.linear.gather [hbm4b:s19+s2], $0x800, $0x38;
	[tilespmem:$0x1E000] =	vst v63  }
.LBB2_5:
0x172: {  	_ =	swait.ge [sflag:s26], $0x800  }
0x173: {  	[sflag:s26] =	ssyncset.done $0x0  }
0x174: {  	[sflag:s26] =	ssyncadd.s32 $0xFFFFF800  }
0x175: {  	_ =	swait.ge [sflag:s26], $0x800  }
0x176: {  	[sflag:s26] =	ssyncset.done $0x0  }
0x177: {  	[sflag:s26] =	ssyncadd.s32 $0xFFFFF800  }
0x178: {  	[tilespmem:s21], [sflag:$0x1] =	stream.indirect.gather [hbm4b:s4+s28], $0x80, s2, s28, $0xb8;
	[tilespmem:$0x1E000] =	vst v63  }
0x179: {  	_ = 	snop  }
0x17a: {  	[tilespmem:s29], [sflag:$0x2] =	stream.indirect.gather [hbm4b:s4+s28], $0x80, s28, s28, $0xb8;
	[tilespmem:$0x1E000] =	vst v63  }
0x17b: {  	_ =	swait.ge [sflag:s30], $0x4000  }
0x17c: {  	[sflag:s30] =	ssyncset.done $0x0  }
0x17d: {  	s17 =	simm.s32 $0x800;
	[sflag:s30] =	ssyncadd.s32 $0xFFFFC000  }
0x17e: {  	[spmem:s1] =	stream.indirect.scatter.add.f32 [tilespmem:s21], [sflag:$0x5], $0x80, s17, s28, $0xb8;
	[tilespmem:$0x1E000] =	vst v63  }
0x17f: {  	_ =	swait.ge [sflag:s22], $0x4000  }
0x180: {  	[sflag:s22] =	ssyncset.done $0x0  }
0x181: {  	s18 =	simm.s32 $0x100;
	[sflag:s22] =	ssyncadd.s32 $0xFFFFC000  }
0x182: {  	[tilespmem:s21], [sflag:$0x1] =	stream.indirect.gather [hbm4b:s4+s28], $0x80, s18, s28, $0xb8;
	[tilespmem:$0x1E000] =	vst v63  }
0x183: {  	_ =	swait.ge [sflag:s0], $0x4000  }
0x184: {  	[sflag:s0] =	ssyncset.done $0x0  }
0x185: {  	s19 =	simm.s32 $0x880;
	[sflag:s0] =	ssyncadd.s32 $0xFFFFC000  }
0x186: {  	[spmem:s1] =	stream.indirect.scatter.add.f32 [tilespmem:s29], [sflag:$0x5], $0x80, s19, s28, $0xb8;
	[tilespmem:$0x1E000] =	vst v63  }
0x187: {  	_ =	swait.ge [sflag:s22], $0x4000  }
0x188: {  	[sflag:s22] =	ssyncset.done $0x0  }
0x189: {  	s18 =	simm.s32 $0x180;
	[sflag:s22] =	ssyncadd.s32 $0xFFFFC000  }
0x18a: {  	[tilespmem:s29], [sflag:$0x2] =	stream.indirect.gather [hbm4b:s4+s28], $0x80, s18, s28, $0xb8;
	[tilespmem:$0x1E000] =	vst v63  }
0x18b: {  	_ =	swait.ge [sflag:s30], $0x4000  }
0x18c: {  	[sflag:s30] =	ssyncset.done $0x0  }
0x18d: {  	s19 =	simm.s32 $0x900;
	[sflag:s30] =	ssyncadd.s32 $0xFFFFC000  }
0x18e: {  	[spmem:s1] =	stream.indirect.scatter.add.f32 [tilespmem:s21], [sflag:$0x5], $0x80, s19, s28, $0xb8;
	[tilespmem:$0x1E000] =	vst v63  }
0x18f: {  	_ =	swait.ge [sflag:s22], $0x4000  }
0x190: {  	[sflag:s22] =	ssyncset.done $0x0  }
0x191: {  	s18 =	simm.s32 $0x200;
	[sflag:s22] =	ssyncadd.s32 $0xFFFFC000  }
0x192: {  	[tilespmem:s21], [sflag:$0x1] =	stream.indirect.gather [hbm4b:s4+s28], $0x80, s18, s28, $0xb8;
	[tilespmem:$0x1E000] =	vst v63  }
0x193: {  	_ =	swait.ge [sflag:s0], $0x4000  }
0x194: {  	[sflag:s0] =	ssyncset.done $0x0  }
0x195: {  	s19 =	simm.s32 $0x980;
	[sflag:s0] =	ssyncadd.s32 $0xFFFFC000  }
0x196: {  	[spmem:s1] =	stream.indirect.scatter.add.f32 [tilespmem:s29], [sflag:$0x5], $0x80, s19, s28, $0xb8;
	[tilespmem:$0x1E000] =	vst v63  }
0x197: {  	_ =	swait.ge [sflag:s22], $0x4000  }
0x198: {  	[sflag:s22] =	ssyncset.done $0x0  }
0x199: {  	s18 =	simm.s32 $0x280;
	[sflag:s22] =	ssyncadd.s32 $0xFFFFC000  }
0x19a: {  	[tilespmem:s29], [sflag:$0x2] =	stream.indirect.gather [hbm4b:s4+s28], $0x80, s18, s28, $0xb8;
	[tilespmem:$0x1E000] =	vst v63  }
0x19b: {  	_ =	swait.ge [sflag:s30], $0x4000  }
0x19c: {  	[sflag:s30] =	ssyncset.done $0x0  }
0x19d: {  	s19 =	simm.s32 $0xA00;
	[sflag:s30] =	ssyncadd.s32 $0xFFFFC000  }
0x19e: {  	[spmem:s1] =	stream.indirect.scatter.add.f32 [tilespmem:s21], [sflag:$0x5], $0x80, s19, s28, $0xb8;
	[tilespmem:$0x1E000] =	vst v63  }
0x19f: {  	_ =	swait.ge [sflag:s22], $0x4000  }
0x1a0: {  	[sflag:s22] =	ssyncset.done $0x0  }
0x1a1: {  	s18 =	simm.s32 $0x300;
	[sflag:s22] =	ssyncadd.s32 $0xFFFFC000  }
0x1a2: {  	[tilespmem:s21], [sflag:$0x1] =	stream.indirect.gather [hbm4b:s4+s28], $0x80, s18, s28, $0xb8;
	[tilespmem:$0x1E000] =	vst v63  }
0x1a3: {  	_ =	swait.ge [sflag:s0], $0x4000  }
0x1a4: {  	[sflag:s0] =	ssyncset.done $0x0  }
0x1a5: {  	s19 =	simm.s32 $0xA80;
	[sflag:s0] =	ssyncadd.s32 $0xFFFFC000  }
0x1a6: {  	[spmem:s1] =	stream.indirect.scatter.add.f32 [tilespmem:s29], [sflag:$0x5], $0x80, s19, s28, $0xb8;
	[tilespmem:$0x1E000] =	vst v63  }
0x1a7: {  	_ =	swait.ge [sflag:s22], $0x4000  }
0x1a8: {  	[sflag:s22] =	ssyncset.done $0x0  }
0x1a9: {  	s18 =	simm.s32 $0x380;
	[sflag:s22] =	ssyncadd.s32 $0xFFFFC000  }
0x1aa: {  	[tilespmem:s29], [sflag:$0x2] =	stream.indirect.gather [hbm4b:s4+s28], $0x80, s18, s28, $0xb8;
	[tilespmem:$0x1E000] =	vst v63  }
0x1ab: {  	_ =	swait.ge [sflag:s30], $0x4000  }
0x1ac: {  	[sflag:s30] =	ssyncset.done $0x0  }
0x1ad: {  	s19 =	simm.s32 $0xB00;
	[sflag:s30] =	ssyncadd.s32 $0xFFFFC000  }
0x1ae: {  	[spmem:s1] =	stream.indirect.scatter.add.f32 [tilespmem:s21], [sflag:$0x5], $0x80, s19, s28, $0xb8;
	[tilespmem:$0x1E000] =	vst v63  }
0x1af: {  	_ =	swait.ge [sflag:s22], $0x4000  }
0x1b0: {  	[sflag:s22] =	ssyncset.done $0x0  }
0x1b1: {  	s18 =	simm.s32 $0x400;
	[sflag:s22] =	ssyncadd.s32 $0xFFFFC000  }
0x1b2: {  	[tilespmem:s21], [sflag:$0x1] =	stream.indirect.gather [hbm4b:s4+s28], $0x80, s18, s28, $0xb8;
	[tilespmem:$0x1E000] =	vst v63  }
0x1b3: {  	_ =	swait.ge [sflag:s0], $0x4000  }
0x1b4: {  	[sflag:s0] =	ssyncset.done $0x0  }
0x1b5: {  	s19 =	simm.s32 $0xB80;
	[sflag:s0] =	ssyncadd.s32 $0xFFFFC000  }
0x1b6: {  	[spmem:s1] =	stream.indirect.scatter.add.f32 [tilespmem:s29], [sflag:$0x5], $0x80, s19, s28, $0xb8;
	[tilespmem:$0x1E000] =	vst v63  }
0x1b7: {  	_ =	swait.ge [sflag:s22], $0x4000  }
0x1b8: {  	[sflag:s22] =	ssyncset.done $0x0  }
0x1b9: {  	s18 =	simm.s32 $0x480;
	[sflag:s22] =	ssyncadd.s32 $0xFFFFC000  }
0x1ba: {  	[tilespmem:s29], [sflag:$0x2] =	stream.indirect.gather [hbm4b:s4+s28], $0x80, s18, s28, $0xb8;
	[tilespmem:$0x1E000] =	vst v63  }
0x1bb: {  	_ =	swait.ge [sflag:s30], $0x4000  }
0x1bc: {  	[sflag:s30] =	ssyncset.done $0x0  }
0x1bd: {  	s19 =	simm.s32 $0xC00;
	[sflag:s30] =	ssyncadd.s32 $0xFFFFC000  }
0x1be: {  	[spmem:s1] =	stream.indirect.scatter.add.f32 [tilespmem:s21], [sflag:$0x5], $0x80, s19, s28, $0xb8;
	[tilespmem:$0x1E000] =	vst v63  }
0x1bf: {  	_ =	swait.ge [sflag:s22], $0x4000  }
0x1c0: {  	[sflag:s22] =	ssyncset.done $0x0  }
0x1c1: {  	s18 =	simm.s32 $0x500;
	[sflag:s22] =	ssyncadd.s32 $0xFFFFC000  }
0x1c2: {  	[tilespmem:s21], [sflag:$0x1] =	stream.indirect.gather [hbm4b:s4+s28], $0x80, s18, s28, $0xb8;
	[tilespmem:$0x1E000] =	vst v63  }
0x1c3: {  	_ =	swait.ge [sflag:s0], $0x4000  }
0x1c4: {  	[sflag:s0] =	ssyncset.done $0x0  }
0x1c5: {  	s19 =	simm.s32 $0xC80;
	[sflag:s0] =	ssyncadd.s32 $0xFFFFC000  }
0x1c6: {  	[spmem:s1] =	stream.indirect.scatter.add.f32 [tilespmem:s29], [sflag:$0x5], $0x80, s19, s28, $0xb8;
	[tilespmem:$0x1E000] =	vst v63  }
0x1c7: {  	_ =	swait.ge [sflag:s22], $0x4000  }
0x1c8: {  	[sflag:s22] =	ssyncset.done $0x0  }
0x1c9: {  	s18 =	simm.s32 $0x580;
	[sflag:s22] =	ssyncadd.s32 $0xFFFFC000  }
0x1ca: {  	[tilespmem:s29], [sflag:$0x2] =	stream.indirect.gather [hbm4b:s4+s28], $0x80, s18, s28, $0xb8;
	[tilespmem:$0x1E000] =	vst v63  }
0x1cb: {  	_ =	swait.ge [sflag:s30], $0x4000  }
0x1cc: {  	[sflag:s30] =	ssyncset.done $0x0  }
0x1cd: {  	s19 =	simm.s32 $0xD00;
	[sflag:s30] =	ssyncadd.s32 $0xFFFFC000  }
0x1ce: {  	[spmem:s1] =	stream.indirect.scatter.add.f32 [tilespmem:s21], [sflag:$0x5], $0x80, s19, s28, $0xb8;
	[tilespmem:$0x1E000] =	vst v63  }
0x1cf: {  	_ =	swait.ge [sflag:s22], $0x4000  }
0x1d0: {  	[sflag:s22] =	ssyncset.done $0x0  }
0x1d1: {  	s18 =	simm.s32 $0x600;
	[sflag:s22] =	ssyncadd.s32 $0xFFFFC000  }
0x1d2: {  	[tilespmem:s21], [sflag:$0x1] =	stream.indirect.gather [hbm4b:s4+s28], $0x80, s18, s28, $0xb8;
	[tilespmem:$0x1E000] =	vst v63  }
0x1d3: {  	_ =	swait.ge [sflag:s0], $0x4000  }
0x1d4: {  	[sflag:s0] =	ssyncset.done $0x0  }
0x1d5: {  	s19 =	simm.s32 $0xD80;
	[sflag:s0] =	ssyncadd.s32 $0xFFFFC000  }
0x1d6: {  	[spmem:s1] =	stream.indirect.scatter.add.f32 [tilespmem:s29], [sflag:$0x5], $0x80, s19, s28, $0xb8;
	[tilespmem:$0x1E000] =	vst v63  }
0x1d7: {  	_ =	swait.ge [sflag:s22], $0x4000  }
0x1d8: {  	[sflag:s22] =	ssyncset.done $0x0  }
0x1d9: {  	s18 =	simm.s32 $0x680;
	[sflag:s22] =	ssyncadd.s32 $0xFFFFC000  }
0x1da: {  	[tilespmem:s29], [sflag:$0x2] =	stream.indirect.gather [hbm4b:s4+s28], $0x80, s18, s28, $0xb8;
	[tilespmem:$0x1E000] =	vst v63  }
0x1db: {  	_ =	swait.ge [sflag:s30], $0x4000  }
0x1dc: {  	[sflag:s30] =	ssyncset.done $0x0  }
0x1dd: {  	s19 =	simm.s32 $0xE00;
	[sflag:s30] =	ssyncadd.s32 $0xFFFFC000  }
0x1de: {  	[spmem:s1] =	stream.indirect.scatter.add.f32 [tilespmem:s21], [sflag:$0x5], $0x80, s19, s28, $0xb8;
	[tilespmem:$0x1E000] =	vst v63  }
0x1df: {  	_ =	swait.ge [sflag:s22], $0x4000  }
0x1e0: {  	[sflag:s22] =	ssyncset.done $0x0  }
0x1e1: {  	s18 =	simm.s32 $0x700;
	[sflag:s22] =	ssyncadd.s32 $0xFFFFC000  }
0x1e2: {  	[tilespmem:s21], [sflag:$0x1] =	stream.indirect.gather [hbm4b:s4+s28], $0x80, s18, s28, $0xb8;
	[tilespmem:$0x1E000] =	vst v63  }
0x1e3: {  	_ =	swait.ge [sflag:s0], $0x4000  }
0x1e4: {  	[sflag:s0] =	ssyncset.done $0x0  }
0x1e5: {  	s19 =	simm.s32 $0xE80;
	[sflag:s0] =	ssyncadd.s32 $0xFFFFC000  }
0x1e6: {  	[spmem:s1] =	stream.indirect.scatter.add.f32 [tilespmem:s29], [sflag:$0x5], $0x80, s19, s28, $0xb8;
	[tilespmem:$0x1E000] =	vst v63  }
0x1e7: {  	_ =	swait.ge [sflag:s22], $0x4000  }
0x1e8: {  	[sflag:s22] =	ssyncset.done $0x0  }
0x1e9: {  	s18 =	simm.s32 $0x780;
	[sflag:s22] =	ssyncadd.s32 $0xFFFFC000  }
0x1ea: {  	[tilespmem:s29], [sflag:$0x2] =	stream.indirect.gather [hbm4b:s4+s28], $0x80, s18, s28, $0xb8;
	[tilespmem:$0x1E000] =	vst v63  }
0x1eb: {  	_ =	swait.ge [sflag:s30], $0x4000  }
0x1ec: {  	[sflag:s30] =	ssyncset.done $0x0  }
0x1ed: {  	s19 =	simm.s32 $0xF00;
	[sflag:s30] =	ssyncadd.s32 $0xFFFFC000  }
0x1ee: {  	[spmem:s1] =	stream.indirect.scatter.add.f32 [tilespmem:s21], [sflag:$0x5], $0x80, s19, s28, $0xb8;
	[tilespmem:$0x1E000] =	vst v63  }
0x1ef: {  	_ =	swait.ge [sflag:s22], $0x4000  }
0x1f0: {  	[sflag:s22] =	ssyncset.done $0x0  }
0x1f1: {  	[sflag:s22] =	ssyncadd.s32 $0xFFFFC000  }
0x1f2: {  	_ =	swait.ge [sflag:s0], $0x4000  }
0x1f3: {  	[sflag:s0] =	ssyncset.done $0x0  }
0x1f4: {  	s18 =	simm.s32 $0xF80;
	[sflag:s0] =	ssyncadd.s32 $0xFFFFC000  }
0x1f5: {  	[spmem:s1] =	stream.indirect.scatter.add.f32 [tilespmem:s29], [sflag:$0x5], $0x80, s18, s28, $0xb8;
	[tilespmem:$0x1E000] =	vst v63  }
0x1f6: {  	p1 =	seq.s32 s16, $0x0;
	_ =	swait.ge [sflag:s22], $0x4000  }
0x1f7: {  	s17 =	sadd.s32 @!p1 s16, s7;
	[sflag:s22] =	ssyncset.done $0x0  }
0x1f8: {  	s17 =	sadd.s32 @!p1 $0xA00, s17;
	s18 =	simm.s32 @!p1 $0x0;
	[sflag:s22] =	ssyncadd.s32 $0xFFFFC000  }
0x1f9: {  	[tilespmem:s18], [sflag:$0x3] =	stream.linear.gather @!p1 [hbm4b:s17+s18], $0x800, $0x38;
	[tilespmem:$0x1E000] =	vst v63  }
0x1fa: {  	s17 =	sadd.s32 @!p1 s16, s8  }
0x1fb: {  	s19 =	simm.s32 @!p1 $0x800;
	s17 =	sadd.s32 @!p1 $0xA00, s17  }
0x1fc: {  	[tilespmem:s19], [sflag:$0x3] =	stream.linear.gather @!p1 [hbm4b:s17+s18], $0x800, $0x38;
	[tilespmem:$0x1E000] =	vst v63  }
0x1fd: {  	_ =	swait.ge [sflag:s10], $0x800  }
0x1fe: {  	[sflag:s10] =	ssyncset.done $0x0  }
0x1ff: {  	[sflag:s10] =	ssyncadd.s32 $0xFFFFF800  }
0x200: {  	_ =	swait.ge [sflag:s10], $0x800  }
0x201: {  	[sflag:s10] =	ssyncset.done $0x0  }
0x202: {  	[sflag:s10] =	ssyncadd.s32 $0xFFFFF800  }
0x203: {  	[tilespmem:s21], [sflag:$0x1] =	stream.indirect.gather [hbm4b:s4+s28], $0x80, s24, s28, $0xb8;
	[tilespmem:$0x1E000] =	vst v63  }
0x204: {  	s19 =	simm.s32 $0x1080  }
0x205: {  	[tilespmem:s29], [sflag:$0x2] =	stream.indirect.gather [hbm4b:s4+s28], $0x80, s19, s28, $0xb8;
	[tilespmem:$0x1E000] =	vst v63  }
0x206: {  	_ =	swait.ge [sflag:s30], $0x4000  }
0x207: {  	[sflag:s30] =	ssyncset.done $0x0  }
0x208: {  	[sflag:s30] =	ssyncadd.s32 $0xFFFFC000  }
0x209: {  	[spmem:s1] =	stream.indirect.scatter.add.f32 [tilespmem:s21], [sflag:$0x5], $0x80, s25, s28, $0xb8;
	[tilespmem:$0x1E000] =	vst v63  }
0x20a: {  	_ =	swait.ge [sflag:s22], $0x4000  }
0x20b: {  	[sflag:s22] =	ssyncset.done $0x0  }
0x20c: {  	s18 =	simm.s32 $0x1100;
	[sflag:s22] =	ssyncadd.s32 $0xFFFFC000  }
0x20d: {  	[tilespmem:s21], [sflag:$0x1] =	stream.indirect.gather [hbm4b:s4+s28], $0x80, s18, s28, $0xb8;
	[tilespmem:$0x1E000] =	vst v63  }
0x20e: {  	_ =	swait.ge [sflag:s0], $0x4000  }
0x20f: {  	[sflag:s0] =	ssyncset.done $0x0  }
0x210: {  	s19 =	simm.s32 $0x1880;
	[sflag:s0] =	ssyncadd.s32 $0xFFFFC000  }
0x211: {  	[spmem:s1] =	stream.indirect.scatter.add.f32 [tilespmem:s29], [sflag:$0x5], $0x80, s19, s28, $0xb8;
	[tilespmem:$0x1E000] =	vst v63  }
0x212: {  	_ =	swait.ge [sflag:s22], $0x4000  }
0x213: {  	[sflag:s22] =	ssyncset.done $0x0  }
0x214: {  	s18 =	simm.s32 $0x1180;
	[sflag:s22] =	ssyncadd.s32 $0xFFFFC000  }
0x215: {  	[tilespmem:s29], [sflag:$0x2] =	stream.indirect.gather [hbm4b:s4+s28], $0x80, s18, s28, $0xb8;
	[tilespmem:$0x1E000] =	vst v63  }
0x216: {  	_ =	swait.ge [sflag:s30], $0x4000  }
0x217: {  	[sflag:s30] =	ssyncset.done $0x0  }
0x218: {  	s19 =	simm.s32 $0x1900;
	[sflag:s30] =	ssyncadd.s32 $0xFFFFC000  }
0x219: {  	[spmem:s1] =	stream.indirect.scatter.add.f32 [tilespmem:s21], [sflag:$0x5], $0x80, s19, s28, $0xb8;
	[tilespmem:$0x1E000] =	vst v63  }
0x21a: {  	_ =	swait.ge [sflag:s22], $0x4000  }
0x21b: {  	[sflag:s22] =	ssyncset.done $0x0  }
0x21c: {  	s18 =	simm.s32 $0x1200;
	[sflag:s22] =	ssyncadd.s32 $0xFFFFC000  }
0x21d: {  	[tilespmem:s21], [sflag:$0x1] =	stream.indirect.gather [hbm4b:s4+s28], $0x80, s18, s28, $0xb8;
	[tilespmem:$0x1E000] =	vst v63  }
0x21e: {  	_ =	swait.ge [sflag:s0], $0x4000  }
0x21f: {  	[sflag:s0] =	ssyncset.done $0x0  }
0x220: {  	s19 =	simm.s32 $0x1980;
	[sflag:s0] =	ssyncadd.s32 $0xFFFFC000  }
0x221: {  	[spmem:s1] =	stream.indirect.scatter.add.f32 [tilespmem:s29], [sflag:$0x5], $0x80, s19, s28, $0xb8;
	[tilespmem:$0x1E000] =	vst v63  }
0x222: {  	_ =	swait.ge [sflag:s22], $0x4000  }
0x223: {  	[sflag:s22] =	ssyncset.done $0x0  }
0x224: {  	s18 =	simm.s32 $0x1280;
	[sflag:s22] =	ssyncadd.s32 $0xFFFFC000  }
0x225: {  	[tilespmem:s29], [sflag:$0x2] =	stream.indirect.gather [hbm4b:s4+s28], $0x80, s18, s28, $0xb8;
	[tilespmem:$0x1E000] =	vst v63  }
0x226: {  	_ =	swait.ge [sflag:s30], $0x4000  }
0x227: {  	[sflag:s30] =	ssyncset.done $0x0  }
0x228: {  	s19 =	simm.s32 $0x1A00;
	[sflag:s30] =	ssyncadd.s32 $0xFFFFC000  }
0x229: {  	[spmem:s1] =	stream.indirect.scatter.add.f32 [tilespmem:s21], [sflag:$0x5], $0x80, s19, s28, $0xb8;
	[tilespmem:$0x1E000] =	vst v63  }
0x22a: {  	_ =	swait.ge [sflag:s22], $0x4000  }
0x22b: {  	[sflag:s22] =	ssyncset.done $0x0  }
0x22c: {  	s18 =	simm.s32 $0x1300;
	[sflag:s22] =	ssyncadd.s32 $0xFFFFC000  }
0x22d: {  	[tilespmem:s21], [sflag:$0x1] =	stream.indirect.gather [hbm4b:s4+s28], $0x80, s18, s28, $0xb8;
	[tilespmem:$0x1E000] =	vst v63  }
0x22e: {  	_ =	swait.ge [sflag:s0], $0x4000  }
0x22f: {  	[sflag:s0] =	ssyncset.done $0x0  }
0x230: {  	s19 =	simm.s32 $0x1A80;
	[sflag:s0] =	ssyncadd.s32 $0xFFFFC000  }
0x231: {  	[spmem:s1] =	stream.indirect.scatter.add.f32 [tilespmem:s29], [sflag:$0x5], $0x80, s19, s28, $0xb8;
	[tilespmem:$0x1E000] =	vst v63  }
0x232: {  	_ =	swait.ge [sflag:s22], $0x4000  }
0x233: {  	[sflag:s22] =	ssyncset.done $0x0  }
0x234: {  	s18 =	simm.s32 $0x1380;
	[sflag:s22] =	ssyncadd.s32 $0xFFFFC000  }
0x235: {  	[tilespmem:s29], [sflag:$0x2] =	stream.indirect.gather [hbm4b:s4+s28], $0x80, s18, s28, $0xb8;
	[tilespmem:$0x1E000] =	vst v63  }
0x236: {  	_ =	swait.ge [sflag:s30], $0x4000  }
0x237: {  	[sflag:s30] =	ssyncset.done $0x0  }
0x238: {  	s19 =	simm.s32 $0x1B00;
	[sflag:s30] =	ssyncadd.s32 $0xFFFFC000  }
0x239: {  	[spmem:s1] =	stream.indirect.scatter.add.f32 [tilespmem:s21], [sflag:$0x5], $0x80, s19, s28, $0xb8;
	[tilespmem:$0x1E000] =	vst v63  }
0x23a: {  	_ =	swait.ge [sflag:s22], $0x4000  }
0x23b: {  	[sflag:s22] =	ssyncset.done $0x0  }
0x23c: {  	s18 =	simm.s32 $0x1400;
	[sflag:s22] =	ssyncadd.s32 $0xFFFFC000  }
0x23d: {  	[tilespmem:s21], [sflag:$0x1] =	stream.indirect.gather [hbm4b:s4+s28], $0x80, s18, s28, $0xb8;
	[tilespmem:$0x1E000] =	vst v63  }
0x23e: {  	_ =	swait.ge [sflag:s0], $0x4000  }
0x23f: {  	[sflag:s0] =	ssyncset.done $0x0  }
0x240: {  	s19 =	simm.s32 $0x1B80;
	[sflag:s0] =	ssyncadd.s32 $0xFFFFC000  }
0x241: {  	[spmem:s1] =	stream.indirect.scatter.add.f32 [tilespmem:s29], [sflag:$0x5], $0x80, s19, s28, $0xb8;
	[tilespmem:$0x1E000] =	vst v63  }
0x242: {  	_ =	swait.ge [sflag:s22], $0x4000  }
0x243: {  	[sflag:s22] =	ssyncset.done $0x0  }
0x244: {  	s18 =	simm.s32 $0x1480;
	[sflag:s22] =	ssyncadd.s32 $0xFFFFC000  }
0x245: {  	[tilespmem:s29], [sflag:$0x2] =	stream.indirect.gather [hbm4b:s4+s28], $0x80, s18, s28, $0xb8;
	[tilespmem:$0x1E000] =	vst v63  }
0x246: {  	_ =	swait.ge [sflag:s30], $0x4000  }
0x247: {  	[sflag:s30] =	ssyncset.done $0x0  }
0x248: {  	s19 =	simm.s32 $0x1C00;
	[sflag:s30] =	ssyncadd.s32 $0xFFFFC000  }
0x249: {  	[spmem:s1] =	stream.indirect.scatter.add.f32 [tilespmem:s21], [sflag:$0x5], $0x80, s19, s28, $0xb8;
	[tilespmem:$0x1E000] =	vst v63  }
0x24a: {  	_ =	swait.ge [sflag:s22], $0x4000  }
0x24b: {  	[sflag:s22] =	ssyncset.done $0x0  }
0x24c: {  	s18 =	simm.s32 $0x1500;
	[sflag:s22] =	ssyncadd.s32 $0xFFFFC000  }
0x24d: {  	[tilespmem:s21], [sflag:$0x1] =	stream.indirect.gather [hbm4b:s4+s28], $0x80, s18, s28, $0xb8;
	[tilespmem:$0x1E000] =	vst v63  }
0x24e: {  	_ =	swait.ge [sflag:s0], $0x4000  }
0x24f: {  	[sflag:s0] =	ssyncset.done $0x0  }
0x250: {  	s19 =	simm.s32 $0x1C80;
	[sflag:s0] =	ssyncadd.s32 $0xFFFFC000  }
0x251: {  	[spmem:s1] =	stream.indirect.scatter.add.f32 [tilespmem:s29], [sflag:$0x5], $0x80, s19, s28, $0xb8;
	[tilespmem:$0x1E000] =	vst v63  }
0x252: {  	_ =	swait.ge [sflag:s22], $0x4000  }
0x253: {  	[sflag:s22] =	ssyncset.done $0x0  }
0x254: {  	s18 =	simm.s32 $0x1580;
	[sflag:s22] =	ssyncadd.s32 $0xFFFFC000  }
0x255: {  	[tilespmem:s29], [sflag:$0x2] =	stream.indirect.gather [hbm4b:s4+s28], $0x80, s18, s28, $0xb8;
	[tilespmem:$0x1E000] =	vst v63  }
0x256: {  	_ =	swait.ge [sflag:s30], $0x4000  }
0x257: {  	[sflag:s30] =	ssyncset.done $0x0  }
0x258: {  	s19 =	simm.s32 $0x1D00;
	[sflag:s30] =	ssyncadd.s32 $0xFFFFC000  }
0x259: {  	[spmem:s1] =	stream.indirect.scatter.add.f32 [tilespmem:s21], [sflag:$0x5], $0x80, s19, s28, $0xb8;
	[tilespmem:$0x1E000] =	vst v63  }
0x25a: {  	_ =	swait.ge [sflag:s22], $0x4000  }
0x25b: {  	[sflag:s22] =	ssyncset.done $0x0  }
0x25c: {  	[sflag:s22] =	ssyncadd.s32 $0xFFFFC000  }
0x25d: {  	[tilespmem:s21], [sflag:$0x1] =	stream.indirect.gather [hbm4b:s4+s28], $0x80, s20, s28, $0xb8;
	[tilespmem:$0x1E000] =	vst v63  }
0x25e: {  	_ =	swait.ge [sflag:s0], $0x4000  }
0x25f: {  	[sflag:s0] =	ssyncset.done $0x0  }
0x260: {  	[sflag:s0] =	ssyncadd.s32 $0xFFFFC000  }
0x261: {  	[spmem:s1] =	stream.indirect.scatter.add.f32 [tilespmem:s29], [sflag:$0x5], $0x80, s6, s28, $0xb8;
	[tilespmem:$0x1E000] =	vst v63  }
0x262: {  	_ =	swait.ge [sflag:s22], $0x4000  }
0x263: {  	[sflag:s22] =	ssyncset.done $0x0  }
0x264: {  	[sflag:s22] =	ssyncadd.s32 $0xFFFFC000  }
0x265: {  	[tilespmem:s29], [sflag:$0x2] =	stream.indirect.gather [hbm4b:s4+s28], $0x80, s31, s28, $0xb8;
	[tilespmem:$0x1E000] =	vst v63  }
0x266: {  	_ =	swait.ge [sflag:s30], $0x4000  }
0x267: {  	[sflag:s30] =	ssyncset.done $0x0  }
0x268: {  	[sflag:s30] =	ssyncadd.s32 $0xFFFFC000  }
0x269: {  	[spmem:s1] =	stream.indirect.scatter.add.f32 [tilespmem:s21], [sflag:$0x5], $0x80, s9, s28, $0xb8;
	[tilespmem:$0x1E000] =	vst v63  }
0x26a: {  	_ =	swait.ge [sflag:s22], $0x4000  }
0x26b: {  	[sflag:s22] =	ssyncset.done $0x0  }
0x26c: {  	[sflag:s22] =	ssyncadd.s32 $0xFFFFC000  }
0x26d: {  	[tilespmem:s21], [sflag:$0x1] =	stream.indirect.gather [hbm4b:s4+s28], $0x80, s23, s28, $0xb8;
	[tilespmem:$0x1E000] =	vst v63  }
0x26e: {  	_ =	swait.ge [sflag:s0], $0x4000  }
0x26f: {  	[sflag:s0] =	ssyncset.done $0x0  }
0x270: {  	[sflag:s0] =	ssyncadd.s32 $0xFFFFC000  }
0x271: {  	[spmem:s1] =	stream.indirect.scatter.add.f32 [tilespmem:s29], [sflag:$0x5], $0x80, s13, s28, $0xb8;
	[tilespmem:$0x1E000] =	vst v63  }
0x272: {  	_ =	swait.ge [sflag:s22], $0x4000  }
0x273: {  	[sflag:s22] =	ssyncset.done $0x0  }
0x274: {  	[sflag:s22] =	ssyncadd.s32 $0xFFFFC000  }
0x275: {  	[tilespmem:s29], [sflag:$0x2] =	stream.indirect.gather [hbm4b:s4+s28], $0x80, s14, s28, $0xb8;
	[tilespmem:$0x1E000] =	vst v63  }
0x276: {  	_ =	swait.ge [sflag:s30], $0x4000  }
0x277: {  	[sflag:s30] =	ssyncset.done $0x0  }
0x278: {  	[sflag:s30] =	ssyncadd.s32 $0xFFFFC000  }
0x279: {  	[spmem:s1] =	stream.indirect.scatter.add.f32 [tilespmem:s21], [sflag:$0x5], $0x80, s3, s28, $0xb8;
	[tilespmem:$0x1E000] =	vst v63  }
0x27a: {  	_ =	swait.ge [sflag:s22], $0x4000  }
0x27b: {  	[sflag:s22] =	ssyncset.done $0x0  }
0x27c: {  	[sflag:s22] =	ssyncadd.s32 $0xFFFFC000  }
0x27d: {  	_ =	swait.ge [sflag:s0], $0x4000  }
0x27e: {  	[sflag:s0] =	ssyncset.done $0x0  }
.Ltmp6:
0x27f: {  	[sflag:s0] =	ssyncadd.s32 $0xFFFFC000;
	(pc) =	sbr.rel @p1 .LBB2_10-.Ltmp6, $4  }
0x280: {  	[spmem:s1] =	stream.indirect.scatter.add.f32 [tilespmem:s29], [sflag:$0x5], $0x80, s15, s28, $0xb8;
	[tilespmem:$0x1E000] =	vst v63  }
0x281: {  	_ =	swait.ge [sflag:s22], $0x4000  }
0x282: {  	[sflag:s22] =	ssyncset.done $0x0  }
0x283: {  	[sflag:s22] =	ssyncadd.s32 $0xFFFFC000  }
.Ltmp7:
0x284: {  	s17 =	sadd.s32 s16, s7;
	(pc) =	sbr.rel .LBB2_5-.Ltmp7, $4  }
0x285: {  	s19 =	sadd.s32 s16, s8;
	s17 =	sadd.s32 $0xB00, s17  }
0x286: {  	[tilespmem:s24], [sflag:$0x4] =	stream.linear.gather [hbm4b:s17+s2], $0x800, $0x38;
	[tilespmem:$0x1E000] =	vst v63  }
0x287: {  	s16 =	sadd.s32 $0x200, s16;
	s17 =	sadd.s32 $0xB00, s19  }
0x288: {  	[tilespmem:s25], [sflag:$0x4] =	stream.linear.gather [hbm4b:s17+s2], $0x800, $0x38;
	[tilespmem:$0x1E000] =	vst v63  }
.LBB2_11:
0x289: {  	_ =	sfence.sel $0x180000  }
0x28a: {  	[bflag:$0x0] =	sbarrier.arrive $0xFFFF  }
0x28b: {  	_ =	strace $0x9000004A  }
0x28c: {  	s0 =	stileid.u32;
	[bflag:$0x2] =	sbarrier.arrive $0xFFFF  }
0x28d: {  	p0 =	sne.s32 s0, $0x0;
	s0 =	rddreg [dreg:$0x3]  }
0x28e: {  	s0 =	sadd.s32 @!p0 $0x100000, s0  }
0x28f: {  	[sflag:s0] =	ssyncadd.tile.s32 @!p0 $0x1;
	_ =	shalt  }
.Lfunc_end2:
_tile_overlayer_lowered:
.L_overlay_start_2:
0x290: {  	(tag) =	ssettag $0x2  }
0x291: {  	s0 =	rddreg [dreg:$0x0];
	s2 =	stileid.u32  }
0x292: {  	s1 =	rddreg [dreg:$0x1];
	p0 =	sne.s32 s2, $0x0  }
0x293: {  	s3 =	rddreg [dreg:$0x2];
	[bflag:$0x3] =	sbarrier.arrive $0xFFFF;
	s2 =	simm.s32 @!p0 $0x1C05  }
0x294: {  	[timem:s3], [sflag:s2] =	dma.local @!p0 [hbm:s0], s1  }
0x295: {  	s0 =	simm.s32 @!p0 $0x5  }
0x296: {  	_ =	swait.ge @!p0 [sflag:s0], s1  }
0x297: {  	s1 =	ssub.s32 @!p0 $0x0, s1;
	[sflag:s0] =	ssyncset.done @!p0 $0x0  }
0x298: {  	[sflag:s0] =	ssyncadd.s32 @!p0 s1  }
0x299: {  	[bflag:$0x3] =	sbarrier.arrive $0xFFFF  }
0x29a: {  	_ =	shalt  }

// kernel: kernel.14.cloned.1.call-start
scs
__scs_entry_jumppad:
0x0: {  	(pc) =	sbr.rel $0x88, $3  }
0x1: {  	(tag) =	ssettag $0x0;
	lr =	simm.s32 $0x1  }
0x2: {  	[smem:$0x3F94] =	sst lr;
	_ =	strace $0xD0000000  }
0x3: {  	_ = 	snop  }
0x4: {  	_ = 	snop  }
0x5: {  	_ = 	snop  }
0x6: {  	_ = 	snop  }
0x7: {  	_ = 	snop  }
__scs_overlays_trampoline_lowered:
0x8: {  	[smem:$0x3FA3] =	sst s0  }
0x9: {  	[smem:$0x3FA4] =	sst s1  }
0xa: {  	[smem:$0x3FA5] =	sst s2  }
0xb: {  	[smem:$0x3FA6] =	sst s3  }
0xc: {  	[smem:$0x3FA7] =	sst s4  }
0xd: {  	[smem:$0x3FA8] =	sst s5  }
0xe: {  	[smem:$0x3FA9] =	sst s6  }
0xf: {  	[smem:$0x3FAA] =	sst s7  }
0x10: {  	[smem:$0x3FAB] =	sst s8  }
0x11: {  	[smem:$0x3FAC] =	sst s9;
	s0 =	simm.s32 @!p0 $0x0  }
0x12: {  	s1 =	sld [smem:$0x3F92];
	s0 =	simm.s32 @p0 $0x1  }
0x13: {  	[smem:$0x3FAD] =	sst s0;
	s0 =	simm.s32 @!p1 $0x0  }
0x14: {  	s2 =	sld [smem:$0x3F91];
	s0 =	simm.s32 @p1 $0x1  }
0x15: {  	[smem:$0x3FAE] =	sst s0;
	s0 =	simm.s32 @!p2 $0x0  }
0x16: {  	s3 =	sld [smem:$0x3FDB];
	s0 =	simm.s32 @p2 $0x1  }
0x17: {  	s4 =	simm.s32 $0x1BF5;
	[smem:$0x3FB0] =	sst s0  }
0x18: {  	s0 =	sld [smem:$0x3F93];
	_ =	swait.ge [sflag:s4], $0x0  }
0x19: {  	s7 =	sld [smem:$0x3F94]  }
0x1a: {  	s8 =	sadd.s32 $0xFFFFE003, lr  }
0x1b: {  	s9 =	sadd.s32 $0xFFFFFEF7, lr;
	s5 =	simm.s32 $0xFFFFFFFF;
	p2 =	slt.u32 s8, $0xFFFFF086  }
0x1c: {  	p1 =	slt.u32 s9, $0xF7A;
	s5 =	simm.s32 @!p2 $0x0  }
0x1d: {  	s5 =	simm.s32 @p1 $0x1;
	p0 =	seq.s32 s7, s2  }
0x1e: {  	s7 =	smul.u32 @!p0 $0xF7A, s2;
	p2 =	seq.s32 @!p0 s5, $0x0  }
0x1f: {  	s9 =	smul.u32 $0xF7A, s1;
	s8 =	simm.s32 @!p0 $0x1BF5;
	p2 =	por !p2, p0  }
0x20: {  	[sflag:s8] =	ssyncset.s32 @!p0 $0xFFFFF086;
	s6 =	sadd.s32 @!p0 s3, s7;
	s7 =	simm.s32 @!p0 $0x108  }
0x21: {  	s3 =	sadd.s32 s3, s9;
	s6 =	sadd.s32 @!p0 $0x88, s6;
	s7 =	simm.s32 @p2 $0x1082  }
0x22: {  	[simem:s7], [sflag:s8] =	dma.local @!p0 [hbm:s6], $0xF7A  }
0x23: {  	s9 =	sor.u32 $0xD0000000, s2;
	s6 =	simm.s32 $0x108;
	_ =	swait.ge @!p0 [sflag:s8], $0x0  }
0x24: {  	s3 =	sadd.s32 $0x88, s3;
	s6 =	simm.s32 @!p1 $0x1082;
	[sflag:s4] =	ssyncset.s32 $0xFFFFF086  }
0x25: {  	[simem:s6], [sflag:s4] =	dma.local [hbm:s3], $0xF7A  }
0x26: {  	[smem:$0x3F94] =	sst s1;
	(tag) =	ssettag s2;
	_ =	strace s9  }
0x27: {  	s1 =	sld [smem:$0x3FA4]  }
0x28: {  	s2 =	sld [smem:$0x3FA5]  }
0x29: {  	s4 =	sld [smem:$0x3FA7]  }
0x2a: {  	p0 =	seq.s32 s5, $0x0;
	s5 =	sld [smem:$0x3FA8]  }
0x2b: {  	s6 =	sld [smem:$0x3FA9]  }
0x2c: {  	s7 =	sld [smem:$0x3FAA]  }
0x2d: {  	s3 =	simm.s32 $0x108;
	s8 =	sld [smem:$0x3FAB]  }
0x2e: {  	s3 =	simm.s32 @!p0 $0x1082;
	s9 =	sld [smem:$0x3FAC]  }
0x2f: {  	lr =	sadd.s32 s0, s3;
	s0 =	sld [smem:$0x3FA3]  }
0x30: {  	s3 =	sld [smem:$0x3FA6]  }
0x31: {  	[smem:$0x3FAF] =	sst s10  }
0x32: {  	s10 =	sld [smem:$0x3FAD];
	_ =	sdelay $0x3  }
0x33: {  	p0 =	seq.s32 s10, $0x1;
	s10 =	sld [smem:$0x3FAF];
	_ =	sdelay $0x3  }
0x34: {  	[smem:$0x3FAF] =	sst s10  }
0x35: {  	s10 =	sld [smem:$0x3FAE];
	_ =	sdelay $0x3  }
0x36: {  	p1 =	seq.s32 s10, $0x1;
	s10 =	sld [smem:$0x3FAF];
	_ =	sdelay $0x3  }
0x37: {  	[smem:$0x3FAF] =	sst s10  }
0x38: {  	s10 =	sld [smem:$0x3FB0]  }
0x39: {  	_ = 	snop;
	(pc) =	sbr.ind lr, $3  }
0x3a: {  	_ = 	snop  }
0x3b: {  	_ = 	snop  }
0x3c: {  	p2 =	seq.s32 s10, $0x1;
	s10 =	sld [smem:$0x3FAF]  }
0x3d: {  	_ =	shalt  }
0x3e: {  	_ =	shalt  }
0x3f: {  	_ =	shalt  }
0x40: {  	_ =	shalt  }
0x41: {  	_ =	shalt  }
0x42: {  	_ =	shalt  }
0x43: {  	_ =	shalt  }
0x44: {  	_ =	shalt  }
0x45: {  	_ =	shalt  }
0x46: {  	_ =	shalt  }
0x47: {  	_ =	shalt  }
0x48: {  	_ =	shalt  }
0x49: {  	_ =	shalt  }
0x4a: {  	_ =	shalt  }
0x4b: {  	_ =	shalt  }
0x4c: {  	_ =	shalt  }
0x4d: {  	_ =	shalt  }
0x4e: {  	_ =	shalt  }
0x4f: {  	_ =	shalt  }
0x50: {  	_ =	shalt  }
0x51: {  	_ =	shalt  }
0x52: {  	_ =	shalt  }
0x53: {  	_ =	shalt  }
0x54: {  	_ =	shalt  }
0x55: {  	_ =	shalt  }
0x56: {  	_ =	shalt  }
0x57: {  	_ =	shalt  }
0x58: {  	_ =	shalt  }
0x59: {  	_ =	shalt  }
0x5a: {  	_ =	shalt  }
0x5b: {  	_ =	shalt  }
0x5c: {  	_ =	shalt  }
0x5d: {  	_ =	shalt  }
0x5e: {  	_ =	shalt  }
0x5f: {  	_ =	shalt  }
0x60: {  	_ =	shalt  }
0x61: {  	_ =	shalt  }
0x62: {  	_ =	shalt  }
0x63: {  	_ =	shalt  }
0x64: {  	_ =	shalt  }
0x65: {  	_ =	shalt  }
0x66: {  	_ =	shalt  }
0x67: {  	_ =	shalt  }
0x68: {  	_ =	shalt  }
0x69: {  	_ =	shalt  }
0x6a: {  	_ =	shalt  }
0x6b: {  	_ =	shalt  }
0x6c: {  	_ =	shalt  }
0x6d: {  	_ =	shalt  }
0x6e: {  	_ =	shalt  }
0x6f: {  	_ =	shalt  }
0x70: {  	_ =	shalt  }
0x71: {  	_ =	shalt  }
0x72: {  	_ =	shalt  }
0x73: {  	_ =	shalt  }
0x74: {  	_ =	shalt  }
0x75: {  	_ =	shalt  }
0x76: {  	_ =	shalt  }
0x77: {  	_ =	shalt  }
0x78: {  	_ =	shalt  }
0x79: {  	_ =	shalt  }
0x7a: {  	_ =	shalt  }
0x7b: {  	_ =	shalt  }
0x7c: {  	_ =	shalt  }
0x7d: {  	_ =	shalt  }
0x7e: {  	_ =	shalt  }
0x7f: {  	_ =	shalt  }
0x80: {  	_ =	shalt  }
0x81: {  	_ =	shalt  }
0x82: {  	_ =	shalt  }
0x83: {  	_ =	shalt  }
0x84: {  	_ =	shalt  }
0x85: {  	_ =	shalt  }
0x86: {  	_ =	shalt  }
0x87: {  	_ =	shalt  }
.Lfunc_end0:
.L_simem_size_0:
called_computation.2_lowered:
.L_overlay_start_0:
0x88: {  	s2 =	sld [smem:$0x3FD9]  }
0x89: {  	s3 =	sld [smem:$0x3FFE];
	_ =	sdelay $0x1  }
0x8a: {  	s1 =	srdreg.scid  }
0x8b: {  	s0 =	sand.u32 $0x1, s1  }
0x8c: {  	s17 =	sshll.u32 s0, $0xA;
	s2 =	sadd.s32 s3, s2  }
0x8d: {  	s2 =	sadd.s32 s2, s17  }
0x8e: {  	[smem:$0x3FBB] =	sst s2  }
0x8f: {  	_ = 	snop  }
0x90: {  	s2 =	sld [smem:$0x3FD0];
	(tm) =	ssettm $0x1  }
0x91: {  	s18 =	sld [smem:$0x3FFB];
	_ =	sdelay $0x3  }
0x92: {  	_ =	strace s18  }
0x93: {  	s3 =	sld [smem:$0x3FFC];
	_ =	sdelay $0x3  }
0x94: {  	_ =	strace s3  }
0x95: {  	s3 =	sld [smem:$0x3FFD];
	_ =	sdelay $0x3  }
0x96: {  	_ =	strace s3  }
0x97: {  	_ =	strace $0x8FFFFFFF  }
0x98: {  	s19 =	sld [smem:$0x3FDB];
	_ =	sdelay $0x1  }
0x99: {  	s4 =	simm.s32 $_scs_section_size  }
0x9a: {  	s5 =	simm.s32 $_size__tile_overlayer_lowered;
	s6 =	simm.s32 $_tile_overlayer_lowered  }
0x9b: {  	s22 =	simm.s32 $0x1BFF;
	s21 =	sshll.u32 s6, $0x1;
	s3 =	sadd.s32 s4, s19  }
0x9c: {  	s7 =	simm.s32 $0x0;
	s20 =	sshll.u32 s5, $0x1;
	s5 =	sadd.s32 s21, s3  }
0x9d: {  	[timem:s7], [sflag:s22] =	dma.local [hbm:s5], s20  }
0x9e: {  	_ =	swait.ge [sflag:s22], s20  }
0x9f: {  	s4 =	ssub.s32 $0x0, s20;
	[sflag:s22] =	ssyncset.done $0x0  }
0xa0: {  	[sflag:s22] =	ssyncadd.s32 s4;
	_ =	sdelay $0x1  }
0xa1: {  	s23 =	simm.s32 $0x1B8B  }
0xa2: {  	_ =	swait.ge [sflag:s23], $0x1  }
0xa3: {  	[sflag:s23] =	ssyncset.done $0x0  }
0xa4: {  	s25 =	simm.s32 $0x1B8E;
	s24 =	sld [smem:$0x3FFE];
	[sflag:s23] =	ssyncadd.s32 $0xFFFFFFFF  }
0xa5: {  	s26 =	simm.s32 $execute0_lowered;
	[smem:$0x3FD2] =	sst s25  }
0xa6: {  	s5 =	sshll.u32 s26, $0x1;
	_ =	strace $0x8000004C;
	[dreg:$0x1] =	wrdreg $0xFFFFFFFF  }
0xa7: {  	s28 =	simm.s32 $_size_execute0_lowered;
	s3 =	sadd.s32 s3, s5;
	[dreg:$0x0] =	wrdreg $0x0  }
0xa8: {  	s5 =	sshll.u32 s28, $0x1;
	[dreg:$0x2] =	wrdreg s3  }
0xa9: {  	[dreg:$0x3] =	wrdreg s5  }
0xaa: {  	[dreg:$0x4] =	wrdreg $0xC0  }
0xab: {  	_ =	task [dreg:s7], $0x5FFFF  }
0xac: {  	[dreg:$0x1] =	wrdreg $0xFFFFFFFF  }
0xad: {  	[dreg:$0x0] =	wrdreg $0x60  }
0xae: {  	[dreg:$0x2] =	wrdreg s24  }
0xaf: {  	[dreg:$0x3] =	wrdreg s2  }
0xb0: {  	[dreg:$0x4] =	wrdreg $0xA0000  }
0xb1: {  	[dreg:$0x5] =	wrdreg $0x9  }
0xb2: {  	_ =	task.clear_ibuf [dreg:s7], $0x6FFFF;
	_ =	strace $0x9000004C  }
0xb3: {  	s29 =	simm.s32 $0x9;
	_ =	strace $0x8000004E  }
0xb4: {  	_ =	swait.ge [sflag:s29], $0x1  }
0xb5: {  	[sflag:s29] =	ssyncadd.s32 $0xFFFFFFFF  }
0xb6: {  	_ =	strace $0x9000004E  }
0xb7: {  	_ =	sfence  }
0xb8: {  	s30 =	sld [smem:$0x0];
	_ =	sdelay $0x2  }
0xb9: {  	s31 =	sshll.u32 s1, $0xD;
	s1 =	sshrl.u32 s1, $0x2  }
0xba: {  	s3 =	sand.u32 $0x4000, s31;
	s1 =	sadd.s32 s1, s30  }
0xbb: {  	s0 =	sor.u32 s3, s0;
	s1 =	sshll.u32 s1, $0x11  }
0xbc: {  	s0 =	sor.u32 s1, s0  }
0xbd: {  	s0 =	sadd.s32 $0x8F2B, s0  }
0xbe: {  	[sflag:s0] =	ssyncadd.remote.s32 $0x1  }
0xbf: {  	_ =	sfence.sel $0xFFFF  }
0xc0: {  	[dreg:$0x0] =	wrdreg $0xFFFFFFFF;
	(pc) =	sbr.abs _section_cstart, $3  }
0xc1: {  	[dreg:$0x1] =	wrdreg $0xFFFFFFFF  }
0xc2: {  	_ =	task.clear_ibuf [dreg:s7], $0x2FFFF;
	_ =	strace $0x9FFFFFFF  }
0xc3: {  	(tm) =	ssettm $0x7FFFFFFF  }
tec
execute0_lowered:
.L_overlay_start_1:
0x0: {  	(tag) =	ssettag $0x1  }
0x1: {  	s0 =	rddreg [dreg:$0x0]  }
0x2: {  	s3 =	rddreg [dreg:$0x1]  }
0x3: {  	s1 =	rddreg [dreg:$0x2];
	s2 =	simm.s32 $0x0  }
0x4: {  	s6 =	srdreg.scid;
	s14 =	stileid.u32;
	s28 =	simm.s32 $0x80  }
0x5: {  	s29 =	simm.s32 $0x6000;
	s30 =	simm.s32 $0x1;
	s31 =	simm.s32 $0x1680  }
0x6: {  	s17 =	simm.s32 $0x0;
	[smem:$0x7FF] =	sst s2;
	s4 =	sadd.s32 $0x4BA00, s0  }
0x7: {  	s5 =	sadd.s32 $0x9BA00, s0;
	s6 =	sand.u32 $0x1, s6;
	s9 =	sadd.s32 $0x5A00, s0  }
0x8: {  	s10 =	sadd.s32 $0xFA00, s0;
	s8 =	smul.u32 $0x50000, s14;
	s13 =	sadd.s32 $0x19A00, s0  }
0x9: {  	_ =	strace $0x8000004D;
	s7 =	sshll.u32 s6, $0x4;
	s11 =	ssub.s32 $0x2, s6  }
0xa: {  	p0 =	seq.s32 s6, $0x1;
	s6 =	simm.s32 $0x1D80;
	s7 =	sor.u32 s14, s7  }
0xb: {  	s12 =	sshrl.u32 s11, $0x1;
	s8 =	sshrl.u32 s8, $0x2;
	s14 =	smul.u32 $0xA00, s14  }
0xc: {  	s7 =	smul.u32 $0x2800, s7;
	s15 =	ssub.s32 s11, s12;
	s18 =	sadd.s32 s8, s1  }
0xd: {  	s19 =	sor.u32 $0x100, s14;
	s8 =	sadd.s32 s10, s14;
	s11 =	sadd.s32 s3, s14  }
0xe: {  	s12 =	sadd.s32 s13, s14;
	s22 =	smax.u32 s15, $0x1;
	s23 =	sadd.s32 $0x4000, s18  }
0xf: {  	s24 =	sadd.s32 $0x8000, s18;
	s25 =	sadd.s32 $0xC000, s18;
	[dreg:$0x4] =	wrdreg s18  }
0x10: {  	s26 =	sadd.s32 $0x10000, s18;
	s15 =	simm.s32 $0x1F80;
	[dreg:$0xa] =	wrdreg s22  }
0x11: {  	s0 =	sadd.s32 s7, s0;
	s7 =	sadd.s32 s9, s14;
	[dreg:$0xb] =	wrdreg s23  }
0x12: {  	s9 =	sadd.s32 s9, s19;
	s20 =	sadd.s32 s10, s19;
	[dreg:$0xc] =	wrdreg s24  }
0x13: {  	s3 =	sadd.s32 s3, s19;
	s21 =	sadd.s32 s13, s19;
	[dreg:$0xd] =	wrdreg s25  }
0x14: {  	[dreg:$0xe] =	wrdreg s26;
	s22 =	simm.s32 $0x5;
	s24 =	simm.s32 $0x1000  }
0x15: {  	s25 =	simm.s32 $0x1800;
	s26 =	simm.s32 $0x3;
	[dreg:$0x5] =	wrdreg s9  }
.Ltmp0:
0x16: {  	s10 =	simm.s32 $0x4;
	[dreg:$0x6] =	wrdreg s20;
	(pc) =	sbr.rel .LBB2_1-.Ltmp0, $4  }
0x17: {  	s23 =	simm.s32 $0x1700;
	s13 =	simm.s32 $0x1E80;
	[dreg:$0x7] =	wrdreg s3  }
0x18: {  	s14 =	simm.s32 $0x1780;
	[dreg:$0x8] =	wrdreg s21;
	s0 =	sadd.s32 $0xC3A00, s0  }
0x19: {  	s21 =	simm.s32 $0x2000;
	s20 =	simm.s32 $0x1600;
	s9 =	simm.s32 $0x1E00  }
0x1a: {  	v0 =	vimm.f32 $0.0e+00;
	s3 =	simm.s32 $0x1F00;
	[dreg:$0x9] =	wrdreg s0;
	s0 =	simm.s32 $0x2  }
.LBB2_10:
0x1b: {  	s16 =	stileid.u32;
	[bflag:$0x0] =	sbarrier.arrive $0xFFFF  }
0x1c: {  	s16 =	sshll.u32 s16, $0x6;
	s18 =	rddreg [dreg:$0x4]  }
0x1d: {  	s19 =	rddreg [dreg:$0x9];
	s16 =	sor.u32 $0x1C05, s16;
	s17 =	sshrl.u32 s18, $0x3  }
0x1e: {  	[hbm:s19], [sflag:s16] =	dma.local [spmem:s17], $0x2800  }
0x1f: {  	_ =	swait.ge [sflag:s22], $0x2800  }
0x20: {  	s16 =	rddreg [dreg:$0xf]  }
0x21: {  	s19 =	rddreg [dreg:$0xa];
	s17 =	sadd.s32 $0x1, s16  }
0x22: {  	p1 =	sne.s32 s17, s19  }
.Ltmp1:
0x23: {  	_ = 	snop;
	(pc) =	sbr.rel @!p1 .LBB2_11-.Ltmp1, $3  }
0x24: {  	_ =	sdelay $0x1  }
0x25: {  	[sflag:s22] =	ssyncset.done $0x0  }
0x26: {  	[sflag:s22] =	ssyncadd.s32 $0xFFFFD800  }
.LBB2_1:
0x27: {  	[dreg:$0xf] =	wrdreg s17;
	s16 =	simm.s32 $0x0;
	s17 =	simm.s32 $0x200  }
.LBB2_2:
0x28: {  	p1 =	sne.s32 s17, $0xFE00;
	[tilespmem:s16+$0x2070] =	vst v0  }
0x29: {  	[tilespmem:s16+$0x2000] =	vst v0  }
0x2a: {  	[tilespmem:s16+$0x2010] =	vst v0  }
.Ltmp2:
0x2b: {  	[tilespmem:s16+$0x2020] =	vst v0;
	(pc) =	sbr.rel @p1 .LBB2_2-.Ltmp2, $4  }
0x2c: {  	[tilespmem:s16+$0x2030] =	vst v0  }
0x2d: {  	[tilespmem:s16+$0x2040] =	vst v0  }
0x2e: {  	[tilespmem:s16+$0x2050] =	vst v0  }
0x2f: {  	[tilespmem:s16+$0x2060] =	vst v0;
	s16 =	sshra.s32 s17, $0x2;
	s17 =	sadd.s32 $0x200, s17  }
0x30: {  	[tilespmem:s16+$0x2070] =	vst v0  }
0x31: {  	[tilespmem:s16+$0x2000] =	vst v0  }
0x32: {  	[tilespmem:s16+$0x2010] =	vst v0  }
0x33: {  	[tilespmem:s16+$0x2020] =	vst v0  }
0x34: {  	[tilespmem:s16+$0x2030] =	vst v0  }
0x35: {  	[tilespmem:s16+$0x2040] =	vst v0  }
0x36: {  	[tilespmem:s16+$0x2050] =	vst v0  }
0x37: {  	[tilespmem:s16+$0x2060] =	vst v0  }
0x38: {  	[spmem:s18] =	stream.linear.scatter [tilespmem:s21], [sflag:$0x5], $0x4000, $0x38;
	[tilespmem:$0x1E000] =	vst v63  }
0x39: {  	_ =	swait.ge [sflag:s22], $0x4000  }
0x3a: {  	[sflag:s22] =	ssyncset.done $0x0  }
0x3b: {  	s19 =	rddreg [dreg:$0xb];
	[sflag:s22] =	ssyncadd.s32 $0xFFFFC000  }
0x3c: {  	[spmem:s19] =	stream.linear.scatter [tilespmem:s21], [sflag:$0x5], $0x4000, $0x38;
	[tilespmem:$0x1E000] =	vst v63  }
0x3d: {  	_ =	swait.ge [sflag:s22], $0x4000  }
0x3e: {  	[sflag:s22] =	ssyncset.done $0x0  }
0x3f: {  	s17 =	rddreg [dreg:$0xc];
	[sflag:s22] =	ssyncadd.s32 $0xFFFFC000  }
0x40: {  	[spmem:s17] =	stream.linear.scatter [tilespmem:s21], [sflag:$0x5], $0x4000, $0x38;
	[tilespmem:$0x1E000] =	vst v63  }
0x41: {  	_ =	swait.ge [sflag:s22], $0x4000  }
0x42: {  	[sflag:s22] =	ssyncset.done $0x0  }
0x43: {  	s18 =	rddreg [dreg:$0xd];
	[sflag:s22] =	ssyncadd.s32 $0xFFFFC000  }
0x44: {  	[spmem:s18] =	stream.linear.scatter [tilespmem:s21], [sflag:$0x5], $0x4000, $0x38;
	[tilespmem:$0x1E000] =	vst v63  }
0x45: {  	_ =	swait.ge [sflag:s22], $0x4000  }
0x46: {  	[sflag:s22] =	ssyncset.done $0x0  }
0x47: {  	s19 =	rddreg [dreg:$0xe];
	[sflag:s22] =	ssyncadd.s32 $0xFFFFC000  }
0x48: {  	[spmem:s19] =	stream.linear.scatter [tilespmem:s21], [sflag:$0x5], $0x4000, $0x38;
	[tilespmem:$0x1E000] =	vst v63  }
.Ltmp3:
0x49: {  	_ =	swait.ge [sflag:s22], $0x4000;
	(pc) =	sbr.rel @!p0 .LBB2_4-.Ltmp3, $3  }
0x4a: {  	[sflag:s22] =	ssyncset.done $0x0  }
0x4b: {  	[sflag:s22] =	ssyncadd.s32 $0xFFFFC000  }
0x4c: {  	[bflag:$0x0] =	sbarrier.arrive $0xFFFF;
	_ =	sdelay $0x1  }
0x4d: {  	[tilespmem:s2], [sflag:$0x3] =	stream.linear.gather [hbm4b:s11+s2], $0x800, $0x38;
	[tilespmem:$0x1E000] =	vst v63  }
0x4e: {  	s16 =	simm.s32 $0x800  }
0x4f: {  	[tilespmem:s16], [sflag:$0x3] =	stream.linear.gather [hbm4b:s12+s2], $0x800, $0x38;
	[tilespmem:$0x1E000] =	vst v63  }
0x50: {  	s18 =	rddreg [dreg:$0x7]  }
0x51: {  	[tilespmem:s24], [sflag:$0x4] =	stream.linear.gather [hbm4b:s18+s2], $0x800, $0x38;
	[tilespmem:$0x1E000] =	vst v63  }
0x52: {  	s19 =	rddreg [dreg:$0x8];
	s16 =	simm.s32 $0xFFFFF800  }
0x53: {  	[tilespmem:s25], [sflag:$0x4] =	stream.linear.gather [hbm4b:s19+s2], $0x800, $0x38;
	[tilespmem:$0x1E000] =	vst v63  }
.LBB2_8:
0x54: {  	_ =	swait.ge [sflag:s26], $0x800  }
0x55: {  	[sflag:s26] =	ssyncset.done $0x0  }
0x56: {  	[sflag:s26] =	ssyncadd.s32 $0xFFFFF800  }
0x57: {  	_ =	swait.ge [sflag:s26], $0x800  }
0x58: {  	[sflag:s26] =	ssyncset.done $0x0  }
0x59: {  	[sflag:s26] =	ssyncadd.s32 $0xFFFFF800  }
0x5a: {  	[tilespmem:s21], [sflag:$0x1] =	stream.indirect.gather [hbm4b:s5+s28], $0x80, s2, s28, $0xb8;
	[tilespmem:$0x1E000] =	vst v63  }
0x5b: {  	_ = 	snop  }
0x5c: {  	[tilespmem:s29], [sflag:$0x2] =	stream.indirect.gather [hbm4b:s5+s28], $0x80, s28, s28, $0xb8;
	[tilespmem:$0x1E000] =	vst v63  }
0x5d: {  	_ =	swait.ge [sflag:s30], $0x4000  }
0x5e: {  	[sflag:s30] =	ssyncset.done $0x0  }
0x5f: {  	s17 =	simm.s32 $0x800;
	[sflag:s30] =	ssyncadd.s32 $0xFFFFC000  }
0x60: {  	[spmem:s1] =	stream.indirect.scatter.add.f32 [tilespmem:s21], [sflag:$0x5], $0x80, s17, s28, $0xb8;
	[tilespmem:$0x1E000] =	vst v63  }
0x61: {  	_ =	swait.ge [sflag:s22], $0x4000  }
0x62: {  	[sflag:s22] =	ssyncset.done $0x0  }
0x63: {  	s18 =	simm.s32 $0x100;
	[sflag:s22] =	ssyncadd.s32 $0xFFFFC000  }
0x64: {  	[tilespmem:s21], [sflag:$0x1] =	stream.indirect.gather [hbm4b:s5+s28], $0x80, s18, s28, $0xb8;
	[tilespmem:$0x1E000] =	vst v63  }
0x65: {  	_ =	swait.ge [sflag:s0], $0x4000  }
0x66: {  	[sflag:s0] =	ssyncset.done $0x0  }
0x67: {  	s19 =	simm.s32 $0x880;
	[sflag:s0] =	ssyncadd.s32 $0xFFFFC000  }
0x68: {  	[spmem:s1] =	stream.indirect.scatter.add.f32 [tilespmem:s29], [sflag:$0x5], $0x80, s19, s28, $0xb8;
	[tilespmem:$0x1E000] =	vst v63  }
0x69: {  	_ =	swait.ge [sflag:s22], $0x4000  }
0x6a: {  	[sflag:s22] =	ssyncset.done $0x0  }
0x6b: {  	s18 =	simm.s32 $0x180;
	[sflag:s22] =	ssyncadd.s32 $0xFFFFC000  }
0x6c: {  	[tilespmem:s29], [sflag:$0x2] =	stream.indirect.gather [hbm4b:s5+s28], $0x80, s18, s28, $0xb8;
	[tilespmem:$0x1E000] =	vst v63  }
0x6d: {  	_ =	swait.ge [sflag:s30], $0x4000  }
0x6e: {  	[sflag:s30] =	ssyncset.done $0x0  }
0x6f: {  	s19 =	simm.s32 $0x900;
	[sflag:s30] =	ssyncadd.s32 $0xFFFFC000  }
0x70: {  	[spmem:s1] =	stream.indirect.scatter.add.f32 [tilespmem:s21], [sflag:$0x5], $0x80, s19, s28, $0xb8;
	[tilespmem:$0x1E000] =	vst v63  }
0x71: {  	_ =	swait.ge [sflag:s22], $0x4000  }
0x72: {  	[sflag:s22] =	ssyncset.done $0x0  }
0x73: {  	s18 =	simm.s32 $0x200;
	[sflag:s22] =	ssyncadd.s32 $0xFFFFC000  }
0x74: {  	[tilespmem:s21], [sflag:$0x1] =	stream.indirect.gather [hbm4b:s5+s28], $0x80, s18, s28, $0xb8;
	[tilespmem:$0x1E000] =	vst v63  }
0x75: {  	_ =	swait.ge [sflag:s0], $0x4000  }
0x76: {  	[sflag:s0] =	ssyncset.done $0x0  }
0x77: {  	s19 =	simm.s32 $0x980;
	[sflag:s0] =	ssyncadd.s32 $0xFFFFC000  }
0x78: {  	[spmem:s1] =	stream.indirect.scatter.add.f32 [tilespmem:s29], [sflag:$0x5], $0x80, s19, s28, $0xb8;
	[tilespmem:$0x1E000] =	vst v63  }
0x79: {  	_ =	swait.ge [sflag:s22], $0x4000  }
0x7a: {  	[sflag:s22] =	ssyncset.done $0x0  }
0x7b: {  	s18 =	simm.s32 $0x280;
	[sflag:s22] =	ssyncadd.s32 $0xFFFFC000  }
0x7c: {  	[tilespmem:s29], [sflag:$0x2] =	stream.indirect.gather [hbm4b:s5+s28], $0x80, s18, s28, $0xb8;
	[tilespmem:$0x1E000] =	vst v63  }
0x7d: {  	_ =	swait.ge [sflag:s30], $0x4000  }
0x7e: {  	[sflag:s30] =	ssyncset.done $0x0  }
0x7f: {  	s19 =	simm.s32 $0xA00;
	[sflag:s30] =	ssyncadd.s32 $0xFFFFC000  }
0x80: {  	[spmem:s1] =	stream.indirect.scatter.add.f32 [tilespmem:s21], [sflag:$0x5], $0x80, s19, s28, $0xb8;
	[tilespmem:$0x1E000] =	vst v63  }
0x81: {  	_ =	swait.ge [sflag:s22], $0x4000  }
0x82: {  	[sflag:s22] =	ssyncset.done $0x0  }
0x83: {  	s18 =	simm.s32 $0x300;
	[sflag:s22] =	ssyncadd.s32 $0xFFFFC000  }
0x84: {  	[tilespmem:s21], [sflag:$0x1] =	stream.indirect.gather [hbm4b:s5+s28], $0x80, s18, s28, $0xb8;
	[tilespmem:$0x1E000] =	vst v63  }
0x85: {  	_ =	swait.ge [sflag:s0], $0x4000  }
0x86: {  	[sflag:s0] =	ssyncset.done $0x0  }
0x87: {  	s19 =	simm.s32 $0xA80;
	[sflag:s0] =	ssyncadd.s32 $0xFFFFC000  }
0x88: {  	[spmem:s1] =	stream.indirect.scatter.add.f32 [tilespmem:s29], [sflag:$0x5], $0x80, s19, s28, $0xb8;
	[tilespmem:$0x1E000] =	vst v63  }
0x89: {  	_ =	swait.ge [sflag:s22], $0x4000  }
0x8a: {  	[sflag:s22] =	ssyncset.done $0x0  }
0x8b: {  	s18 =	simm.s32 $0x380;
	[sflag:s22] =	ssyncadd.s32 $0xFFFFC000  }
0x8c: {  	[tilespmem:s29], [sflag:$0x2] =	stream.indirect.gather [hbm4b:s5+s28], $0x80, s18, s28, $0xb8;
	[tilespmem:$0x1E000] =	vst v63  }
0x8d: {  	_ =	swait.ge [sflag:s30], $0x4000  }
0x8e: {  	[sflag:s30] =	ssyncset.done $0x0  }
0x8f: {  	s19 =	simm.s32 $0xB00;
	[sflag:s30] =	ssyncadd.s32 $0xFFFFC000  }
0x90: {  	[spmem:s1] =	stream.indirect.scatter.add.f32 [tilespmem:s21], [sflag:$0x5], $0x80, s19, s28, $0xb8;
	[tilespmem:$0x1E000] =	vst v63  }
0x91: {  	_ =	swait.ge [sflag:s22], $0x4000  }
0x92: {  	[sflag:s22] =	ssyncset.done $0x0  }
0x93: {  	s18 =	simm.s32 $0x400;
	[sflag:s22] =	ssyncadd.s32 $0xFFFFC000  }
0x94: {  	[tilespmem:s21], [sflag:$0x1] =	stream.indirect.gather [hbm4b:s5+s28], $0x80, s18, s28, $0xb8;
	[tilespmem:$0x1E000] =	vst v63  }
0x95: {  	_ =	swait.ge [sflag:s0], $0x4000  }
0x96: {  	[sflag:s0] =	ssyncset.done $0x0  }
0x97: {  	s19 =	simm.s32 $0xB80;
	[sflag:s0] =	ssyncadd.s32 $0xFFFFC000  }
0x98: {  	[spmem:s1] =	stream.indirect.scatter.add.f32 [tilespmem:s29], [sflag:$0x5], $0x80, s19, s28, $0xb8;
	[tilespmem:$0x1E000] =	vst v63  }
0x99: {  	_ =	swait.ge [sflag:s22], $0x4000  }
0x9a: {  	[sflag:s22] =	ssyncset.done $0x0  }
0x9b: {  	s18 =	simm.s32 $0x480;
	[sflag:s22] =	ssyncadd.s32 $0xFFFFC000  }
0x9c: {  	[tilespmem:s29], [sflag:$0x2] =	stream.indirect.gather [hbm4b:s5+s28], $0x80, s18, s28, $0xb8;
	[tilespmem:$0x1E000] =	vst v63  }
0x9d: {  	_ =	swait.ge [sflag:s30], $0x4000  }
0x9e: {  	[sflag:s30] =	ssyncset.done $0x0  }
0x9f: {  	s19 =	simm.s32 $0xC00;
	[sflag:s30] =	ssyncadd.s32 $0xFFFFC000  }
0xa0: {  	[spmem:s1] =	stream.indirect.scatter.add.f32 [tilespmem:s21], [sflag:$0x5], $0x80, s19, s28, $0xb8;
	[tilespmem:$0x1E000] =	vst v63  }
0xa1: {  	_ =	swait.ge [sflag:s22], $0x4000  }
0xa2: {  	[sflag:s22] =	ssyncset.done $0x0  }
0xa3: {  	s18 =	simm.s32 $0x500;
	[sflag:s22] =	ssyncadd.s32 $0xFFFFC000  }
0xa4: {  	[tilespmem:s21], [sflag:$0x1] =	stream.indirect.gather [hbm4b:s5+s28], $0x80, s18, s28, $0xb8;
	[tilespmem:$0x1E000] =	vst v63  }
0xa5: {  	_ =	swait.ge [sflag:s0], $0x4000  }
0xa6: {  	[sflag:s0] =	ssyncset.done $0x0  }
0xa7: {  	s19 =	simm.s32 $0xC80;
	[sflag:s0] =	ssyncadd.s32 $0xFFFFC000  }
0xa8: {  	[spmem:s1] =	stream.indirect.scatter.add.f32 [tilespmem:s29], [sflag:$0x5], $0x80, s19, s28, $0xb8;
	[tilespmem:$0x1E000] =	vst v63  }
0xa9: {  	_ =	swait.ge [sflag:s22], $0x4000  }
0xaa: {  	[sflag:s22] =	ssyncset.done $0x0  }
0xab: {  	s18 =	simm.s32 $0x580;
	[sflag:s22] =	ssyncadd.s32 $0xFFFFC000  }
0xac: {  	[tilespmem:s29], [sflag:$0x2] =	stream.indirect.gather [hbm4b:s5+s28], $0x80, s18, s28, $0xb8;
	[tilespmem:$0x1E000] =	vst v63  }
0xad: {  	_ =	swait.ge [sflag:s30], $0x4000  }
0xae: {  	[sflag:s30] =	ssyncset.done $0x0  }
0xaf: {  	s19 =	simm.s32 $0xD00;
	[sflag:s30] =	ssyncadd.s32 $0xFFFFC000  }
0xb0: {  	[spmem:s1] =	stream.indirect.scatter.add.f32 [tilespmem:s21], [sflag:$0x5], $0x80, s19, s28, $0xb8;
	[tilespmem:$0x1E000] =	vst v63  }
0xb1: {  	_ =	swait.ge [sflag:s22], $0x4000  }
0xb2: {  	[sflag:s22] =	ssyncset.done $0x0  }
0xb3: {  	s18 =	simm.s32 $0x600;
	[sflag:s22] =	ssyncadd.s32 $0xFFFFC000  }
0xb4: {  	[tilespmem:s21], [sflag:$0x1] =	stream.indirect.gather [hbm4b:s5+s28], $0x80, s18, s28, $0xb8;
	[tilespmem:$0x1E000] =	vst v63  }
0xb5: {  	_ =	swait.ge [sflag:s0], $0x4000  }
0xb6: {  	[sflag:s0] =	ssyncset.done $0x0  }
0xb7: {  	s19 =	simm.s32 $0xD80;
	[sflag:s0] =	ssyncadd.s32 $0xFFFFC000  }
0xb8: {  	[spmem:s1] =	stream.indirect.scatter.add.f32 [tilespmem:s29], [sflag:$0x5], $0x80, s19, s28, $0xb8;
	[tilespmem:$0x1E000] =	vst v63  }
0xb9: {  	_ =	swait.ge [sflag:s22], $0x4000  }
0xba: {  	[sflag:s22] =	ssyncset.done $0x0  }
0xbb: {  	s18 =	simm.s32 $0x680;
	[sflag:s22] =	ssyncadd.s32 $0xFFFFC000  }
0xbc: {  	[tilespmem:s29], [sflag:$0x2] =	stream.indirect.gather [hbm4b:s5+s28], $0x80, s18, s28, $0xb8;
	[tilespmem:$0x1E000] =	vst v63  }
0xbd: {  	_ =	swait.ge [sflag:s30], $0x4000  }
0xbe: {  	[sflag:s30] =	ssyncset.done $0x0  }
0xbf: {  	s19 =	simm.s32 $0xE00;
	[sflag:s30] =	ssyncadd.s32 $0xFFFFC000  }
0xc0: {  	[spmem:s1] =	stream.indirect.scatter.add.f32 [tilespmem:s21], [sflag:$0x5], $0x80, s19, s28, $0xb8;
	[tilespmem:$0x1E000] =	vst v63  }
0xc1: {  	_ =	swait.ge [sflag:s22], $0x4000  }
0xc2: {  	[sflag:s22] =	ssyncset.done $0x0  }
0xc3: {  	s18 =	simm.s32 $0x700;
	[sflag:s22] =	ssyncadd.s32 $0xFFFFC000  }
0xc4: {  	[tilespmem:s21], [sflag:$0x1] =	stream.indirect.gather [hbm4b:s5+s28], $0x80, s18, s28, $0xb8;
	[tilespmem:$0x1E000] =	vst v63  }
0xc5: {  	_ =	swait.ge [sflag:s0], $0x4000  }
0xc6: {  	[sflag:s0] =	ssyncset.done $0x0  }
0xc7: {  	s19 =	simm.s32 $0xE80;
	[sflag:s0] =	ssyncadd.s32 $0xFFFFC000  }
0xc8: {  	[spmem:s1] =	stream.indirect.scatter.add.f32 [tilespmem:s29], [sflag:$0x5], $0x80, s19, s28, $0xb8;
	[tilespmem:$0x1E000] =	vst v63  }
0xc9: {  	_ =	swait.ge [sflag:s22], $0x4000  }
0xca: {  	[sflag:s22] =	ssyncset.done $0x0  }
0xcb: {  	s18 =	simm.s32 $0x780;
	[sflag:s22] =	ssyncadd.s32 $0xFFFFC000  }
0xcc: {  	[tilespmem:s29], [sflag:$0x2] =	stream.indirect.gather [hbm4b:s5+s28], $0x80, s18, s28, $0xb8;
	[tilespmem:$0x1E000] =	vst v63  }
0xcd: {  	_ =	swait.ge [sflag:s30], $0x4000  }
0xce: {  	[sflag:s30] =	ssyncset.done $0x0  }
0xcf: {  	s19 =	simm.s32 $0xF00;
	[sflag:s30] =	ssyncadd.s32 $0xFFFFC000  }
0xd0: {  	[spmem:s1] =	stream.indirect.scatter.add.f32 [tilespmem:s21], [sflag:$0x5], $0x80, s19, s28, $0xb8;
	[tilespmem:$0x1E000] =	vst v63  }
0xd1: {  	_ =	swait.ge [sflag:s22], $0x4000  }
0xd2: {  	[sflag:s22] =	ssyncset.done $0x0  }
0xd3: {  	[sflag:s22] =	ssyncadd.s32 $0xFFFFC000  }
0xd4: {  	_ =	swait.ge [sflag:s0], $0x4000  }
0xd5: {  	[sflag:s0] =	ssyncset.done $0x0  }
0xd6: {  	s18 =	simm.s32 $0xF80;
	[sflag:s0] =	ssyncadd.s32 $0xFFFFC000  }
0xd7: {  	[spmem:s1] =	stream.indirect.scatter.add.f32 [tilespmem:s29], [sflag:$0x5], $0x80, s18, s28, $0xb8;
	[tilespmem:$0x1E000] =	vst v63  }
0xd8: {  	p1 =	seq.s32 s16, $0x0;
	_ =	swait.ge [sflag:s22], $0x4000  }
0xd9: {  	s17 =	sadd.s32 @!p1 s16, s11;
	[sflag:s22] =	ssyncset.done $0x0  }
0xda: {  	s17 =	sadd.s32 @!p1 $0xA00, s17;
	s18 =	simm.s32 @!p1 $0x0;
	[sflag:s22] =	ssyncadd.s32 $0xFFFFC000  }
0xdb: {  	[tilespmem:s18], [sflag:$0x3] =	stream.linear.gather @!p1 [hbm4b:s17+s18], $0x800, $0x38;
	[tilespmem:$0x1E000] =	vst v63  }
0xdc: {  	s17 =	sadd.s32 @!p1 s16, s12  }
0xdd: {  	s19 =	simm.s32 @!p1 $0x800;
	s17 =	sadd.s32 @!p1 $0xA00, s17  }
0xde: {  	[tilespmem:s19], [sflag:$0x3] =	stream.linear.gather @!p1 [hbm4b:s17+s18], $0x800, $0x38;
	[tilespmem:$0x1E000] =	vst v63  }
0xdf: {  	_ =	swait.ge [sflag:s10], $0x800  }
0xe0: {  	[sflag:s10] =	ssyncset.done $0x0  }
0xe1: {  	[sflag:s10] =	ssyncadd.s32 $0xFFFFF800  }
0xe2: {  	_ =	swait.ge [sflag:s10], $0x800  }
0xe3: {  	[sflag:s10] =	ssyncset.done $0x0  }
0xe4: {  	[sflag:s10] =	ssyncadd.s32 $0xFFFFF800  }
0xe5: {  	[tilespmem:s21], [sflag:$0x1] =	stream.indirect.gather [hbm4b:s5+s28], $0x80, s24, s28, $0xb8;
	[tilespmem:$0x1E000] =	vst v63  }
0xe6: {  	s19 =	simm.s32 $0x1080  }
0xe7: {  	[tilespmem:s29], [sflag:$0x2] =	stream.indirect.gather [hbm4b:s5+s28], $0x80, s19, s28, $0xb8;
	[tilespmem:$0x1E000] =	vst v63  }
0xe8: {  	_ =	swait.ge [sflag:s30], $0x4000  }
0xe9: {  	[sflag:s30] =	ssyncset.done $0x0  }
0xea: {  	[sflag:s30] =	ssyncadd.s32 $0xFFFFC000  }
0xeb: {  	[spmem:s1] =	stream.indirect.scatter.add.f32 [tilespmem:s21], [sflag:$0x5], $0x80, s25, s28, $0xb8;
	[tilespmem:$0x1E000] =	vst v63  }
0xec: {  	_ =	swait.ge [sflag:s22], $0x4000  }
0xed: {  	[sflag:s22] =	ssyncset.done $0x0  }
0xee: {  	s18 =	simm.s32 $0x1100;
	[sflag:s22] =	ssyncadd.s32 $0xFFFFC000  }
0xef: {  	[tilespmem:s21], [sflag:$0x1] =	stream.indirect.gather [hbm4b:s5+s28], $0x80, s18, s28, $0xb8;
	[tilespmem:$0x1E000] =	vst v63  }
0xf0: {  	_ =	swait.ge [sflag:s0], $0x4000  }
0xf1: {  	[sflag:s0] =	ssyncset.done $0x0  }
0xf2: {  	s19 =	simm.s32 $0x1880;
	[sflag:s0] =	ssyncadd.s32 $0xFFFFC000  }
0xf3: {  	[spmem:s1] =	stream.indirect.scatter.add.f32 [tilespmem:s29], [sflag:$0x5], $0x80, s19, s28, $0xb8;
	[tilespmem:$0x1E000] =	vst v63  }
0xf4: {  	_ =	swait.ge [sflag:s22], $0x4000  }
0xf5: {  	[sflag:s22] =	ssyncset.done $0x0  }
0xf6: {  	s18 =	simm.s32 $0x1180;
	[sflag:s22] =	ssyncadd.s32 $0xFFFFC000  }
0xf7: {  	[tilespmem:s29], [sflag:$0x2] =	stream.indirect.gather [hbm4b:s5+s28], $0x80, s18, s28, $0xb8;
	[tilespmem:$0x1E000] =	vst v63  }
0xf8: {  	_ =	swait.ge [sflag:s30], $0x4000  }
0xf9: {  	[sflag:s30] =	ssyncset.done $0x0  }
0xfa: {  	s19 =	simm.s32 $0x1900;
	[sflag:s30] =	ssyncadd.s32 $0xFFFFC000  }
0xfb: {  	[spmem:s1] =	stream.indirect.scatter.add.f32 [tilespmem:s21], [sflag:$0x5], $0x80, s19, s28, $0xb8;
	[tilespmem:$0x1E000] =	vst v63  }
0xfc: {  	_ =	swait.ge [sflag:s22], $0x4000  }
0xfd: {  	[sflag:s22] =	ssyncset.done $0x0  }
0xfe: {  	s18 =	simm.s32 $0x1200;
	[sflag:s22] =	ssyncadd.s32 $0xFFFFC000  }
0xff: {  	[tilespmem:s21], [sflag:$0x1] =	stream.indirect.gather [hbm4b:s5+s28], $0x80, s18, s28, $0xb8;
	[tilespmem:$0x1E000] =	vst v63  }
0x100: {  	_ =	swait.ge [sflag:s0], $0x4000  }
0x101: {  	[sflag:s0] =	ssyncset.done $0x0  }
0x102: {  	s19 =	simm.s32 $0x1980;
	[sflag:s0] =	ssyncadd.s32 $0xFFFFC000  }
0x103: {  	[spmem:s1] =	stream.indirect.scatter.add.f32 [tilespmem:s29], [sflag:$0x5], $0x80, s19, s28, $0xb8;
	[tilespmem:$0x1E000] =	vst v63  }
0x104: {  	_ =	swait.ge [sflag:s22], $0x4000  }
0x105: {  	[sflag:s22] =	ssyncset.done $0x0  }
0x106: {  	s18 =	simm.s32 $0x1280;
	[sflag:s22] =	ssyncadd.s32 $0xFFFFC000  }
0x107: {  	[tilespmem:s29], [sflag:$0x2] =	stream.indirect.gather [hbm4b:s5+s28], $0x80, s18, s28, $0xb8;
	[tilespmem:$0x1E000] =	vst v63  }
0x108: {  	_ =	swait.ge [sflag:s30], $0x4000  }
0x109: {  	[sflag:s30] =	ssyncset.done $0x0  }
0x10a: {  	s19 =	simm.s32 $0x1A00;
	[sflag:s30] =	ssyncadd.s32 $0xFFFFC000  }
0x10b: {  	[spmem:s1] =	stream.indirect.scatter.add.f32 [tilespmem:s21], [sflag:$0x5], $0x80, s19, s28, $0xb8;
	[tilespmem:$0x1E000] =	vst v63  }
0x10c: {  	_ =	swait.ge [sflag:s22], $0x4000  }
0x10d: {  	[sflag:s22] =	ssyncset.done $0x0  }
0x10e: {  	s18 =	simm.s32 $0x1300;
	[sflag:s22] =	ssyncadd.s32 $0xFFFFC000  }
0x10f: {  	[tilespmem:s21], [sflag:$0x1] =	stream.indirect.gather [hbm4b:s5+s28], $0x80, s18, s28, $0xb8;
	[tilespmem:$0x1E000] =	vst v63  }
0x110: {  	_ =	swait.ge [sflag:s0], $0x4000  }
0x111: {  	[sflag:s0] =	ssyncset.done $0x0  }
0x112: {  	s19 =	simm.s32 $0x1A80;
	[sflag:s0] =	ssyncadd.s32 $0xFFFFC000  }
0x113: {  	[spmem:s1] =	stream.indirect.scatter.add.f32 [tilespmem:s29], [sflag:$0x5], $0x80, s19, s28, $0xb8;
	[tilespmem:$0x1E000] =	vst v63  }
0x114: {  	_ =	swait.ge [sflag:s22], $0x4000  }
0x115: {  	[sflag:s22] =	ssyncset.done $0x0  }
0x116: {  	s18 =	simm.s32 $0x1380;
	[sflag:s22] =	ssyncadd.s32 $0xFFFFC000  }
0x117: {  	[tilespmem:s29], [sflag:$0x2] =	stream.indirect.gather [hbm4b:s5+s28], $0x80, s18, s28, $0xb8;
	[tilespmem:$0x1E000] =	vst v63  }
0x118: {  	_ =	swait.ge [sflag:s30], $0x4000  }
0x119: {  	[sflag:s30] =	ssyncset.done $0x0  }
0x11a: {  	s19 =	simm.s32 $0x1B00;
	[sflag:s30] =	ssyncadd.s32 $0xFFFFC000  }
0x11b: {  	[spmem:s1] =	stream.indirect.scatter.add.f32 [tilespmem:s21], [sflag:$0x5], $0x80, s19, s28, $0xb8;
	[tilespmem:$0x1E000] =	vst v63  }
0x11c: {  	_ =	swait.ge [sflag:s22], $0x4000  }
0x11d: {  	[sflag:s22] =	ssyncset.done $0x0  }
0x11e: {  	s18 =	simm.s32 $0x1400;
	[sflag:s22] =	ssyncadd.s32 $0xFFFFC000  }
0x11f: {  	[tilespmem:s21], [sflag:$0x1] =	stream.indirect.gather [hbm4b:s5+s28], $0x80, s18, s28, $0xb8;
	[tilespmem:$0x1E000] =	vst v63  }
0x120: {  	_ =	swait.ge [sflag:s0], $0x4000  }
0x121: {  	[sflag:s0] =	ssyncset.done $0x0  }
0x122: {  	s19 =	simm.s32 $0x1B80;
	[sflag:s0] =	ssyncadd.s32 $0xFFFFC000  }
0x123: {  	[spmem:s1] =	stream.indirect.scatter.add.f32 [tilespmem:s29], [sflag:$0x5], $0x80, s19, s28, $0xb8;
	[tilespmem:$0x1E000] =	vst v63  }
0x124: {  	_ =	swait.ge [sflag:s22], $0x4000  }
0x125: {  	[sflag:s22] =	ssyncset.done $0x0  }
0x126: {  	s18 =	simm.s32 $0x1480;
	[sflag:s22] =	ssyncadd.s32 $0xFFFFC000  }
0x127: {  	[tilespmem:s29], [sflag:$0x2] =	stream.indirect.gather [hbm4b:s5+s28], $0x80, s18, s28, $0xb8;
	[tilespmem:$0x1E000] =	vst v63  }
0x128: {  	_ =	swait.ge [sflag:s30], $0x4000  }
0x129: {  	[sflag:s30] =	ssyncset.done $0x0  }
0x12a: {  	s19 =	simm.s32 $0x1C00;
	[sflag:s30] =	ssyncadd.s32 $0xFFFFC000  }
0x12b: {  	[spmem:s1] =	stream.indirect.scatter.add.f32 [tilespmem:s21], [sflag:$0x5], $0x80, s19, s28, $0xb8;
	[tilespmem:$0x1E000] =	vst v63  }
0x12c: {  	_ =	swait.ge [sflag:s22], $0x4000  }
0x12d: {  	[sflag:s22] =	ssyncset.done $0x0  }
0x12e: {  	s18 =	simm.s32 $0x1500;
	[sflag:s22] =	ssyncadd.s32 $0xFFFFC000  }
0x12f: {  	[tilespmem:s21], [sflag:$0x1] =	stream.indirect.gather [hbm4b:s5+s28], $0x80, s18, s28, $0xb8;
	[tilespmem:$0x1E000] =	vst v63  }
0x130: {  	_ =	swait.ge [sflag:s0], $0x4000  }
0x131: {  	[sflag:s0] =	ssyncset.done $0x0  }
0x132: {  	s19 =	simm.s32 $0x1C80;
	[sflag:s0] =	ssyncadd.s32 $0xFFFFC000  }
0x133: {  	[spmem:s1] =	stream.indirect.scatter.add.f32 [tilespmem:s29], [sflag:$0x5], $0x80, s19, s28, $0xb8;
	[tilespmem:$0x1E000] =	vst v63  }
0x134: {  	_ =	swait.ge [sflag:s22], $0x4000  }
0x135: {  	[sflag:s22] =	ssyncset.done $0x0  }
0x136: {  	s18 =	simm.s32 $0x1580;
	[sflag:s22] =	ssyncadd.s32 $0xFFFFC000  }
0x137: {  	[tilespmem:s29], [sflag:$0x2] =	stream.indirect.gather [hbm4b:s5+s28], $0x80, s18, s28, $0xb8;
	[tilespmem:$0x1E000] =	vst v63  }
0x138: {  	_ =	swait.ge [sflag:s30], $0x4000  }
0x139: {  	[sflag:s30] =	ssyncset.done $0x0  }
0x13a: {  	s19 =	simm.s32 $0x1D00;
	[sflag:s30] =	ssyncadd.s32 $0xFFFFC000  }
0x13b: {  	[spmem:s1] =	stream.indirect.scatter.add.f32 [tilespmem:s21], [sflag:$0x5], $0x80, s19, s28, $0xb8;
	[tilespmem:$0x1E000] =	vst v63  }
0x13c: {  	_ =	swait.ge [sflag:s22], $0x4000  }
0x13d: {  	[sflag:s22] =	ssyncset.done $0x0  }
0x13e: {  	[sflag:s22] =	ssyncadd.s32 $0xFFFFC000  }
0x13f: {  	[tilespmem:s21], [sflag:$0x1] =	stream.indirect.gather [hbm4b:s5+s28], $0x80, s20, s28, $0xb8;
	[tilespmem:$0x1E000] =	vst v63  }
0x140: {  	_ =	swait.ge [sflag:s0], $0x4000  }
0x141: {  	[sflag:s0] =	ssyncset.done $0x0  }
0x142: {  	[sflag:s0] =	ssyncadd.s32 $0xFFFFC000  }
0x143: {  	[spmem:s1] =	stream.indirect.scatter.add.f32 [tilespmem:s29], [sflag:$0x5], $0x80, s6, s28, $0xb8;
	[tilespmem:$0x1E000] =	vst v63  }
0x144: {  	_ =	swait.ge [sflag:s22], $0x4000  }
0x145: {  	[sflag:s22] =	ssyncset.done $0x0  }
0x146: {  	[sflag:s22] =	ssyncadd.s32 $0xFFFFC000  }
0x147: {  	[tilespmem:s29], [sflag:$0x2] =	stream.indirect.gather [hbm4b:s5+s28], $0x80, s31, s28, $0xb8;
	[tilespmem:$0x1E000] =	vst v63  }
0x148: {  	_ =	swait.ge [sflag:s30], $0x4000  }
0x149: {  	[sflag:s30] =	ssyncset.done $0x0  }
0x14a: {  	[sflag:s30] =	ssyncadd.s32 $0xFFFFC000  }
0x14b: {  	[spmem:s1] =	stream.indirect.scatter.add.f32 [tilespmem:s21], [sflag:$0x5], $0x80, s9, s28, $0xb8;
	[tilespmem:$0x1E000] =	vst v63  }
0x14c: {  	_ =	swait.ge [sflag:s22], $0x4000  }
0x14d: {  	[sflag:s22] =	ssyncset.done $0x0  }
0x14e: {  	[sflag:s22] =	ssyncadd.s32 $0xFFFFC000  }
0x14f: {  	[tilespmem:s21], [sflag:$0x1] =	stream.indirect.gather [hbm4b:s5+s28], $0x80, s23, s28, $0xb8;
	[tilespmem:$0x1E000] =	vst v63  }
0x150: {  	_ =	swait.ge [sflag:s0], $0x4000  }
0x151: {  	[sflag:s0] =	ssyncset.done $0x0  }
0x152: {  	[sflag:s0] =	ssyncadd.s32 $0xFFFFC000  }
0x153: {  	[spmem:s1] =	stream.indirect.scatter.add.f32 [tilespmem:s29], [sflag:$0x5], $0x80, s13, s28, $0xb8;
	[tilespmem:$0x1E000] =	vst v63  }
0x154: {  	_ =	swait.ge [sflag:s22], $0x4000  }
0x155: {  	[sflag:s22] =	ssyncset.done $0x0  }
0x156: {  	[sflag:s22] =	ssyncadd.s32 $0xFFFFC000  }
0x157: {  	[tilespmem:s29], [sflag:$0x2] =	stream.indirect.gather [hbm4b:s5+s28], $0x80, s14, s28, $0xb8;
	[tilespmem:$0x1E000] =	vst v63  }
0x158: {  	_ =	swait.ge [sflag:s30], $0x4000  }
0x159: {  	[sflag:s30] =	ssyncset.done $0x0  }
0x15a: {  	[sflag:s30] =	ssyncadd.s32 $0xFFFFC000  }
0x15b: {  	[spmem:s1] =	stream.indirect.scatter.add.f32 [tilespmem:s21], [sflag:$0x5], $0x80, s3, s28, $0xb8;
	[tilespmem:$0x1E000] =	vst v63  }
0x15c: {  	_ =	swait.ge [sflag:s22], $0x4000  }
0x15d: {  	[sflag:s22] =	ssyncset.done $0x0  }
0x15e: {  	[sflag:s22] =	ssyncadd.s32 $0xFFFFC000  }
0x15f: {  	_ =	swait.ge [sflag:s0], $0x4000  }
0x160: {  	[sflag:s0] =	ssyncset.done $0x0  }
.Ltmp4:
0x161: {  	[sflag:s0] =	ssyncadd.s32 $0xFFFFC000;
	(pc) =	sbr.rel @p1 .LBB2_10-.Ltmp4, $4  }
0x162: {  	[spmem:s1] =	stream.indirect.scatter.add.f32 [tilespmem:s29], [sflag:$0x5], $0x80, s15, s28, $0xb8;
	[tilespmem:$0x1E000] =	vst v63  }
0x163: {  	_ =	swait.ge [sflag:s22], $0x4000  }
0x164: {  	[sflag:s22] =	ssyncset.done $0x0  }
0x165: {  	[sflag:s22] =	ssyncadd.s32 $0xFFFFC000  }
.Ltmp5:
0x166: {  	s17 =	sadd.s32 s16, s11;
	(pc) =	sbr.rel .LBB2_8-.Ltmp5, $4  }
0x167: {  	s19 =	sadd.s32 s16, s12;
	s17 =	sadd.s32 $0xB00, s17  }
0x168: {  	[tilespmem:s24], [sflag:$0x4] =	stream.linear.gather [hbm4b:s17+s2], $0x800, $0x38;
	[tilespmem:$0x1E000] =	vst v63  }
0x169: {  	s16 =	sadd.s32 $0x200, s16;
	s17 =	sadd.s32 $0xB00, s19  }
0x16a: {  	[tilespmem:s25], [sflag:$0x4] =	stream.linear.gather [hbm4b:s17+s2], $0x800, $0x38;
	[tilespmem:$0x1E000] =	vst v63  }
.LBB2_4:
0x16b: {  	[tilespmem:s2], [sflag:$0x3] =	stream.linear.gather [hbm4b:s7+s2], $0x800, $0x38;
	[tilespmem:$0x1E000] =	vst v63  }
0x16c: {  	s16 =	simm.s32 $0x800  }
0x16d: {  	[tilespmem:s16], [sflag:$0x3] =	stream.linear.gather [hbm4b:s8+s2], $0x800, $0x38;
	[tilespmem:$0x1E000] =	vst v63  }
0x16e: {  	s18 =	rddreg [dreg:$0x5]  }
0x16f: {  	[tilespmem:s24], [sflag:$0x4] =	stream.linear.gather [hbm4b:s18+s2], $0x800, $0x38;
	[tilespmem:$0x1E000] =	vst v63  }
0x170: {  	s19 =	rddreg [dreg:$0x6];
	s16 =	simm.s32 $0xFFFFF800  }
0x171: {  	[tilespmem:s25], [sflag:$0x4] =	stream.linear.gather [hbm4b:s19+s2], $0x800, $0x38;
	[tilespmem:$0x1E000] =	vst v63  }
.LBB2_5:
0x172: {  	_ =	swait.ge [sflag:s26], $0x800  }
0x173: {  	[sflag:s26] =	ssyncset.done $0x0  }
0x174: {  	[sflag:s26] =	ssyncadd.s32 $0xFFFFF800  }
0x175: {  	_ =	swait.ge [sflag:s26], $0x800  }
0x176: {  	[sflag:s26] =	ssyncset.done $0x0  }
0x177: {  	[sflag:s26] =	ssyncadd.s32 $0xFFFFF800  }
0x178: {  	[tilespmem:s21], [sflag:$0x1] =	stream.indirect.gather [hbm4b:s4+s28], $0x80, s2, s28, $0xb8;
	[tilespmem:$0x1E000] =	vst v63  }
0x179: {  	_ = 	snop  }
0x17a: {  	[tilespmem:s29], [sflag:$0x2] =	stream.indirect.gather [hbm4b:s4+s28], $0x80, s28, s28, $0xb8;
	[tilespmem:$0x1E000] =	vst v63  }
0x17b: {  	_ =	swait.ge [sflag:s30], $0x4000  }
0x17c: {  	[sflag:s30] =	ssyncset.done $0x0  }
0x17d: {  	s17 =	simm.s32 $0x800;
	[sflag:s30] =	ssyncadd.s32 $0xFFFFC000  }
0x17e: {  	[spmem:s1] =	stream.indirect.scatter.add.f32 [tilespmem:s21], [sflag:$0x5], $0x80, s17, s28, $0xb8;
	[tilespmem:$0x1E000] =	vst v63  }
0x17f: {  	_ =	swait.ge [sflag:s22], $0x4000  }
0x180: {  	[sflag:s22] =	ssyncset.done $0x0  }
0x181: {  	s18 =	simm.s32 $0x100;
	[sflag:s22] =	ssyncadd.s32 $0xFFFFC000  }
0x182: {  	[tilespmem:s21], [sflag:$0x1] =	stream.indirect.gather [hbm4b:s4+s28], $0x80, s18, s28, $0xb8;
	[tilespmem:$0x1E000] =	vst v63  }
0x183: {  	_ =	swait.ge [sflag:s0], $0x4000  }
0x184: {  	[sflag:s0] =	ssyncset.done $0x0  }
0x185: {  	s19 =	simm.s32 $0x880;
	[sflag:s0] =	ssyncadd.s32 $0xFFFFC000  }
0x186: {  	[spmem:s1] =	stream.indirect.scatter.add.f32 [tilespmem:s29], [sflag:$0x5], $0x80, s19, s28, $0xb8;
	[tilespmem:$0x1E000] =	vst v63  }
0x187: {  	_ =	swait.ge [sflag:s22], $0x4000  }
0x188: {  	[sflag:s22] =	ssyncset.done $0x0  }
0x189: {  	s18 =	simm.s32 $0x180;
	[sflag:s22] =	ssyncadd.s32 $0xFFFFC000  }
0x18a: {  	[tilespmem:s29], [sflag:$0x2] =	stream.indirect.gather [hbm4b:s4+s28], $0x80, s18, s28, $0xb8;
	[tilespmem:$0x1E000] =	vst v63  }
0x18b: {  	_ =	swait.ge [sflag:s30], $0x4000  }
0x18c: {  	[sflag:s30] =	ssyncset.done $0x0  }
0x18d: {  	s19 =	simm.s32 $0x900;
	[sflag:s30] =	ssyncadd.s32 $0xFFFFC000  }
0x18e: {  	[spmem:s1] =	stream.indirect.scatter.add.f32 [tilespmem:s21], [sflag:$0x5], $0x80, s19, s28, $0xb8;
	[tilespmem:$0x1E000] =	vst v63  }
0x18f: {  	_ =	swait.ge [sflag:s22], $0x4000  }
0x190: {  	[sflag:s22] =	ssyncset.done $0x0  }
0x191: {  	s18 =	simm.s32 $0x200;
	[sflag:s22] =	ssyncadd.s32 $0xFFFFC000  }
0x192: {  	[tilespmem:s21], [sflag:$0x1] =	stream.indirect.gather [hbm4b:s4+s28], $0x80, s18, s28, $0xb8;
	[tilespmem:$0x1E000] =	vst v63  }
0x193: {  	_ =	swait.ge [sflag:s0], $0x4000  }
0x194: {  	[sflag:s0] =	ssyncset.done $0x0  }
0x195: {  	s19 =	simm.s32 $0x980;
	[sflag:s0] =	ssyncadd.s32 $0xFFFFC000  }
0x196: {  	[spmem:s1] =	stream.indirect.scatter.add.f32 [tilespmem:s29], [sflag:$0x5], $0x80, s19, s28, $0xb8;
	[tilespmem:$0x1E000] =	vst v63  }
0x197: {  	_ =	swait.ge [sflag:s22], $0x4000  }
0x198: {  	[sflag:s22] =	ssyncset.done $0x0  }
0x199: {  	s18 =	simm.s32 $0x280;
	[sflag:s22] =	ssyncadd.s32 $0xFFFFC000  }
0x19a: {  	[tilespmem:s29], [sflag:$0x2] =	stream.indirect.gather [hbm4b:s4+s28], $0x80, s18, s28, $0xb8;
	[tilespmem:$0x1E000] =	vst v63  }
0x19b: {  	_ =	swait.ge [sflag:s30], $0x4000  }
0x19c: {  	[sflag:s30] =	ssyncset.done $0x0  }
0x19d: {  	s19 =	simm.s32 $0xA00;
	[sflag:s30] =	ssyncadd.s32 $0xFFFFC000  }
0x19e: {  	[spmem:s1] =	stream.indirect.scatter.add.f32 [tilespmem:s21], [sflag:$0x5], $0x80, s19, s28, $0xb8;
	[tilespmem:$0x1E000] =	vst v63  }
0x19f: {  	_ =	swait.ge [sflag:s22], $0x4000  }
0x1a0: {  	[sflag:s22] =	ssyncset.done $0x0  }
0x1a1: {  	s18 =	simm.s32 $0x300;
	[sflag:s22] =	ssyncadd.s32 $0xFFFFC000  }
0x1a2: {  	[tilespmem:s21], [sflag:$0x1] =	stream.indirect.gather [hbm4b:s4+s28], $0x80, s18, s28, $0xb8;
	[tilespmem:$0x1E000] =	vst v63  }
0x1a3: {  	_ =	swait.ge [sflag:s0], $0x4000  }
0x1a4: {  	[sflag:s0] =	ssyncset.done $0x0  }
0x1a5: {  	s19 =	simm.s32 $0xA80;
	[sflag:s0] =	ssyncadd.s32 $0xFFFFC000  }
0x1a6: {  	[spmem:s1] =	stream.indirect.scatter.add.f32 [tilespmem:s29], [sflag:$0x5], $0x80, s19, s28, $0xb8;
	[tilespmem:$0x1E000] =	vst v63  }
0x1a7: {  	_ =	swait.ge [sflag:s22], $0x4000  }
0x1a8: {  	[sflag:s22] =	ssyncset.done $0x0  }
0x1a9: {  	s18 =	simm.s32 $0x380;
	[sflag:s22] =	ssyncadd.s32 $0xFFFFC000  }
0x1aa: {  	[tilespmem:s29], [sflag:$0x2] =	stream.indirect.gather [hbm4b:s4+s28], $0x80, s18, s28, $0xb8;
	[tilespmem:$0x1E000] =	vst v63  }
0x1ab: {  	_ =	swait.ge [sflag:s30], $0x4000  }
0x1ac: {  	[sflag:s30] =	ssyncset.done $0x0  }
0x1ad: {  	s19 =	simm.s32 $0xB00;
	[sflag:s30] =	ssyncadd.s32 $0xFFFFC000  }
0x1ae: {  	[spmem:s1] =	stream.indirect.scatter.add.f32 [tilespmem:s21], [sflag:$0x5], $0x80, s19, s28, $0xb8;
	[tilespmem:$0x1E000] =	vst v63  }
0x1af: {  	_ =	swait.ge [sflag:s22], $0x4000  }
0x1b0: {  	[sflag:s22] =	ssyncset.done $0x0  }
0x1b1: {  	s18 =	simm.s32 $0x400;
	[sflag:s22] =	ssyncadd.s32 $0xFFFFC000  }
0x1b2: {  	[tilespmem:s21], [sflag:$0x1] =	stream.indirect.gather [hbm4b:s4+s28], $0x80, s18, s28, $0xb8;
	[tilespmem:$0x1E000] =	vst v63  }
0x1b3: {  	_ =	swait.ge [sflag:s0], $0x4000  }
0x1b4: {  	[sflag:s0] =	ssyncset.done $0x0  }
0x1b5: {  	s19 =	simm.s32 $0xB80;
	[sflag:s0] =	ssyncadd.s32 $0xFFFFC000  }
0x1b6: {  	[spmem:s1] =	stream.indirect.scatter.add.f32 [tilespmem:s29], [sflag:$0x5], $0x80, s19, s28, $0xb8;
	[tilespmem:$0x1E000] =	vst v63  }
0x1b7: {  	_ =	swait.ge [sflag:s22], $0x4000  }
0x1b8: {  	[sflag:s22] =	ssyncset.done $0x0  }
0x1b9: {  	s18 =	simm.s32 $0x480;
	[sflag:s22] =	ssyncadd.s32 $0xFFFFC000  }
0x1ba: {  	[tilespmem:s29], [sflag:$0x2] =	stream.indirect.gather [hbm4b:s4+s28], $0x80, s18, s28, $0xb8;
	[tilespmem:$0x1E000] =	vst v63  }
0x1bb: {  	_ =	swait.ge [sflag:s30], $0x4000  }
0x1bc: {  	[sflag:s30] =	ssyncset.done $0x0  }
0x1bd: {  	s19 =	simm.s32 $0xC00;
	[sflag:s30] =	ssyncadd.s32 $0xFFFFC000  }
0x1be: {  	[spmem:s1] =	stream.indirect.scatter.add.f32 [tilespmem:s21], [sflag:$0x5], $0x80, s19, s28, $0xb8;
	[tilespmem:$0x1E000] =	vst v63  }
0x1bf: {  	_ =	swait.ge [sflag:s22], $0x4000  }
0x1c0: {  	[sflag:s22] =	ssyncset.done $0x0  }
0x1c1: {  	s18 =	simm.s32 $0x500;
	[sflag:s22] =	ssyncadd.s32 $0xFFFFC000  }
0x1c2: {  	[tilespmem:s21], [sflag:$0x1] =	stream.indirect.gather [hbm4b:s4+s28], $0x80, s18, s28, $0xb8;
	[tilespmem:$0x1E000] =	vst v63  }
0x1c3: {  	_ =	swait.ge [sflag:s0], $0x4000  }
0x1c4: {  	[sflag:s0] =	ssyncset.done $0x0  }
0x1c5: {  	s19 =	simm.s32 $0xC80;
	[sflag:s0] =	ssyncadd.s32 $0xFFFFC000  }
0x1c6: {  	[spmem:s1] =	stream.indirect.scatter.add.f32 [tilespmem:s29], [sflag:$0x5], $0x80, s19, s28, $0xb8;
	[tilespmem:$0x1E000] =	vst v63  }
0x1c7: {  	_ =	swait.ge [sflag:s22], $0x4000  }
0x1c8: {  	[sflag:s22] =	ssyncset.done $0x0  }
0x1c9: {  	s18 =	simm.s32 $0x580;
	[sflag:s22] =	ssyncadd.s32 $0xFFFFC000  }
0x1ca: {  	[tilespmem:s29], [sflag:$0x2] =	stream.indirect.gather [hbm4b:s4+s28], $0x80, s18, s28, $0xb8;
	[tilespmem:$0x1E000] =	vst v63  }
0x1cb: {  	_ =	swait.ge [sflag:s30], $0x4000  }
0x1cc: {  	[sflag:s30] =	ssyncset.done $0x0  }
0x1cd: {  	s19 =	simm.s32 $0xD00;
	[sflag:s30] =	ssyncadd.s32 $0xFFFFC000  }
0x1ce: {  	[spmem:s1] =	stream.indirect.scatter.add.f32 [tilespmem:s21], [sflag:$0x5], $0x80, s19, s28, $0xb8;
	[tilespmem:$0x1E000] =	vst v63  }
0x1cf: {  	_ =	swait.ge [sflag:s22], $0x4000  }
0x1d0: {  	[sflag:s22] =	ssyncset.done $0x0  }
0x1d1: {  	s18 =	simm.s32 $0x600;
	[sflag:s22] =	ssyncadd.s32 $0xFFFFC000  }
0x1d2: {  	[tilespmem:s21], [sflag:$0x1] =	stream.indirect.gather [hbm4b:s4+s28], $0x80, s18, s28, $0xb8;
	[tilespmem:$0x1E000] =	vst v63  }
0x1d3: {  	_ =	swait.ge [sflag:s0], $0x4000  }
0x1d4: {  	[sflag:s0] =	ssyncset.done $0x0  }
0x1d5: {  	s19 =	simm.s32 $0xD80;
	[sflag:s0] =	ssyncadd.s32 $0xFFFFC000  }
0x1d6: {  	[spmem:s1] =	stream.indirect.scatter.add.f32 [tilespmem:s29], [sflag:$0x5], $0x80, s19, s28, $0xb8;
	[tilespmem:$0x1E000] =	vst v63  }
0x1d7: {  	_ =	swait.ge [sflag:s22], $0x4000  }
0x1d8: {  	[sflag:s22] =	ssyncset.done $0x0  }
0x1d9: {  	s18 =	simm.s32 $0x680;
	[sflag:s22] =	ssyncadd.s32 $0xFFFFC000  }
0x1da: {  	[tilespmem:s29], [sflag:$0x2] =	stream.indirect.gather [hbm4b:s4+s28], $0x80, s18, s28, $0xb8;
	[tilespmem:$0x1E000] =	vst v63  }
0x1db: {  	_ =	swait.ge [sflag:s30], $0x4000  }
0x1dc: {  	[sflag:s30] =	ssyncset.done $0x0  }
0x1dd: {  	s19 =	simm.s32 $0xE00;
	[sflag:s30] =	ssyncadd.s32 $0xFFFFC000  }
0x1de: {  	[spmem:s1] =	stream.indirect.scatter.add.f32 [tilespmem:s21], [sflag:$0x5], $0x80, s19, s28, $0xb8;
	[tilespmem:$0x1E000] =	vst v63  }
0x1df: {  	_ =	swait.ge [sflag:s22], $0x4000  }
0x1e0: {  	[sflag:s22] =	ssyncset.done $0x0  }
0x1e1: {  	s18 =	simm.s32 $0x700;
	[sflag:s22] =	ssyncadd.s32 $0xFFFFC000  }
0x1e2: {  	[tilespmem:s21], [sflag:$0x1] =	stream.indirect.gather [hbm4b:s4+s28], $0x80, s18, s28, $0xb8;
	[tilespmem:$0x1E000] =	vst v63  }
0x1e3: {  	_ =	swait.ge [sflag:s0], $0x4000  }
0x1e4: {  	[sflag:s0] =	ssyncset.done $0x0  }
0x1e5: {  	s19 =	simm.s32 $0xE80;
	[sflag:s0] =	ssyncadd.s32 $0xFFFFC000  }
0x1e6: {  	[spmem:s1] =	stream.indirect.scatter.add.f32 [tilespmem:s29], [sflag:$0x5], $0x80, s19, s28, $0xb8;
	[tilespmem:$0x1E000] =	vst v63  }
0x1e7: {  	_ =	swait.ge [sflag:s22], $0x4000  }
0x1e8: {  	[sflag:s22] =	ssyncset.done $0x0  }
0x1e9: {  	s18 =	simm.s32 $0x780;
	[sflag:s22] =	ssyncadd.s32 $0xFFFFC000  }
0x1ea: {  	[tilespmem:s29], [sflag:$0x2] =	stream.indirect.gather [hbm4b:s4+s28], $0x80, s18, s28, $0xb8;
	[tilespmem:$0x1E000] =	vst v63  }
0x1eb: {  	_ =	swait.ge [sflag:s30], $0x4000  }
0x1ec: {  	[sflag:s30] =	ssyncset.done $0x0  }
0x1ed: {  	s19 =	simm.s32 $0xF00;
	[sflag:s30] =	ssyncadd.s32 $0xFFFFC000  }
0x1ee: {  	[spmem:s1] =	stream.indirect.scatter.add.f32 [tilespmem:s21], [sflag:$0x5], $0x80, s19, s28, $0xb8;
	[tilespmem:$0x1E000] =	vst v63  }
0x1ef: {  	_ =	swait.ge [sflag:s22], $0x4000  }
0x1f0: {  	[sflag:s22] =	ssyncset.done $0x0  }
0x1f1: {  	[sflag:s22] =	ssyncadd.s32 $0xFFFFC000  }
0x1f2: {  	_ =	swait.ge [sflag:s0], $0x4000  }
0x1f3: {  	[sflag:s0] =	ssyncset.done $0x0  }
0x1f4: {  	s18 =	simm.s32 $0xF80;
	[sflag:s0] =	ssyncadd.s32 $0xFFFFC000  }
0x1f5: {  	[spmem:s1] =	stream.indirect.scatter.add.f32 [tilespmem:s29], [sflag:$0x5], $0x80, s18, s28, $0xb8;
	[tilespmem:$0x1E000] =	vst v63  }
0x1f6: {  	p1 =	seq.s32 s16, $0x0;
	_ =	swait.ge [sflag:s22], $0x4000  }
0x1f7: {  	s17 =	sadd.s32 @!p1 s16, s7;
	[sflag:s22] =	ssyncset.done $0x0  }
0x1f8: {  	s17 =	sadd.s32 @!p1 $0xA00, s17;
	s18 =	simm.s32 @!p1 $0x0;
	[sflag:s22] =	ssyncadd.s32 $0xFFFFC000  }
0x1f9: {  	[tilespmem:s18], [sflag:$0x3] =	stream.linear.gather @!p1 [hbm4b:s17+s18], $0x800, $0x38;
	[tilespmem:$0x1E000] =	vst v63  }
0x1fa: {  	s17 =	sadd.s32 @!p1 s16, s8  }
0x1fb: {  	s19 =	simm.s32 @!p1 $0x800;
	s17 =	sadd.s32 @!p1 $0xA00, s17  }
0x1fc: {  	[tilespmem:s19], [sflag:$0x3] =	stream.linear.gather @!p1 [hbm4b:s17+s18], $0x800, $0x38;
	[tilespmem:$0x1E000] =	vst v63  }
0x1fd: {  	_ =	swait.ge [sflag:s10], $0x800  }
0x1fe: {  	[sflag:s10] =	ssyncset.done $0x0  }
0x1ff: {  	[sflag:s10] =	ssyncadd.s32 $0xFFFFF800  }
0x200: {  	_ =	swait.ge [sflag:s10], $0x800  }
0x201: {  	[sflag:s10] =	ssyncset.done $0x0  }
0x202: {  	[sflag:s10] =	ssyncadd.s32 $0xFFFFF800  }
0x203: {  	[tilespmem:s21], [sflag:$0x1] =	stream.indirect.gather [hbm4b:s4+s28], $0x80, s24, s28, $0xb8;
	[tilespmem:$0x1E000] =	vst v63  }
0x204: {  	s19 =	simm.s32 $0x1080  }
0x205: {  	[tilespmem:s29], [sflag:$0x2] =	stream.indirect.gather [hbm4b:s4+s28], $0x80, s19, s28, $0xb8;
	[tilespmem:$0x1E000] =	vst v63  }
0x206: {  	_ =	swait.ge [sflag:s30], $0x4000  }
0x207: {  	[sflag:s30] =	ssyncset.done $0x0  }
0x208: {  	[sflag:s30] =	ssyncadd.s32 $0xFFFFC000  }
0x209: {  	[spmem:s1] =	stream.indirect.scatter.add.f32 [tilespmem:s21], [sflag:$0x5], $0x80, s25, s28, $0xb8;
	[tilespmem:$0x1E000] =	vst v63  }
0x20a: {  	_ =	swait.ge [sflag:s22], $0x4000  }
0x20b: {  	[sflag:s22] =	ssyncset.done $0x0  }
0x20c: {  	s18 =	simm.s32 $0x1100;
	[sflag:s22] =	ssyncadd.s32 $0xFFFFC000  }
0x20d: {  	[tilespmem:s21], [sflag:$0x1] =	stream.indirect.gather [hbm4b:s4+s28], $0x80, s18, s28, $0xb8;
	[tilespmem:$0x1E000] =	vst v63  }
0x20e: {  	_ =	swait.ge [sflag:s0], $0x4000  }
0x20f: {  	[sflag:s0] =	ssyncset.done $0x0  }
0x210: {  	s19 =	simm.s32 $0x1880;
	[sflag:s0] =	ssyncadd.s32 $0xFFFFC000  }
0x211: {  	[spmem:s1] =	stream.indirect.scatter.add.f32 [tilespmem:s29], [sflag:$0x5], $0x80, s19, s28, $0xb8;
	[tilespmem:$0x1E000] =	vst v63  }
0x212: {  	_ =	swait.ge [sflag:s22], $0x4000  }
0x213: {  	[sflag:s22] =	ssyncset.done $0x0  }
0x214: {  	s18 =	simm.s32 $0x1180;
	[sflag:s22] =	ssyncadd.s32 $0xFFFFC000  }
0x215: {  	[tilespmem:s29], [sflag:$0x2] =	stream.indirect.gather [hbm4b:s4+s28], $0x80, s18, s28, $0xb8;
	[tilespmem:$0x1E000] =	vst v63  }
0x216: {  	_ =	swait.ge [sflag:s30], $0x4000  }
0x217: {  	[sflag:s30] =	ssyncset.done $0x0  }
0x218: {  	s19 =	simm.s32 $0x1900;
	[sflag:s30] =	ssyncadd.s32 $0xFFFFC000  }
0x219: {  	[spmem:s1] =	stream.indirect.scatter.add.f32 [tilespmem:s21], [sflag:$0x5], $0x80, s19, s28, $0xb8;
	[tilespmem:$0x1E000] =	vst v63  }
0x21a: {  	_ =	swait.ge [sflag:s22], $0x4000  }
0x21b: {  	[sflag:s22] =	ssyncset.done $0x0  }
0x21c: {  	s18 =	simm.s32 $0x1200;
	[sflag:s22] =	ssyncadd.s32 $0xFFFFC000  }
0x21d: {  	[tilespmem:s21], [sflag:$0x1] =	stream.indirect.gather [hbm4b:s4+s28], $0x80, s18, s28, $0xb8;
	[tilespmem:$0x1E000] =	vst v63  }
0x21e: {  	_ =	swait.ge [sflag:s0], $0x4000  }
0x21f: {  	[sflag:s0] =	ssyncset.done $0x0  }
0x220: {  	s19 =	simm.s32 $0x1980;
	[sflag:s0] =	ssyncadd.s32 $0xFFFFC000  }
0x221: {  	[spmem:s1] =	stream.indirect.scatter.add.f32 [tilespmem:s29], [sflag:$0x5], $0x80, s19, s28, $0xb8;
	[tilespmem:$0x1E000] =	vst v63  }
0x222: {  	_ =	swait.ge [sflag:s22], $0x4000  }
0x223: {  	[sflag:s22] =	ssyncset.done $0x0  }
0x224: {  	s18 =	simm.s32 $0x1280;
	[sflag:s22] =	ssyncadd.s32 $0xFFFFC000  }
0x225: {  	[tilespmem:s29], [sflag:$0x2] =	stream.indirect.gather [hbm4b:s4+s28], $0x80, s18, s28, $0xb8;
	[tilespmem:$0x1E000] =	vst v63  }
0x226: {  	_ =	swait.ge [sflag:s30], $0x4000  }
0x227: {  	[sflag:s30] =	ssyncset.done $0x0  }
0x228: {  	s19 =	simm.s32 $0x1A00;
	[sflag:s30] =	ssyncadd.s32 $0xFFFFC000  }
0x229: {  	[spmem:s1] =	stream.indirect.scatter.add.f32 [tilespmem:s21], [sflag:$0x5], $0x80, s19, s28, $0xb8;
	[tilespmem:$0x1E000] =	vst v63  }
0x22a: {  	_ =	swait.ge [sflag:s22], $0x4000  }
0x22b: {  	[sflag:s22] =	ssyncset.done $0x0  }
0x22c: {  	s18 =	simm.s32 $0x1300;
	[sflag:s22] =	ssyncadd.s32 $0xFFFFC000  }
0x22d: {  	[tilespmem:s21], [sflag:$0x1] =	stream.indirect.gather [hbm4b:s4+s28], $0x80, s18, s28, $0xb8;
	[tilespmem:$0x1E000] =	vst v63  }
0x22e: {  	_ =	swait.ge [sflag:s0], $0x4000  }
0x22f: {  	[sflag:s0] =	ssyncset.done $0x0  }
0x230: {  	s19 =	simm.s32 $0x1A80;
	[sflag:s0] =	ssyncadd.s32 $0xFFFFC000  }
0x231: {  	[spmem:s1] =	stream.indirect.scatter.add.f32 [tilespmem:s29], [sflag:$0x5], $0x80, s19, s28, $0xb8;
	[tilespmem:$0x1E000] =	vst v63  }
0x232: {  	_ =	swait.ge [sflag:s22], $0x4000  }
0x233: {  	[sflag:s22] =	ssyncset.done $0x0  }
0x234: {  	s18 =	simm.s32 $0x1380;
	[sflag:s22] =	ssyncadd.s32 $0xFFFFC000  }
0x235: {  	[tilespmem:s29], [sflag:$0x2] =	stream.indirect.gather [hbm4b:s4+s28], $0x80, s18, s28, $0xb8;
	[tilespmem:$0x1E000] =	vst v63  }
0x236: {  	_ =	swait.ge [sflag:s30], $0x4000  }
0x237: {  	[sflag:s30] =	ssyncset.done $0x0  }
0x238: {  	s19 =	simm.s32 $0x1B00;
	[sflag:s30] =	ssyncadd.s32 $0xFFFFC000  }
0x239: {  	[spmem:s1] =	stream.indirect.scatter.add.f32 [tilespmem:s21], [sflag:$0x5], $0x80, s19, s28, $0xb8;
	[tilespmem:$0x1E000] =	vst v63  }
0x23a: {  	_ =	swait.ge [sflag:s22], $0x4000  }
0x23b: {  	[sflag:s22] =	ssyncset.done $0x0  }
0x23c: {  	s18 =	simm.s32 $0x1400;
	[sflag:s22] =	ssyncadd.s32 $0xFFFFC000  }
0x23d: {  	[tilespmem:s21], [sflag:$0x1] =	stream.indirect.gather [hbm4b:s4+s28], $0x80, s18, s28, $0xb8;
	[tilespmem:$0x1E000] =	vst v63  }
0x23e: {  	_ =	swait.ge [sflag:s0], $0x4000  }
0x23f: {  	[sflag:s0] =	ssyncset.done $0x0  }
0x240: {  	s19 =	simm.s32 $0x1B80;
	[sflag:s0] =	ssyncadd.s32 $0xFFFFC000  }
0x241: {  	[spmem:s1] =	stream.indirect.scatter.add.f32 [tilespmem:s29], [sflag:$0x5], $0x80, s19, s28, $0xb8;
	[tilespmem:$0x1E000] =	vst v63  }
0x242: {  	_ =	swait.ge [sflag:s22], $0x4000  }
0x243: {  	[sflag:s22] =	ssyncset.done $0x0  }
0x244: {  	s18 =	simm.s32 $0x1480;
	[sflag:s22] =	ssyncadd.s32 $0xFFFFC000  }
0x245: {  	[tilespmem:s29], [sflag:$0x2] =	stream.indirect.gather [hbm4b:s4+s28], $0x80, s18, s28, $0xb8;
	[tilespmem:$0x1E000] =	vst v63  }
0x246: {  	_ =	swait.ge [sflag:s30], $0x4000  }
0x247: {  	[sflag:s30] =	ssyncset.done $0x0  }
0x248: {  	s19 =	simm.s32 $0x1C00;
	[sflag:s30] =	ssyncadd.s32 $0xFFFFC000  }
0x249: {  	[spmem:s1] =	stream.indirect.scatter.add.f32 [tilespmem:s21], [sflag:$0x5], $0x80, s19, s28, $0xb8;
	[tilespmem:$0x1E000] =	vst v63  }
0x24a: {  	_ =	swait.ge [sflag:s22], $0x4000  }
0x24b: {  	[sflag:s22] =	ssyncset.done $0x0  }
0x24c: {  	s18 =	simm.s32 $0x1500;
	[sflag:s22] =	ssyncadd.s32 $0xFFFFC000  }
0x24d: {  	[tilespmem:s21], [sflag:$0x1] =	stream.indirect.gather [hbm4b:s4+s28], $0x80, s18, s28, $0xb8;
	[tilespmem:$0x1E000] =	vst v63  }
0x24e: {  	_ =	swait.ge [sflag:s0], $0x4000  }
0x24f: {  	[sflag:s0] =	ssyncset.done $0x0  }
0x250: {  	s19 =	simm.s32 $0x1C80;
	[sflag:s0] =	ssyncadd.s32 $0xFFFFC000  }
0x251: {  	[spmem:s1] =	stream.indirect.scatter.add.f32 [tilespmem:s29], [sflag:$0x5], $0x80, s19, s28, $0xb8;
	[tilespmem:$0x1E000] =	vst v63  }
0x252: {  	_ =	swait.ge [sflag:s22], $0x4000  }
0x253: {  	[sflag:s22] =	ssyncset.done $0x0  }
0x254: {  	s18 =	simm.s32 $0x1580;
	[sflag:s22] =	ssyncadd.s32 $0xFFFFC000  }
0x255: {  	[tilespmem:s29], [sflag:$0x2] =	stream.indirect.gather [hbm4b:s4+s28], $0x80, s18, s28, $0xb8;
	[tilespmem:$0x1E000] =	vst v63  }
0x256: {  	_ =	swait.ge [sflag:s30], $0x4000  }
0x257: {  	[sflag:s30] =	ssyncset.done $0x0  }
0x258: {  	s19 =	simm.s32 $0x1D00;
	[sflag:s30] =	ssyncadd.s32 $0xFFFFC000  }
0x259: {  	[spmem:s1] =	stream.indirect.scatter.add.f32 [tilespmem:s21], [sflag:$0x5], $0x80, s19, s28, $0xb8;
	[tilespmem:$0x1E000] =	vst v63  }
0x25a: {  	_ =	swait.ge [sflag:s22], $0x4000  }
0x25b: {  	[sflag:s22] =	ssyncset.done $0x0  }
0x25c: {  	[sflag:s22] =	ssyncadd.s32 $0xFFFFC000  }
0x25d: {  	[tilespmem:s21], [sflag:$0x1] =	stream.indirect.gather [hbm4b:s4+s28], $0x80, s20, s28, $0xb8;
	[tilespmem:$0x1E000] =	vst v63  }
0x25e: {  	_ =	swait.ge [sflag:s0], $0x4000  }
0x25f: {  	[sflag:s0] =	ssyncset.done $0x0  }
0x260: {  	[sflag:s0] =	ssyncadd.s32 $0xFFFFC000  }
0x261: {  	[spmem:s1] =	stream.indirect.scatter.add.f32 [tilespmem:s29], [sflag:$0x5], $0x80, s6, s28, $0xb8;
	[tilespmem:$0x1E000] =	vst v63  }
0x262: {  	_ =	swait.ge [sflag:s22], $0x4000  }
0x263: {  	[sflag:s22] =	ssyncset.done $0x0  }
0x264: {  	[sflag:s22] =	ssyncadd.s32 $0xFFFFC000  }
0x265: {  	[tilespmem:s29], [sflag:$0x2] =	stream.indirect.gather [hbm4b:s4+s28], $0x80, s31, s28, $0xb8;
	[tilespmem:$0x1E000] =	vst v63  }
0x266: {  	_ =	swait.ge [sflag:s30], $0x4000  }
0x267: {  	[sflag:s30] =	ssyncset.done $0x0  }
0x268: {  	[sflag:s30] =	ssyncadd.s32 $0xFFFFC000  }
0x269: {  	[spmem:s1] =	stream.indirect.scatter.add.f32 [tilespmem:s21], [sflag:$0x5], $0x80, s9, s28, $0xb8;
	[tilespmem:$0x1E000] =	vst v63  }
0x26a: {  	_ =	swait.ge [sflag:s22], $0x4000  }
0x26b: {  	[sflag:s22] =	ssyncset.done $0x0  }
0x26c: {  	[sflag:s22] =	ssyncadd.s32 $0xFFFFC000  }
0x26d: {  	[tilespmem:s21], [sflag:$0x1] =	stream.indirect.gather [hbm4b:s4+s28], $0x80, s23, s28, $0xb8;
	[tilespmem:$0x1E000] =	vst v63  }
0x26e: {  	_ =	swait.ge [sflag:s0], $0x4000  }
0x26f: {  	[sflag:s0] =	ssyncset.done $0x0  }
0x270: {  	[sflag:s0] =	ssyncadd.s32 $0xFFFFC000  }
0x271: {  	[spmem:s1] =	stream.indirect.scatter.add.f32 [tilespmem:s29], [sflag:$0x5], $0x80, s13, s28, $0xb8;
	[tilespmem:$0x1E000] =	vst v63  }
0x272: {  	_ =	swait.ge [sflag:s22], $0x4000  }
0x273: {  	[sflag:s22] =	ssyncset.done $0x0  }
0x274: {  	[sflag:s22] =	ssyncadd.s32 $0xFFFFC000  }
0x275: {  	[tilespmem:s29], [sflag:$0x2] =	stream.indirect.gather [hbm4b:s4+s28], $0x80, s14, s28, $0xb8;
	[tilespmem:$0x1E000] =	vst v63  }
0x276: {  	_ =	swait.ge [sflag:s30], $0x4000  }
0x277: {  	[sflag:s30] =	ssyncset.done $0x0  }
0x278: {  	[sflag:s30] =	ssyncadd.s32 $0xFFFFC000  }
0x279: {  	[spmem:s1] =	stream.indirect.scatter.add.f32 [tilespmem:s21], [sflag:$0x5], $0x80, s3, s28, $0xb8;
	[tilespmem:$0x1E000] =	vst v63  }
0x27a: {  	_ =	swait.ge [sflag:s22], $0x4000  }
0x27b: {  	[sflag:s22] =	ssyncset.done $0x0  }
0x27c: {  	[sflag:s22] =	ssyncadd.s32 $0xFFFFC000  }
0x27d: {  	_ =	swait.ge [sflag:s0], $0x4000  }
0x27e: {  	[sflag:s0] =	ssyncset.done $0x0  }
.Ltmp6:
0x27f: {  	[sflag:s0] =	ssyncadd.s32 $0xFFFFC000;
	(pc) =	sbr.rel @p1 .LBB2_10-.Ltmp6, $4  }
0x280: {  	[spmem:s1] =	stream.indirect.scatter.add.f32 [tilespmem:s29], [sflag:$0x5], $0x80, s15, s28, $0xb8;
	[tilespmem:$0x1E000] =	vst v63  }
0x281: {  	_ =	swait.ge [sflag:s22], $0x4000  }
0x282: {  	[sflag:s22] =	ssyncset.done $0x0  }
0x283: {  	[sflag:s22] =	ssyncadd.s32 $0xFFFFC000  }
.Ltmp7:
0x284: {  	s17 =	sadd.s32 s16, s7;
	(pc) =	sbr.rel .LBB2_5-.Ltmp7, $4  }
0x285: {  	s19 =	sadd.s32 s16, s8;
	s17 =	sadd.s32 $0xB00, s17  }
0x286: {  	[tilespmem:s24], [sflag:$0x4] =	stream.linear.gather [hbm4b:s17+s2], $0x800, $0x38;
	[tilespmem:$0x1E000] =	vst v63  }
0x287: {  	s16 =	sadd.s32 $0x200, s16;
	s17 =	sadd.s32 $0xB00, s19  }
0x288: {  	[tilespmem:s25], [sflag:$0x4] =	stream.linear.gather [hbm4b:s17+s2], $0x800, $0x38;
	[tilespmem:$0x1E000] =	vst v63  }
.LBB2_11:
0x289: {  	_ =	sfence.sel $0x180000  }
0x28a: {  	[bflag:$0x0] =	sbarrier.arrive $0xFFFF  }
0x28b: {  	_ =	strace $0x9000004D  }
0x28c: {  	s0 =	stileid.u32;
	[bflag:$0x2] =	sbarrier.arrive $0xFFFF  }
0x28d: {  	p0 =	sne.s32 s0, $0x0;
	s0 =	rddreg [dreg:$0x3]  }
0x28e: {  	s0 =	sadd.s32 @!p0 $0x100000, s0  }
0x28f: {  	[sflag:s0] =	ssyncadd.tile.s32 @!p0 $0x1;
	_ =	shalt  }
.Lfunc_end2:
_tile_overlayer_lowered:
.L_overlay_start_2:
0x290: {  	(tag) =	ssettag $0x2  }
0x291: {  	s0 =	rddreg [dreg:$0x0];
	s2 =	stileid.u32  }
0x292: {  	s1 =	rddreg [dreg:$0x1];
	p0 =	sne.s32 s2, $0x0  }
0x293: {  	s3 =	rddreg [dreg:$0x2];
	[bflag:$0x3] =	sbarrier.arrive $0xFFFF;
	s2 =	simm.s32 @!p0 $0x1C05  }
0x294: {  	[timem:s3], [sflag:s2] =	dma.local @!p0 [hbm:s0], s1  }
0x295: {  	s0 =	simm.s32 @!p0 $0x5  }
0x296: {  	_ =	swait.ge @!p0 [sflag:s0], s1  }
0x297: {  	s1 =	ssub.s32 @!p0 $0x0, s1;
	[sflag:s0] =	ssyncset.done @!p0 $0x0  }
0x298: {  	[sflag:s0] =	ssyncadd.s32 @!p0 s1  }
0x299: {  	[bflag:$0x3] =	sbarrier.arrive $0xFFFF  }
0x29a: {  	_ =	shalt  }

// kernel: kernel.8.cloned.1.call-start
scs
__scs_entry_jumppad:
0x0: {  	(pc) =	sbr.rel $0x88, $3  }
0x1: {  	(tag) =	ssettag $0x0;
	lr =	simm.s32 $0x1  }
0x2: {  	[smem:$0x3F94] =	sst lr;
	_ =	strace $0xD0000000  }
0x3: {  	_ = 	snop  }
0x4: {  	_ = 	snop  }
0x5: {  	_ = 	snop  }
0x6: {  	_ = 	snop  }
0x7: {  	_ = 	snop  }
__scs_overlays_trampoline_lowered:
0x8: {  	[smem:$0x3FA3] =	sst s0  }
0x9: {  	[smem:$0x3FA4] =	sst s1  }
0xa: {  	[smem:$0x3FA5] =	sst s2  }
0xb: {  	[smem:$0x3FA6] =	sst s3  }
0xc: {  	[smem:$0x3FA7] =	sst s4  }
0xd: {  	[smem:$0x3FA8] =	sst s5  }
0xe: {  	[smem:$0x3FA9] =	sst s6  }
0xf: {  	[smem:$0x3FAA] =	sst s7  }
0x10: {  	[smem:$0x3FAB] =	sst s8  }
0x11: {  	[smem:$0x3FAC] =	sst s9;
	s0 =	simm.s32 @!p0 $0x0  }
0x12: {  	s1 =	sld [smem:$0x3F92];
	s0 =	simm.s32 @p0 $0x1  }
0x13: {  	[smem:$0x3FAD] =	sst s0;
	s0 =	simm.s32 @!p1 $0x0  }
0x14: {  	s2 =	sld [smem:$0x3F91];
	s0 =	simm.s32 @p1 $0x1  }
0x15: {  	[smem:$0x3FAE] =	sst s0;
	s0 =	simm.s32 @!p2 $0x0  }
0x16: {  	s3 =	sld [smem:$0x3FDB];
	s0 =	simm.s32 @p2 $0x1  }
0x17: {  	s4 =	simm.s32 $0x1BF5;
	[smem:$0x3FB0] =	sst s0  }
0x18: {  	s0 =	sld [smem:$0x3F93];
	_ =	swait.ge [sflag:s4], $0x0  }
0x19: {  	s7 =	sld [smem:$0x3F94]  }
0x1a: {  	s8 =	sadd.s32 $0xFFFFE003, lr  }
0x1b: {  	s9 =	sadd.s32 $0xFFFFFEF7, lr;
	s5 =	simm.s32 $0xFFFFFFFF;
	p2 =	slt.u32 s8, $0xFFFFF086  }
0x1c: {  	p1 =	slt.u32 s9, $0xF7A;
	s5 =	simm.s32 @!p2 $0x0  }
0x1d: {  	s5 =	simm.s32 @p1 $0x1;
	p0 =	seq.s32 s7, s2  }
0x1e: {  	s7 =	smul.u32 @!p0 $0xF7A, s2;
	p2 =	seq.s32 @!p0 s5, $0x0  }
0x1f: {  	s9 =	smul.u32 $0xF7A, s1;
	s8 =	simm.s32 @!p0 $0x1BF5;
	p2 =	por !p2, p0  }
0x20: {  	[sflag:s8] =	ssyncset.s32 @!p0 $0xFFFFF086;
	s6 =	sadd.s32 @!p0 s3, s7;
	s7 =	simm.s32 @!p0 $0x108  }
0x21: {  	s3 =	sadd.s32 s3, s9;
	s6 =	sadd.s32 @!p0 $0x88, s6;
	s7 =	simm.s32 @p2 $0x1082  }
0x22: {  	[simem:s7], [sflag:s8] =	dma.local @!p0 [hbm:s6], $0xF7A  }
0x23: {  	s9 =	sor.u32 $0xD0000000, s2;
	s6 =	simm.s32 $0x108;
	_ =	swait.ge @!p0 [sflag:s8], $0x0  }
0x24: {  	s3 =	sadd.s32 $0x88, s3;
	s6 =	simm.s32 @!p1 $0x1082;
	[sflag:s4] =	ssyncset.s32 $0xFFFFF086  }
0x25: {  	[simem:s6], [sflag:s4] =	dma.local [hbm:s3], $0xF7A  }
0x26: {  	[smem:$0x3F94] =	sst s1;
	(tag) =	ssettag s2;
	_ =	strace s9  }
0x27: {  	s1 =	sld [smem:$0x3FA4]  }
0x28: {  	s2 =	sld [smem:$0x3FA5]  }
0x29: {  	s4 =	sld [smem:$0x3FA7]  }
0x2a: {  	p0 =	seq.s32 s5, $0x0;
	s5 =	sld [smem:$0x3FA8]  }
0x2b: {  	s6 =	sld [smem:$0x3FA9]  }
0x2c: {  	s7 =	sld [smem:$0x3FAA]  }
0x2d: {  	s3 =	simm.s32 $0x108;
	s8 =	sld [smem:$0x3FAB]  }
0x2e: {  	s3 =	simm.s32 @!p0 $0x1082;
	s9 =	sld [smem:$0x3FAC]  }
0x2f: {  	lr =	sadd.s32 s0, s3;
	s0 =	sld [smem:$0x3FA3]  }
0x30: {  	s3 =	sld [smem:$0x3FA6]  }
0x31: {  	[smem:$0x3FAF] =	sst s10  }
0x32: {  	s10 =	sld [smem:$0x3FAD];
	_ =	sdelay $0x3  }
0x33: {  	p0 =	seq.s32 s10, $0x1;
	s10 =	sld [smem:$0x3FAF];
	_ =	sdelay $0x3  }
0x34: {  	[smem:$0x3FAF] =	sst s10  }
0x35: {  	s10 =	sld [smem:$0x3FAE];
	_ =	sdelay $0x3  }
0x36: {  	p1 =	seq.s32 s10, $0x1;
	s10 =	sld [smem:$0x3FAF];
	_ =	sdelay $0x3  }
0x37: {  	[smem:$0x3FAF] =	sst s10  }
0x38: {  	s10 =	sld [smem:$0x3FB0]  }
0x39: {  	_ = 	snop;
	(pc) =	sbr.ind lr, $3  }
0x3a: {  	_ = 	snop  }
0x3b: {  	_ = 	snop  }
0x3c: {  	p2 =	seq.s32 s10, $0x1;
	s10 =	sld [smem:$0x3FAF]  }
0x3d: {  	_ =	shalt  }
0x3e: {  	_ =	shalt  }
0x3f: {  	_ =	shalt  }
0x40: {  	_ =	shalt  }
0x41: {  	_ =	shalt  }
0x42: {  	_ =	shalt  }
0x43: {  	_ =	shalt  }
0x44: {  	_ =	shalt  }
0x45: {  	_ =	shalt  }
0x46: {  	_ =	shalt  }
0x47: {  	_ =	shalt  }
0x48: {  	_ =	shalt  }
0x49: {  	_ =	shalt  }
0x4a: {  	_ =	shalt  }
0x4b: {  	_ =	shalt  }
0x4c: {  	_ =	shalt  }
0x4d: {  	_ =	shalt  }
0x4e: {  	_ =	shalt  }
0x4f: {  	_ =	shalt  }
0x50: {  	_ =	shalt  }
0x51: {  	_ =	shalt  }
0x52: {  	_ =	shalt  }
0x53: {  	_ =	shalt  }
0x54: {  	_ =	shalt  }
0x55: {  	_ =	shalt  }
0x56: {  	_ =	shalt  }
0x57: {  	_ =	shalt  }
0x58: {  	_ =	shalt  }
0x59: {  	_ =	shalt  }
0x5a: {  	_ =	shalt  }
0x5b: {  	_ =	shalt  }
0x5c: {  	_ =	shalt  }
0x5d: {  	_ =	shalt  }
0x5e: {  	_ =	shalt  }
0x5f: {  	_ =	shalt  }
0x60: {  	_ =	shalt  }
0x61: {  	_ =	shalt  }
0x62: {  	_ =	shalt  }
0x63: {  	_ =	shalt  }
0x64: {  	_ =	shalt  }
0x65: {  	_ =	shalt  }
0x66: {  	_ =	shalt  }
0x67: {  	_ =	shalt  }
0x68: {  	_ =	shalt  }
0x69: {  	_ =	shalt  }
0x6a: {  	_ =	shalt  }
0x6b: {  	_ =	shalt  }
0x6c: {  	_ =	shalt  }
0x6d: {  	_ =	shalt  }
0x6e: {  	_ =	shalt  }
0x6f: {  	_ =	shalt  }
0x70: {  	_ =	shalt  }
0x71: {  	_ =	shalt  }
0x72: {  	_ =	shalt  }
0x73: {  	_ =	shalt  }
0x74: {  	_ =	shalt  }
0x75: {  	_ =	shalt  }
0x76: {  	_ =	shalt  }
0x77: {  	_ =	shalt  }
0x78: {  	_ =	shalt  }
0x79: {  	_ =	shalt  }
0x7a: {  	_ =	shalt  }
0x7b: {  	_ =	shalt  }
0x7c: {  	_ =	shalt  }
0x7d: {  	_ =	shalt  }
0x7e: {  	_ =	shalt  }
0x7f: {  	_ =	shalt  }
0x80: {  	_ =	shalt  }
0x81: {  	_ =	shalt  }
0x82: {  	_ =	shalt  }
0x83: {  	_ =	shalt  }
0x84: {  	_ =	shalt  }
0x85: {  	_ =	shalt  }
0x86: {  	_ =	shalt  }
0x87: {  	_ =	shalt  }
.Lfunc_end0:
.L_simem_size_0:
called_computation_lowered:
.L_overlay_start_0:
0x88: {  	s2 =	sld [smem:$0x3FD9]  }
0x89: {  	s3 =	sld [smem:$0x3FFE];
	_ =	sdelay $0x1  }
0x8a: {  	s1 =	srdreg.scid  }
0x8b: {  	s0 =	sand.u32 $0x1, s1  }
0x8c: {  	s16 =	sshll.u32 s0, $0xA;
	s2 =	sadd.s32 s3, s2  }
0x8d: {  	s2 =	sadd.s32 s2, s16  }
0x8e: {  	[smem:$0x3FBB] =	sst s2  }
0x8f: {  	_ = 	snop  }
0x90: {  	(tm) =	ssettm $0x1  }
0x91: {  	s17 =	sld [smem:$0x3FFB];
	_ =	sdelay $0x3  }
0x92: {  	_ =	strace s17  }
0x93: {  	s2 =	sld [smem:$0x3FFC];
	_ =	sdelay $0x3  }
0x94: {  	_ =	strace s2  }
0x95: {  	s2 =	sld [smem:$0x3FFD];
	_ =	sdelay $0x3  }
0x96: {  	_ =	strace s2  }
0x97: {  	_ =	strace $0x8FFFFFFF  }
0x98: {  	s18 =	sld [smem:$0x3FDB];
	_ =	sdelay $0x1  }
0x99: {  	s19 =	simm.s32 $_scs_section_size  }
0x9a: {  	s4 =	simm.s32 $_size__tile_overlayer_lowered;
	s5 =	simm.s32 $_tile_overlayer_lowered  }
0x9b: {  	s22 =	simm.s32 $0x1BFF;
	s21 =	sshll.u32 s5, $0x1;
	s2 =	sadd.s32 s19, s18  }
0x9c: {  	s6 =	simm.s32 $0x0;
	s20 =	sshll.u32 s4, $0x1;
	s4 =	sadd.s32 s21, s2  }
0x9d: {  	[timem:s6], [sflag:s22] =	dma.local [hbm:s4], s20  }
0x9e: {  	_ =	swait.ge [sflag:s22], s20  }
0x9f: {  	s3 =	ssub.s32 $0x0, s20;
	[sflag:s22] =	ssyncset.done $0x0  }
0xa0: {  	[sflag:s22] =	ssyncadd.s32 s3;
	_ =	sdelay $0x1  }
0xa1: {  	s23 =	simm.s32 $0x1B8B  }
0xa2: {  	_ =	swait.ge [sflag:s23], $0x1  }
0xa3: {  	[sflag:s23] =	ssyncset.done $0x0  }
0xa4: {  	s25 =	simm.s32 $0x1B8E;
	s24 =	sld [smem:$0x3FFE];
	[sflag:s23] =	ssyncadd.s32 $0xFFFFFFFF  }
0xa5: {  	s26 =	simm.s32 $execute0_lowered;
	[smem:$0x3FD2] =	sst s25  }
0xa6: {  	s4 =	sshll.u32 s26, $0x1;
	_ =	strace $0x80000046;
	[dreg:$0x1] =	wrdreg $0xFFFFFFFF  }
0xa7: {  	s28 =	simm.s32 $_size_execute0_lowered;
	s2 =	sadd.s32 s2, s4;
	[dreg:$0x0] =	wrdreg $0x0  }
0xa8: {  	s4 =	sshll.u32 s28, $0x1;
	[dreg:$0x2] =	wrdreg s2  }
0xa9: {  	[dreg:$0x3] =	wrdreg s4  }
0xaa: {  	[dreg:$0x4] =	wrdreg $0xC0  }
0xab: {  	_ =	task [dreg:s6], $0x5FFFF  }
0xac: {  	[dreg:$0x1] =	wrdreg $0xFFFFFFFF  }
0xad: {  	[dreg:$0x0] =	wrdreg $0x60  }
0xae: {  	[dreg:$0x2] =	wrdreg s24  }
0xaf: {  	[dreg:$0x3] =	wrdreg $0x90000  }
0xb0: {  	[dreg:$0x4] =	wrdreg $0x9  }
0xb1: {  	_ =	task.clear_ibuf [dreg:s6], $0x5FFFF;
	_ =	strace $0x90000046  }
0xb2: {  	s29 =	simm.s32 $0x9;
	_ =	strace $0x80000048  }
0xb3: {  	_ =	swait.ge [sflag:s29], $0x1  }
0xb4: {  	[sflag:s29] =	ssyncadd.s32 $0xFFFFFFFF  }
0xb5: {  	_ =	strace $0x90000048  }
0xb6: {  	_ =	sfence  }
0xb7: {  	s30 =	sld [smem:$0x0];
	_ =	sdelay $0x2  }
0xb8: {  	s31 =	sshll.u32 s1, $0xD;
	s1 =	sshrl.u32 s1, $0x2  }
0xb9: {  	s3 =	sand.u32 $0x4000, s31;
	s1 =	sadd.s32 s1, s30  }
0xba: {  	s0 =	sor.u32 s3, s0;
	s1 =	sshll.u32 s1, $0x11  }
0xbb: {  	s0 =	sor.u32 s1, s0  }
0xbc: {  	s0 =	sadd.s32 $0x8F2B, s0  }
0xbd: {  	[sflag:s0] =	ssyncadd.remote.s32 $0x1  }
0xbe: {  	_ =	sfence.sel $0xFFFF  }
0xbf: {  	[dreg:$0x0] =	wrdreg $0xFFFFFFFF;
	(pc) =	sbr.abs _section_cstart, $3  }
0xc0: {  	[dreg:$0x1] =	wrdreg $0xFFFFFFFF  }
0xc1: {  	_ =	task.clear_ibuf [dreg:s6], $0x2FFFF;
	_ =	strace $0x9FFFFFFF  }
0xc2: {  	(tm) =	ssettm $0x7FFFFFFF  }
0xc3: {  	_ =	shalt  }
tec
execute0_lowered:
.L_overlay_start_1:
0x0: {  	(tag) =	ssettag $0x1  }
0x1: {  	s0 =	srdreg.scid;
	s10 =	rddreg [dreg:$0x0]  }
0x2: {  	s2 =	rddreg [dreg:$0x1];
	s1 =	stileid.u32;
	s12 =	simm.s32 $0x19A00  }
0x3: {  	s13 =	simm.s32 $0x5000;
	s14 =	simm.s32 $0x80;
	s17 =	simm.s32 $0x0  }
0x4: {  	s4 =	sand.u32 $0x1, s0;
	s0 =	rddreg [dreg:$0x2];
	s8 =	smul.u32 $0x50000, s1  }
0x5: {  	s11 =	smul.u32 $0xA00, s1;
	s15 =	sshll.u32 s1, $0x6;
	s3 =	sshll.u32 s4, $0x4  }
0x6: {  	s6 =	ssub.s32 $0x2, s4;
	p0 =	seq.s32 s4, $0x1;
	s15 =	sor.u32 $0x1C01, s15  }
0x7: {  	s5 =	sor.u32 s1, s3;
	s3 =	simm.s32 $0x0;
	s7 =	sshrl.u32 s6, $0x1  }
0x8: {  	s31 =	sshrl.u32 s8, $0x2;
	s12 =	simm.s32 @!p0 $0xFA00;
	s5 =	smul.u32 $0x2800, s5  }
0x9: {  	[smem:$0x7FF] =	sst s3;
	s6 =	ssub.s32 s6, s7;
	s4 =	sadd.s32 s31, s2  }
0xa: {  	s12 =	sadd.s32 s12, s10;
	_ =	strace $0x80000047;
	s6 =	smax.u32 s6, $0x1  }
0xb: {  	s7 =	sadd.s32 $0x4000, s4;
	s8 =	sadd.s32 $0x8000, s4;
	s9 =	sadd.s32 $0xC000, s4  }
0xc: {  	s11 =	sadd.s32 s12, s11;
	s12 =	simm.s32 $0x1;
	s5 =	sadd.s32 s5, s10  }
0xd: {  	v0 =	vimm.f32 $0.0e+00;
	v1 =	vimm.f32 $1.000000000e+00;
	s16 =	sshrl.u32 s4, $0x3;
	s10 =	sadd.s32 $0x10000, s4;
	s5 =	sadd.s32 $0x23A00, s5  }
.LBB2_1:
0xe: {  	[tilespmem:s3], [sflag:$0x1] =	stream.linear.gather [hbm4b:s11+s3], $0x5000, $0x38;
	[tilespmem:$0xB800] =	vst v63  }
0xf: {  	_ =	swait.ge [sflag:s12], $0x5000  }
0x10: {  	[sflag:s12] =	ssyncset.done $0x0  }
0x11: {  	s18 =	simm.s32 $0x200;
	s19 =	simm.s32 $0x0;
	[sflag:s12] =	ssyncadd.s32 $0xFFFFB000  }
.LBB2_2:
0x12: {  	p0 =	seq.s32 s18, $0xFE00;
	[tilespmem:s19+$0x5000] =	vst v0;
	s19 =	smov.u32 s18;
	s18 =	sadd.s32 $0x200, s18  }
.Ltmp0:
0x13: {  	(pc) =	sbr.rel @!p0 .LBB2_2-.Ltmp0, $2  }
0x14: {  	_ =	sdelay $0x2  }
0x15: {  	s19 =	sshra.s32 s19, $0x2  }
0x16: {  	[tilespmem:s19+$0x5000] =	vst v0  }
0x17: {  	[spmem:s4] =	stream.linear.scatter [tilespmem:s13], [sflag:$0x1], $0x4000, $0x38;
	[tilespmem:$0xB800] =	vst v63  }
0x18: {  	_ =	swait.ge [sflag:s12], $0x4000  }
0x19: {  	[sflag:s12] =	ssyncset.done $0x0  }
0x1a: {  	[sflag:s12] =	ssyncadd.s32 $0xFFFFC000  }
0x1b: {  	[spmem:s7] =	stream.linear.scatter [tilespmem:s13], [sflag:$0x1], $0x4000, $0x38;
	[tilespmem:$0xB800] =	vst v63  }
0x1c: {  	_ =	swait.ge [sflag:s12], $0x4000  }
0x1d: {  	[sflag:s12] =	ssyncset.done $0x0  }
0x1e: {  	[sflag:s12] =	ssyncadd.s32 $0xFFFFC000  }
0x1f: {  	[spmem:s8] =	stream.linear.scatter [tilespmem:s13], [sflag:$0x1], $0x4000, $0x38;
	[tilespmem:$0xB800] =	vst v63  }
0x20: {  	_ =	swait.ge [sflag:s12], $0x4000  }
0x21: {  	[sflag:s12] =	ssyncset.done $0x0  }
0x22: {  	[sflag:s12] =	ssyncadd.s32 $0xFFFFC000  }
0x23: {  	[spmem:s9] =	stream.linear.scatter [tilespmem:s13], [sflag:$0x1], $0x4000, $0x38;
	[tilespmem:$0xB800] =	vst v63  }
0x24: {  	_ =	swait.ge [sflag:s12], $0x4000  }
0x25: {  	[sflag:s12] =	ssyncset.done $0x0  }
0x26: {  	[sflag:s12] =	ssyncadd.s32 $0xFFFFC000  }
0x27: {  	[spmem:s10] =	stream.linear.scatter [tilespmem:s13], [sflag:$0x1], $0x4000, $0x38;
	[tilespmem:$0xB800] =	vst v63  }
0x28: {  	_ =	swait.ge [sflag:s12], $0x4000  }
0x29: {  	[sflag:s12] =	ssyncset.done $0x0  }
0x2a: {  	s18 =	simm.s32 $0x200;
	s19 =	simm.s32 $0x0;
	[sflag:s12] =	ssyncadd.s32 $0xFFFFC000  }
.LBB2_4:
0x2b: {  	p0 =	sne.s32 s18, $0xFE00;
	[tilespmem:s19+$0x5000] =	vst v1;
	s19 =	smov.u32 s18;
	s18 =	sadd.s32 $0x200, s18  }
.Ltmp1:
0x2c: {  	(pc) =	sbr.rel @p0 .LBB2_4-.Ltmp1, $2  }
0x2d: {  	_ =	sdelay $0x2  }
0x2e: {  	s19 =	sshra.s32 s19, $0x2  }
0x2f: {  	[tilespmem:s19+$0x5000] =	vst v1  }
0x30: {  	s18 =	simm.s32 $0x0;
	[bflag:$0x0] =	sbarrier.arrive $0xFFFF  }
0x31: {  	[spmem:s2] =	stream.indirect.scatter.add.f32 [tilespmem:s13], [sflag:$0x1], $0x10, s18, s14, $0xb8;
	[tilespmem:$0xB800] =	vst v63  }
0x32: {  	_ =	swait.ge [sflag:s12], $0x800  }
0x33: {  	s18 =	simm.s32 $0x200;
	[sflag:s12] =	ssyncset.done $0x0  }
.LBB2_6:
0x34: {  	s19 =	sshra.s32 s18, $0x2;
	[sflag:s12] =	ssyncadd.s32 $0xFFFFF800;
	p0 =	sne.s32 s18, $0x13E00  }
0x35: {  	[spmem:s2] =	stream.indirect.scatter.add.f32 [tilespmem:s13], [sflag:$0x1], $0x10, s19, s14, $0xb8;
	[tilespmem:$0xB800] =	vst v63  }
.Ltmp2:
0x36: {  	_ = 	snop;
	(pc) =	sbr.rel @p0 .LBB2_6-.Ltmp2, $4  }
0x37: {  	_ = 	snop  }
0x38: {  	s18 =	sadd.s32 $0x200, s18  }
0x39: {  	_ =	swait.ge [sflag:s12], $0x800  }
0x3a: {  	[sflag:s12] =	ssyncset.done $0x0  }
0x3b: {  	s17 =	sadd.s32 $0x1, s17  }
0x3c: {  	[sflag:s12] =	ssyncadd.s32 $0xFFFFF800;
	p0 =	sne.s32 s17, s6  }
.Ltmp3:
0x3d: {  	[bflag:$0x0] =	sbarrier.arrive $0xFFFF;
	(pc) =	sbr.rel @p0 .LBB2_1-.Ltmp3, $4  }
0x3e: {  	[hbm:s5], [sflag:s15] =	dma.local [spmem:s16], $0x2800  }
0x3f: {  	_ =	swait.ge [sflag:s12], $0x2800  }
0x40: {  	[sflag:s12] =	ssyncset.done $0x0  }
0x41: {  	[sflag:s12] =	ssyncadd.s32 $0xFFFFD800  }
0x42: {  	_ =	sfence.sel $0x180000  }
0x43: {  	[bflag:$0x0] =	sbarrier.arrive $0xFFFF  }
0x44: {  	p0 =	sne.s32 s1, $0x0;
	_ =	strace $0x90000047  }
0x45: {  	s0 =	sadd.s32 @!p0 $0x100000, s0;
	[bflag:$0x2] =	sbarrier.arrive $0xFFFF  }
0x46: {  	[sflag:s0] =	ssyncadd.tile.s32 @!p0 $0x1;
	_ =	shalt  }
.Lfunc_end2:
_tile_overlayer_lowered:
.L_overlay_start_2:
0x47: {  	(tag) =	ssettag $0x2  }
0x48: {  	s0 =	rddreg [dreg:$0x0];
	s2 =	stileid.u32  }
0x49: {  	s1 =	rddreg [dreg:$0x1];
	p0 =	sne.s32 s2, $0x0  }
0x4a: {  	s3 =	rddreg [dreg:$0x2];
	[bflag:$0x3] =	sbarrier.arrive $0xFFFF;
	s2 =	simm.s32 @!p0 $0x1C01  }
0x4b: {  	[timem:s3], [sflag:s2] =	dma.local @!p0 [hbm:s0], s1  }
0x4c: {  	s0 =	simm.s32 @!p0 $0x1  }
0x4d: {  	_ =	swait.ge @!p0 [sflag:s0], s1  }
0x4e: {  	s1 =	ssub.s32 @!p0 $0x0, s1;
	[sflag:s0] =	ssyncset.done @!p0 $0x0  }
0x4f: {  	[sflag:s0] =	ssyncadd.s32 @!p0 s1  }
0x50: {  	[bflag:$0x3] =	sbarrier.arrive $0xFFFF  }
0x51: {  	_ =	shalt  }

</sc_bundles>
